<compile_context>
chip_gen: v7x
topology: tpu7x:2x2x1
jax: 0.10.2.dev20260603
libtpu: 0.0.44.dev20260713+nightly
codegen_flags: <defaults>
</compile_context>

<pallas_src>
import jax
import jax.numpy as jnp
from jax import lax
from jax.experimental import pallas as pl
from jax.experimental.pallas import tpu as pltpu
from jax.experimental.pallas import tpu_sc as plsc

N_NODES = 10000
N_EDGES = 320000
D_NODE = 128
D_EDGE = 16
D_OUT = 128
D_HALF = D_NODE // 2

NC = 2
NS = 16
EDGES_PER_TILE = N_EDGES // NS
CHUNK = 80
N_CHUNKS = EDGES_PER_TILE // CHUNK
ROWS_PER_TILE = N_NODES // NS
ZROWS = 125
NSLOT = 10
GROUPS = N_CHUNKS // NSLOT


def _sc_body(xh0_hbm, xh1_hbm, ei_hbm, ef_hbm,
             a_out, e_out, c_out, *sc):
  src = sc[0:NSLOT]
  dst = sc[NSLOT:2 * NSLOT]
  rows = sc[2 * NSLOT:3 * NSLOT]
  efv = sc[3 * NSLOT:4 * NSLOT]
  ones_v = sc[4 * NSLOT]
  zbuf = sc[4 * NSLOT + 1]
  zbuf_e = sc[4 * NSLOT + 2]
  a_sh = sc[4 * NSLOT + 3]
  ec_sh = sc[4 * NSLOT + 4]
  sem_ld = sc[4 * NSLOT + 5:5 * NSLOT + 5]
  sem_g = sc[5 * NSLOT + 5:6 * NSLOT + 5]
  sem_s = sc[6 * NSLOT + 5:7 * NSLOT + 5]

  c = lax.axis_index("c")
  s = lax.axis_index("s")

  def _ones_row(i, carry):
    ones_v[i, :] = jnp.ones((16,), jnp.float32)
    return carry
  lax.fori_loop(0, CHUNK, _ones_row, 0)

  def _zero_row(i, carry):
    for j in range(D_HALF // 16):
      zbuf[i, pl.ds(j * 16, 16)] = jnp.zeros((16,), jnp.float32)
    zbuf_e[i, :] = jnp.zeros((16,), jnp.float32)
    return carry
  lax.fori_loop(0, ZROWS, _zero_row, 0)

  r0 = s * ROWS_PER_TILE
  for q in range(ROWS_PER_TILE // ZROWS):
    pltpu.sync_copy(zbuf, a_sh.at[pl.ds(r0 + q * ZROWS, ZROWS)])
    pltpu.sync_copy(zbuf_e, ec_sh.at[pl.ds(r0 + q * ZROWS, ZROWS)])
  plsc.subcore_barrier()

  tile_base = s * EDGES_PER_TILE

  def _run(x_hbm, use_ef):

    def _issue_loads(k, base):
      pltpu.async_copy(ei_hbm.at[0, pl.ds(base, CHUNK)], src[k], sem_ld[k])
      pltpu.async_copy(ei_hbm.at[1, pl.ds(base, CHUNK)], dst[k], sem_ld[k])
      if use_ef:
        pltpu.async_copy(ef_hbm.at[pl.ds(base, CHUNK), :], efv[k], sem_ld[k])

    def _wait_loads(k):
      pltpu.make_async_copy(ei_hbm.at[0, pl.ds(0, CHUNK)], src[k],
                            sem_ld[k]).wait()
      pltpu.make_async_copy(ei_hbm.at[1, pl.ds(0, CHUNK)], dst[k],
                            sem_ld[k]).wait()
      if use_ef:
        pltpu.make_async_copy(ef_hbm.at[pl.ds(0, CHUNK), :], efv[k],
                              sem_ld[k]).wait()

    def _wait_gather(k):
      pltpu.make_async_copy(x_hbm.at[src[k]], rows[k], sem_g[k]).wait()

    ec_rows = efv if use_ef else [ones_v] * NSLOT

    def _wait_scat(k):
      pltpu.make_async_copy(rows[k], a_sh.at[dst[k]], sem_s[k]).wait()
      pltpu.make_async_copy(ec_rows[k], ec_sh.at[dst[k]], sem_s[k]).wait()

    for k in range(NSLOT):
      _issue_loads(k, tile_base + k * CHUNK)

    def _group(g, carry):
      base0 = tile_base + g * (NSLOT * CHUNK)
      for k in range(NSLOT):
        _wait_loads(k)
        pltpu.async_copy(x_hbm.at[src[k]], rows[k], sem_g[k])
      for k in range(NSLOT):
        _wait_gather(k)
        pltpu.async_copy(rows[k], a_sh.at[dst[k]], sem_s[k], add=True)
        pltpu.async_copy(ec_rows[k], ec_sh.at[dst[k]], sem_s[k], add=True)
      for k in range(NSLOT):
        _wait_scat(k)

        @pl.when(g < GROUPS - 1)
        def _():
          _issue_loads(k, base0 + (NSLOT + k) * CHUNK)
      return carry
    lax.fori_loop(0, GROUPS, _group, 0)

  @pl.when(c == 0)
  def _():
    _run(xh0_hbm, use_ef=True)

  @pl.when(c == 1)
  def _():
    _run(xh1_hbm, use_ef=False)

  plsc.subcore_barrier()

  @pl.when(jnp.logical_and(c == 0, s == 0))
  def _():
    pltpu.sync_copy(a_sh, a_out.at[0])

  @pl.when(jnp.logical_and(c == 1, s == 0))
  def _():
    pltpu.sync_copy(a_sh, a_out.at[1])

  @pl.when(jnp.logical_and(c == 0, s == 1))
  def _():
    pltpu.sync_copy(ec_sh, e_out)

  @pl.when(jnp.logical_and(c == 1, s == 1))
  def _():
    pltpu.sync_copy(ec_sh, c_out)


_sc_call = pl.kernel(
    _sc_body,
    out_type=(
        jax.ShapeDtypeStruct((NC, N_NODES, D_HALF), jnp.float32),
        jax.ShapeDtypeStruct((N_NODES, D_EDGE), jnp.float32),
        jax.ShapeDtypeStruct((N_NODES, D_EDGE), jnp.float32),
    ),
    mesh=plsc.VectorSubcoreMesh(core_axis_name="c", subcore_axis_name="s"),
    compiler_params=pltpu.CompilerParams(use_tc_tiling_on_sc=False),
    scratch_types=(
        tuple(pltpu.VMEM((CHUNK,), jnp.int32) for _ in range(NSLOT))
        + tuple(pltpu.VMEM((CHUNK,), jnp.int32) for _ in range(NSLOT))
        + tuple(pltpu.VMEM((CHUNK, D_HALF), jnp.float32)
                for _ in range(NSLOT))
        + tuple(pltpu.VMEM((CHUNK, D_EDGE), jnp.float32)
                for _ in range(NSLOT))
        + (
            pltpu.VMEM((CHUNK, D_EDGE), jnp.float32),
            pltpu.VMEM((ZROWS, D_HALF), jnp.float32),
            pltpu.VMEM((ZROWS, D_EDGE), jnp.float32),
            pltpu.VMEM_SHARED((N_NODES, D_HALF), jnp.float32),
            pltpu.VMEM_SHARED((N_NODES, D_EDGE), jnp.float32),
        )
        + tuple(pltpu.SemaphoreType.DMA for _ in range(3 * NSLOT))
    ),
)


BLK = 1000


def _tc_body(a_ref, e_ref, c_ref, x_ref, ws_ref, wd_ref, we_ref, b_ref,
             o_ref):
  cnt = c_ref[:, 0:1]
  acc = jnp.dot(a_ref[0], ws_ref[:D_HALF, :],
                preferred_element_type=jnp.float32)
  acc += jnp.dot(a_ref[1], ws_ref[D_HALF:, :],
                 preferred_element_type=jnp.float32)
  acc += jnp.dot(e_ref[...], we_ref[...], preferred_element_type=jnp.float32)
  acc += cnt * (jnp.dot(x_ref[...], wd_ref[...],
                        preferred_element_type=jnp.float32) + b_ref[...])
  o_ref[...] = jnp.maximum(acc / jnp.maximum(cnt, 1.0), 0.0)


_tc_call = pl.pallas_call(
    _tc_body,
    grid=(N_NODES // BLK,),
    in_specs=[
        pl.BlockSpec((NC, BLK, D_HALF), lambda i: (0, i, 0)),
        pl.BlockSpec((BLK, D_EDGE), lambda i: (i, 0)),
        pl.BlockSpec((BLK, D_EDGE), lambda i: (i, 0)),
        pl.BlockSpec((BLK, D_NODE), lambda i: (i, 0)),
        pl.BlockSpec((D_NODE, D_OUT), lambda i: (0, 0)),
        pl.BlockSpec((D_NODE, D_OUT), lambda i: (0, 0)),
        pl.BlockSpec((D_EDGE, D_OUT), lambda i: (0, 0)),
        pl.BlockSpec((1, D_OUT), lambda i: (0, 0)),
    ],
    out_specs=pl.BlockSpec((BLK, D_OUT), lambda i: (i, 0)),
    out_shape=jax.ShapeDtypeStruct((N_NODES, D_OUT), jnp.float32),
)


def kernel(node_feats, edge_feats, edge_index, W, b):
  ei = edge_index.astype(jnp.int32)
  xh0 = node_feats[:, :D_HALF]
  xh1 = node_feats[:, D_HALF:]
  a_p, e_p, c_p = _sc_call(xh0, xh1, ei, edge_feats)
  ws_t = W[:, :D_NODE].T
  wd_t = W[:, D_NODE:2 * D_NODE].T
  we_t = W[:, 2 * D_NODE:].T
  return _tc_call(a_p, e_p, c_p, node_feats, ws_t, wd_t, we_t,
                  b.reshape(1, D_OUT))

# --- scband reference (transcript-rebuilt; emitter-appended) ---
"""Pipeline reference for scband-mpnn-layer-50027779064047 (READ-ONLY COPY).

The authoritative reference and input builder live on the scoring server;
editing this copy changes nothing except your own understanding.
"""

import jax, jax.numpy as jnp
import numpy as np

N_NODES = 10000
N_EDGES = 320000
D_NODE = 128
D_EDGE = 16
D_OUT = 128


def setup_inputs(seed: int = 0) -> dict:
    key = jax.random.key(seed)
    k1, k2, k3, k4, k5 = jax.random.split(key, 5)
    node_feats = jax.random.normal(k1, (N_NODES, D_NODE), dtype=jnp.float32)
    edge_feats = jax.random.normal(k2, (N_EDGES, D_EDGE), dtype=jnp.float32)
    edge_index = jax.random.randint(k3, (2, N_EDGES), 0, N_NODES, dtype=jnp.int64 if jax.config.jax_enable_x64 else jnp.int32)
    fan_in = 2 * D_NODE + D_EDGE
    W = jax.random.normal(k4, (D_OUT, fan_in), dtype=jnp.float32) * (1.0 / np.sqrt(fan_in))
    b = jax.random.normal(k5, (D_OUT,), dtype=jnp.float32) * 0.01
    return {"node_feats": node_feats, "edge_feats": edge_feats, "edge_index": edge_index, "W": W, "b": b}


def reference(node_feats, edge_feats, edge_index, W, b):
    src = edge_index[0]
    dst = edge_index[1]
    # message: Linear(cat([src_h, dst_h, edge_f]))
    msg_in = jnp.concatenate([node_feats[src], node_feats[dst], edge_feats], axis=1)
    msg = msg_in @ W.T + b
    # update: mean of incoming messages per destination node
    summed = jax.ops.segment_sum(msg, dst, num_segments=N_NODES)
    counts = jax.ops.segment_sum(jnp.ones((msg.shape[0],), dtype=msg.dtype), dst, num_segments=N_NODES)
    h = summed / jnp.clip(counts, 1.0, None)[:, None]
    # activation (dropout p=0.0 is identity; no batch_norm, no residual)
    h = jax.nn.relu(h)
    return h

if __name__ == "__main__":
    import jax
    _d = setup_inputs()
    print(jax.jit(kernel)(*tuple(_d.values())))

</pallas_src>

<mosaic_0001>
#map = affine_map<(d0, d1) -> (0, 0)>
#map1 = affine_map<(d0, d1) -> (0, 0, 0)>
module attributes {stable_mosaic.version = 14 : i64} {
  func.func @_sc_body(%arg0: i32, %arg1: i32, %arg2: memref<10000x64xf32, #tpu.memory_space<hbm>>, %arg3: memref<10000x64xf32, #tpu.memory_space<hbm>>, %arg4: memref<2x320000xi32, #tpu.memory_space<hbm>>, %arg5: memref<320000x16xf32, #tpu.memory_space<hbm>>, %arg6: memref<2x10000x64xf32, #tpu.memory_space<hbm>>, %arg7: memref<10000x16xf32, #tpu.memory_space<hbm>>, %arg8: memref<10000x16xf32, #tpu.memory_space<hbm>>, %arg9: memref<80xi32, #tpu.memory_space<vmem>>, %arg10: memref<80xi32, #tpu.memory_space<vmem>>, %arg11: memref<80xi32, #tpu.memory_space<vmem>>, %arg12: memref<80xi32, #tpu.memory_space<vmem>>, %arg13: memref<80xi32, #tpu.memory_space<vmem>>, %arg14: memref<80xi32, #tpu.memory_space<vmem>>, %arg15: memref<80xi32, #tpu.memory_space<vmem>>, %arg16: memref<80xi32, #tpu.memory_space<vmem>>, %arg17: memref<80xi32, #tpu.memory_space<vmem>>, %arg18: memref<80xi32, #tpu.memory_space<vmem>>, %arg19: memref<80xi32, #tpu.memory_space<vmem>>, %arg20: memref<80xi32, #tpu.memory_space<vmem>>, %arg21: memref<80xi32, #tpu.memory_space<vmem>>, %arg22: memref<80xi32, #tpu.memory_space<vmem>>, %arg23: memref<80xi32, #tpu.memory_space<vmem>>, %arg24: memref<80xi32, #tpu.memory_space<vmem>>, %arg25: memref<80xi32, #tpu.memory_space<vmem>>, %arg26: memref<80xi32, #tpu.memory_space<vmem>>, %arg27: memref<80xi32, #tpu.memory_space<vmem>>, %arg28: memref<80xi32, #tpu.memory_space<vmem>>, %arg29: memref<80x64xf32, #tpu.memory_space<vmem>>, %arg30: memref<80x64xf32, #tpu.memory_space<vmem>>, %arg31: memref<80x64xf32, #tpu.memory_space<vmem>>, %arg32: memref<80x64xf32, #tpu.memory_space<vmem>>, %arg33: memref<80x64xf32, #tpu.memory_space<vmem>>, %arg34: memref<80x64xf32, #tpu.memory_space<vmem>>, %arg35: memref<80x64xf32, #tpu.memory_space<vmem>>, %arg36: memref<80x64xf32, #tpu.memory_space<vmem>>, %arg37: memref<80x64xf32, #tpu.memory_space<vmem>>, %arg38: memref<80x64xf32, #tpu.memory_space<vmem>>, %arg39: memref<80x16xf32, #tpu.memory_space<vmem>>, %arg40: memref<80x16xf32, #tpu.memory_space<vmem>>, %arg41: memref<80x16xf32, #tpu.memory_space<vmem>>, %arg42: memref<80x16xf32, #tpu.memory_space<vmem>>, %arg43: memref<80x16xf32, #tpu.memory_space<vmem>>, %arg44: memref<80x16xf32, #tpu.memory_space<vmem>>, %arg45: memref<80x16xf32, #tpu.memory_space<vmem>>, %arg46: memref<80x16xf32, #tpu.memory_space<vmem>>, %arg47: memref<80x16xf32, #tpu.memory_space<vmem>>, %arg48: memref<80x16xf32, #tpu.memory_space<vmem>>, %arg49: memref<80x16xf32, #tpu.memory_space<vmem>>, %arg50: memref<125x64xf32, #tpu.memory_space<vmem>>, %arg51: memref<125x16xf32, #tpu.memory_space<vmem>>, %arg52: memref<10000x64xf32, #tpu.memory_space<vmem_shared>>, %arg53: memref<10000x16xf32, #tpu.memory_space<vmem_shared>>, %arg54: memref<!tpu.dma_semaphore, #tpu.memory_space<semaphore_mem>>, %arg55: memref<!tpu.dma_semaphore, #tpu.memory_space<semaphore_mem>>, %arg56: memref<!tpu.dma_semaphore, #tpu.memory_space<semaphore_mem>>, %arg57: memref<!tpu.dma_semaphore, #tpu.memory_space<semaphore_mem>>, %arg58: memref<!tpu.dma_semaphore, #tpu.memory_space<semaphore_mem>>, %arg59: memref<!tpu.dma_semaphore, #tpu.memory_space<semaphore_mem>>, %arg60: memref<!tpu.dma_semaphore, #tpu.memory_space<semaphore_mem>>, %arg61: memref<!tpu.dma_semaphore, #tpu.memory_space<semaphore_mem>>, %arg62: memref<!tpu.dma_semaphore, #tpu.memory_space<semaphore_mem>>, %arg63: memref<!tpu.dma_semaphore, #tpu.memory_space<semaphore_mem>>, %arg64: memref<!tpu.dma_semaphore, #tpu.memory_space<semaphore_mem>>, %arg65: memref<!tpu.dma_semaphore, #tpu.memory_space<semaphore_mem>>, %arg66: memref<!tpu.dma_semaphore, #tpu.memory_space<semaphore_mem>>, %arg67: memref<!tpu.dma_semaphore, #tpu.memory_space<semaphore_mem>>, %arg68: memref<!tpu.dma_semaphore, #tpu.memory_space<semaphore_mem>>, %arg69: memref<!tpu.dma_semaphore, #tpu.memory_space<semaphore_mem>>, %arg70: memref<!tpu.dma_semaphore, #tpu.memory_space<semaphore_mem>>, %arg71: memref<!tpu.dma_semaphore, #tpu.memory_space<semaphore_mem>>, %arg72: memref<!tpu.dma_semaphore, #tpu.memory_space<semaphore_mem>>, %arg73: memref<!tpu.dma_semaphore, #tpu.memory_space<semaphore_mem>>, %arg74: memref<!tpu.dma_semaphore, #tpu.memory_space<semaphore_mem>>, %arg75: memref<!tpu.dma_semaphore, #tpu.memory_space<semaphore_mem>>, %arg76: memref<!tpu.dma_semaphore, #tpu.memory_space<semaphore_mem>>, %arg77: memref<!tpu.dma_semaphore, #tpu.memory_space<semaphore_mem>>, %arg78: memref<!tpu.dma_semaphore, #tpu.memory_space<semaphore_mem>>, %arg79: memref<!tpu.dma_semaphore, #tpu.memory_space<semaphore_mem>>, %arg80: memref<!tpu.dma_semaphore, #tpu.memory_space<semaphore_mem>>, %arg81: memref<!tpu.dma_semaphore, #tpu.memory_space<semaphore_mem>>, %arg82: memref<!tpu.dma_semaphore, #tpu.memory_space<semaphore_mem>>, %arg83: memref<!tpu.dma_semaphore, #tpu.memory_space<semaphore_mem>>) attributes {dimension_semantics = [#tpu.dimension_semantics<core_parallel>, #tpu.dimension_semantics<subcore_parallel>], iteration_bounds = array<i64: 2, 16>, scalar_prefetch = 0 : i64, scratch_operands = 75 : i64, tpu.core_type = #tpu.core_type<sc_vector_subcore>, window_params = [{transform_indices = #map}, {transform_indices = #map}, {transform_indices = #map}, {transform_indices = #map}, {transform_indices = #map1}, {transform_indices = #map}, {transform_indices = #map}]} {
    %scan3A = arith.constant 0 : i32
    %scan3A_0 = arith.constant 0 : i32
    %scan3A_1 = arith.constant 80 : i32
    %scan3A_2 = arith.addi %scan3A_0, %scan3A_1 : i32
    %scan3A_3 = arith.constant 1 : i32
    scf.for %scan3A_72 = %scan3A_0 to %scan3A_2 step %scan3A_3  : i32 {
      %broadcast_in_dim3A = arith.constant 1.000000e+00 : f32
      %broadcast_in_dim3A_73 = vector.broadcast %broadcast_in_dim3A : f32 to vector<16xf32>
      %swap3A = arith.index_cast %scan3A_72 : i32 to index
      %swap3A_74 = arith.constant 0 : index
      %swap3A_75 = tpu.vector_load %arg49[%swap3A, %swap3A_74] {strides = array<i32>} : memref<80x16xf32, #tpu.memory_space<vmem>>, vector<1x16xf32>,
      %swap3A_76 = vector.shape_cast %swap3A_75 : vector<1x16xf32> to vector<16xf32>
      %swap3A_77 = vector.shape_cast %broadcast_in_dim3A_73 : vector<16xf32> to vector<1x16xf32>
      tpu.vector_store %arg49[%swap3A, %swap3A_74], %swap3A_77 {strides = array<i32>} : memref<80x16xf32, #tpu.memory_space<vmem>>, vector<1x16xf32>,
    }
    %scan3A_4 = arith.constant 80 : i32
    %scan3A_5 = arith.constant 0 : i32
    %scan3A_6 = arith.constant 0 : i32
    %scan3A_7 = arith.constant 125 : i32
    %scan3A_8 = arith.addi %scan3A_6, %scan3A_7 : i32
    %scan3A_9 = arith.constant 1 : i32
    scf.for %scan3A_72 = %scan3A_6 to %scan3A_8 step %scan3A_9  : i32 {
      %broadcast_in_dim3A = arith.constant 0.000000e+00 : f32
      %broadcast_in_dim3A_73 = vector.broadcast %broadcast_in_dim3A : f32 to vector<16xf32>
      %swap3A = arith.index_cast %scan3A_72 : i32 to index
      %swap3A_74 = arith.constant 0 : index
      %swap3A_75 = tpu.vector_load %arg50[%swap3A, %swap3A_74] {strides = array<i32>} : memref<125x64xf32, #tpu.memory_space<vmem>>, vector<1x16xf32>,
      %swap3A_76 = vector.shape_cast %swap3A_75 : vector<1x16xf32> to vector<16xf32>
      %swap3A_77 = vector.shape_cast %broadcast_in_dim3A_73 : vector<16xf32> to vector<1x16xf32>
      tpu.vector_store %arg50[%swap3A, %swap3A_74], %swap3A_77 {strides = array<i32>} : memref<125x64xf32, #tpu.memory_space<vmem>>, vector<1x16xf32>,
      %broadcast_in_dim3A_78 = arith.constant 0.000000e+00 : f32
      %broadcast_in_dim3A_79 = vector.broadcast %broadcast_in_dim3A_78 : f32 to vector<16xf32>
      %swap3A_80 = arith.index_cast %scan3A_72 : i32 to index
      %swap3A_81 = arith.constant 16 : index
      %swap3A_82 = tpu.vector_load %arg50[%swap3A_80, %swap3A_81] {strides = array<i32>} : memref<125x64xf32, #tpu.memory_space<vmem>>, vector<1x16xf32>,
      %swap3A_83 = vector.shape_cast %swap3A_82 : vector<1x16xf32> to vector<16xf32>
      %swap3A_84 = vector.shape_cast %broadcast_in_dim3A_79 : vector<16xf32> to vector<1x16xf32>
      tpu.vector_store %arg50[%swap3A_80, %swap3A_81], %swap3A_84 {strides = array<i32>} : memref<125x64xf32, #tpu.memory_space<vmem>>, vector<1x16xf32>,
      %broadcast_in_dim3A_85 = arith.constant 0.000000e+00 : f32
      %broadcast_in_dim3A_86 = vector.broadcast %broadcast_in_dim3A_85 : f32 to vector<16xf32>
      %swap3A_87 = arith.index_cast %scan3A_72 : i32 to index
      %swap3A_88 = arith.constant 32 : index
      %swap3A_89 = tpu.vector_load %arg50[%swap3A_87, %swap3A_88] {strides = array<i32>} : memref<125x64xf32, #tpu.memory_space<vmem>>, vector<1x16xf32>,
      %swap3A_90 = vector.shape_cast %swap3A_89 : vector<1x16xf32> to vector<16xf32>
      %swap3A_91 = vector.shape_cast %broadcast_in_dim3A_86 : vector<16xf32> to vector<1x16xf32>
      tpu.vector_store %arg50[%swap3A_87, %swap3A_88], %swap3A_91 {strides = array<i32>} : memref<125x64xf32, #tpu.memory_space<vmem>>, vector<1x16xf32>,
      %broadcast_in_dim3A_92 = arith.constant 0.000000e+00 : f32
      %broadcast_in_dim3A_93 = vector.broadcast %broadcast_in_dim3A_92 : f32 to vector<16xf32>
      %swap3A_94 = arith.index_cast %scan3A_72 : i32 to index
      %swap3A_95 = arith.constant 48 : index
      %swap3A_96 = tpu.vector_load %arg50[%swap3A_94, %swap3A_95] {strides = array<i32>} : memref<125x64xf32, #tpu.memory_space<vmem>>, vector<1x16xf32>,
      %swap3A_97 = vector.shape_cast %swap3A_96 : vector<1x16xf32> to vector<16xf32>
      %swap3A_98 = vector.shape_cast %broadcast_in_dim3A_93 : vector<16xf32> to vector<1x16xf32>
      tpu.vector_store %arg50[%swap3A_94, %swap3A_95], %swap3A_98 {strides = array<i32>} : memref<125x64xf32, #tpu.memory_space<vmem>>, vector<1x16xf32>,
      %broadcast_in_dim3A_99 = arith.constant 0.000000e+00 : f32
      %broadcast_in_dim3A_100 = vector.broadcast %broadcast_in_dim3A_99 : f32 to vector<16xf32>
      %swap3A_101 = arith.index_cast %scan3A_72 : i32 to index
      %swap3A_102 = arith.constant 0 : index
      %swap3A_103 = tpu.vector_load %arg51[%swap3A_101, %swap3A_102] {strides = array<i32>} : memref<125x16xf32, #tpu.memory_space<vmem>>, vector<1x16xf32>,
      %swap3A_104 = vector.shape_cast %swap3A_103 : vector<1x16xf32> to vector<16xf32>
      %swap3A_105 = vector.shape_cast %broadcast_in_dim3A_100 : vector<16xf32> to vector<1x16xf32>
      tpu.vector_store %arg51[%swap3A_101, %swap3A_102], %swap3A_105 {strides = array<i32>} : memref<125x16xf32, #tpu.memory_space<vmem>>, vector<1x16xf32>,
    }
    %scan3A_10 = arith.constant 125 : i32
    %mul3A = arith.constant 625 : i32
    %mul3A_11 = arith.muli %arg1, %mul3A : i32
    %add3A = arith.constant 0 : i32
    %add3A_12 = arith.addi %mul3A_11, %add3A : i32
    "tpu.region"() ({
      %run_scoped3A = tpu.sem_alloc : memref<!tpu.dma_semaphore, #tpu.memory_space<semaphore_mem>>
      %dma_start3A = arith.constant 0 : i32
      %dma_start3A_72 = tpu.memref_slice %arg52[%add3A_12, %dma_start3A] : memref<10000x64xf32, #tpu.memory_space<vmem_shared>> -> memref<125x64xf32, #tpu.memory_space<vmem_shared>>
      %dma_start3A_73 = arith.constant 0 : i32
      %dma_start3A_74 = tpu.memref_slice %arg52[%add3A_12, %dma_start3A_73] : memref<10000x64xf32, #tpu.memory_space<vmem_shared>> -> memref<125x64xf32, #tpu.memory_space<vmem_shared>>
      tpu.enqueue_dma source(%arg50 : memref<125x64xf32, #tpu.memory_space<vmem>>) target(%dma_start3A_74 : memref<125x64xf32, #tpu.memory_space<vmem_shared>>) target_semaphore(%run_scoped3A : memref<!tpu.dma_semaphore, #tpu.memory_space<semaphore_mem>>)
      %dma_wait3A = arith.constant 0 : i32
      %dma_wait3A_75 = tpu.memref_slice %arg52[%add3A_12, %dma_wait3A] : memref<10000x64xf32, #tpu.memory_space<vmem_shared>> -> memref<125x64xf32, #tpu.memory_space<vmem_shared>>
      %dma_wait3A_76 = arith.constant 0 : i32
      %dma_wait3A_77 = tpu.memref_slice %arg52[%add3A_12, %dma_wait3A_76] : memref<10000x64xf32, #tpu.memory_space<vmem_shared>> -> memref<125x64xf32, #tpu.memory_space<vmem_shared>>
      tpu.wait_dma2 semaphore(%run_scoped3A : memref<!tpu.dma_semaphore, #tpu.memory_space<semaphore_mem>>) src(%arg50 : memref<125x64xf32, #tpu.memory_space<vmem>>) dst(%dma_wait3A_77 : memref<125x64xf32, #tpu.memory_space<vmem_shared>>)
      tpu.yield
    }) : () -> ()
    %add3A_13 = arith.constant 0 : i32
    %add3A_14 = arith.addi %mul3A_11, %add3A_13 : i32
    "tpu.region"() ({
      %run_scoped3A = tpu.sem_alloc : memref<!tpu.dma_semaphore, #tpu.memory_space<semaphore_mem>>
      %dma_start3A = arith.constant 0 : i32
      %dma_start3A_72 = tpu.memref_slice %arg53[%add3A_14, %dma_start3A] : memref<10000x16xf32, #tpu.memory_space<vmem_shared>> -> memref<125x16xf32, #tpu.memory_space<vmem_shared>>
      %dma_start3A_73 = arith.constant 0 : i32
      %dma_start3A_74 = tpu.memref_slice %arg53[%add3A_14, %dma_start3A_73] : memref<10000x16xf32, #tpu.memory_space<vmem_shared>> -> memref<125x16xf32, #tpu.memory_space<vmem_shared>>
      tpu.enqueue_dma source(%arg51 : memref<125x16xf32, #tpu.memory_space<vmem>>) target(%dma_start3A_74 : memref<125x16xf32, #tpu.memory_space<vmem_shared>>) target_semaphore(%run_scoped3A : memref<!tpu.dma_semaphore, #tpu.memory_space<semaphore_mem>>)
      %dma_wait3A = arith.constant 0 : i32
      %dma_wait3A_75 = tpu.memref_slice %arg53[%add3A_14, %dma_wait3A] : memref<10000x16xf32, #tpu.memory_space<vmem_shared>> -> memref<125x16xf32, #tpu.memory_space<vmem_shared>>
      %dma_wait3A_76 = arith.constant 0 : i32
      %dma_wait3A_77 = tpu.memref_slice %arg53[%add3A_14, %dma_wait3A_76] : memref<10000x16xf32, #tpu.memory_space<vmem_shared>> -> memref<125x16xf32, #tpu.memory_space<vmem_shared>>
      tpu.wait_dma2 semaphore(%run_scoped3A : memref<!tpu.dma_semaphore, #tpu.memory_space<semaphore_mem>>) src(%arg51 : memref<125x16xf32, #tpu.memory_space<vmem>>) dst(%dma_wait3A_77 : memref<125x16xf32, #tpu.memory_space<vmem_shared>>)
      tpu.yield
    }) : () -> ()
    %add3A_15 = arith.constant 125 : i32
    %add3A_16 = arith.addi %mul3A_11, %add3A_15 : i32
    "tpu.region"() ({
      %run_scoped3A = tpu.sem_alloc : memref<!tpu.dma_semaphore, #tpu.memory_space<semaphore_mem>>
      %dma_start3A = arith.constant 0 : i32
      %dma_start3A_72 = tpu.memref_slice %arg52[%add3A_16, %dma_start3A] : memref<10000x64xf32, #tpu.memory_space<vmem_shared>> -> memref<125x64xf32, #tpu.memory_space<vmem_shared>>
      %dma_start3A_73 = arith.constant 0 : i32
      %dma_start3A_74 = tpu.memref_slice %arg52[%add3A_16, %dma_start3A_73] : memref<10000x64xf32, #tpu.memory_space<vmem_shared>> -> memref<125x64xf32, #tpu.memory_space<vmem_shared>>
      tpu.enqueue_dma source(%arg50 : memref<125x64xf32, #tpu.memory_space<vmem>>) target(%dma_start3A_74 : memref<125x64xf32, #tpu.memory_space<vmem_shared>>) target_semaphore(%run_scoped3A : memref<!tpu.dma_semaphore, #tpu.memory_space<semaphore_mem>>)
      %dma_wait3A = arith.constant 0 : i32
      %dma_wait3A_75 = tpu.memref_slice %arg52[%add3A_16, %dma_wait3A] : memref<10000x64xf32, #tpu.memory_space<vmem_shared>> -> memref<125x64xf32, #tpu.memory_space<vmem_shared>>
      %dma_wait3A_76 = arith.constant 0 : i32
      %dma_wait3A_77 = tpu.memref_slice %arg52[%add3A_16, %dma_wait3A_76] : memref<10000x64xf32, #tpu.memory_space<vmem_shared>> -> memref<125x64xf32, #tpu.memory_space<vmem_shared>>
      tpu.wait_dma2 semaphore(%run_scoped3A : memref<!tpu.dma_semaphore, #tpu.memory_space<semaphore_mem>>) src(%arg50 : memref<125x64xf32, #tpu.memory_space<vmem>>) dst(%dma_wait3A_77 : memref<125x64xf32, #tpu.memory_space<vmem_shared>>)
      tpu.yield
    }) : () -> ()
    %add3A_17 = arith.constant 125 : i32
    %add3A_18 = arith.addi %mul3A_11, %add3A_17 : i32
    "tpu.region"() ({
      %run_scoped3A = tpu.sem_alloc : memref<!tpu.dma_semaphore, #tpu.memory_space<semaphore_mem>>
      %dma_start3A = arith.constant 0 : i32
      %dma_start3A_72 = tpu.memref_slice %arg53[%add3A_18, %dma_start3A] : memref<10000x16xf32, #tpu.memory_space<vmem_shared>> -> memref<125x16xf32, #tpu.memory_space<vmem_shared>>
      %dma_start3A_73 = arith.constant 0 : i32
      %dma_start3A_74 = tpu.memref_slice %arg53[%add3A_18, %dma_start3A_73] : memref<10000x16xf32, #tpu.memory_space<vmem_shared>> -> memref<125x16xf32, #tpu.memory_space<vmem_shared>>
      tpu.enqueue_dma source(%arg51 : memref<125x16xf32, #tpu.memory_space<vmem>>) target(%dma_start3A_74 : memref<125x16xf32, #tpu.memory_space<vmem_shared>>) target_semaphore(%run_scoped3A : memref<!tpu.dma_semaphore, #tpu.memory_space<semaphore_mem>>)
      %dma_wait3A = arith.constant 0 : i32
      %dma_wait3A_75 = tpu.memref_slice %arg53[%add3A_18, %dma_wait3A] : memref<10000x16xf32, #tpu.memory_space<vmem_shared>> -> memref<125x16xf32, #tpu.memory_space<vmem_shared>>
      %dma_wait3A_76 = arith.constant 0 : i32
      %dma_wait3A_77 = tpu.memref_slice %arg53[%add3A_18, %dma_wait3A_76] : memref<10000x16xf32, #tpu.memory_space<vmem_shared>> -> memref<125x16xf32, #tpu.memory_space<vmem_shared>>
      tpu.wait_dma2 semaphore(%run_scoped3A : memref<!tpu.dma_semaphore, #tpu.memory_space<semaphore_mem>>) src(%arg51 : memref<125x16xf32, #tpu.memory_space<vmem>>) dst(%dma_wait3A_77 : memref<125x16xf32, #tpu.memory_space<vmem_shared>>)
      tpu.yield
    }) : () -> ()
    %add3A_19 = arith.constant 250 : i32
    %add3A_20 = arith.addi %mul3A_11, %add3A_19 : i32
    "tpu.region"() ({
      %run_scoped3A = tpu.sem_alloc : memref<!tpu.dma_semaphore, #tpu.memory_space<semaphore_mem>>
      %dma_start3A = arith.constant 0 : i32
      %dma_start3A_72 = tpu.memref_slice %arg52[%add3A_20, %dma_start3A] : memref<10000x64xf32, #tpu.memory_space<vmem_shared>> -> memref<125x64xf32, #tpu.memory_space<vmem_shared>>
      %dma_start3A_73 = arith.constant 0 : i32
      %dma_start3A_74 = tpu.memref_slice %arg52[%add3A_20, %dma_start3A_73] : memref<10000x64xf32, #tpu.memory_space<vmem_shared>> -> memref<125x64xf32, #tpu.memory_space<vmem_shared>>
      tpu.enqueue_dma source(%arg50 : memref<125x64xf32, #tpu.memory_space<vmem>>) target(%dma_start3A_74 : memref<125x64xf32, #tpu.memory_space<vmem_shared>>) target_semaphore(%run_scoped3A : memref<!tpu.dma_semaphore, #tpu.memory_space<semaphore_mem>>)
      %dma_wait3A = arith.constant 0 : i32
      %dma_wait3A_75 = tpu.memref_slice %arg52[%add3A_20, %dma_wait3A] : memref<10000x64xf32, #tpu.memory_space<vmem_shared>> -> memref<125x64xf32, #tpu.memory_space<vmem_shared>>
      %dma_wait3A_76 = arith.constant 0 : i32
      %dma_wait3A_77 = tpu.memref_slice %arg52[%add3A_20, %dma_wait3A_76] : memref<10000x64xf32, #tpu.memory_space<vmem_shared>> -> memref<125x64xf32, #tpu.memory_space<vmem_shared>>
      tpu.wait_dma2 semaphore(%run_scoped3A : memref<!tpu.dma_semaphore, #tpu.memory_space<semaphore_mem>>) src(%arg50 : memref<125x64xf32, #tpu.memory_space<vmem>>) dst(%dma_wait3A_77 : memref<125x64xf32, #tpu.memory_space<vmem_shared>>)
      tpu.yield
    }) : () -> ()
    %add3A_21 = arith.constant 250 : i32
    %add3A_22 = arith.addi %mul3A_11, %add3A_21 : i32
    "tpu.region"() ({
      %run_scoped3A = tpu.sem_alloc : memref<!tpu.dma_semaphore, #tpu.memory_space<semaphore_mem>>
      %dma_start3A = arith.constant 0 : i32
      %dma_start3A_72 = tpu.memref_slice %arg53[%add3A_22, %dma_start3A] : memref<10000x16xf32, #tpu.memory_space<vmem_shared>> -> memref<125x16xf32, #tpu.memory_space<vmem_shared>>
      %dma_start3A_73 = arith.constant 0 : i32
      %dma_start3A_74 = tpu.memref_slice %arg53[%add3A_22, %dma_start3A_73] : memref<10000x16xf32, #tpu.memory_space<vmem_shared>> -> memref<125x16xf32, #tpu.memory_space<vmem_shared>>
      tpu.enqueue_dma source(%arg51 : memref<125x16xf32, #tpu.memory_space<vmem>>) target(%dma_start3A_74 : memref<125x16xf32, #tpu.memory_space<vmem_shared>>) target_semaphore(%run_scoped3A : memref<!tpu.dma_semaphore, #tpu.memory_space<semaphore_mem>>)
      %dma_wait3A = arith.constant 0 : i32
      %dma_wait3A_75 = tpu.memref_slice %arg53[%add3A_22, %dma_wait3A] : memref<10000x16xf32, #tpu.memory_space<vmem_shared>> -> memref<125x16xf32, #tpu.memory_space<vmem_shared>>
      %dma_wait3A_76 = arith.constant 0 : i32
      %dma_wait3A_77 = tpu.memref_slice %arg53[%add3A_22, %dma_wait3A_76] : memref<10000x16xf32, #tpu.memory_space<vmem_shared>> -> memref<125x16xf32, #tpu.memory_space<vmem_shared>>
      tpu.wait_dma2 semaphore(%run_scoped3A : memref<!tpu.dma_semaphore, #tpu.memory_space<semaphore_mem>>) src(%arg51 : memref<125x16xf32, #tpu.memory_space<vmem>>) dst(%dma_wait3A_77 : memref<125x16xf32, #tpu.memory_space<vmem_shared>>)
      tpu.yield
    }) : () -> ()
    %add3A_23 = arith.constant 375 : i32
    %add3A_24 = arith.addi %mul3A_11, %add3A_23 : i32
    "tpu.region"() ({
      %run_scoped3A = tpu.sem_alloc : memref<!tpu.dma_semaphore, #tpu.memory_space<semaphore_mem>>
      %dma_start3A = arith.constant 0 : i32
      %dma_start3A_72 = tpu.memref_slice %arg52[%add3A_24, %dma_start3A] : memref<10000x64xf32, #tpu.memory_space<vmem_shared>> -> memref<125x64xf32, #tpu.memory_space<vmem_shared>>
      %dma_start3A_73 = arith.constant 0 : i32
      %dma_start3A_74 = tpu.memref_slice %arg52[%add3A_24, %dma_start3A_73] : memref<10000x64xf32, #tpu.memory_space<vmem_shared>> -> memref<125x64xf32, #tpu.memory_space<vmem_shared>>
      tpu.enqueue_dma source(%arg50 : memref<125x64xf32, #tpu.memory_space<vmem>>) target(%dma_start3A_74 : memref<125x64xf32, #tpu.memory_space<vmem_shared>>) target_semaphore(%run_scoped3A : memref<!tpu.dma_semaphore, #tpu.memory_space<semaphore_mem>>)
      %dma_wait3A = arith.constant 0 : i32
      %dma_wait3A_75 = tpu.memref_slice %arg52[%add3A_24, %dma_wait3A] : memref<10000x64xf32, #tpu.memory_space<vmem_shared>> -> memref<125x64xf32, #tpu.memory_space<vmem_shared>>
      %dma_wait3A_76 = arith.constant 0 : i32
      %dma_wait3A_77 = tpu.memref_slice %arg52[%add3A_24, %dma_wait3A_76] : memref<10000x64xf32, #tpu.memory_space<vmem_shared>> -> memref<125x64xf32, #tpu.memory_space<vmem_shared>>
      tpu.wait_dma2 semaphore(%run_scoped3A : memref<!tpu.dma_semaphore, #tpu.memory_space<semaphore_mem>>) src(%arg50 : memref<125x64xf32, #tpu.memory_space<vmem>>) dst(%dma_wait3A_77 : memref<125x64xf32, #tpu.memory_space<vmem_shared>>)
      tpu.yield
    }) : () -> ()
    %add3A_25 = arith.constant 375 : i32
    %add3A_26 = arith.addi %mul3A_11, %add3A_25 : i32
    "tpu.region"() ({
      %run_scoped3A = tpu.sem_alloc : memref<!tpu.dma_semaphore, #tpu.memory_space<semaphore_mem>>
      %dma_start3A = arith.constant 0 : i32
      %dma_start3A_72 = tpu.memref_slice %arg53[%add3A_26, %dma_start3A] : memref<10000x16xf32, #tpu.memory_space<vmem_shared>> -> memref<125x16xf32, #tpu.memory_space<vmem_shared>>
      %dma_start3A_73 = arith.constant 0 : i32
      %dma_start3A_74 = tpu.memref_slice %arg53[%add3A_26, %dma_start3A_73] : memref<10000x16xf32, #tpu.memory_space<vmem_shared>> -> memref<125x16xf32, #tpu.memory_space<vmem_shared>>
      tpu.enqueue_dma source(%arg51 : memref<125x16xf32, #tpu.memory_space<vmem>>) target(%dma_start3A_74 : memref<125x16xf32, #tpu.memory_space<vmem_shared>>) target_semaphore(%run_scoped3A : memref<!tpu.dma_semaphore, #tpu.memory_space<semaphore_mem>>)
      %dma_wait3A = arith.constant 0 : i32
      %dma_wait3A_75 = tpu.memref_slice %arg53[%add3A_26, %dma_wait3A] : memref<10000x16xf32, #tpu.memory_space<vmem_shared>> -> memref<125x16xf32, #tpu.memory_space<vmem_shared>>
      %dma_wait3A_76 = arith.constant 0 : i32
      %dma_wait3A_77 = tpu.memref_slice %arg53[%add3A_26, %dma_wait3A_76] : memref<10000x16xf32, #tpu.memory_space<vmem_shared>> -> memref<125x16xf32, #tpu.memory_space<vmem_shared>>
      tpu.wait_dma2 semaphore(%run_scoped3A : memref<!tpu.dma_semaphore, #tpu.memory_space<semaphore_mem>>) src(%arg51 : memref<125x16xf32, #tpu.memory_space<vmem>>) dst(%dma_wait3A_77 : memref<125x16xf32, #tpu.memory_space<vmem_shared>>)
      tpu.yield
    }) : () -> ()
    %add3A_27 = arith.constant 500 : i32
    %add3A_28 = arith.addi %mul3A_11, %add3A_27 : i32
    "tpu.region"() ({
      %run_scoped3A = tpu.sem_alloc : memref<!tpu.dma_semaphore, #tpu.memory_space<semaphore_mem>>
      %dma_start3A = arith.constant 0 : i32
      %dma_start3A_72 = tpu.memref_slice %arg52[%add3A_28, %dma_start3A] : memref<10000x64xf32, #tpu.memory_space<vmem_shared>> -> memref<125x64xf32, #tpu.memory_space<vmem_shared>>
      %dma_start3A_73 = arith.constant 0 : i32
      %dma_start3A_74 = tpu.memref_slice %arg52[%add3A_28, %dma_start3A_73] : memref<10000x64xf32, #tpu.memory_space<vmem_shared>> -> memref<125x64xf32, #tpu.memory_space<vmem_shared>>
      tpu.enqueue_dma source(%arg50 : memref<125x64xf32, #tpu.memory_space<vmem>>) target(%dma_start3A_74 : memref<125x64xf32, #tpu.memory_space<vmem_shared>>) target_semaphore(%run_scoped3A : memref<!tpu.dma_semaphore, #tpu.memory_space<semaphore_mem>>)
      %dma_wait3A = arith.constant 0 : i32
      %dma_wait3A_75 = tpu.memref_slice %arg52[%add3A_28, %dma_wait3A] : memref<10000x64xf32, #tpu.memory_space<vmem_shared>> -> memref<125x64xf32, #tpu.memory_space<vmem_shared>>
      %dma_wait3A_76 = arith.constant 0 : i32
      %dma_wait3A_77 = tpu.memref_slice %arg52[%add3A_28, %dma_wait3A_76] : memref<10000x64xf32, #tpu.memory_space<vmem_shared>> -> memref<125x64xf32, #tpu.memory_space<vmem_shared>>
      tpu.wait_dma2 semaphore(%run_scoped3A : memref<!tpu.dma_semaphore, #tpu.memory_space<semaphore_mem>>) src(%arg50 : memref<125x64xf32, #tpu.memory_space<vmem>>) dst(%dma_wait3A_77 : memref<125x64xf32, #tpu.memory_space<vmem_shared>>)
      tpu.yield
    }) : () -> ()
    %add3A_29 = arith.constant 500 : i32
    %add3A_30 = arith.addi %mul3A_11, %add3A_29 : i32
    "tpu.region"() ({
      %run_scoped3A = tpu.sem_alloc : memref<!tpu.dma_semaphore, #tpu.memory_space<semaphore_mem>>
      %dma_start3A = arith.constant 0 : i32
      %dma_start3A_72 = tpu.memref_slice %arg53[%add3A_30, %dma_start3A] : memref<10000x16xf32, #tpu.memory_space<vmem_shared>> -> memref<125x16xf32, #tpu.memory_space<vmem_shared>>
      %dma_start3A_73 = arith.constant 0 : i32
      %dma_start3A_74 = tpu.memref_slice %arg53[%add3A_30, %dma_start3A_73] : memref<10000x16xf32, #tpu.memory_space<vmem_shared>> -> memref<125x16xf32, #tpu.memory_space<vmem_shared>>
      tpu.enqueue_dma source(%arg51 : memref<125x16xf32, #tpu.memory_space<vmem>>) target(%dma_start3A_74 : memref<125x16xf32, #tpu.memory_space<vmem_shared>>) target_semaphore(%run_scoped3A : memref<!tpu.dma_semaphore, #tpu.memory_space<semaphore_mem>>)
      %dma_wait3A = arith.constant 0 : i32
      %dma_wait3A_75 = tpu.memref_slice %arg53[%add3A_30, %dma_wait3A] : memref<10000x16xf32, #tpu.memory_space<vmem_shared>> -> memref<125x16xf32, #tpu.memory_space<vmem_shared>>
      %dma_wait3A_76 = arith.constant 0 : i32
      %dma_wait3A_77 = tpu.memref_slice %arg53[%add3A_30, %dma_wait3A_76] : memref<10000x16xf32, #tpu.memory_space<vmem_shared>> -> memref<125x16xf32, #tpu.memory_space<vmem_shared>>
      tpu.wait_dma2 semaphore(%run_scoped3A : memref<!tpu.dma_semaphore, #tpu.memory_space<semaphore_mem>>) src(%arg51 : memref<125x16xf32, #tpu.memory_space<vmem>>) dst(%dma_wait3A_77 : memref<125x16xf32, #tpu.memory_space<vmem_shared>>)
      tpu.yield
    }) : () -> ()
    %barrier3A = arith.constant 0 : index
    tpu.barrier barrier_id(%barrier3A)
    %mul3A_31 = arith.constant 20000 : i32
    %mul3A_32 = arith.muli %arg1, %mul3A_31 : i32
    %eq3A = arith.constant 0 : i32
    %eq3A_33 = arith.cmpi eq, %arg0, %eq3A : i32
    %convert_element_type3A = arith.extui %eq3A_33 : i1 to i32
    %cond3A = arith.constant 0 : i32
    %cond3A_34 = arith.cmpi ne, %convert_element_type3A, %cond3A : i32
    scf.if %cond3A_34 {
      %add3A_72 = arith.constant 0 : i32
      %add3A_73 = arith.addi %mul3A_32, %add3A_72 : i32
      %dma_start3A = arith.constant 0 : i32
      %dma_start3A_74 = tpu.memref_slice %arg4[%dma_start3A, %add3A_73] : memref<2x320000xi32, #tpu.memory_space<hbm>> -> memref<1x80xi32, #tpu.memory_space<hbm>>
      %dma_start3A_75 = tpu.memref_squeeze %dma_start3A_74 : memref<1x80xi32, #tpu.memory_space<hbm>> -> memref<80xi32, #tpu.memory_space<hbm>>
      %dma_start3A_76 = tpu.memref_slice %arg4[%dma_start3A, %add3A_73] : memref<2x320000xi32, #tpu.memory_space<hbm>> -> memref<1x80xi32, #tpu.memory_space<hbm>>
      %dma_start3A_77 = tpu.memref_squeeze %dma_start3A_76 : memref<1x80xi32, #tpu.memory_space<hbm>> -> memref<80xi32, #tpu.memory_space<hbm>>
      tpu.enqueue_dma source(%dma_start3A_77 : memref<80xi32, #tpu.memory_space<hbm>>) target(%arg9 : memref<80xi32, #tpu.memory_space<vmem>>) target_semaphore(%arg54 : memref<!tpu.dma_semaphore, #tpu.memory_space<semaphore_mem>>)
      %dma_start3A_78 = arith.constant 1 : i32
      %dma_start3A_79 = tpu.memref_slice %arg4[%dma_start3A_78, %add3A_73] : memref<2x320000xi32, #tpu.memory_space<hbm>> -> memref<1x80xi32, #tpu.memory_space<hbm>>
      %dma_start3A_80 = tpu.memref_squeeze %dma_start3A_79 : memref<1x80xi32, #tpu.memory_space<hbm>> -> memref<80xi32, #tpu.memory_space<hbm>>
      %dma_start3A_81 = tpu.memref_slice %arg4[%dma_start3A_78, %add3A_73] : memref<2x320000xi32, #tpu.memory_space<hbm>> -> memref<1x80xi32, #tpu.memory_space<hbm>>
      %dma_start3A_82 = tpu.memref_squeeze %dma_start3A_81 : memref<1x80xi32, #tpu.memory_space<hbm>> -> memref<80xi32, #tpu.memory_space<hbm>>
      tpu.enqueue_dma source(%dma_start3A_82 : memref<80xi32, #tpu.memory_space<hbm>>) target(%arg19 : memref<80xi32, #tpu.memory_space<vmem>>) target_semaphore(%arg54 : memref<!tpu.dma_semaphore, #tpu.memory_space<semaphore_mem>>)
      %dma_start3A_83 = arith.constant 0 : i32
      %dma_start3A_84 = tpu.memref_slice %arg5[%add3A_73, %dma_start3A_83] : memref<320000x16xf32, #tpu.memory_space<hbm>> -> memref<80x16xf32, #tpu.memory_space<hbm>>
      %dma_start3A_85 = arith.constant 0 : i32
      %dma_start3A_86 = tpu.memref_slice %arg5[%add3A_73, %dma_start3A_85] : memref<320000x16xf32, #tpu.memory_space<hbm>> -> memref<80x16xf32, #tpu.memory_space<hbm>>
      tpu.enqueue_dma source(%dma_start3A_86 : memref<80x16xf32, #tpu.memory_space<hbm>>) target(%arg39 : memref<80x16xf32, #tpu.memory_space<vmem>>) target_semaphore(%arg54 : memref<!tpu.dma_semaphore, #tpu.memory_space<semaphore_mem>>)
      %add3A_87 = arith.constant 80 : i32
      %add3A_88 = arith.addi %mul3A_32, %add3A_87 : i32
      %dma_start3A_89 = arith.constant 0 : i32
      %dma_start3A_90 = tpu.memref_slice %arg4[%dma_start3A_89, %add3A_88] : memref<2x320000xi32, #tpu.memory_space<hbm>> -> memref<1x80xi32, #tpu.memory_space<hbm>>
      %dma_start3A_91 = tpu.memref_squeeze %dma_start3A_90 : memref<1x80xi32, #tpu.memory_space<hbm>> -> memref<80xi32, #tpu.memory_space<hbm>>
      %dma_start3A_92 = tpu.memref_slice %arg4[%dma_start3A_89, %add3A_88] : memref<2x320000xi32, #tpu.memory_space<hbm>> -> memref<1x80xi32, #tpu.memory_space<hbm>>
      %dma_start3A_93 = tpu.memref_squeeze %dma_start3A_92 : memref<1x80xi32, #tpu.memory_space<hbm>> -> memref<80xi32, #tpu.memory_space<hbm>>
      tpu.enqueue_dma source(%dma_start3A_93 : memref<80xi32, #tpu.memory_space<hbm>>) target(%arg10 : memref<80xi32, #tpu.memory_space<vmem>>) target_semaphore(%arg55 : memref<!tpu.dma_semaphore, #tpu.memory_space<semaphore_mem>>)
      %dma_start3A_94 = arith.constant 1 : i32
      %dma_start3A_95 = tpu.memref_slice %arg4[%dma_start3A_94, %add3A_88] : memref<2x320000xi32, #tpu.memory_space<hbm>> -> memref<1x80xi32, #tpu.memory_space<hbm>>
      %dma_start3A_96 = tpu.memref_squeeze %dma_start3A_95 : memref<1x80xi32, #tpu.memory_space<hbm>> -> memref<80xi32, #tpu.memory_space<hbm>>
      %dma_start3A_97 = tpu.memref_slice %arg4[%dma_start3A_94, %add3A_88] : memref<2x320000xi32, #tpu.memory_space<hbm>> -> memref<1x80xi32, #tpu.memory_space<hbm>>
      %dma_start3A_98 = tpu.memref_squeeze %dma_start3A_97 : memref<1x80xi32, #tpu.memory_space<hbm>> -> memref<80xi32, #tpu.memory_space<hbm>>
      tpu.enqueue_dma source(%dma_start3A_98 : memref<80xi32, #tpu.memory_space<hbm>>) target(%arg20 : memref<80xi32, #tpu.memory_space<vmem>>) target_semaphore(%arg55 : memref<!tpu.dma_semaphore, #tpu.memory_space<semaphore_mem>>)
      %dma_start3A_99 = arith.constant 0 : i32
      %dma_start3A_100 = tpu.memref_slice %arg5[%add3A_88, %dma_start3A_99] : memref<320000x16xf32, #tpu.memory_space<hbm>> -> memref<80x16xf32, #tpu.memory_space<hbm>>
      %dma_start3A_101 = arith.constant 0 : i32
      %dma_start3A_102 = tpu.memref_slice %arg5[%add3A_88, %dma_start3A_101] : memref<320000x16xf32, #tpu.memory_space<hbm>> -> memref<80x16xf32, #tpu.memory_space<hbm>>
      tpu.enqueue_dma source(%dma_start3A_102 : memref<80x16xf32, #tpu.memory_space<hbm>>) target(%arg40 : memref<80x16xf32, #tpu.memory_space<vmem>>) target_semaphore(%arg55 : memref<!tpu.dma_semaphore, #tpu.memory_space<semaphore_mem>>)
      %add3A_103 = arith.constant 160 : i32
      %add3A_104 = arith.addi %mul3A_32, %add3A_103 : i32
      %dma_start3A_105 = arith.constant 0 : i32
      %dma_start3A_106 = tpu.memref_slice %arg4[%dma_start3A_105, %add3A_104] : memref<2x320000xi32, #tpu.memory_space<hbm>> -> memref<1x80xi32, #tpu.memory_space<hbm>>
      %dma_start3A_107 = tpu.memref_squeeze %dma_start3A_106 : memref<1x80xi32, #tpu.memory_space<hbm>> -> memref<80xi32, #tpu.memory_space<hbm>>
      %dma_start3A_108 = tpu.memref_slice %arg4[%dma_start3A_105, %add3A_104] : memref<2x320000xi32, #tpu.memory_space<hbm>> -> memref<1x80xi32, #tpu.memory_space<hbm>>
      %dma_start3A_109 = tpu.memref_squeeze %dma_start3A_108 : memref<1x80xi32, #tpu.memory_space<hbm>> -> memref<80xi32, #tpu.memory_space<hbm>>
      tpu.enqueue_dma source(%dma_start3A_109 : memref<80xi32, #tpu.memory_space<hbm>>) target(%arg11 : memref<80xi32, #tpu.memory_space<vmem>>) target_semaphore(%arg56 : memref<!tpu.dma_semaphore, #tpu.memory_space<semaphore_mem>>)
      %dma_start3A_110 = arith.constant 1 : i32
      %dma_start3A_111 = tpu.memref_slice %arg4[%dma_start3A_110, %add3A_104] : memref<2x320000xi32, #tpu.memory_space<hbm>> -> memref<1x80xi32, #tpu.memory_space<hbm>>
      %dma_start3A_112 = tpu.memref_squeeze %dma_start3A_111 : memref<1x80xi32, #tpu.memory_space<hbm>> -> memref<80xi32, #tpu.memory_space<hbm>>
      %dma_start3A_113 = tpu.memref_slice %arg4[%dma_start3A_110, %add3A_104] : memref<2x320000xi32, #tpu.memory_space<hbm>> -> memref<1x80xi32, #tpu.memory_space<hbm>>
      %dma_start3A_114 = tpu.memref_squeeze %dma_start3A_113 : memref<1x80xi32, #tpu.memory_space<hbm>> -> memref<80xi32, #tpu.memory_space<hbm>>
      tpu.enqueue_dma source(%dma_start3A_114 : memref<80xi32, #tpu.memory_space<hbm>>) target(%arg21 : memref<80xi32, #tpu.memory_space<vmem>>) target_semaphore(%arg56 : memref<!tpu.dma_semaphore, #tpu.memory_space<semaphore_mem>>)
      %dma_start3A_115 = arith.constant 0 : i32
      %dma_start3A_116 = tpu.memref_slice %arg5[%add3A_104, %dma_start3A_115] : memref<320000x16xf32, #tpu.memory_space<hbm>> -> memref<80x16xf32, #tpu.memory_space<hbm>>
      %dma_start3A_117 = arith.constant 0 : i32
      %dma_start3A_118 = tpu.memref_slice %arg5[%add3A_104, %dma_start3A_117] : memref<320000x16xf32, #tpu.memory_space<hbm>> -> memref<80x16xf32, #tpu.memory_space<hbm>>
      tpu.enqueue_dma source(%dma_start3A_118 : memref<80x16xf32, #tpu.memory_space<hbm>>) target(%arg41 : memref<80x16xf32, #tpu.memory_space<vmem>>) target_semaphore(%arg56 : memref<!tpu.dma_semaphore, #tpu.memory_space<semaphore_mem>>)
      %add3A_119 = arith.constant 240 : i32
      %add3A_120 = arith.addi %mul3A_32, %add3A_119 : i32
      %dma_start3A_121 = arith.constant 0 : i32
      %dma_start3A_122 = tpu.memref_slice %arg4[%dma_start3A_121, %add3A_120] : memref<2x320000xi32, #tpu.memory_space<hbm>> -> memref<1x80xi32, #tpu.memory_space<hbm>>
      %dma_start3A_123 = tpu.memref_squeeze %dma_start3A_122 : memref<1x80xi32, #tpu.memory_space<hbm>> -> memref<80xi32, #tpu.memory_space<hbm>>
      %dma_start3A_124 = tpu.memref_slice %arg4[%dma_start3A_121, %add3A_120] : memref<2x320000xi32, #tpu.memory_space<hbm>> -> memref<1x80xi32, #tpu.memory_space<hbm>>
      %dma_start3A_125 = tpu.memref_squeeze %dma_start3A_124 : memref<1x80xi32, #tpu.memory_space<hbm>> -> memref<80xi32, #tpu.memory_space<hbm>>
      tpu.enqueue_dma source(%dma_start3A_125 : memref<80xi32, #tpu.memory_space<hbm>>) target(%arg12 : memref<80xi32, #tpu.memory_space<vmem>>) target_semaphore(%arg57 : memref<!tpu.dma_semaphore, #tpu.memory_space<semaphore_mem>>)
      %dma_start3A_126 = arith.constant 1 : i32
      %dma_start3A_127 = tpu.memref_slice %arg4[%dma_start3A_126, %add3A_120] : memref<2x320000xi32, #tpu.memory_space<hbm>> -> memref<1x80xi32, #tpu.memory_space<hbm>>
      %dma_start3A_128 = tpu.memref_squeeze %dma_start3A_127 : memref<1x80xi32, #tpu.memory_space<hbm>> -> memref<80xi32, #tpu.memory_space<hbm>>
      %dma_start3A_129 = tpu.memref_slice %arg4[%dma_start3A_126, %add3A_120] : memref<2x320000xi32, #tpu.memory_space<hbm>> -> memref<1x80xi32, #tpu.memory_space<hbm>>
      %dma_start3A_130 = tpu.memref_squeeze %dma_start3A_129 : memref<1x80xi32, #tpu.memory_space<hbm>> -> memref<80xi32, #tpu.memory_space<hbm>>
      tpu.enqueue_dma source(%dma_start3A_130 : memref<80xi32, #tpu.memory_space<hbm>>) target(%arg22 : memref<80xi32, #tpu.memory_space<vmem>>) target_semaphore(%arg57 : memref<!tpu.dma_semaphore, #tpu.memory_space<semaphore_mem>>)
      %dma_start3A_131 = arith.constant 0 : i32
      %dma_start3A_132 = tpu.memref_slice %arg5[%add3A_120, %dma_start3A_131] : memref<320000x16xf32, #tpu.memory_space<hbm>> -> memref<80x16xf32, #tpu.memory_space<hbm>>
      %dma_start3A_133 = arith.constant 0 : i32
      %dma_start3A_134 = tpu.memref_slice %arg5[%add3A_120, %dma_start3A_133] : memref<320000x16xf32, #tpu.memory_space<hbm>> -> memref<80x16xf32, #tpu.memory_space<hbm>>
      tpu.enqueue_dma source(%dma_start3A_134 : memref<80x16xf32, #tpu.memory_space<hbm>>) target(%arg42 : memref<80x16xf32, #tpu.memory_space<vmem>>) target_semaphore(%arg57 : memref<!tpu.dma_semaphore, #tpu.memory_space<semaphore_mem>>)
      %add3A_135 = arith.constant 320 : i32
      %add3A_136 = arith.addi %mul3A_32, %add3A_135 : i32
      %dma_start3A_137 = arith.constant 0 : i32
      %dma_start3A_138 = tpu.memref_slice %arg4[%dma_start3A_137, %add3A_136] : memref<2x320000xi32, #tpu.memory_space<hbm>> -> memref<1x80xi32, #tpu.memory_space<hbm>>
      %dma_start3A_139 = tpu.memref_squeeze %dma_start3A_138 : memref<1x80xi32, #tpu.memory_space<hbm>> -> memref<80xi32, #tpu.memory_space<hbm>>
      %dma_start3A_140 = tpu.memref_slice %arg4[%dma_start3A_137, %add3A_136] : memref<2x320000xi32, #tpu.memory_space<hbm>> -> memref<1x80xi32, #tpu.memory_space<hbm>>
      %dma_start3A_141 = tpu.memref_squeeze %dma_start3A_140 : memref<1x80xi32, #tpu.memory_space<hbm>> -> memref<80xi32, #tpu.memory_space<hbm>>
      tpu.enqueue_dma source(%dma_start3A_141 : memref<80xi32, #tpu.memory_space<hbm>>) target(%arg13 : memref<80xi32, #tpu.memory_space<vmem>>) target_semaphore(%arg58 : memref<!tpu.dma_semaphore, #tpu.memory_space<semaphore_mem>>)
      %dma_start3A_142 = arith.constant 1 : i32
      %dma_start3A_143 = tpu.memref_slice %arg4[%dma_start3A_142, %add3A_136] : memref<2x320000xi32, #tpu.memory_space<hbm>> -> memref<1x80xi32, #tpu.memory_space<hbm>>
      %dma_start3A_144 = tpu.memref_squeeze %dma_start3A_143 : memref<1x80xi32, #tpu.memory_space<hbm>> -> memref<80xi32, #tpu.memory_space<hbm>>
      %dma_start3A_145 = tpu.memref_slice %arg4[%dma_start3A_142, %add3A_136] : memref<2x320000xi32, #tpu.memory_space<hbm>> -> memref<1x80xi32, #tpu.memory_space<hbm>>
      %dma_start3A_146 = tpu.memref_squeeze %dma_start3A_145 : memref<1x80xi32, #tpu.memory_space<hbm>> -> memref<80xi32, #tpu.memory_space<hbm>>
      tpu.enqueue_dma source(%dma_start3A_146 : memref<80xi32, #tpu.memory_space<hbm>>) target(%arg23 : memref<80xi32, #tpu.memory_space<vmem>>) target_semaphore(%arg58 : memref<!tpu.dma_semaphore, #tpu.memory_space<semaphore_mem>>)
      %dma_start3A_147 = arith.constant 0 : i32
      %dma_start3A_148 = tpu.memref_slice %arg5[%add3A_136, %dma_start3A_147] : memref<320000x16xf32, #tpu.memory_space<hbm>> -> memref<80x16xf32, #tpu.memory_space<hbm>>
      %dma_start3A_149 = arith.constant 0 : i32
      %dma_start3A_150 = tpu.memref_slice %arg5[%add3A_136, %dma_start3A_149] : memref<320000x16xf32, #tpu.memory_space<hbm>> -> memref<80x16xf32, #tpu.memory_space<hbm>>
      tpu.enqueue_dma source(%dma_start3A_150 : memref<80x16xf32, #tpu.memory_space<hbm>>) target(%arg43 : memref<80x16xf32, #tpu.memory_space<vmem>>) target_semaphore(%arg58 : memref<!tpu.dma_semaphore, #tpu.memory_space<semaphore_mem>>)
      %add3A_151 = arith.constant 400 : i32
      %add3A_152 = arith.addi %mul3A_32, %add3A_151 : i32
      %dma_start3A_153 = arith.constant 0 : i32
      %dma_start3A_154 = tpu.memref_slice %arg4[%dma_start3A_153, %add3A_152] : memref<2x320000xi32, #tpu.memory_space<hbm>> -> memref<1x80xi32, #tpu.memory_space<hbm>>
      %dma_start3A_155 = tpu.memref_squeeze %dma_start3A_154 : memref<1x80xi32, #tpu.memory_space<hbm>> -> memref<80xi32, #tpu.memory_space<hbm>>
      %dma_start3A_156 = tpu.memref_slice %arg4[%dma_start3A_153, %add3A_152] : memref<2x320000xi32, #tpu.memory_space<hbm>> -> memref<1x80xi32, #tpu.memory_space<hbm>>
      %dma_start3A_157 = tpu.memref_squeeze %dma_start3A_156 : memref<1x80xi32, #tpu.memory_space<hbm>> -> memref<80xi32, #tpu.memory_space<hbm>>
      tpu.enqueue_dma source(%dma_start3A_157 : memref<80xi32, #tpu.memory_space<hbm>>) target(%arg14 : memref<80xi32, #tpu.memory_space<vmem>>) target_semaphore(%arg59 : memref<!tpu.dma_semaphore, #tpu.memory_space<semaphore_mem>>)
      %dma_start3A_158 = arith.constant 1 : i32
      %dma_start3A_159 = tpu.memref_slice %arg4[%dma_start3A_158, %add3A_152] : memref<2x320000xi32, #tpu.memory_space<hbm>> -> memref<1x80xi32, #tpu.memory_space<hbm>>
      %dma_start3A_160 = tpu.memref_squeeze %dma_start3A_159 : memref<1x80xi32, #tpu.memory_space<hbm>> -> memref<80xi32, #tpu.memory_space<hbm>>
      %dma_start3A_161 = tpu.memref_slice %arg4[%dma_start3A_158, %add3A_152] : memref<2x320000xi32, #tpu.memory_space<hbm>> -> memref<1x80xi32, #tpu.memory_space<hbm>>
      %dma_start3A_162 = tpu.memref_squeeze %dma_start3A_161 : memref<1x80xi32, #tpu.memory_space<hbm>> -> memref<80xi32, #tpu.memory_space<hbm>>
      tpu.enqueue_dma source(%dma_start3A_162 : memref<80xi32, #tpu.memory_space<hbm>>) target(%arg24 : memref<80xi32, #tpu.memory_space<vmem>>) target_semaphore(%arg59 : memref<!tpu.dma_semaphore, #tpu.memory_space<semaphore_mem>>)
      %dma_start3A_163 = arith.constant 0 : i32
      %dma_start3A_164 = tpu.memref_slice %arg5[%add3A_152, %dma_start3A_163] : memref<320000x16xf32, #tpu.memory_space<hbm>> -> memref<80x16xf32, #tpu.memory_space<hbm>>
      %dma_start3A_165 = arith.constant 0 : i32
      %dma_start3A_166 = tpu.memref_slice %arg5[%add3A_152, %dma_start3A_165] : memref<320000x16xf32, #tpu.memory_space<hbm>> -> memref<80x16xf32, #tpu.memory_space<hbm>>
      tpu.enqueue_dma source(%dma_start3A_166 : memref<80x16xf32, #tpu.memory_space<hbm>>) target(%arg44 : memref<80x16xf32, #tpu.memory_space<vmem>>) target_semaphore(%arg59 : memref<!tpu.dma_semaphore, #tpu.memory_space<semaphore_mem>>)
      %add3A_167 = arith.constant 480 : i32
      %add3A_168 = arith.addi %mul3A_32, %add3A_167 : i32
      %dma_start3A_169 = arith.constant 0 : i32
      %dma_start3A_170 = tpu.memref_slice %arg4[%dma_start3A_169, %add3A_168] : memref<2x320000xi32, #tpu.memory_space<hbm>> -> memref<1x80xi32, #tpu.memory_space<hbm>>
      %dma_start3A_171 = tpu.memref_squeeze %dma_start3A_170 : memref<1x80xi32, #tpu.memory_space<hbm>> -> memref<80xi32, #tpu.memory_space<hbm>>
      %dma_start3A_172 = tpu.memref_slice %arg4[%dma_start3A_169, %add3A_168] : memref<2x320000xi32, #tpu.memory_space<hbm>> -> memref<1x80xi32, #tpu.memory_space<hbm>>
      %dma_start3A_173 = tpu.memref_squeeze %dma_start3A_172 : memref<1x80xi32, #tpu.memory_space<hbm>> -> memref<80xi32, #tpu.memory_space<hbm>>
      tpu.enqueue_dma source(%dma_start3A_173 : memref<80xi32, #tpu.memory_space<hbm>>) target(%arg15 : memref<80xi32, #tpu.memory_space<vmem>>) target_semaphore(%arg60 : memref<!tpu.dma_semaphore, #tpu.memory_space<semaphore_mem>>)
      %dma_start3A_174 = arith.constant 1 : i32
      %dma_start3A_175 = tpu.memref_slice %arg4[%dma_start3A_174, %add3A_168] : memref<2x320000xi32, #tpu.memory_space<hbm>> -> memref<1x80xi32, #tpu.memory_space<hbm>>
      %dma_start3A_176 = tpu.memref_squeeze %dma_start3A_175 : memref<1x80xi32, #tpu.memory_space<hbm>> -> memref<80xi32, #tpu.memory_space<hbm>>
      %dma_start3A_177 = tpu.memref_slice %arg4[%dma_start3A_174, %add3A_168] : memref<2x320000xi32, #tpu.memory_space<hbm>> -> memref<1x80xi32, #tpu.memory_space<hbm>>
      %dma_start3A_178 = tpu.memref_squeeze %dma_start3A_177 : memref<1x80xi32, #tpu.memory_space<hbm>> -> memref<80xi32, #tpu.memory_space<hbm>>
      tpu.enqueue_dma source(%dma_start3A_178 : memref<80xi32, #tpu.memory_space<hbm>>) target(%arg25 : memref<80xi32, #tpu.memory_space<vmem>>) target_semaphore(%arg60 : memref<!tpu.dma_semaphore, #tpu.memory_space<semaphore_mem>>)
      %dma_start3A_179 = arith.constant 0 : i32
      %dma_start3A_180 = tpu.memref_slice %arg5[%add3A_168, %dma_start3A_179] : memref<320000x16xf32, #tpu.memory_space<hbm>> -> memref<80x16xf32, #tpu.memory_space<hbm>>
      %dma_start3A_181 = arith.constant 0 : i32
      %dma_start3A_182 = tpu.memref_slice %arg5[%add3A_168, %dma_start3A_181] : memref<320000x16xf32, #tpu.memory_space<hbm>> -> memref<80x16xf32, #tpu.memory_space<hbm>>
      tpu.enqueue_dma source(%dma_start3A_182 : memref<80x16xf32, #tpu.memory_space<hbm>>) target(%arg45 : memref<80x16xf32, #tpu.memory_space<vmem>>) target_semaphore(%arg60 : memref<!tpu.dma_semaphore, #tpu.memory_space<semaphore_mem>>)
      %add3A_183 = arith.constant 560 : i32
      %add3A_184 = arith.addi %mul3A_32, %add3A_183 : i32
      %dma_start3A_185 = arith.constant 0 : i32
      %dma_start3A_186 = tpu.memref_slice %arg4[%dma_start3A_185, %add3A_184] : memref<2x320000xi32, #tpu.memory_space<hbm>> -> memref<1x80xi32, #tpu.memory_space<hbm>>
      %dma_start3A_187 = tpu.memref_squeeze %dma_start3A_186 : memref<1x80xi32, #tpu.memory_space<hbm>> -> memref<80xi32, #tpu.memory_space<hbm>>
      %dma_start3A_188 = tpu.memref_slice %arg4[%dma_start3A_185, %add3A_184] : memref<2x320000xi32, #tpu.memory_space<hbm>> -> memref<1x80xi32, #tpu.memory_space<hbm>>
      %dma_start3A_189 = tpu.memref_squeeze %dma_start3A_188 : memref<1x80xi32, #tpu.memory_space<hbm>> -> memref<80xi32, #tpu.memory_space<hbm>>
      tpu.enqueue_dma source(%dma_start3A_189 : memref<80xi32, #tpu.memory_space<hbm>>) target(%arg16 : memref<80xi32, #tpu.memory_space<vmem>>) target_semaphore(%arg61 : memref<!tpu.dma_semaphore, #tpu.memory_space<semaphore_mem>>)
      %dma_start3A_190 = arith.constant 1 : i32
      %dma_start3A_191 = tpu.memref_slice %arg4[%dma_start3A_190, %add3A_184] : memref<2x320000xi32, #tpu.memory_space<hbm>> -> memref<1x80xi32, #tpu.memory_space<hbm>>
      %dma_start3A_192 = tpu.memref_squeeze %dma_start3A_191 : memref<1x80xi32, #tpu.memory_space<hbm>> -> memref<80xi32, #tpu.memory_space<hbm>>
      %dma_start3A_193 = tpu.memref_slice %arg4[%dma_start3A_190, %add3A_184] : memref<2x320000xi32, #tpu.memory_space<hbm>> -> memref<1x80xi32, #tpu.memory_space<hbm>>
      %dma_start3A_194 = tpu.memref_squeeze %dma_start3A_193 : memref<1x80xi32, #tpu.memory_space<hbm>> -> memref<80xi32, #tpu.memory_space<hbm>>
      tpu.enqueue_dma source(%dma_start3A_194 : memref<80xi32, #tpu.memory_space<hbm>>) target(%arg26 : memref<80xi32, #tpu.memory_space<vmem>>) target_semaphore(%arg61 : memref<!tpu.dma_semaphore, #tpu.memory_space<semaphore_mem>>)
      %dma_start3A_195 = arith.constant 0 : i32
      %dma_start3A_196 = tpu.memref_slice %arg5[%add3A_184, %dma_start3A_195] : memref<320000x16xf32, #tpu.memory_space<hbm>> -> memref<80x16xf32, #tpu.memory_space<hbm>>
      %dma_start3A_197 = arith.constant 0 : i32
      %dma_start3A_198 = tpu.memref_slice %arg5[%add3A_184, %dma_start3A_197] : memref<320000x16xf32, #tpu.memory_space<hbm>> -> memref<80x16xf32, #tpu.memory_space<hbm>>
      tpu.enqueue_dma source(%dma_start3A_198 : memref<80x16xf32, #tpu.memory_space<hbm>>) target(%arg46 : memref<80x16xf32, #tpu.memory_space<vmem>>) target_semaphore(%arg61 : memref<!tpu.dma_semaphore, #tpu.memory_space<semaphore_mem>>)
      %add3A_199 = arith.constant 640 : i32
      %add3A_200 = arith.addi %mul3A_32, %add3A_199 : i32
      %dma_start3A_201 = arith.constant 0 : i32
      %dma_start3A_202 = tpu.memref_slice %arg4[%dma_start3A_201, %add3A_200] : memref<2x320000xi32, #tpu.memory_space<hbm>> -> memref<1x80xi32, #tpu.memory_space<hbm>>
      %dma_start3A_203 = tpu.memref_squeeze %dma_start3A_202 : memref<1x80xi32, #tpu.memory_space<hbm>> -> memref<80xi32, #tpu.memory_space<hbm>>
      %dma_start3A_204 = tpu.memref_slice %arg4[%dma_start3A_201, %add3A_200] : memref<2x320000xi32, #tpu.memory_space<hbm>> -> memref<1x80xi32, #tpu.memory_space<hbm>>
      %dma_start3A_205 = tpu.memref_squeeze %dma_start3A_204 : memref<1x80xi32, #tpu.memory_space<hbm>> -> memref<80xi32, #tpu.memory_space<hbm>>
      tpu.enqueue_dma source(%dma_start3A_205 : memref<80xi32, #tpu.memory_space<hbm>>) target(%arg17 : memref<80xi32, #tpu.memory_space<vmem>>) target_semaphore(%arg62 : memref<!tpu.dma_semaphore, #tpu.memory_space<semaphore_mem>>)
      %dma_start3A_206 = arith.constant 1 : i32
      %dma_start3A_207 = tpu.memref_slice %arg4[%dma_start3A_206, %add3A_200] : memref<2x320000xi32, #tpu.memory_space<hbm>> -> memref<1x80xi32, #tpu.memory_space<hbm>>
      %dma_start3A_208 = tpu.memref_squeeze %dma_start3A_207 : memref<1x80xi32, #tpu.memory_space<hbm>> -> memref<80xi32, #tpu.memory_space<hbm>>
      %dma_start3A_209 = tpu.memref_slice %arg4[%dma_start3A_206, %add3A_200] : memref<2x320000xi32, #tpu.memory_space<hbm>> -> memref<1x80xi32, #tpu.memory_space<hbm>>
      %dma_start3A_210 = tpu.memref_squeeze %dma_start3A_209 : memref<1x80xi32, #tpu.memory_space<hbm>> -> memref<80xi32, #tpu.memory_space<hbm>>
      tpu.enqueue_dma source(%dma_start3A_210 : memref<80xi32, #tpu.memory_space<hbm>>) target(%arg27 : memref<80xi32, #tpu.memory_space<vmem>>) target_semaphore(%arg62 : memref<!tpu.dma_semaphore, #tpu.memory_space<semaphore_mem>>)
      %dma_start3A_211 = arith.constant 0 : i32
      %dma_start3A_212 = tpu.memref_slice %arg5[%add3A_200, %dma_start3A_211] : memref<320000x16xf32, #tpu.memory_space<hbm>> -> memref<80x16xf32, #tpu.memory_space<hbm>>
      %dma_start3A_213 = arith.constant 0 : i32
      %dma_start3A_214 = tpu.memref_slice %arg5[%add3A_200, %dma_start3A_213] : memref<320000x16xf32, #tpu.memory_space<hbm>> -> memref<80x16xf32, #tpu.memory_space<hbm>>
      tpu.enqueue_dma source(%dma_start3A_214 : memref<80x16xf32, #tpu.memory_space<hbm>>) target(%arg47 : memref<80x16xf32, #tpu.memory_space<vmem>>) target_semaphore(%arg62 : memref<!tpu.dma_semaphore, #tpu.memory_space<semaphore_mem>>)
      %add3A_215 = arith.constant 720 : i32
      %add3A_216 = arith.addi %mul3A_32, %add3A_215 : i32
      %dma_start3A_217 = arith.constant 0 : i32
      %dma_start3A_218 = tpu.memref_slice %arg4[%dma_start3A_217, %add3A_216] : memref<2x320000xi32, #tpu.memory_space<hbm>> -> memref<1x80xi32, #tpu.memory_space<hbm>>
      %dma_start3A_219 = tpu.memref_squeeze %dma_start3A_218 : memref<1x80xi32, #tpu.memory_space<hbm>> -> memref<80xi32, #tpu.memory_space<hbm>>
      %dma_start3A_220 = tpu.memref_slice %arg4[%dma_start3A_217, %add3A_216] : memref<2x320000xi32, #tpu.memory_space<hbm>> -> memref<1x80xi32, #tpu.memory_space<hbm>>
      %dma_start3A_221 = tpu.memref_squeeze %dma_start3A_220 : memref<1x80xi32, #tpu.memory_space<hbm>> -> memref<80xi32, #tpu.memory_space<hbm>>
      tpu.enqueue_dma source(%dma_start3A_221 : memref<80xi32, #tpu.memory_space<hbm>>) target(%arg18 : memref<80xi32, #tpu.memory_space<vmem>>) target_semaphore(%arg63 : memref<!tpu.dma_semaphore, #tpu.memory_space<semaphore_mem>>)
      %dma_start3A_222 = arith.constant 1 : i32
      %dma_start3A_223 = tpu.memref_slice %arg4[%dma_start3A_222, %add3A_216] : memref<2x320000xi32, #tpu.memory_space<hbm>> -> memref<1x80xi32, #tpu.memory_space<hbm>>
      %dma_start3A_224 = tpu.memref_squeeze %dma_start3A_223 : memref<1x80xi32, #tpu.memory_space<hbm>> -> memref<80xi32, #tpu.memory_space<hbm>>
      %dma_start3A_225 = tpu.memref_slice %arg4[%dma_start3A_222, %add3A_216] : memref<2x320000xi32, #tpu.memory_space<hbm>> -> memref<1x80xi32, #tpu.memory_space<hbm>>
      %dma_start3A_226 = tpu.memref_squeeze %dma_start3A_225 : memref<1x80xi32, #tpu.memory_space<hbm>> -> memref<80xi32, #tpu.memory_space<hbm>>
      tpu.enqueue_dma source(%dma_start3A_226 : memref<80xi32, #tpu.memory_space<hbm>>) target(%arg28 : memref<80xi32, #tpu.memory_space<vmem>>) target_semaphore(%arg63 : memref<!tpu.dma_semaphore, #tpu.memory_space<semaphore_mem>>)
      %dma_start3A_227 = arith.constant 0 : i32
      %dma_start3A_228 = tpu.memref_slice %arg5[%add3A_216, %dma_start3A_227] : memref<320000x16xf32, #tpu.memory_space<hbm>> -> memref<80x16xf32, #tpu.memory_space<hbm>>
      %dma_start3A_229 = arith.constant 0 : i32
      %dma_start3A_230 = tpu.memref_slice %arg5[%add3A_216, %dma_start3A_229] : memref<320000x16xf32, #tpu.memory_space<hbm>> -> memref<80x16xf32, #tpu.memory_space<hbm>>
      tpu.enqueue_dma source(%dma_start3A_230 : memref<80x16xf32, #tpu.memory_space<hbm>>) target(%arg48 : memref<80x16xf32, #tpu.memory_space<vmem>>) target_semaphore(%arg63 : memref<!tpu.dma_semaphore, #tpu.memory_space<semaphore_mem>>)
      %scan3A_231 = arith.constant 0 : i32
      %scan3A_232 = arith.constant 0 : i32
      %scan3A_233 = arith.constant 25 : i32
      %scan3A_234 = arith.addi %scan3A_232, %scan3A_233 : i32
      %scan3A_235 = arith.constant 1 : i32
      scf.for %scan3A_237 = %scan3A_232 to %scan3A_234 step %scan3A_235  : i32 {
        %mul3A_238 = arith.constant 800 : i32
        %mul3A_239 = arith.muli %scan3A_237, %mul3A_238 : i32
        %add3A_240 = arith.addi %mul3A_32, %mul3A_239 : i32
        %dma_wait3A = arith.constant 0 : i32
        %dma_wait3A_241 = arith.constant 0 : i32
        %dma_wait3A_242 = tpu.memref_slice %arg4[%dma_wait3A, %dma_wait3A_241] : memref<2x320000xi32, #tpu.memory_space<hbm>> -> memref<1x80xi32, #tpu.memory_space<hbm>>
        %dma_wait3A_243 = tpu.memref_squeeze %dma_wait3A_242 : memref<1x80xi32, #tpu.memory_space<hbm>> -> memref<80xi32, #tpu.memory_space<hbm>>
        %dma_wait3A_244 = arith.constant 0 : i32
        %dma_wait3A_245 = tpu.memref_slice %arg4[%dma_wait3A, %dma_wait3A_244] : memref<2x320000xi32, #tpu.memory_space<hbm>> -> memref<1x80xi32, #tpu.memory_space<hbm>>
        %dma_wait3A_246 = tpu.memref_squeeze %dma_wait3A_245 : memref<1x80xi32, #tpu.memory_space<hbm>> -> memref<80xi32, #tpu.memory_space<hbm>>
        tpu.wait_dma2 semaphore(%arg54 : memref<!tpu.dma_semaphore, #tpu.memory_space<semaphore_mem>>) src(%dma_wait3A_246 : memref<80xi32, #tpu.memory_space<hbm>>) dst(%arg9 : memref<80xi32, #tpu.memory_space<vmem>>)
        %dma_wait3A_247 = arith.constant 1 : i32
        %dma_wait3A_248 = arith.constant 0 : i32
        %dma_wait3A_249 = tpu.memref_slice %arg4[%dma_wait3A_247, %dma_wait3A_248] : memref<2x320000xi32, #tpu.memory_space<hbm>> -> memref<1x80xi32, #tpu.memory_space<hbm>>
        %dma_wait3A_250 = tpu.memref_squeeze %dma_wait3A_249 : memref<1x80xi32, #tpu.memory_space<hbm>> -> memref<80xi32, #tpu.memory_space<hbm>>
        %dma_wait3A_251 = arith.constant 0 : i32
        %dma_wait3A_252 = tpu.memref_slice %arg4[%dma_wait3A_247, %dma_wait3A_251] : memref<2x320000xi32, #tpu.memory_space<hbm>> -> memref<1x80xi32, #tpu.memory_space<hbm>>
        %dma_wait3A_253 = tpu.memref_squeeze %dma_wait3A_252 : memref<1x80xi32, #tpu.memory_space<hbm>> -> memref<80xi32, #tpu.memory_space<hbm>>
        tpu.wait_dma2 semaphore(%arg54 : memref<!tpu.dma_semaphore, #tpu.memory_space<semaphore_mem>>) src(%dma_wait3A_253 : memref<80xi32, #tpu.memory_space<hbm>>) dst(%arg19 : memref<80xi32, #tpu.memory_space<vmem>>)
        %dma_wait3A_254 = arith.constant 0 : i32
        %dma_wait3A_255 = arith.constant 0 : i32
        %dma_wait3A_256 = tpu.memref_slice %arg5[%dma_wait3A_254, %dma_wait3A_255] : memref<320000x16xf32, #tpu.memory_space<hbm>> -> memref<80x16xf32, #tpu.memory_space<hbm>>
        %dma_wait3A_257 = arith.constant 0 : i32
        %dma_wait3A_258 = arith.constant 0 : i32
        %dma_wait3A_259 = tpu.memref_slice %arg5[%dma_wait3A_257, %dma_wait3A_258] : memref<320000x16xf32, #tpu.memory_space<hbm>> -> memref<80x16xf32, #tpu.memory_space<hbm>>
        tpu.wait_dma2 semaphore(%arg54 : memref<!tpu.dma_semaphore, #tpu.memory_space<semaphore_mem>>) src(%dma_wait3A_259 : memref<80x16xf32, #tpu.memory_space<hbm>>) dst(%arg39 : memref<80x16xf32, #tpu.memory_space<vmem>>)
        %dma_start3A_260 = arith.constant 0 : i32
        %dma_start3A_261 = arith.constant 0 : i32
        %dma_start3A_262 = tpu.memref_slice %arg2[%dma_start3A_260, %dma_start3A_261] : memref<10000x64xf32, #tpu.memory_space<hbm>> -> memref<10000x64xf32, #tpu.memory_space<hbm>>
        tpu.enqueue_indirect_dma source(%dma_start3A_262 : memref<10000x64xf32, #tpu.memory_space<hbm>>) target(%arg29 : memref<80x64xf32, #tpu.memory_space<vmem>>) offsets(%arg9 : memref<80xi32, #tpu.memory_space<vmem>>) semaphore(%arg64 : memref<!tpu.dma_semaphore, #tpu.memory_space<semaphore_mem>>)
        %dma_wait3A_263 = arith.constant 0 : i32
        %dma_wait3A_264 = arith.constant 0 : i32
        %dma_wait3A_265 = tpu.memref_slice %arg4[%dma_wait3A_263, %dma_wait3A_264] : memref<2x320000xi32, #tpu.memory_space<hbm>> -> memref<1x80xi32, #tpu.memory_space<hbm>>
        %dma_wait3A_266 = tpu.memref_squeeze %dma_wait3A_265 : memref<1x80xi32, #tpu.memory_space<hbm>> -> memref<80xi32, #tpu.memory_space<hbm>>
        %dma_wait3A_267 = arith.constant 0 : i32
        %dma_wait3A_268 = tpu.memref_slice %arg4[%dma_wait3A_263, %dma_wait3A_267] : memref<2x320000xi32, #tpu.memory_space<hbm>> -> memref<1x80xi32, #tpu.memory_space<hbm>>
        %dma_wait3A_269 = tpu.memref_squeeze %dma_wait3A_268 : memref<1x80xi32, #tpu.memory_space<hbm>> -> memref<80xi32, #tpu.memory_space<hbm>>
        tpu.wait_dma2 semaphore(%arg55 : memref<!tpu.dma_semaphore, #tpu.memory_space<semaphore_mem>>) src(%dma_wait3A_269 : memref<80xi32, #tpu.memory_space<hbm>>) dst(%arg10 : memref<80xi32, #tpu.memory_space<vmem>>)
        %dma_wait3A_270 = arith.constant 1 : i32
        %dma_wait3A_271 = arith.constant 0 : i32
        %dma_wait3A_272 = tpu.memref_slice %arg4[%dma_wait3A_270, %dma_wait3A_271] : memref<2x320000xi32, #tpu.memory_space<hbm>> -> memref<1x80xi32, #tpu.memory_space<hbm>>
        %dma_wait3A_273 = tpu.memref_squeeze %dma_wait3A_272 : memref<1x80xi32, #tpu.memory_space<hbm>> -> memref<80xi32, #tpu.memory_space<hbm>>
        %dma_wait3A_274 = arith.constant 0 : i32
        %dma_wait3A_275 = tpu.memref_slice %arg4[%dma_wait3A_270, %dma_wait3A_274] : memref<2x320000xi32, #tpu.memory_space<hbm>> -> memref<1x80xi32, #tpu.memory_space<hbm>>
        %dma_wait3A_276 = tpu.memref_squeeze %dma_wait3A_275 : memref<1x80xi32, #tpu.memory_space<hbm>> -> memref<80xi32, #tpu.memory_space<hbm>>
        tpu.wait_dma2 semaphore(%arg55 : memref<!tpu.dma_semaphore, #tpu.memory_space<semaphore_mem>>) src(%dma_wait3A_276 : memref<80xi32, #tpu.memory_space<hbm>>) dst(%arg20 : memref<80xi32, #tpu.memory_space<vmem>>)
        %dma_wait3A_277 = arith.constant 0 : i32
        %dma_wait3A_278 = arith.constant 0 : i32
        %dma_wait3A_279 = tpu.memref_slice %arg5[%dma_wait3A_277, %dma_wait3A_278] : memref<320000x16xf32, #tpu.memory_space<hbm>> -> memref<80x16xf32, #tpu.memory_space<hbm>>
        %dma_wait3A_280 = arith.constant 0 : i32
        %dma_wait3A_281 = arith.constant 0 : i32
        %dma_wait3A_282 = tpu.memref_slice %arg5[%dma_wait3A_280, %dma_wait3A_281] : memref<320000x16xf32, #tpu.memory_space<hbm>> -> memref<80x16xf32, #tpu.memory_space<hbm>>
        tpu.wait_dma2 semaphore(%arg55 : memref<!tpu.dma_semaphore, #tpu.memory_space<semaphore_mem>>) src(%dma_wait3A_282 : memref<80x16xf32, #tpu.memory_space<hbm>>) dst(%arg40 : memref<80x16xf32, #tpu.memory_space<vmem>>)
        %dma_start3A_283 = arith.constant 0 : i32
        %dma_start3A_284 = arith.constant 0 : i32
        %dma_start3A_285 = tpu.memref_slice %arg2[%dma_start3A_283, %dma_start3A_284] : memref<10000x64xf32, #tpu.memory_space<hbm>> -> memref<10000x64xf32, #tpu.memory_space<hbm>>
        tpu.enqueue_indirect_dma source(%dma_start3A_285 : memref<10000x64xf32, #tpu.memory_space<hbm>>) target(%arg30 : memref<80x64xf32, #tpu.memory_space<vmem>>) offsets(%arg10 : memref<80xi32, #tpu.memory_space<vmem>>) semaphore(%arg65 : memref<!tpu.dma_semaphore, #tpu.memory_space<semaphore_mem>>)
        %dma_wait3A_286 = arith.constant 0 : i32
        %dma_wait3A_287 = arith.constant 0 : i32
        %dma_wait3A_288 = tpu.memref_slice %arg4[%dma_wait3A_286, %dma_wait3A_287] : memref<2x320000xi32, #tpu.memory_space<hbm>> -> memref<1x80xi32, #tpu.memory_space<hbm>>
        %dma_wait3A_289 = tpu.memref_squeeze %dma_wait3A_288 : memref<1x80xi32, #tpu.memory_space<hbm>> -> memref<80xi32, #tpu.memory_space<hbm>>
        %dma_wait3A_290 = arith.constant 0 : i32
        %dma_wait3A_291 = tpu.memref_slice %arg4[%dma_wait3A_286, %dma_wait3A_290] : memref<2x320000xi32, #tpu.memory_space<hbm>> -> memref<1x80xi32, #tpu.memory_space<hbm>>
        %dma_wait3A_292 = tpu.memref_squeeze %dma_wait3A_291 : memref<1x80xi32, #tpu.memory_space<hbm>> -> memref<80xi32, #tpu.memory_space<hbm>>
        tpu.wait_dma2 semaphore(%arg56 : memref<!tpu.dma_semaphore, #tpu.memory_space<semaphore_mem>>) src(%dma_wait3A_292 : memref<80xi32, #tpu.memory_space<hbm>>) dst(%arg11 : memref<80xi32, #tpu.memory_space<vmem>>)
        %dma_wait3A_293 = arith.constant 1 : i32
        %dma_wait3A_294 = arith.constant 0 : i32
        %dma_wait3A_295 = tpu.memref_slice %arg4[%dma_wait3A_293, %dma_wait3A_294] : memref<2x320000xi32, #tpu.memory_space<hbm>> -> memref<1x80xi32, #tpu.memory_space<hbm>>
        %dma_wait3A_296 = tpu.memref_squeeze %dma_wait3A_295 : memref<1x80xi32, #tpu.memory_space<hbm>> -> memref<80xi32, #tpu.memory_space<hbm>>
        %dma_wait3A_297 = arith.constant 0 : i32
        %dma_wait3A_298 = tpu.memref_slice %arg4[%dma_wait3A_293, %dma_wait3A_297] : memref<2x320000xi32, #tpu.memory_space<hbm>> -> memref<1x80xi32, #tpu.memory_space<hbm>>
        %dma_wait3A_299 = tpu.memref_squeeze %dma_wait3A_298 : memref<1x80xi32, #tpu.memory_space<hbm>> -> memref<80xi32, #tpu.memory_space<hbm>>
        tpu.wait_dma2 semaphore(%arg56 : memref<!tpu.dma_semaphore, #tpu.memory_space<semaphore_mem>>) src(%dma_wait3A_299 : memref<80xi32, #tpu.memory_space<hbm>>) dst(%arg21 : memref<80xi32, #tpu.memory_space<vmem>>)
        %dma_wait3A_300 = arith.constant 0 : i32
        %dma_wait3A_301 = arith.constant 0 : i32
        %dma_wait3A_302 = tpu.memref_slice %arg5[%dma_wait3A_300, %dma_wait3A_301] : memref<320000x16xf32, #tpu.memory_space<hbm>> -> memref<80x16xf32, #tpu.memory_space<hbm>>
        %dma_wait3A_303 = arith.constant 0 : i32
        %dma_wait3A_304 = arith.constant 0 : i32
        %dma_wait3A_305 = tpu.memref_slice %arg5[%dma_wait3A_303, %dma_wait3A_304] : memref<320000x16xf32, #tpu.memory_space<hbm>> -> memref<80x16xf32, #tpu.memory_space<hbm>>
        tpu.wait_dma2 semaphore(%arg56 : memref<!tpu.dma_semaphore, #tpu.memory_space<semaphore_mem>>) src(%dma_wait3A_305 : memref<80x16xf32, #tpu.memory_space<hbm>>) dst(%arg41 : memref<80x16xf32, #tpu.memory_space<vmem>>)
        %dma_start3A_306 = arith.constant 0 : i32
        %dma_start3A_307 = arith.constant 0 : i32
        %dma_start3A_308 = tpu.memref_slice %arg2[%dma_start3A_306, %dma_start3A_307] : memref<10000x64xf32, #tpu.memory_space<hbm>> -> memref<10000x64xf32, #tpu.memory_space<hbm>>
        tpu.enqueue_indirect_dma source(%dma_start3A_308 : memref<10000x64xf32, #tpu.memory_space<hbm>>) target(%arg31 : memref<80x64xf32, #tpu.memory_space<vmem>>) offsets(%arg11 : memref<80xi32, #tpu.memory_space<vmem>>) semaphore(%arg66 : memref<!tpu.dma_semaphore, #tpu.memory_space<semaphore_mem>>)
        %dma_wait3A_309 = arith.constant 0 : i32
        %dma_wait3A_310 = arith.constant 0 : i32
        %dma_wait3A_311 = tpu.memref_slice %arg4[%dma_wait3A_309, %dma_wait3A_310] : memref<2x320000xi32, #tpu.memory_space<hbm>> -> memref<1x80xi32, #tpu.memory_space<hbm>>
        %dma_wait3A_312 = tpu.memref_squeeze %dma_wait3A_311 : memref<1x80xi32, #tpu.memory_space<hbm>> -> memref<80xi32, #tpu.memory_space<hbm>>
        %dma_wait3A_313 = arith.constant 0 : i32
        %dma_wait3A_314 = tpu.memref_slice %arg4[%dma_wait3A_309, %dma_wait3A_313] : memref<2x320000xi32, #tpu.memory_space<hbm>> -> memref<1x80xi32, #tpu.memory_space<hbm>>
        %dma_wait3A_315 = tpu.memref_squeeze %dma_wait3A_314 : memref<1x80xi32, #tpu.memory_space<hbm>> -> memref<80xi32, #tpu.memory_space<hbm>>
        tpu.wait_dma2 semaphore(%arg57 : memref<!tpu.dma_semaphore, #tpu.memory_space<semaphore_mem>>) src(%dma_wait3A_315 : memref<80xi32, #tpu.memory_space<hbm>>) dst(%arg12 : memref<80xi32, #tpu.memory_space<vmem>>)
        %dma_wait3A_316 = arith.constant 1 : i32
        %dma_wait3A_317 = arith.constant 0 : i32
        %dma_wait3A_318 = tpu.memref_slice %arg4[%dma_wait3A_316, %dma_wait3A_317] : memref<2x320000xi32, #tpu.memory_space<hbm>> -> memref<1x80xi32, #tpu.memory_space<hbm>>
        %dma_wait3A_319 = tpu.memref_squeeze %dma_wait3A_318 : memref<1x80xi32, #tpu.memory_space<hbm>> -> memref<80xi32, #tpu.memory_space<hbm>>
        %dma_wait3A_320 = arith.constant 0 : i32
        %dma_wait3A_321 = tpu.memref_slice %arg4[%dma_wait3A_316, %dma_wait3A_320] : memref<2x320000xi32, #tpu.memory_space<hbm>> -> memref<1x80xi32, #tpu.memory_space<hbm>>
        %dma_wait3A_322 = tpu.memref_squeeze %dma_wait3A_321 : memref<1x80xi32, #tpu.memory_space<hbm>> -> memref<80xi32, #tpu.memory_space<hbm>>
        tpu.wait_dma2 semaphore(%arg57 : memref<!tpu.dma_semaphore, #tpu.memory_space<semaphore_mem>>) src(%dma_wait3A_322 : memref<80xi32, #tpu.memory_space<hbm>>) dst(%arg22 : memref<80xi32, #tpu.memory_space<vmem>>)
        %dma_wait3A_323 = arith.constant 0 : i32
        %dma_wait3A_324 = arith.constant 0 : i32
        %dma_wait3A_325 = tpu.memref_slice %arg5[%dma_wait3A_323, %dma_wait3A_324] : memref<320000x16xf32, #tpu.memory_space<hbm>> -> memref<80x16xf32, #tpu.memory_space<hbm>>
        %dma_wait3A_326 = arith.constant 0 : i32
        %dma_wait3A_327 = arith.constant 0 : i32
        %dma_wait3A_328 = tpu.memref_slice %arg5[%dma_wait3A_326, %dma_wait3A_327] : memref<320000x16xf32, #tpu.memory_space<hbm>> -> memref<80x16xf32, #tpu.memory_space<hbm>>
        tpu.wait_dma2 semaphore(%arg57 : memref<!tpu.dma_semaphore, #tpu.memory_space<semaphore_mem>>) src(%dma_wait3A_328 : memref<80x16xf32, #tpu.memory_space<hbm>>) dst(%arg42 : memref<80x16xf32, #tpu.memory_space<vmem>>)
        %dma_start3A_329 = arith.constant 0 : i32
        %dma_start3A_330 = arith.constant 0 : i32
        %dma_start3A_331 = tpu.memref_slice %arg2[%dma_start3A_329, %dma_start3A_330] : memref<10000x64xf32, #tpu.memory_space<hbm>> -> memref<10000x64xf32, #tpu.memory_space<hbm>>
        tpu.enqueue_indirect_dma source(%dma_start3A_331 : memref<10000x64xf32, #tpu.memory_space<hbm>>) target(%arg32 : memref<80x64xf32, #tpu.memory_space<vmem>>) offsets(%arg12 : memref<80xi32, #tpu.memory_space<vmem>>) semaphore(%arg67 : memref<!tpu.dma_semaphore, #tpu.memory_space<semaphore_mem>>)
        %dma_wait3A_332 = arith.constant 0 : i32
        %dma_wait3A_333 = arith.constant 0 : i32
        %dma_wait3A_334 = tpu.memref_slice %arg4[%dma_wait3A_332, %dma_wait3A_333] : memref<2x320000xi32, #tpu.memory_space<hbm>> -> memref<1x80xi32, #tpu.memory_space<hbm>>
        %dma_wait3A_335 = tpu.memref_squeeze %dma_wait3A_334 : memref<1x80xi32, #tpu.memory_space<hbm>> -> memref<80xi32, #tpu.memory_space<hbm>>
        %dma_wait3A_336 = arith.constant 0 : i32
        %dma_wait3A_337 = tpu.memref_slice %arg4[%dma_wait3A_332, %dma_wait3A_336] : memref<2x320000xi32, #tpu.memory_space<hbm>> -> memref<1x80xi32, #tpu.memory_space<hbm>>
        %dma_wait3A_338 = tpu.memref_squeeze %dma_wait3A_337 : memref<1x80xi32, #tpu.memory_space<hbm>> -> memref<80xi32, #tpu.memory_space<hbm>>
        tpu.wait_dma2 semaphore(%arg58 : memref<!tpu.dma_semaphore, #tpu.memory_space<semaphore_mem>>) src(%dma_wait3A_338 : memref<80xi32, #tpu.memory_space<hbm>>) dst(%arg13 : memref<80xi32, #tpu.memory_space<vmem>>)
        %dma_wait3A_339 = arith.constant 1 : i32
        %dma_wait3A_340 = arith.constant 0 : i32
        %dma_wait3A_341 = tpu.memref_slice %arg4[%dma_wait3A_339, %dma_wait3A_340] : memref<2x320000xi32, #tpu.memory_space<hbm>> -> memref<1x80xi32, #tpu.memory_space<hbm>>
        %dma_wait3A_342 = tpu.memref_squeeze %dma_wait3A_341 : memref<1x80xi32, #tpu.memory_space<hbm>> -> memref<80xi32, #tpu.memory_space<hbm>>
        %dma_wait3A_343 = arith.constant 0 : i32
        %dma_wait3A_344 = tpu.memref_slice %arg4[%dma_wait3A_339, %dma_wait3A_343] : memref<2x320000xi32, #tpu.memory_space<hbm>> -> memref<1x80xi32, #tpu.memory_space<hbm>>
        %dma_wait3A_345 = tpu.memref_squeeze %dma_wait3A_344 : memref<1x80xi32, #tpu.memory_space<hbm>> -> memref<80xi32, #tpu.memory_space<hbm>>
        tpu.wait_dma2 semaphore(%arg58 : memref<!tpu.dma_semaphore, #tpu.memory_space<semaphore_mem>>) src(%dma_wait3A_345 : memref<80xi32, #tpu.memory_space<hbm>>) dst(%arg23 : memref<80xi32, #tpu.memory_space<vmem>>)
        %dma_wait3A_346 = arith.constant 0 : i32
        %dma_wait3A_347 = arith.constant 0 : i32
        %dma_wait3A_348 = tpu.memref_slice %arg5[%dma_wait3A_346, %dma_wait3A_347] : memref<320000x16xf32, #tpu.memory_space<hbm>> -> memref<80x16xf32, #tpu.memory_space<hbm>>
        %dma_wait3A_349 = arith.constant 0 : i32
        %dma_wait3A_350 = arith.constant 0 : i32
        %dma_wait3A_351 = tpu.memref_slice %arg5[%dma_wait3A_349, %dma_wait3A_350] : memref<320000x16xf32, #tpu.memory_space<hbm>> -> memref<80x16xf32, #tpu.memory_space<hbm>>
        tpu.wait_dma2 semaphore(%arg58 : memref<!tpu.dma_semaphore, #tpu.memory_space<semaphore_mem>>) src(%dma_wait3A_351 : memref<80x16xf32, #tpu.memory_space<hbm>>) dst(%arg43 : memref<80x16xf32, #tpu.memory_space<vmem>>)
        %dma_start3A_352 = arith.constant 0 : i32
        %dma_start3A_353 = arith.constant 0 : i32
        %dma_start3A_354 = tpu.memref_slice %arg2[%dma_start3A_352, %dma_start3A_353] : memref<10000x64xf32, #tpu.memory_space<hbm>> -> memref<10000x64xf32, #tpu.memory_space<hbm>>
        tpu.enqueue_indirect_dma source(%dma_start3A_354 : memref<10000x64xf32, #tpu.memory_space<hbm>>) target(%arg33 : memref<80x64xf32, #tpu.memory_space<vmem>>) offsets(%arg13 : memref<80xi32, #tpu.memory_space<vmem>>) semaphore(%arg68 : memref<!tpu.dma_semaphore, #tpu.memory_space<semaphore_mem>>)
        %dma_wait3A_355 = arith.constant 0 : i32
        %dma_wait3A_356 = arith.constant 0 : i32
        %dma_wait3A_357 = tpu.memref_slice %arg4[%dma_wait3A_355, %dma_wait3A_356] : memref<2x320000xi32, #tpu.memory_space<hbm>> -> memref<1x80xi32, #tpu.memory_space<hbm>>
        %dma_wait3A_358 = tpu.memref_squeeze %dma_wait3A_357 : memref<1x80xi32, #tpu.memory_space<hbm>> -> memref<80xi32, #tpu.memory_space<hbm>>
        %dma_wait3A_359 = arith.constant 0 : i32
        %dma_wait3A_360 = tpu.memref_slice %arg4[%dma_wait3A_355, %dma_wait3A_359] : memref<2x320000xi32, #tpu.memory_space<hbm>> -> memref<1x80xi32, #tpu.memory_space<hbm>>
        %dma_wait3A_361 = tpu.memref_squeeze %dma_wait3A_360 : memref<1x80xi32, #tpu.memory_space<hbm>> -> memref<80xi32, #tpu.memory_space<hbm>>
        tpu.wait_dma2 semaphore(%arg59 : memref<!tpu.dma_semaphore, #tpu.memory_space<semaphore_mem>>) src(%dma_wait3A_361 : memref<80xi32, #tpu.memory_space<hbm>>) dst(%arg14 : memref<80xi32, #tpu.memory_space<vmem>>)
        %dma_wait3A_362 = arith.constant 1 : i32
        %dma_wait3A_363 = arith.constant 0 : i32
        %dma_wait3A_364 = tpu.memref_slice %arg4[%dma_wait3A_362, %dma_wait3A_363] : memref<2x320000xi32, #tpu.memory_space<hbm>> -> memref<1x80xi32, #tpu.memory_space<hbm>>
        %dma_wait3A_365 = tpu.memref_squeeze %dma_wait3A_364 : memref<1x80xi32, #tpu.memory_space<hbm>> -> memref<80xi32, #tpu.memory_space<hbm>>
        %dma_wait3A_366 = arith.constant 0 : i32
        %dma_wait3A_367 = tpu.memref_slice %arg4[%dma_wait3A_362, %dma_wait3A_366] : memref<2x320000xi32, #tpu.memory_space<hbm>> -> memref<1x80xi32, #tpu.memory_space<hbm>>
        %dma_wait3A_368 = tpu.memref_squeeze %dma_wait3A_367 : memref<1x80xi32, #tpu.memory_space<hbm>> -> memref<80xi32, #tpu.memory_space<hbm>>
        tpu.wait_dma2 semaphore(%arg59 : memref<!tpu.dma_semaphore, #tpu.memory_space<semaphore_mem>>) src(%dma_wait3A_368 : memref<80xi32, #tpu.memory_space<hbm>>) dst(%arg24 : memref<80xi32, #tpu.memory_space<vmem>>)
        %dma_wait3A_369 = arith.constant 0 : i32
        %dma_wait3A_370 = arith.constant 0 : i32
        %dma_wait3A_371 = tpu.memref_slice %arg5[%dma_wait3A_369, %dma_wait3A_370] : memref<320000x16xf32, #tpu.memory_space<hbm>> -> memref<80x16xf32, #tpu.memory_space<hbm>>
        %dma_wait3A_372 = arith.constant 0 : i32
        %dma_wait3A_373 = arith.constant 0 : i32
        %dma_wait3A_374 = tpu.memref_slice %arg5[%dma_wait3A_372, %dma_wait3A_373] : memref<320000x16xf32, #tpu.memory_space<hbm>> -> memref<80x16xf32, #tpu.memory_space<hbm>>
        tpu.wait_dma2 semaphore(%arg59 : memref<!tpu.dma_semaphore, #tpu.memory_space<semaphore_mem>>) src(%dma_wait3A_374 : memref<80x16xf32, #tpu.memory_space<hbm>>) dst(%arg44 : memref<80x16xf32, #tpu.memory_space<vmem>>)
        %dma_start3A_375 = arith.constant 0 : i32
        %dma_start3A_376 = arith.constant 0 : i32
        %dma_start3A_377 = tpu.memref_slice %arg2[%dma_start3A_375, %dma_start3A_376] : memref<10000x64xf32, #tpu.memory_space<hbm>> -> memref<10000x64xf32, #tpu.memory_space<hbm>>
        tpu.enqueue_indirect_dma source(%dma_start3A_377 : memref<10000x64xf32, #tpu.memory_space<hbm>>) target(%arg34 : memref<80x64xf32, #tpu.memory_space<vmem>>) offsets(%arg14 : memref<80xi32, #tpu.memory_space<vmem>>) semaphore(%arg69 : memref<!tpu.dma_semaphore, #tpu.memory_space<semaphore_mem>>)
        %dma_wait3A_378 = arith.constant 0 : i32
        %dma_wait3A_379 = arith.constant 0 : i32
        %dma_wait3A_380 = tpu.memref_slice %arg4[%dma_wait3A_378, %dma_wait3A_379] : memref<2x320000xi32, #tpu.memory_space<hbm>> -> memref<1x80xi32, #tpu.memory_space<hbm>>
        %dma_wait3A_381 = tpu.memref_squeeze %dma_wait3A_380 : memref<1x80xi32, #tpu.memory_space<hbm>> -> memref<80xi32, #tpu.memory_space<hbm>>
        %dma_wait3A_382 = arith.constant 0 : i32
        %dma_wait3A_383 = tpu.memref_slice %arg4[%dma_wait3A_378, %dma_wait3A_382] : memref<2x320000xi32, #tpu.memory_space<hbm>> -> memref<1x80xi32, #tpu.memory_space<hbm>>
        %dma_wait3A_384 = tpu.memref_squeeze %dma_wait3A_383 : memref<1x80xi32, #tpu.memory_space<hbm>> -> memref<80xi32, #tpu.memory_space<hbm>>
        tpu.wait_dma2 semaphore(%arg60 : memref<!tpu.dma_semaphore, #tpu.memory_space<semaphore_mem>>) src(%dma_wait3A_384 : memref<80xi32, #tpu.memory_space<hbm>>) dst(%arg15 : memref<80xi32, #tpu.memory_space<vmem>>)
        %dma_wait3A_385 = arith.constant 1 : i32
        %dma_wait3A_386 = arith.constant 0 : i32
        %dma_wait3A_387 = tpu.memref_slice %arg4[%dma_wait3A_385, %dma_wait3A_386] : memref<2x320000xi32, #tpu.memory_space<hbm>> -> memref<1x80xi32, #tpu.memory_space<hbm>>
        %dma_wait3A_388 = tpu.memref_squeeze %dma_wait3A_387 : memref<1x80xi32, #tpu.memory_space<hbm>> -> memref<80xi32, #tpu.memory_space<hbm>>
        %dma_wait3A_389 = arith.constant 0 : i32
        %dma_wait3A_390 = tpu.memref_slice %arg4[%dma_wait3A_385, %dma_wait3A_389] : memref<2x320000xi32, #tpu.memory_space<hbm>> -> memref<1x80xi32, #tpu.memory_space<hbm>>
        %dma_wait3A_391 = tpu.memref_squeeze %dma_wait3A_390 : memref<1x80xi32, #tpu.memory_space<hbm>> -> memref<80xi32, #tpu.memory_space<hbm>>
        tpu.wait_dma2 semaphore(%arg60 : memref<!tpu.dma_semaphore, #tpu.memory_space<semaphore_mem>>) src(%dma_wait3A_391 : memref<80xi32, #tpu.memory_space<hbm>>) dst(%arg25 : memref<80xi32, #tpu.memory_space<vmem>>)
        %dma_wait3A_392 = arith.constant 0 : i32
        %dma_wait3A_393 = arith.constant 0 : i32
        %dma_wait3A_394 = tpu.memref_slice %arg5[%dma_wait3A_392, %dma_wait3A_393] : memref<320000x16xf32, #tpu.memory_space<hbm>> -> memref<80x16xf32, #tpu.memory_space<hbm>>
        %dma_wait3A_395 = arith.constant 0 : i32
        %dma_wait3A_396 = arith.constant 0 : i32
        %dma_wait3A_397 = tpu.memref_slice %arg5[%dma_wait3A_395, %dma_wait3A_396] : memref<320000x16xf32, #tpu.memory_space<hbm>> -> memref<80x16xf32, #tpu.memory_space<hbm>>
        tpu.wait_dma2 semaphore(%arg60 : memref<!tpu.dma_semaphore, #tpu.memory_space<semaphore_mem>>) src(%dma_wait3A_397 : memref<80x16xf32, #tpu.memory_space<hbm>>) dst(%arg45 : memref<80x16xf32, #tpu.memory_space<vmem>>)
        %dma_start3A_398 = arith.constant 0 : i32
        %dma_start3A_399 = arith.constant 0 : i32
        %dma_start3A_400 = tpu.memref_slice %arg2[%dma_start3A_398, %dma_start3A_399] : memref<10000x64xf32, #tpu.memory_space<hbm>> -> memref<10000x64xf32, #tpu.memory_space<hbm>>
        tpu.enqueue_indirect_dma source(%dma_start3A_400 : memref<10000x64xf32, #tpu.memory_space<hbm>>) target(%arg35 : memref<80x64xf32, #tpu.memory_space<vmem>>) offsets(%arg15 : memref<80xi32, #tpu.memory_space<vmem>>) semaphore(%arg70 : memref<!tpu.dma_semaphore, #tpu.memory_space<semaphore_mem>>)
        %dma_wait3A_401 = arith.constant 0 : i32
        %dma_wait3A_402 = arith.constant 0 : i32
        %dma_wait3A_403 = tpu.memref_slice %arg4[%dma_wait3A_401, %dma_wait3A_402] : memref<2x320000xi32, #tpu.memory_space<hbm>> -> memref<1x80xi32, #tpu.memory_space<hbm>>
        %dma_wait3A_404 = tpu.memref_squeeze %dma_wait3A_403 : memref<1x80xi32, #tpu.memory_space<hbm>> -> memref<80xi32, #tpu.memory_space<hbm>>
        %dma_wait3A_405 = arith.constant 0 : i32
        %dma_wait3A_406 = tpu.memref_slice %arg4[%dma_wait3A_401, %dma_wait3A_405] : memref<2x320000xi32, #tpu.memory_space<hbm>> -> memref<1x80xi32, #tpu.memory_space<hbm>>
        %dma_wait3A_407 = tpu.memref_squeeze %dma_wait3A_406 : memref<1x80xi32, #tpu.memory_space<hbm>> -> memref<80xi32, #tpu.memory_space<hbm>>
        tpu.wait_dma2 semaphore(%arg61 : memref<!tpu.dma_semaphore, #tpu.memory_space<semaphore_mem>>) src(%dma_wait3A_407 : memref<80xi32, #tpu.memory_space<hbm>>) dst(%arg16 : memref<80xi32, #tpu.memory_space<vmem>>)
        %dma_wait3A_408 = arith.constant 1 : i32
        %dma_wait3A_409 = arith.constant 0 : i32
        %dma_wait3A_410 = tpu.memref_slice %arg4[%dma_wait3A_408, %dma_wait3A_409] : memref<2x320000xi32, #tpu.memory_space<hbm>> -> memref<1x80xi32, #tpu.memory_space<hbm>>
        %dma_wait3A_411 = tpu.memref_squeeze %dma_wait3A_410 : memref<1x80xi32, #tpu.memory_space<hbm>> -> memref<80xi32, #tpu.memory_space<hbm>>
        %dma_wait3A_412 = arith.constant 0 : i32
        %dma_wait3A_413 = tpu.memref_slice %arg4[%dma_wait3A_408, %dma_wait3A_412] : memref<2x320000xi32, #tpu.memory_space<hbm>> -> memref<1x80xi32, #tpu.memory_space<hbm>>
        %dma_wait3A_414 = tpu.memref_squeeze %dma_wait3A_413 : memref<1x80xi32, #tpu.memory_space<hbm>> -> memref<80xi32, #tpu.memory_space<hbm>>
        tpu.wait_dma2 semaphore(%arg61 : memref<!tpu.dma_semaphore, #tpu.memory_space<semaphore_mem>>) src(%dma_wait3A_414 : memref<80xi32, #tpu.memory_space<hbm>>) dst(%arg26 : memref<80xi32, #tpu.memory_space<vmem>>)
        %dma_wait3A_415 = arith.constant 0 : i32
        %dma_wait3A_416 = arith.constant 0 : i32
        %dma_wait3A_417 = tpu.memref_slice %arg5[%dma_wait3A_415, %dma_wait3A_416] : memref<320000x16xf32, #tpu.memory_space<hbm>> -> memref<80x16xf32, #tpu.memory_space<hbm>>
        %dma_wait3A_418 = arith.constant 0 : i32
        %dma_wait3A_419 = arith.constant 0 : i32
        %dma_wait3A_420 = tpu.memref_slice %arg5[%dma_wait3A_418, %dma_wait3A_419] : memref<320000x16xf32, #tpu.memory_space<hbm>> -> memref<80x16xf32, #tpu.memory_space<hbm>>
        tpu.wait_dma2 semaphore(%arg61 : memref<!tpu.dma_semaphore, #tpu.memory_space<semaphore_mem>>) src(%dma_wait3A_420 : memref<80x16xf32, #tpu.memory_space<hbm>>) dst(%arg46 : memref<80x16xf32, #tpu.memory_space<vmem>>)
        %dma_start3A_421 = arith.constant 0 : i32
        %dma_start3A_422 = arith.constant 0 : i32
        %dma_start3A_423 = tpu.memref_slice %arg2[%dma_start3A_421, %dma_start3A_422] : memref<10000x64xf32, #tpu.memory_space<hbm>> -> memref<10000x64xf32, #tpu.memory_space<hbm>>
        tpu.enqueue_indirect_dma source(%dma_start3A_423 : memref<10000x64xf32, #tpu.memory_space<hbm>>) target(%arg36 : memref<80x64xf32, #tpu.memory_space<vmem>>) offsets(%arg16 : memref<80xi32, #tpu.memory_space<vmem>>) semaphore(%arg71 : memref<!tpu.dma_semaphore, #tpu.memory_space<semaphore_mem>>)
        %dma_wait3A_424 = arith.constant 0 : i32
        %dma_wait3A_425 = arith.constant 0 : i32
        %dma_wait3A_426 = tpu.memref_slice %arg4[%dma_wait3A_424, %dma_wait3A_425] : memref<2x320000xi32, #tpu.memory_space<hbm>> -> memref<1x80xi32, #tpu.memory_space<hbm>>
        %dma_wait3A_427 = tpu.memref_squeeze %dma_wait3A_426 : memref<1x80xi32, #tpu.memory_space<hbm>> -> memref<80xi32, #tpu.memory_space<hbm>>
        %dma_wait3A_428 = arith.constant 0 : i32
        %dma_wait3A_429 = tpu.memref_slice %arg4[%dma_wait3A_424, %dma_wait3A_428] : memref<2x320000xi32, #tpu.memory_space<hbm>> -> memref<1x80xi32, #tpu.memory_space<hbm>>
        %dma_wait3A_430 = tpu.memref_squeeze %dma_wait3A_429 : memref<1x80xi32, #tpu.memory_space<hbm>> -> memref<80xi32, #tpu.memory_space<hbm>>
        tpu.wait_dma2 semaphore(%arg62 : memref<!tpu.dma_semaphore, #tpu.memory_space<semaphore_mem>>) src(%dma_wait3A_430 : memref<80xi32, #tpu.memory_space<hbm>>) dst(%arg17 : memref<80xi32, #tpu.memory_space<vmem>>)
        %dma_wait3A_431 = arith.constant 1 : i32
        %dma_wait3A_432 = arith.constant 0 : i32
        %dma_wait3A_433 = tpu.memref_slice %arg4[%dma_wait3A_431, %dma_wait3A_432] : memref<2x320000xi32, #tpu.memory_space<hbm>> -> memref<1x80xi32, #tpu.memory_space<hbm>>
        %dma_wait3A_434 = tpu.memref_squeeze %dma_wait3A_433 : memref<1x80xi32, #tpu.memory_space<hbm>> -> memref<80xi32, #tpu.memory_space<hbm>>
        %dma_wait3A_435 = arith.constant 0 : i32
        %dma_wait3A_436 = tpu.memref_slice %arg4[%dma_wait3A_431, %dma_wait3A_435] : memref<2x320000xi32, #tpu.memory_space<hbm>> -> memref<1x80xi32, #tpu.memory_space<hbm>>
        %dma_wait3A_437 = tpu.memref_squeeze %dma_wait3A_436 : memref<1x80xi32, #tpu.memory_space<hbm>> -> memref<80xi32, #tpu.memory_space<hbm>>
        tpu.wait_dma2 semaphore(%arg62 : memref<!tpu.dma_semaphore, #tpu.memory_space<semaphore_mem>>) src(%dma_wait3A_437 : memref<80xi32, #tpu.memory_space<hbm>>) dst(%arg27 : memref<80xi32, #tpu.memory_space<vmem>>)
        %dma_wait3A_438 = arith.constant 0 : i32
        %dma_wait3A_439 = arith.constant 0 : i32
        %dma_wait3A_440 = tpu.memref_slice %arg5[%dma_wait3A_438, %dma_wait3A_439] : memref<320000x16xf32, #tpu.memory_space<hbm>> -> memref<80x16xf32, #tpu.memory_space<hbm>>
        %dma_wait3A_441 = arith.constant 0 : i32
        %dma_wait3A_442 = arith.constant 0 : i32
        %dma_wait3A_443 = tpu.memref_slice %arg5[%dma_wait3A_441, %dma_wait3A_442] : memref<320000x16xf32, #tpu.memory_space<hbm>> -> memref<80x16xf32, #tpu.memory_space<hbm>>
        tpu.wait_dma2 semaphore(%arg62 : memref<!tpu.dma_semaphore, #tpu.memory_space<semaphore_mem>>) src(%dma_wait3A_443 : memref<80x16xf32, #tpu.memory_space<hbm>>) dst(%arg47 : memref<80x16xf32, #tpu.memory_space<vmem>>)
        %dma_start3A_444 = arith.constant 0 : i32
        %dma_start3A_445 = arith.constant 0 : i32
        %dma_start3A_446 = tpu.memref_slice %arg2[%dma_start3A_444, %dma_start3A_445] : memref<10000x64xf32, #tpu.memory_space<hbm>> -> memref<10000x64xf32, #tpu.memory_space<hbm>>
        tpu.enqueue_indirect_dma source(%dma_start3A_446 : memref<10000x64xf32, #tpu.memory_space<hbm>>) target(%arg37 : memref<80x64xf32, #tpu.memory_space<vmem>>) offsets(%arg17 : memref<80xi32, #tpu.memory_space<vmem>>) semaphore(%arg72 : memref<!tpu.dma_semaphore, #tpu.memory_space<semaphore_mem>>)
        %dma_wait3A_447 = arith.constant 0 : i32
        %dma_wait3A_448 = arith.constant 0 : i32
        %dma_wait3A_449 = tpu.memref_slice %arg4[%dma_wait3A_447, %dma_wait3A_448] : memref<2x320000xi32, #tpu.memory_space<hbm>> -> memref<1x80xi32, #tpu.memory_space<hbm>>
        %dma_wait3A_450 = tpu.memref_squeeze %dma_wait3A_449 : memref<1x80xi32, #tpu.memory_space<hbm>> -> memref<80xi32, #tpu.memory_space<hbm>>
        %dma_wait3A_451 = arith.constant 0 : i32
        %dma_wait3A_452 = tpu.memref_slice %arg4[%dma_wait3A_447, %dma_wait3A_451] : memref<2x320000xi32, #tpu.memory_space<hbm>> -> memref<1x80xi32, #tpu.memory_space<hbm>>
        %dma_wait3A_453 = tpu.memref_squeeze %dma_wait3A_452 : memref<1x80xi32, #tpu.memory_space<hbm>> -> memref<80xi32, #tpu.memory_space<hbm>>
        tpu.wait_dma2 semaphore(%arg63 : memref<!tpu.dma_semaphore, #tpu.memory_space<semaphore_mem>>) src(%dma_wait3A_453 : memref<80xi32, #tpu.memory_space<hbm>>) dst(%arg18 : memref<80xi32, #tpu.memory_space<vmem>>)
        %dma_wait3A_454 = arith.constant 1 : i32
        %dma_wait3A_455 = arith.constant 0 : i32
        %dma_wait3A_456 = tpu.memref_slice %arg4[%dma_wait3A_454, %dma_wait3A_455] : memref<2x320000xi32, #tpu.memory_space<hbm>> -> memref<1x80xi32, #tpu.memory_space<hbm>>
        %dma_wait3A_457 = tpu.memref_squeeze %dma_wait3A_456 : memref<1x80xi32, #tpu.memory_space<hbm>> -> memref<80xi32, #tpu.memory_space<hbm>>
        %dma_wait3A_458 = arith.constant 0 : i32
        %dma_wait3A_459 = tpu.memref_slice %arg4[%dma_wait3A_454, %dma_wait3A_458] : memref<2x320000xi32, #tpu.memory_space<hbm>> -> memref<1x80xi32, #tpu.memory_space<hbm>>
        %dma_wait3A_460 = tpu.memref_squeeze %dma_wait3A_459 : memref<1x80xi32, #tpu.memory_space<hbm>> -> memref<80xi32, #tpu.memory_space<hbm>>
        tpu.wait_dma2 semaphore(%arg63 : memref<!tpu.dma_semaphore, #tpu.memory_space<semaphore_mem>>) src(%dma_wait3A_460 : memref<80xi32, #tpu.memory_space<hbm>>) dst(%arg28 : memref<80xi32, #tpu.memory_space<vmem>>)
        %dma_wait3A_461 = arith.constant 0 : i32
        %dma_wait3A_462 = arith.constant 0 : i32
        %dma_wait3A_463 = tpu.memref_slice %arg5[%dma_wait3A_461, %dma_wait3A_462] : memref<320000x16xf32, #tpu.memory_space<hbm>> -> memref<80x16xf32, #tpu.memory_space<hbm>>
        %dma_wait3A_464 = arith.constant 0 : i32
        %dma_wait3A_465 = arith.constant 0 : i32
        %dma_wait3A_466 = tpu.memref_slice %arg5[%dma_wait3A_464, %dma_wait3A_465] : memref<320000x16xf32, #tpu.memory_space<hbm>> -> memref<80x16xf32, #tpu.memory_space<hbm>>
        tpu.wait_dma2 semaphore(%arg63 : memref<!tpu.dma_semaphore, #tpu.memory_space<semaphore_mem>>) src(%dma_wait3A_466 : memref<80x16xf32, #tpu.memory_space<hbm>>) dst(%arg48 : memref<80x16xf32, #tpu.memory_space<vmem>>)
        %dma_start3A_467 = arith.constant 0 : i32
        %dma_start3A_468 = arith.constant 0 : i32
        %dma_start3A_469 = tpu.memref_slice %arg2[%dma_start3A_467, %dma_start3A_468] : memref<10000x64xf32, #tpu.memory_space<hbm>> -> memref<10000x64xf32, #tpu.memory_space<hbm>>
        tpu.enqueue_indirect_dma source(%dma_start3A_469 : memref<10000x64xf32, #tpu.memory_space<hbm>>) target(%arg38 : memref<80x64xf32, #tpu.memory_space<vmem>>) offsets(%arg18 : memref<80xi32, #tpu.memory_space<vmem>>) semaphore(%arg73 : memref<!tpu.dma_semaphore, #tpu.memory_space<semaphore_mem>>)
        %dma_wait3A_470 = arith.constant 0 : i32
        %dma_wait3A_471 = arith.constant 0 : i32
        %dma_wait3A_472 = tpu.memref_slice %arg2[%dma_wait3A_470, %dma_wait3A_471] : memref<10000x64xf32, #tpu.memory_space<hbm>> -> memref<10000x64xf32, #tpu.memory_space<hbm>>
        tpu.wait_indirect_dma semaphore(%arg64 : memref<!tpu.dma_semaphore, #tpu.memory_space<semaphore_mem>>) src(%dma_wait3A_472 : memref<10000x64xf32, #tpu.memory_space<hbm>>) dst(%arg29 : memref<80x64xf32, #tpu.memory_space<vmem>>)
        %dma_start3A_473 = arith.constant 0 : i32
        %dma_start3A_474 = arith.constant 0 : i32
        %dma_start3A_475 = tpu.memref_slice %arg52[%dma_start3A_473, %dma_start3A_474] : memref<10000x64xf32, #tpu.memory_space<vmem_shared>> -> memref<10000x64xf32, #tpu.memory_space<vmem_shared>>
        tpu.enqueue_indirect_dma source(%arg29 : memref<80x64xf32, #tpu.memory_space<vmem>>) target(%dma_start3A_475 : memref<10000x64xf32, #tpu.memory_space<vmem_shared>>) offsets(%arg19 : memref<80xi32, #tpu.memory_space<vmem>>) semaphore(%arg74 : memref<!tpu.dma_semaphore, #tpu.memory_space<semaphore_mem>>) {add = true}
        %dma_start3A_476 = arith.constant 0 : i32
        %dma_start3A_477 = arith.constant 0 : i32
        %dma_start3A_478 = tpu.memref_slice %arg53[%dma_start3A_476, %dma_start3A_477] : memref<10000x16xf32, #tpu.memory_space<vmem_shared>> -> memref<10000x16xf32, #tpu.memory_space<vmem_shared>>
        tpu.enqueue_indirect_dma source(%arg39 : memref<80x16xf32, #tpu.memory_space<vmem>>) target(%dma_start3A_478 : memref<10000x16xf32, #tpu.memory_space<vmem_shared>>) offsets(%arg19 : memref<80xi32, #tpu.memory_space<vmem>>) semaphore(%arg74 : memref<!tpu.dma_semaphore, #tpu.memory_space<semaphore_mem>>) {add = true}
        %dma_wait3A_479 = arith.constant 0 : i32
        %dma_wait3A_480 = arith.constant 0 : i32
        %dma_wait3A_481 = tpu.memref_slice %arg2[%dma_wait3A_479, %dma_wait3A_480] : memref<10000x64xf32, #tpu.memory_space<hbm>> -> memref<10000x64xf32, #tpu.memory_space<hbm>>
        tpu.wait_indirect_dma semaphore(%arg65 : memref<!tpu.dma_semaphore, #tpu.memory_space<semaphore_mem>>) src(%dma_wait3A_481 : memref<10000x64xf32, #tpu.memory_space<hbm>>) dst(%arg30 : memref<80x64xf32, #tpu.memory_space<vmem>>)
        %dma_start3A_482 = arith.constant 0 : i32
        %dma_start3A_483 = arith.constant 0 : i32
        %dma_start3A_484 = tpu.memref_slice %arg52[%dma_start3A_482, %dma_start3A_483] : memref<10000x64xf32, #tpu.memory_space<vmem_shared>> -> memref<10000x64xf32, #tpu.memory_space<vmem_shared>>
        tpu.enqueue_indirect_dma source(%arg30 : memref<80x64xf32, #tpu.memory_space<vmem>>) target(%dma_start3A_484 : memref<10000x64xf32, #tpu.memory_space<vmem_shared>>) offsets(%arg20 : memref<80xi32, #tpu.memory_space<vmem>>) semaphore(%arg75 : memref<!tpu.dma_semaphore, #tpu.memory_space<semaphore_mem>>) {add = true}
        %dma_start3A_485 = arith.constant 0 : i32
        %dma_start3A_486 = arith.constant 0 : i32
        %dma_start3A_487 = tpu.memref_slice %arg53[%dma_start3A_485, %dma_start3A_486] : memref<10000x16xf32, #tpu.memory_space<vmem_shared>> -> memref<10000x16xf32, #tpu.memory_space<vmem_shared>>
        tpu.enqueue_indirect_dma source(%arg40 : memref<80x16xf32, #tpu.memory_space<vmem>>) target(%dma_start3A_487 : memref<10000x16xf32, #tpu.memory_space<vmem_shared>>) offsets(%arg20 : memref<80xi32, #tpu.memory_space<vmem>>) semaphore(%arg75 : memref<!tpu.dma_semaphore, #tpu.memory_space<semaphore_mem>>) {add = true}
        %dma_wait3A_488 = arith.constant 0 : i32
        %dma_wait3A_489 = arith.constant 0 : i32
        %dma_wait3A_490 = tpu.memref_slice %arg2[%dma_wait3A_488, %dma_wait3A_489] : memref<10000x64xf32, #tpu.memory_space<hbm>> -> memref<10000x64xf32, #tpu.memory_space<hbm>>
        tpu.wait_indirect_dma semaphore(%arg66 : memref<!tpu.dma_semaphore, #tpu.memory_space<semaphore_mem>>) src(%dma_wait3A_490 : memref<10000x64xf32, #tpu.memory_space<hbm>>) dst(%arg31 : memref<80x64xf32, #tpu.memory_space<vmem>>)
        %dma_start3A_491 = arith.constant 0 : i32
        %dma_start3A_492 = arith.constant 0 : i32
        %dma_start3A_493 = tpu.memref_slice %arg52[%dma_start3A_491, %dma_start3A_492] : memref<10000x64xf32, #tpu.memory_space<vmem_shared>> -> memref<10000x64xf32, #tpu.memory_space<vmem_shared>>
        tpu.enqueue_indirect_dma source(%arg31 : memref<80x64xf32, #tpu.memory_space<vmem>>) target(%dma_start3A_493 : memref<10000x64xf32, #tpu.memory_space<vmem_shared>>) offsets(%arg21 : memref<80xi32, #tpu.memory_space<vmem>>) semaphore(%arg76 : memref<!tpu.dma_semaphore, #tpu.memory_space<semaphore_mem>>) {add = true}
        %dma_start3A_494 = arith.constant 0 : i32
        %dma_start3A_495 = arith.constant 0 : i32
        %dma_start3A_496 = tpu.memref_slice %arg53[%dma_start3A_494, %dma_start3A_495] : memref<10000x16xf32, #tpu.memory_space<vmem_shared>> -> memref<10000x16xf32, #tpu.memory_space<vmem_shared>>
        tpu.enqueue_indirect_dma source(%arg41 : memref<80x16xf32, #tpu.memory_space<vmem>>) target(%dma_start3A_496 : memref<10000x16xf32, #tpu.memory_space<vmem_shared>>) offsets(%arg21 : memref<80xi32, #tpu.memory_space<vmem>>) semaphore(%arg76 : memref<!tpu.dma_semaphore, #tpu.memory_space<semaphore_mem>>) {add = true}
        %dma_wait3A_497 = arith.constant 0 : i32
        %dma_wait3A_498 = arith.constant 0 : i32
        %dma_wait3A_499 = tpu.memref_slice %arg2[%dma_wait3A_497, %dma_wait3A_498] : memref<10000x64xf32, #tpu.memory_space<hbm>> -> memref<10000x64xf32, #tpu.memory_space<hbm>>
        tpu.wait_indirect_dma semaphore(%arg67 : memref<!tpu.dma_semaphore, #tpu.memory_space<semaphore_mem>>) src(%dma_wait3A_499 : memref<10000x64xf32, #tpu.memory_space<hbm>>) dst(%arg32 : memref<80x64xf32, #tpu.memory_space<vmem>>)
        %dma_start3A_500 = arith.constant 0 : i32
        %dma_start3A_501 = arith.constant 0 : i32
        %dma_start3A_502 = tpu.memref_slice %arg52[%dma_start3A_500, %dma_start3A_501] : memref<10000x64xf32, #tpu.memory_space<vmem_shared>> -> memref<10000x64xf32, #tpu.memory_space<vmem_shared>>
        tpu.enqueue_indirect_dma source(%arg32 : memref<80x64xf32, #tpu.memory_space<vmem>>) target(%dma_start3A_502 : memref<10000x64xf32, #tpu.memory_space<vmem_shared>>) offsets(%arg22 : memref<80xi32, #tpu.memory_space<vmem>>) semaphore(%arg77 : memref<!tpu.dma_semaphore, #tpu.memory_space<semaphore_mem>>) {add = true}
        %dma_start3A_503 = arith.constant 0 : i32
        %dma_start3A_504 = arith.constant 0 : i32
        %dma_start3A_505 = tpu.memref_slice %arg53[%dma_start3A_503, %dma_start3A_504] : memref<10000x16xf32, #tpu.memory_space<vmem_shared>> -> memref<10000x16xf32, #tpu.memory_space<vmem_shared>>
        tpu.enqueue_indirect_dma source(%arg42 : memref<80x16xf32, #tpu.memory_space<vmem>>) target(%dma_start3A_505 : memref<10000x16xf32, #tpu.memory_space<vmem_shared>>) offsets(%arg22 : memref<80xi32, #tpu.memory_space<vmem>>) semaphore(%arg77 : memref<!tpu.dma_semaphore, #tpu.memory_space<semaphore_mem>>) {add = true}
        %dma_wait3A_506 = arith.constant 0 : i32
        %dma_wait3A_507 = arith.constant 0 : i32
        %dma_wait3A_508 = tpu.memref_slice %arg2[%dma_wait3A_506, %dma_wait3A_507] : memref<10000x64xf32, #tpu.memory_space<hbm>> -> memref<10000x64xf32, #tpu.memory_space<hbm>>
        tpu.wait_indirect_dma semaphore(%arg68 : memref<!tpu.dma_semaphore, #tpu.memory_space<semaphore_mem>>) src(%dma_wait3A_508 : memref<10000x64xf32, #tpu.memory_space<hbm>>) dst(%arg33 : memref<80x64xf32, #tpu.memory_space<vmem>>)
        %dma_start3A_509 = arith.constant 0 : i32
        %dma_start3A_510 = arith.constant 0 : i32
        %dma_start3A_511 = tpu.memref_slice %arg52[%dma_start3A_509, %dma_start3A_510] : memref<10000x64xf32, #tpu.memory_space<vmem_shared>> -> memref<10000x64xf32, #tpu.memory_space<vmem_shared>>
        tpu.enqueue_indirect_dma source(%arg33 : memref<80x64xf32, #tpu.memory_space<vmem>>) target(%dma_start3A_511 : memref<10000x64xf32, #tpu.memory_space<vmem_shared>>) offsets(%arg23 : memref<80xi32, #tpu.memory_space<vmem>>) semaphore(%arg78 : memref<!tpu.dma_semaphore, #tpu.memory_space<semaphore_mem>>) {add = true}
        %dma_start3A_512 = arith.constant 0 : i32
        %dma_start3A_513 = arith.constant 0 : i32
        %dma_start3A_514 = tpu.memref_slice %arg53[%dma_start3A_512, %dma_start3A_513] : memref<10000x16xf32, #tpu.memory_space<vmem_shared>> -> memref<10000x16xf32, #tpu.memory_space<vmem_shared>>
        tpu.enqueue_indirect_dma source(%arg43 : memref<80x16xf32, #tpu.memory_space<vmem>>) target(%dma_start3A_514 : memref<10000x16xf32, #tpu.memory_space<vmem_shared>>) offsets(%arg23 : memref<80xi32, #tpu.memory_space<vmem>>) semaphore(%arg78 : memref<!tpu.dma_semaphore, #tpu.memory_space<semaphore_mem>>) {add = true}
        %dma_wait3A_515 = arith.constant 0 : i32
        %dma_wait3A_516 = arith.constant 0 : i32
        %dma_wait3A_517 = tpu.memref_slice %arg2[%dma_wait3A_515, %dma_wait3A_516] : memref<10000x64xf32, #tpu.memory_space<hbm>> -> memref<10000x64xf32, #tpu.memory_space<hbm>>
        tpu.wait_indirect_dma semaphore(%arg69 : memref<!tpu.dma_semaphore, #tpu.memory_space<semaphore_mem>>) src(%dma_wait3A_517 : memref<10000x64xf32, #tpu.memory_space<hbm>>) dst(%arg34 : memref<80x64xf32, #tpu.memory_space<vmem>>)
        %dma_start3A_518 = arith.constant 0 : i32
        %dma_start3A_519 = arith.constant 0 : i32
        %dma_start3A_520 = tpu.memref_slice %arg52[%dma_start3A_518, %dma_start3A_519] : memref<10000x64xf32, #tpu.memory_space<vmem_shared>> -> memref<10000x64xf32, #tpu.memory_space<vmem_shared>>
        tpu.enqueue_indirect_dma source(%arg34 : memref<80x64xf32, #tpu.memory_space<vmem>>) target(%dma_start3A_520 : memref<10000x64xf32, #tpu.memory_space<vmem_shared>>) offsets(%arg24 : memref<80xi32, #tpu.memory_space<vmem>>) semaphore(%arg79 : memref<!tpu.dma_semaphore, #tpu.memory_space<semaphore_mem>>) {add = true}
        %dma_start3A_521 = arith.constant 0 : i32
        %dma_start3A_522 = arith.constant 0 : i32
        %dma_start3A_523 = tpu.memref_slice %arg53[%dma_start3A_521, %dma_start3A_522] : memref<10000x16xf32, #tpu.memory_space<vmem_shared>> -> memref<10000x16xf32, #tpu.memory_space<vmem_shared>>
        tpu.enqueue_indirect_dma source(%arg44 : memref<80x16xf32, #tpu.memory_space<vmem>>) target(%dma_start3A_523 : memref<10000x16xf32, #tpu.memory_space<vmem_shared>>) offsets(%arg24 : memref<80xi32, #tpu.memory_space<vmem>>) semaphore(%arg79 : memref<!tpu.dma_semaphore, #tpu.memory_space<semaphore_mem>>) {add = true}
        %dma_wait3A_524 = arith.constant 0 : i32
        %dma_wait3A_525 = arith.constant 0 : i32
        %dma_wait3A_526 = tpu.memref_slice %arg2[%dma_wait3A_524, %dma_wait3A_525] : memref<10000x64xf32, #tpu.memory_space<hbm>> -> memref<10000x64xf32, #tpu.memory_space<hbm>>
        tpu.wait_indirect_dma semaphore(%arg70 : memref<!tpu.dma_semaphore, #tpu.memory_space<semaphore_mem>>) src(%dma_wait3A_526 : memref<10000x64xf32, #tpu.memory_space<hbm>>) dst(%arg35 : memref<80x64xf32, #tpu.memory_space<vmem>>)
        %dma_start3A_527 = arith.constant 0 : i32
        %dma_start3A_528 = arith.constant 0 : i32
        %dma_start3A_529 = tpu.memref_slice %arg52[%dma_start3A_527, %dma_start3A_528] : memref<10000x64xf32, #tpu.memory_space<vmem_shared>> -> memref<10000x64xf32, #tpu.memory_space<vmem_shared>>
        tpu.enqueue_indirect_dma source(%arg35 : memref<80x64xf32, #tpu.memory_space<vmem>>) target(%dma_start3A_529 : memref<10000x64xf32, #tpu.memory_space<vmem_shared>>) offsets(%arg25 : memref<80xi32, #tpu.memory_space<vmem>>) semaphore(%arg80 : memref<!tpu.dma_semaphore, #tpu.memory_space<semaphore_mem>>) {add = true}
        %dma_start3A_530 = arith.constant 0 : i32
        %dma_start3A_531 = arith.constant 0 : i32
        %dma_start3A_532 = tpu.memref_slice %arg53[%dma_start3A_530, %dma_start3A_531] : memref<10000x16xf32, #tpu.memory_space<vmem_shared>> -> memref<10000x16xf32, #tpu.memory_space<vmem_shared>>
        tpu.enqueue_indirect_dma source(%arg45 : memref<80x16xf32, #tpu.memory_space<vmem>>) target(%dma_start3A_532 : memref<10000x16xf32, #tpu.memory_space<vmem_shared>>) offsets(%arg25 : memref<80xi32, #tpu.memory_space<vmem>>) semaphore(%arg80 : memref<!tpu.dma_semaphore, #tpu.memory_space<semaphore_mem>>) {add = true}
        %dma_wait3A_533 = arith.constant 0 : i32
        %dma_wait3A_534 = arith.constant 0 : i32
        %dma_wait3A_535 = tpu.memref_slice %arg2[%dma_wait3A_533, %dma_wait3A_534] : memref<10000x64xf32, #tpu.memory_space<hbm>> -> memref<10000x64xf32, #tpu.memory_space<hbm>>
        tpu.wait_indirect_dma semaphore(%arg71 : memref<!tpu.dma_semaphore, #tpu.memory_space<semaphore_mem>>) src(%dma_wait3A_535 : memref<10000x64xf32, #tpu.memory_space<hbm>>) dst(%arg36 : memref<80x64xf32, #tpu.memory_space<vmem>>)
        %dma_start3A_536 = arith.constant 0 : i32
        %dma_start3A_537 = arith.constant 0 : i32
        %dma_start3A_538 = tpu.memref_slice %arg52[%dma_start3A_536, %dma_start3A_537] : memref<10000x64xf32, #tpu.memory_space<vmem_shared>> -> memref<10000x64xf32, #tpu.memory_space<vmem_shared>>
        tpu.enqueue_indirect_dma source(%arg36 : memref<80x64xf32, #tpu.memory_space<vmem>>) target(%dma_start3A_538 : memref<10000x64xf32, #tpu.memory_space<vmem_shared>>) offsets(%arg26 : memref<80xi32, #tpu.memory_space<vmem>>) semaphore(%arg81 : memref<!tpu.dma_semaphore, #tpu.memory_space<semaphore_mem>>) {add = true}
        %dma_start3A_539 = arith.constant 0 : i32
        %dma_start3A_540 = arith.constant 0 : i32
        %dma_start3A_541 = tpu.memref_slice %arg53[%dma_start3A_539, %dma_start3A_540] : memref<10000x16xf32, #tpu.memory_space<vmem_shared>> -> memref<10000x16xf32, #tpu.memory_space<vmem_shared>>
        tpu.enqueue_indirect_dma source(%arg46 : memref<80x16xf32, #tpu.memory_space<vmem>>) target(%dma_start3A_541 : memref<10000x16xf32, #tpu.memory_space<vmem_shared>>) offsets(%arg26 : memref<80xi32, #tpu.memory_space<vmem>>) semaphore(%arg81 : memref<!tpu.dma_semaphore, #tpu.memory_space<semaphore_mem>>) {add = true}
        %dma_wait3A_542 = arith.constant 0 : i32
        %dma_wait3A_543 = arith.constant 0 : i32
        %dma_wait3A_544 = tpu.memref_slice %arg2[%dma_wait3A_542, %dma_wait3A_543] : memref<10000x64xf32, #tpu.memory_space<hbm>> -> memref<10000x64xf32, #tpu.memory_space<hbm>>
        tpu.wait_indirect_dma semaphore(%arg72 : memref<!tpu.dma_semaphore, #tpu.memory_space<semaphore_mem>>) src(%dma_wait3A_544 : memref<10000x64xf32, #tpu.memory_space<hbm>>) dst(%arg37 : memref<80x64xf32, #tpu.memory_space<vmem>>)
        %dma_start3A_545 = arith.constant 0 : i32
        %dma_start3A_546 = arith.constant 0 : i32
        %dma_start3A_547 = tpu.memref_slice %arg52[%dma_start3A_545, %dma_start3A_546] : memref<10000x64xf32, #tpu.memory_space<vmem_shared>> -> memref<10000x64xf32, #tpu.memory_space<vmem_shared>>
        tpu.enqueue_indirect_dma source(%arg37 : memref<80x64xf32, #tpu.memory_space<vmem>>) target(%dma_start3A_547 : memref<10000x64xf32, #tpu.memory_space<vmem_shared>>) offsets(%arg27 : memref<80xi32, #tpu.memory_space<vmem>>) semaphore(%arg82 : memref<!tpu.dma_semaphore, #tpu.memory_space<semaphore_mem>>) {add = true}
        %dma_start3A_548 = arith.constant 0 : i32
        %dma_start3A_549 = arith.constant 0 : i32
        %dma_start3A_550 = tpu.memref_slice %arg53[%dma_start3A_548, %dma_start3A_549] : memref<10000x16xf32, #tpu.memory_space<vmem_shared>> -> memref<10000x16xf32, #tpu.memory_space<vmem_shared>>
        tpu.enqueue_indirect_dma source(%arg47 : memref<80x16xf32, #tpu.memory_space<vmem>>) target(%dma_start3A_550 : memref<10000x16xf32, #tpu.memory_space<vmem_shared>>) offsets(%arg27 : memref<80xi32, #tpu.memory_space<vmem>>) semaphore(%arg82 : memref<!tpu.dma_semaphore, #tpu.memory_space<semaphore_mem>>) {add = true}
        %dma_wait3A_551 = arith.constant 0 : i32
        %dma_wait3A_552 = arith.constant 0 : i32
        %dma_wait3A_553 = tpu.memref_slice %arg2[%dma_wait3A_551, %dma_wait3A_552] : memref<10000x64xf32, #tpu.memory_space<hbm>> -> memref<10000x64xf32, #tpu.memory_space<hbm>>
        tpu.wait_indirect_dma semaphore(%arg73 : memref<!tpu.dma_semaphore, #tpu.memory_space<semaphore_mem>>) src(%dma_wait3A_553 : memref<10000x64xf32, #tpu.memory_space<hbm>>) dst(%arg38 : memref<80x64xf32, #tpu.memory_space<vmem>>)
        %dma_start3A_554 = arith.constant 0 : i32
        %dma_start3A_555 = arith.constant 0 : i32
        %dma_start3A_556 = tpu.memref_slice %arg52[%dma_start3A_554, %dma_start3A_555] : memref<10000x64xf32, #tpu.memory_space<vmem_shared>> -> memref<10000x64xf32, #tpu.memory_space<vmem_shared>>
        tpu.enqueue_indirect_dma source(%arg38 : memref<80x64xf32, #tpu.memory_space<vmem>>) target(%dma_start3A_556 : memref<10000x64xf32, #tpu.memory_space<vmem_shared>>) offsets(%arg28 : memref<80xi32, #tpu.memory_space<vmem>>) semaphore(%arg83 : memref<!tpu.dma_semaphore, #tpu.memory_space<semaphore_mem>>) {add = true}
        %dma_start3A_557 = arith.constant 0 : i32
        %dma_start3A_558 = arith.constant 0 : i32
        %dma_start3A_559 = tpu.memref_slice %arg53[%dma_start3A_557, %dma_start3A_558] : memref<10000x16xf32, #tpu.memory_space<vmem_shared>> -> memref<10000x16xf32, #tpu.memory_space<vmem_shared>>
        tpu.enqueue_indirect_dma source(%arg48 : memref<80x16xf32, #tpu.memory_space<vmem>>) target(%dma_start3A_559 : memref<10000x16xf32, #tpu.memory_space<vmem_shared>>) offsets(%arg28 : memref<80xi32, #tpu.memory_space<vmem>>) semaphore(%arg83 : memref<!tpu.dma_semaphore, #tpu.memory_space<semaphore_mem>>) {add = true}
        %dma_wait3A_560 = arith.constant 0 : i32
        %dma_wait3A_561 = arith.constant 0 : i32
        %dma_wait3A_562 = tpu.memref_slice %arg52[%dma_wait3A_560, %dma_wait3A_561] : memref<10000x64xf32, #tpu.memory_space<vmem_shared>> -> memref<10000x64xf32, #tpu.memory_space<vmem_shared>>
        tpu.wait_indirect_dma semaphore(%arg74 : memref<!tpu.dma_semaphore, #tpu.memory_space<semaphore_mem>>) src(%arg29 : memref<80x64xf32, #tpu.memory_space<vmem>>) dst(%dma_wait3A_562 : memref<10000x64xf32, #tpu.memory_space<vmem_shared>>)
        %dma_wait3A_563 = arith.constant 0 : i32
        %dma_wait3A_564 = arith.constant 0 : i32
        %dma_wait3A_565 = tpu.memref_slice %arg53[%dma_wait3A_563, %dma_wait3A_564] : memref<10000x16xf32, #tpu.memory_space<vmem_shared>> -> memref<10000x16xf32, #tpu.memory_space<vmem_shared>>
        tpu.wait_indirect_dma semaphore(%arg74 : memref<!tpu.dma_semaphore, #tpu.memory_space<semaphore_mem>>) src(%arg39 : memref<80x16xf32, #tpu.memory_space<vmem>>) dst(%dma_wait3A_565 : memref<10000x16xf32, #tpu.memory_space<vmem_shared>>)
        %lt3A = arith.constant 24 : i32
        %lt3A_566 = arith.cmpi slt, %scan3A_237, %lt3A : i32
        %convert_element_type3A_567 = arith.extui %lt3A_566 : i1 to i32
        %cond3A_568 = arith.constant 0 : i32
        %cond3A_569 = arith.cmpi ne, %convert_element_type3A_567, %cond3A_568 : i32
        scf.if %cond3A_569 {
          %add3A_669 = arith.constant 800 : i32
          %add3A_670 = arith.addi %add3A_240, %add3A_669 : i32
          %dma_start3A_671 = arith.constant 0 : i32
          %dma_start3A_672 = tpu.memref_slice %arg4[%dma_start3A_671, %add3A_670] : memref<2x320000xi32, #tpu.memory_space<hbm>> -> memref<1x80xi32, #tpu.memory_space<hbm>>
          %dma_start3A_673 = tpu.memref_squeeze %dma_start3A_672 : memref<1x80xi32, #tpu.memory_space<hbm>> -> memref<80xi32, #tpu.memory_space<hbm>>
          %dma_start3A_674 = tpu.memref_slice %arg4[%dma_start3A_671, %add3A_670] : memref<2x320000xi32, #tpu.memory_space<hbm>> -> memref<1x80xi32, #tpu.memory_space<hbm>>
          %dma_start3A_675 = tpu.memref_squeeze %dma_start3A_674 : memref<1x80xi32, #tpu.memory_space<hbm>> -> memref<80xi32, #tpu.memory_space<hbm>>
          tpu.enqueue_dma source(%dma_start3A_675 : memref<80xi32, #tpu.memory_space<hbm>>) target(%arg9 : memref<80xi32, #tpu.memory_space<vmem>>) target_semaphore(%arg54 : memref<!tpu.dma_semaphore, #tpu.memory_space<semaphore_mem>>)
          %dma_start3A_676 = arith.constant 1 : i32
          %dma_start3A_677 = tpu.memref_slice %arg4[%dma_start3A_676, %add3A_670] : memref<2x320000xi32, #tpu.memory_space<hbm>> -> memref<1x80xi32, #tpu.memory_space<hbm>>
          %dma_start3A_678 = tpu.memref_squeeze %dma_start3A_677 : memref<1x80xi32, #tpu.memory_space<hbm>> -> memref<80xi32, #tpu.memory_space<hbm>>
          %dma_start3A_679 = tpu.memref_slice %arg4[%dma_start3A_676, %add3A_670] : memref<2x320000xi32, #tpu.memory_space<hbm>> -> memref<1x80xi32, #tpu.memory_space<hbm>>
          %dma_start3A_680 = tpu.memref_squeeze %dma_start3A_679 : memref<1x80xi32, #tpu.memory_space<hbm>> -> memref<80xi32, #tpu.memory_space<hbm>>
          tpu.enqueue_dma source(%dma_start3A_680 : memref<80xi32, #tpu.memory_space<hbm>>) target(%arg19 : memref<80xi32, #tpu.memory_space<vmem>>) target_semaphore(%arg54 : memref<!tpu.dma_semaphore, #tpu.memory_space<semaphore_mem>>)
          %dma_start3A_681 = arith.constant 0 : i32
          %dma_start3A_682 = tpu.memref_slice %arg5[%add3A_670, %dma_start3A_681] : memref<320000x16xf32, #tpu.memory_space<hbm>> -> memref<80x16xf32, #tpu.memory_space<hbm>>
          %dma_start3A_683 = arith.constant 0 : i32
          %dma_start3A_684 = tpu.memref_slice %arg5[%add3A_670, %dma_start3A_683] : memref<320000x16xf32, #tpu.memory_space<hbm>> -> memref<80x16xf32, #tpu.memory_space<hbm>>
          tpu.enqueue_dma source(%dma_start3A_684 : memref<80x16xf32, #tpu.memory_space<hbm>>) target(%arg39 : memref<80x16xf32, #tpu.memory_space<vmem>>) target_semaphore(%arg54 : memref<!tpu.dma_semaphore, #tpu.memory_space<semaphore_mem>>)
        } else {
        }
        %dma_wait3A_570 = arith.constant 0 : i32
        %dma_wait3A_571 = arith.constant 0 : i32
        %dma_wait3A_572 = tpu.memref_slice %arg52[%dma_wait3A_570, %dma_wait3A_571] : memref<10000x64xf32, #tpu.memory_space<vmem_shared>> -> memref<10000x64xf32, #tpu.memory_space<vmem_shared>>
        tpu.wait_indirect_dma semaphore(%arg75 : memref<!tpu.dma_semaphore, #tpu.memory_space<semaphore_mem>>) src(%arg30 : memref<80x64xf32, #tpu.memory_space<vmem>>) dst(%dma_wait3A_572 : memref<10000x64xf32, #tpu.memory_space<vmem_shared>>)
        %dma_wait3A_573 = arith.constant 0 : i32
        %dma_wait3A_574 = arith.constant 0 : i32
        %dma_wait3A_575 = tpu.memref_slice %arg53[%dma_wait3A_573, %dma_wait3A_574] : memref<10000x16xf32, #tpu.memory_space<vmem_shared>> -> memref<10000x16xf32, #tpu.memory_space<vmem_shared>>
        tpu.wait_indirect_dma semaphore(%arg75 : memref<!tpu.dma_semaphore, #tpu.memory_space<semaphore_mem>>) src(%arg40 : memref<80x16xf32, #tpu.memory_space<vmem>>) dst(%dma_wait3A_575 : memref<10000x16xf32, #tpu.memory_space<vmem_shared>>)
        %lt3A_576 = arith.constant 24 : i32
        %lt3A_577 = arith.cmpi slt, %scan3A_237, %lt3A_576 : i32
        %convert_element_type3A_578 = arith.extui %lt3A_577 : i1 to i32
        %cond3A_579 = arith.constant 0 : i32
        %cond3A_580 = arith.cmpi ne, %convert_element_type3A_578, %cond3A_579 : i32
        scf.if %cond3A_580 {
          %add3A_669 = arith.constant 880 : i32
          %add3A_670 = arith.addi %add3A_240, %add3A_669 : i32
          %dma_start3A_671 = arith.constant 0 : i32
          %dma_start3A_672 = tpu.memref_slice %arg4[%dma_start3A_671, %add3A_670] : memref<2x320000xi32, #tpu.memory_space<hbm>> -> memref<1x80xi32, #tpu.memory_space<hbm>>
          %dma_start3A_673 = tpu.memref_squeeze %dma_start3A_672 : memref<1x80xi32, #tpu.memory_space<hbm>> -> memref<80xi32, #tpu.memory_space<hbm>>
          %dma_start3A_674 = tpu.memref_slice %arg4[%dma_start3A_671, %add3A_670] : memref<2x320000xi32, #tpu.memory_space<hbm>> -> memref<1x80xi32, #tpu.memory_space<hbm>>
          %dma_start3A_675 = tpu.memref_squeeze %dma_start3A_674 : memref<1x80xi32, #tpu.memory_space<hbm>> -> memref<80xi32, #tpu.memory_space<hbm>>
          tpu.enqueue_dma source(%dma_start3A_675 : memref<80xi32, #tpu.memory_space<hbm>>) target(%arg10 : memref<80xi32, #tpu.memory_space<vmem>>) target_semaphore(%arg55 : memref<!tpu.dma_semaphore, #tpu.memory_space<semaphore_mem>>)
          %dma_start3A_676 = arith.constant 1 : i32
          %dma_start3A_677 = tpu.memref_slice %arg4[%dma_start3A_676, %add3A_670] : memref<2x320000xi32, #tpu.memory_space<hbm>> -> memref<1x80xi32, #tpu.memory_space<hbm>>
          %dma_start3A_678 = tpu.memref_squeeze %dma_start3A_677 : memref<1x80xi32, #tpu.memory_space<hbm>> -> memref<80xi32, #tpu.memory_space<hbm>>
          %dma_start3A_679 = tpu.memref_slice %arg4[%dma_start3A_676, %add3A_670] : memref<2x320000xi32, #tpu.memory_space<hbm>> -> memref<1x80xi32, #tpu.memory_space<hbm>>
          %dma_start3A_680 = tpu.memref_squeeze %dma_start3A_679 : memref<1x80xi32, #tpu.memory_space<hbm>> -> memref<80xi32, #tpu.memory_space<hbm>>
          tpu.enqueue_dma source(%dma_start3A_680 : memref<80xi32, #tpu.memory_space<hbm>>) target(%arg20 : memref<80xi32, #tpu.memory_space<vmem>>) target_semaphore(%arg55 : memref<!tpu.dma_semaphore, #tpu.memory_space<semaphore_mem>>)
          %dma_start3A_681 = arith.constant 0 : i32
          %dma_start3A_682 = tpu.memref_slice %arg5[%add3A_670, %dma_start3A_681] : memref<320000x16xf32, #tpu.memory_space<hbm>> -> memref<80x16xf32, #tpu.memory_space<hbm>>
          %dma_start3A_683 = arith.constant 0 : i32
          %dma_start3A_684 = tpu.memref_slice %arg5[%add3A_670, %dma_start3A_683] : memref<320000x16xf32, #tpu.memory_space<hbm>> -> memref<80x16xf32, #tpu.memory_space<hbm>>
          tpu.enqueue_dma source(%dma_start3A_684 : memref<80x16xf32, #tpu.memory_space<hbm>>) target(%arg40 : memref<80x16xf32, #tpu.memory_space<vmem>>) target_semaphore(%arg55 : memref<!tpu.dma_semaphore, #tpu.memory_space<semaphore_mem>>)
        } else {
        }
        %dma_wait3A_581 = arith.constant 0 : i32
        %dma_wait3A_582 = arith.constant 0 : i32
        %dma_wait3A_583 = tpu.memref_slice %arg52[%dma_wait3A_581, %dma_wait3A_582] : memref<10000x64xf32, #tpu.memory_space<vmem_shared>> -> memref<10000x64xf32, #tpu.memory_space<vmem_shared>>
        tpu.wait_indirect_dma semaphore(%arg76 : memref<!tpu.dma_semaphore, #tpu.memory_space<semaphore_mem>>) src(%arg31 : memref<80x64xf32, #tpu.memory_space<vmem>>) dst(%dma_wait3A_583 : memref<10000x64xf32, #tpu.memory_space<vmem_shared>>)
        %dma_wait3A_584 = arith.constant 0 : i32
        %dma_wait3A_585 = arith.constant 0 : i32
        %dma_wait3A_586 = tpu.memref_slice %arg53[%dma_wait3A_584, %dma_wait3A_585] : memref<10000x16xf32, #tpu.memory_space<vmem_shared>> -> memref<10000x16xf32, #tpu.memory_space<vmem_shared>>
        tpu.wait_indirect_dma semaphore(%arg76 : memref<!tpu.dma_semaphore, #tpu.memory_space<semaphore_mem>>) src(%arg41 : memref<80x16xf32, #tpu.memory_space<vmem>>) dst(%dma_wait3A_586 : memref<10000x16xf32, #tpu.memory_space<vmem_shared>>)
        %lt3A_587 = arith.constant 24 : i32
        %lt3A_588 = arith.cmpi slt, %scan3A_237, %lt3A_587 : i32
        %convert_element_type3A_589 = arith.extui %lt3A_588 : i1 to i32
        %cond3A_590 = arith.constant 0 : i32
        %cond3A_591 = arith.cmpi ne, %convert_element_type3A_589, %cond3A_590 : i32
        scf.if %cond3A_591 {
          %add3A_669 = arith.constant 960 : i32
          %add3A_670 = arith.addi %add3A_240, %add3A_669 : i32
          %dma_start3A_671 = arith.constant 0 : i32
          %dma_start3A_672 = tpu.memref_slice %arg4[%dma_start3A_671, %add3A_670] : memref<2x320000xi32, #tpu.memory_space<hbm>> -> memref<1x80xi32, #tpu.memory_space<hbm>>
          %dma_start3A_673 = tpu.memref_squeeze %dma_start3A_672 : memref<1x80xi32, #tpu.memory_space<hbm>> -> memref<80xi32, #tpu.memory_space<hbm>>
          %dma_start3A_674 = tpu.memref_slice %arg4[%dma_start3A_671, %add3A_670] : memref<2x320000xi32, #tpu.memory_space<hbm>> -> memref<1x80xi32, #tpu.memory_space<hbm>>
          %dma_start3A_675 = tpu.memref_squeeze %dma_start3A_674 : memref<1x80xi32, #tpu.memory_space<hbm>> -> memref<80xi32, #tpu.memory_space<hbm>>
          tpu.enqueue_dma source(%dma_start3A_675 : memref<80xi32, #tpu.memory_space<hbm>>) target(%arg11 : memref<80xi32, #tpu.memory_space<vmem>>) target_semaphore(%arg56 : memref<!tpu.dma_semaphore, #tpu.memory_space<semaphore_mem>>)
          %dma_start3A_676 = arith.constant 1 : i32
          %dma_start3A_677 = tpu.memref_slice %arg4[%dma_start3A_676, %add3A_670] : memref<2x320000xi32, #tpu.memory_space<hbm>> -> memref<1x80xi32, #tpu.memory_space<hbm>>
          %dma_start3A_678 = tpu.memref_squeeze %dma_start3A_677 : memref<1x80xi32, #tpu.memory_space<hbm>> -> memref<80xi32, #tpu.memory_space<hbm>>
          %dma_start3A_679 = tpu.memref_slice %arg4[%dma_start3A_676, %add3A_670] : memref<2x320000xi32, #tpu.memory_space<hbm>> -> memref<1x80xi32, #tpu.memory_space<hbm>>
          %dma_start3A_680 = tpu.memref_squeeze %dma_start3A_679 : memref<1x80xi32, #tpu.memory_space<hbm>> -> memref<80xi32, #tpu.memory_space<hbm>>
          tpu.enqueue_dma source(%dma_start3A_680 : memref<80xi32, #tpu.memory_space<hbm>>) target(%arg21 : memref<80xi32, #tpu.memory_space<vmem>>) target_semaphore(%arg56 : memref<!tpu.dma_semaphore, #tpu.memory_space<semaphore_mem>>)
          %dma_start3A_681 = arith.constant 0 : i32
          %dma_start3A_682 = tpu.memref_slice %arg5[%add3A_670, %dma_start3A_681] : memref<320000x16xf32, #tpu.memory_space<hbm>> -> memref<80x16xf32, #tpu.memory_space<hbm>>
          %dma_start3A_683 = arith.constant 0 : i32
          %dma_start3A_684 = tpu.memref_slice %arg5[%add3A_670, %dma_start3A_683] : memref<320000x16xf32, #tpu.memory_space<hbm>> -> memref<80x16xf32, #tpu.memory_space<hbm>>
          tpu.enqueue_dma source(%dma_start3A_684 : memref<80x16xf32, #tpu.memory_space<hbm>>) target(%arg41 : memref<80x16xf32, #tpu.memory_space<vmem>>) target_semaphore(%arg56 : memref<!tpu.dma_semaphore, #tpu.memory_space<semaphore_mem>>)
        } else {
        }
        %dma_wait3A_592 = arith.constant 0 : i32
        %dma_wait3A_593 = arith.constant 0 : i32
        %dma_wait3A_594 = tpu.memref_slice %arg52[%dma_wait3A_592, %dma_wait3A_593] : memref<10000x64xf32, #tpu.memory_space<vmem_shared>> -> memref<10000x64xf32, #tpu.memory_space<vmem_shared>>
        tpu.wait_indirect_dma semaphore(%arg77 : memref<!tpu.dma_semaphore, #tpu.memory_space<semaphore_mem>>) src(%arg32 : memref<80x64xf32, #tpu.memory_space<vmem>>) dst(%dma_wait3A_594 : memref<10000x64xf32, #tpu.memory_space<vmem_shared>>)
        %dma_wait3A_595 = arith.constant 0 : i32
        %dma_wait3A_596 = arith.constant 0 : i32
        %dma_wait3A_597 = tpu.memref_slice %arg53[%dma_wait3A_595, %dma_wait3A_596] : memref<10000x16xf32, #tpu.memory_space<vmem_shared>> -> memref<10000x16xf32, #tpu.memory_space<vmem_shared>>
        tpu.wait_indirect_dma semaphore(%arg77 : memref<!tpu.dma_semaphore, #tpu.memory_space<semaphore_mem>>) src(%arg42 : memref<80x16xf32, #tpu.memory_space<vmem>>) dst(%dma_wait3A_597 : memref<10000x16xf32, #tpu.memory_space<vmem_shared>>)
        %lt3A_598 = arith.constant 24 : i32
        %lt3A_599 = arith.cmpi slt, %scan3A_237, %lt3A_598 : i32
        %convert_element_type3A_600 = arith.extui %lt3A_599 : i1 to i32
        %cond3A_601 = arith.constant 0 : i32
        %cond3A_602 = arith.cmpi ne, %convert_element_type3A_600, %cond3A_601 : i32
        scf.if %cond3A_602 {
          %add3A_669 = arith.constant 1040 : i32
          %add3A_670 = arith.addi %add3A_240, %add3A_669 : i32
          %dma_start3A_671 = arith.constant 0 : i32
          %dma_start3A_672 = tpu.memref_slice %arg4[%dma_start3A_671, %add3A_670] : memref<2x320000xi32, #tpu.memory_space<hbm>> -> memref<1x80xi32, #tpu.memory_space<hbm>>
          %dma_start3A_673 = tpu.memref_squeeze %dma_start3A_672 : memref<1x80xi32, #tpu.memory_space<hbm>> -> memref<80xi32, #tpu.memory_space<hbm>>
          %dma_start3A_674 = tpu.memref_slice %arg4[%dma_start3A_671, %add3A_670] : memref<2x320000xi32, #tpu.memory_space<hbm>> -> memref<1x80xi32, #tpu.memory_space<hbm>>
          %dma_start3A_675 = tpu.memref_squeeze %dma_start3A_674 : memref<1x80xi32, #tpu.memory_space<hbm>> -> memref<80xi32, #tpu.memory_space<hbm>>
          tpu.enqueue_dma source(%dma_start3A_675 : memref<80xi32, #tpu.memory_space<hbm>>) target(%arg12 : memref<80xi32, #tpu.memory_space<vmem>>) target_semaphore(%arg57 : memref<!tpu.dma_semaphore, #tpu.memory_space<semaphore_mem>>)
          %dma_start3A_676 = arith.constant 1 : i32
          %dma_start3A_677 = tpu.memref_slice %arg4[%dma_start3A_676, %add3A_670] : memref<2x320000xi32, #tpu.memory_space<hbm>> -> memref<1x80xi32, #tpu.memory_space<hbm>>
          %dma_start3A_678 = tpu.memref_squeeze %dma_start3A_677 : memref<1x80xi32, #tpu.memory_space<hbm>> -> memref<80xi32, #tpu.memory_space<hbm>>
          %dma_start3A_679 = tpu.memref_slice %arg4[%dma_start3A_676, %add3A_670] : memref<2x320000xi32, #tpu.memory_space<hbm>> -> memref<1x80xi32, #tpu.memory_space<hbm>>
          %dma_start3A_680 = tpu.memref_squeeze %dma_start3A_679 : memref<1x80xi32, #tpu.memory_space<hbm>> -> memref<80xi32, #tpu.memory_space<hbm>>
          tpu.enqueue_dma source(%dma_start3A_680 : memref<80xi32, #tpu.memory_space<hbm>>) target(%arg22 : memref<80xi32, #tpu.memory_space<vmem>>) target_semaphore(%arg57 : memref<!tpu.dma_semaphore, #tpu.memory_space<semaphore_mem>>)
          %dma_start3A_681 = arith.constant 0 : i32
          %dma_start3A_682 = tpu.memref_slice %arg5[%add3A_670, %dma_start3A_681] : memref<320000x16xf32, #tpu.memory_space<hbm>> -> memref<80x16xf32, #tpu.memory_space<hbm>>
          %dma_start3A_683 = arith.constant 0 : i32
          %dma_start3A_684 = tpu.memref_slice %arg5[%add3A_670, %dma_start3A_683] : memref<320000x16xf32, #tpu.memory_space<hbm>> -> memref<80x16xf32, #tpu.memory_space<hbm>>
          tpu.enqueue_dma source(%dma_start3A_684 : memref<80x16xf32, #tpu.memory_space<hbm>>) target(%arg42 : memref<80x16xf32, #tpu.memory_space<vmem>>) target_semaphore(%arg57 : memref<!tpu.dma_semaphore, #tpu.memory_space<semaphore_mem>>)
        } else {
        }
        %dma_wait3A_603 = arith.constant 0 : i32
        %dma_wait3A_604 = arith.constant 0 : i32
        %dma_wait3A_605 = tpu.memref_slice %arg52[%dma_wait3A_603, %dma_wait3A_604] : memref<10000x64xf32, #tpu.memory_space<vmem_shared>> -> memref<10000x64xf32, #tpu.memory_space<vmem_shared>>
        tpu.wait_indirect_dma semaphore(%arg78 : memref<!tpu.dma_semaphore, #tpu.memory_space<semaphore_mem>>) src(%arg33 : memref<80x64xf32, #tpu.memory_space<vmem>>) dst(%dma_wait3A_605 : memref<10000x64xf32, #tpu.memory_space<vmem_shared>>)
        %dma_wait3A_606 = arith.constant 0 : i32
        %dma_wait3A_607 = arith.constant 0 : i32
        %dma_wait3A_608 = tpu.memref_slice %arg53[%dma_wait3A_606, %dma_wait3A_607] : memref<10000x16xf32, #tpu.memory_space<vmem_shared>> -> memref<10000x16xf32, #tpu.memory_space<vmem_shared>>
        tpu.wait_indirect_dma semaphore(%arg78 : memref<!tpu.dma_semaphore, #tpu.memory_space<semaphore_mem>>) src(%arg43 : memref<80x16xf32, #tpu.memory_space<vmem>>) dst(%dma_wait3A_608 : memref<10000x16xf32, #tpu.memory_space<vmem_shared>>)
        %lt3A_609 = arith.constant 24 : i32
        %lt3A_610 = arith.cmpi slt, %scan3A_237, %lt3A_609 : i32
        %convert_element_type3A_611 = arith.extui %lt3A_610 : i1 to i32
        %cond3A_612 = arith.constant 0 : i32
        %cond3A_613 = arith.cmpi ne, %convert_element_type3A_611, %cond3A_612 : i32
        scf.if %cond3A_613 {
          %add3A_669 = arith.constant 1120 : i32
          %add3A_670 = arith.addi %add3A_240, %add3A_669 : i32
          %dma_start3A_671 = arith.constant 0 : i32
          %dma_start3A_672 = tpu.memref_slice %arg4[%dma_start3A_671, %add3A_670] : memref<2x320000xi32, #tpu.memory_space<hbm>> -> memref<1x80xi32, #tpu.memory_space<hbm>>
          %dma_start3A_673 = tpu.memref_squeeze %dma_start3A_672 : memref<1x80xi32, #tpu.memory_space<hbm>> -> memref<80xi32, #tpu.memory_space<hbm>>
          %dma_start3A_674 = tpu.memref_slice %arg4[%dma_start3A_671, %add3A_670] : memref<2x320000xi32, #tpu.memory_space<hbm>> -> memref<1x80xi32, #tpu.memory_space<hbm>>
          %dma_start3A_675 = tpu.memref_squeeze %dma_start3A_674 : memref<1x80xi32, #tpu.memory_space<hbm>> -> memref<80xi32, #tpu.memory_space<hbm>>
          tpu.enqueue_dma source(%dma_start3A_675 : memref<80xi32, #tpu.memory_space<hbm>>) target(%arg13 : memref<80xi32, #tpu.memory_space<vmem>>) target_semaphore(%arg58 : memref<!tpu.dma_semaphore, #tpu.memory_space<semaphore_mem>>)
          %dma_start3A_676 = arith.constant 1 : i32
          %dma_start3A_677 = tpu.memref_slice %arg4[%dma_start3A_676, %add3A_670] : memref<2x320000xi32, #tpu.memory_space<hbm>> -> memref<1x80xi32, #tpu.memory_space<hbm>>
          %dma_start3A_678 = tpu.memref_squeeze %dma_start3A_677 : memref<1x80xi32, #tpu.memory_space<hbm>> -> memref<80xi32, #tpu.memory_space<hbm>>
          %dma_start3A_679 = tpu.memref_slice %arg4[%dma_start3A_676, %add3A_670] : memref<2x320000xi32, #tpu.memory_space<hbm>> -> memref<1x80xi32, #tpu.memory_space<hbm>>
          %dma_start3A_680 = tpu.memref_squeeze %dma_start3A_679 : memref<1x80xi32, #tpu.memory_space<hbm>> -> memref<80xi32, #tpu.memory_space<hbm>>
          tpu.enqueue_dma source(%dma_start3A_680 : memref<80xi32, #tpu.memory_space<hbm>>) target(%arg23 : memref<80xi32, #tpu.memory_space<vmem>>) target_semaphore(%arg58 : memref<!tpu.dma_semaphore, #tpu.memory_space<semaphore_mem>>)
          %dma_start3A_681 = arith.constant 0 : i32
          %dma_start3A_682 = tpu.memref_slice %arg5[%add3A_670, %dma_start3A_681] : memref<320000x16xf32, #tpu.memory_space<hbm>> -> memref<80x16xf32, #tpu.memory_space<hbm>>
          %dma_start3A_683 = arith.constant 0 : i32
          %dma_start3A_684 = tpu.memref_slice %arg5[%add3A_670, %dma_start3A_683] : memref<320000x16xf32, #tpu.memory_space<hbm>> -> memref<80x16xf32, #tpu.memory_space<hbm>>
          tpu.enqueue_dma source(%dma_start3A_684 : memref<80x16xf32, #tpu.memory_space<hbm>>) target(%arg43 : memref<80x16xf32, #tpu.memory_space<vmem>>) target_semaphore(%arg58 : memref<!tpu.dma_semaphore, #tpu.memory_space<semaphore_mem>>)
        } else {
        }
        %dma_wait3A_614 = arith.constant 0 : i32
        %dma_wait3A_615 = arith.constant 0 : i32
        %dma_wait3A_616 = tpu.memref_slice %arg52[%dma_wait3A_614, %dma_wait3A_615] : memref<10000x64xf32, #tpu.memory_space<vmem_shared>> -> memref<10000x64xf32, #tpu.memory_space<vmem_shared>>
        tpu.wait_indirect_dma semaphore(%arg79 : memref<!tpu.dma_semaphore, #tpu.memory_space<semaphore_mem>>) src(%arg34 : memref<80x64xf32, #tpu.memory_space<vmem>>) dst(%dma_wait3A_616 : memref<10000x64xf32, #tpu.memory_space<vmem_shared>>)
        %dma_wait3A_617 = arith.constant 0 : i32
        %dma_wait3A_618 = arith.constant 0 : i32
        %dma_wait3A_619 = tpu.memref_slice %arg53[%dma_wait3A_617, %dma_wait3A_618] : memref<10000x16xf32, #tpu.memory_space<vmem_shared>> -> memref<10000x16xf32, #tpu.memory_space<vmem_shared>>
        tpu.wait_indirect_dma semaphore(%arg79 : memref<!tpu.dma_semaphore, #tpu.memory_space<semaphore_mem>>) src(%arg44 : memref<80x16xf32, #tpu.memory_space<vmem>>) dst(%dma_wait3A_619 : memref<10000x16xf32, #tpu.memory_space<vmem_shared>>)
        %lt3A_620 = arith.constant 24 : i32
        %lt3A_621 = arith.cmpi slt, %scan3A_237, %lt3A_620 : i32
        %convert_element_type3A_622 = arith.extui %lt3A_621 : i1 to i32
        %cond3A_623 = arith.constant 0 : i32
        %cond3A_624 = arith.cmpi ne, %convert_element_type3A_622, %cond3A_623 : i32
        scf.if %cond3A_624 {
          %add3A_669 = arith.constant 1200 : i32
          %add3A_670 = arith.addi %add3A_240, %add3A_669 : i32
          %dma_start3A_671 = arith.constant 0 : i32
          %dma_start3A_672 = tpu.memref_slice %arg4[%dma_start3A_671, %add3A_670] : memref<2x320000xi32, #tpu.memory_space<hbm>> -> memref<1x80xi32, #tpu.memory_space<hbm>>
          %dma_start3A_673 = tpu.memref_squeeze %dma_start3A_672 : memref<1x80xi32, #tpu.memory_space<hbm>> -> memref<80xi32, #tpu.memory_space<hbm>>
          %dma_start3A_674 = tpu.memref_slice %arg4[%dma_start3A_671, %add3A_670] : memref<2x320000xi32, #tpu.memory_space<hbm>> -> memref<1x80xi32, #tpu.memory_space<hbm>>
          %dma_start3A_675 = tpu.memref_squeeze %dma_start3A_674 : memref<1x80xi32, #tpu.memory_space<hbm>> -> memref<80xi32, #tpu.memory_space<hbm>>
          tpu.enqueue_dma source(%dma_start3A_675 : memref<80xi32, #tpu.memory_space<hbm>>) target(%arg14 : memref<80xi32, #tpu.memory_space<vmem>>) target_semaphore(%arg59 : memref<!tpu.dma_semaphore, #tpu.memory_space<semaphore_mem>>)
          %dma_start3A_676 = arith.constant 1 : i32
          %dma_start3A_677 = tpu.memref_slice %arg4[%dma_start3A_676, %add3A_670] : memref<2x320000xi32, #tpu.memory_space<hbm>> -> memref<1x80xi32, #tpu.memory_space<hbm>>
          %dma_start3A_678 = tpu.memref_squeeze %dma_start3A_677 : memref<1x80xi32, #tpu.memory_space<hbm>> -> memref<80xi32, #tpu.memory_space<hbm>>
          %dma_start3A_679 = tpu.memref_slice %arg4[%dma_start3A_676, %add3A_670] : memref<2x320000xi32, #tpu.memory_space<hbm>> -> memref<1x80xi32, #tpu.memory_space<hbm>>
          %dma_start3A_680 = tpu.memref_squeeze %dma_start3A_679 : memref<1x80xi32, #tpu.memory_space<hbm>> -> memref<80xi32, #tpu.memory_space<hbm>>
          tpu.enqueue_dma source(%dma_start3A_680 : memref<80xi32, #tpu.memory_space<hbm>>) target(%arg24 : memref<80xi32, #tpu.memory_space<vmem>>) target_semaphore(%arg59 : memref<!tpu.dma_semaphore, #tpu.memory_space<semaphore_mem>>)
          %dma_start3A_681 = arith.constant 0 : i32
          %dma_start3A_682 = tpu.memref_slice %arg5[%add3A_670, %dma_start3A_681] : memref<320000x16xf32, #tpu.memory_space<hbm>> -> memref<80x16xf32, #tpu.memory_space<hbm>>
          %dma_start3A_683 = arith.constant 0 : i32
          %dma_start3A_684 = tpu.memref_slice %arg5[%add3A_670, %dma_start3A_683] : memref<320000x16xf32, #tpu.memory_space<hbm>> -> memref<80x16xf32, #tpu.memory_space<hbm>>
          tpu.enqueue_dma source(%dma_start3A_684 : memref<80x16xf32, #tpu.memory_space<hbm>>) target(%arg44 : memref<80x16xf32, #tpu.memory_space<vmem>>) target_semaphore(%arg59 : memref<!tpu.dma_semaphore, #tpu.memory_space<semaphore_mem>>)
        } else {
        }
        %dma_wait3A_625 = arith.constant 0 : i32
        %dma_wait3A_626 = arith.constant 0 : i32
        %dma_wait3A_627 = tpu.memref_slice %arg52[%dma_wait3A_625, %dma_wait3A_626] : memref<10000x64xf32, #tpu.memory_space<vmem_shared>> -> memref<10000x64xf32, #tpu.memory_space<vmem_shared>>
        tpu.wait_indirect_dma semaphore(%arg80 : memref<!tpu.dma_semaphore, #tpu.memory_space<semaphore_mem>>) src(%arg35 : memref<80x64xf32, #tpu.memory_space<vmem>>) dst(%dma_wait3A_627 : memref<10000x64xf32, #tpu.memory_space<vmem_shared>>)
        %dma_wait3A_628 = arith.constant 0 : i32
        %dma_wait3A_629 = arith.constant 0 : i32
        %dma_wait3A_630 = tpu.memref_slice %arg53[%dma_wait3A_628, %dma_wait3A_629] : memref<10000x16xf32, #tpu.memory_space<vmem_shared>> -> memref<10000x16xf32, #tpu.memory_space<vmem_shared>>
        tpu.wait_indirect_dma semaphore(%arg80 : memref<!tpu.dma_semaphore, #tpu.memory_space<semaphore_mem>>) src(%arg45 : memref<80x16xf32, #tpu.memory_space<vmem>>) dst(%dma_wait3A_630 : memref<10000x16xf32, #tpu.memory_space<vmem_shared>>)
        %lt3A_631 = arith.constant 24 : i32
        %lt3A_632 = arith.cmpi slt, %scan3A_237, %lt3A_631 : i32
        %convert_element_type3A_633 = arith.extui %lt3A_632 : i1 to i32
        %cond3A_634 = arith.constant 0 : i32
        %cond3A_635 = arith.cmpi ne, %convert_element_type3A_633, %cond3A_634 : i32
        scf.if %cond3A_635 {
          %add3A_669 = arith.constant 1280 : i32
          %add3A_670 = arith.addi %add3A_240, %add3A_669 : i32
          %dma_start3A_671 = arith.constant 0 : i32
          %dma_start3A_672 = tpu.memref_slice %arg4[%dma_start3A_671, %add3A_670] : memref<2x320000xi32, #tpu.memory_space<hbm>> -> memref<1x80xi32, #tpu.memory_space<hbm>>
          %dma_start3A_673 = tpu.memref_squeeze %dma_start3A_672 : memref<1x80xi32, #tpu.memory_space<hbm>> -> memref<80xi32, #tpu.memory_space<hbm>>
          %dma_start3A_674 = tpu.memref_slice %arg4[%dma_start3A_671, %add3A_670] : memref<2x320000xi32, #tpu.memory_space<hbm>> -> memref<1x80xi32, #tpu.memory_space<hbm>>
          %dma_start3A_675 = tpu.memref_squeeze %dma_start3A_674 : memref<1x80xi32, #tpu.memory_space<hbm>> -> memref<80xi32, #tpu.memory_space<hbm>>
          tpu.enqueue_dma source(%dma_start3A_675 : memref<80xi32, #tpu.memory_space<hbm>>) target(%arg15 : memref<80xi32, #tpu.memory_space<vmem>>) target_semaphore(%arg60 : memref<!tpu.dma_semaphore, #tpu.memory_space<semaphore_mem>>)
          %dma_start3A_676 = arith.constant 1 : i32
          %dma_start3A_677 = tpu.memref_slice %arg4[%dma_start3A_676, %add3A_670] : memref<2x320000xi32, #tpu.memory_space<hbm>> -> memref<1x80xi32, #tpu.memory_space<hbm>>
          %dma_start3A_678 = tpu.memref_squeeze %dma_start3A_677 : memref<1x80xi32, #tpu.memory_space<hbm>> -> memref<80xi32, #tpu.memory_space<hbm>>
          %dma_start3A_679 = tpu.memref_slice %arg4[%dma_start3A_676, %add3A_670] : memref<2x320000xi32, #tpu.memory_space<hbm>> -> memref<1x80xi32, #tpu.memory_space<hbm>>
          %dma_start3A_680 = tpu.memref_squeeze %dma_start3A_679 : memref<1x80xi32, #tpu.memory_space<hbm>> -> memref<80xi32, #tpu.memory_space<hbm>>
          tpu.enqueue_dma source(%dma_start3A_680 : memref<80xi32, #tpu.memory_space<hbm>>) target(%arg25 : memref<80xi32, #tpu.memory_space<vmem>>) target_semaphore(%arg60 : memref<!tpu.dma_semaphore, #tpu.memory_space<semaphore_mem>>)
          %dma_start3A_681 = arith.constant 0 : i32
          %dma_start3A_682 = tpu.memref_slice %arg5[%add3A_670, %dma_start3A_681] : memref<320000x16xf32, #tpu.memory_space<hbm>> -> memref<80x16xf32, #tpu.memory_space<hbm>>
          %dma_start3A_683 = arith.constant 0 : i32
          %dma_start3A_684 = tpu.memref_slice %arg5[%add3A_670, %dma_start3A_683] : memref<320000x16xf32, #tpu.memory_space<hbm>> -> memref<80x16xf32, #tpu.memory_space<hbm>>
          tpu.enqueue_dma source(%dma_start3A_684 : memref<80x16xf32, #tpu.memory_space<hbm>>) target(%arg45 : memref<80x16xf32, #tpu.memory_space<vmem>>) target_semaphore(%arg60 : memref<!tpu.dma_semaphore, #tpu.memory_space<semaphore_mem>>)
        } else {
        }
        %dma_wait3A_636 = arith.constant 0 : i32
        %dma_wait3A_637 = arith.constant 0 : i32
        %dma_wait3A_638 = tpu.memref_slice %arg52[%dma_wait3A_636, %dma_wait3A_637] : memref<10000x64xf32, #tpu.memory_space<vmem_shared>> -> memref<10000x64xf32, #tpu.memory_space<vmem_shared>>
        tpu.wait_indirect_dma semaphore(%arg81 : memref<!tpu.dma_semaphore, #tpu.memory_space<semaphore_mem>>) src(%arg36 : memref<80x64xf32, #tpu.memory_space<vmem>>) dst(%dma_wait3A_638 : memref<10000x64xf32, #tpu.memory_space<vmem_shared>>)
        %dma_wait3A_639 = arith.constant 0 : i32
        %dma_wait3A_640 = arith.constant 0 : i32
        %dma_wait3A_641 = tpu.memref_slice %arg53[%dma_wait3A_639, %dma_wait3A_640] : memref<10000x16xf32, #tpu.memory_space<vmem_shared>> -> memref<10000x16xf32, #tpu.memory_space<vmem_shared>>
        tpu.wait_indirect_dma semaphore(%arg81 : memref<!tpu.dma_semaphore, #tpu.memory_space<semaphore_mem>>) src(%arg46 : memref<80x16xf32, #tpu.memory_space<vmem>>) dst(%dma_wait3A_641 : memref<10000x16xf32, #tpu.memory_space<vmem_shared>>)
        %lt3A_642 = arith.constant 24 : i32
        %lt3A_643 = arith.cmpi slt, %scan3A_237, %lt3A_642 : i32
        %convert_element_type3A_644 = arith.extui %lt3A_643 : i1 to i32
        %cond3A_645 = arith.constant 0 : i32
        %cond3A_646 = arith.cmpi ne, %convert_element_type3A_644, %cond3A_645 : i32
        scf.if %cond3A_646 {
          %add3A_669 = arith.constant 1360 : i32
          %add3A_670 = arith.addi %add3A_240, %add3A_669 : i32
          %dma_start3A_671 = arith.constant 0 : i32
          %dma_start3A_672 = tpu.memref_slice %arg4[%dma_start3A_671, %add3A_670] : memref<2x320000xi32, #tpu.memory_space<hbm>> -> memref<1x80xi32, #tpu.memory_space<hbm>>
          %dma_start3A_673 = tpu.memref_squeeze %dma_start3A_672 : memref<1x80xi32, #tpu.memory_space<hbm>> -> memref<80xi32, #tpu.memory_space<hbm>>
          %dma_start3A_674 = tpu.memref_slice %arg4[%dma_start3A_671, %add3A_670] : memref<2x320000xi32, #tpu.memory_space<hbm>> -> memref<1x80xi32, #tpu.memory_space<hbm>>
          %dma_start3A_675 = tpu.memref_squeeze %dma_start3A_674 : memref<1x80xi32, #tpu.memory_space<hbm>> -> memref<80xi32, #tpu.memory_space<hbm>>
          tpu.enqueue_dma source(%dma_start3A_675 : memref<80xi32, #tpu.memory_space<hbm>>) target(%arg16 : memref<80xi32, #tpu.memory_space<vmem>>) target_semaphore(%arg61 : memref<!tpu.dma_semaphore, #tpu.memory_space<semaphore_mem>>)
          %dma_start3A_676 = arith.constant 1 : i32
          %dma_start3A_677 = tpu.memref_slice %arg4[%dma_start3A_676, %add3A_670] : memref<2x320000xi32, #tpu.memory_space<hbm>> -> memref<1x80xi32, #tpu.memory_space<hbm>>
          %dma_start3A_678 = tpu.memref_squeeze %dma_start3A_677 : memref<1x80xi32, #tpu.memory_space<hbm>> -> memref<80xi32, #tpu.memory_space<hbm>>
          %dma_start3A_679 = tpu.memref_slice %arg4[%dma_start3A_676, %add3A_670] : memref<2x320000xi32, #tpu.memory_space<hbm>> -> memref<1x80xi32, #tpu.memory_space<hbm>>
          %dma_start3A_680 = tpu.memref_squeeze %dma_start3A_679 : memref<1x80xi32, #tpu.memory_space<hbm>> -> memref<80xi32, #tpu.memory_space<hbm>>
          tpu.enqueue_dma source(%dma_start3A_680 : memref<80xi32, #tpu.memory_space<hbm>>) target(%arg26 : memref<80xi32, #tpu.memory_space<vmem>>) target_semaphore(%arg61 : memref<!tpu.dma_semaphore, #tpu.memory_space<semaphore_mem>>)
          %dma_start3A_681 = arith.constant 0 : i32
          %dma_start3A_682 = tpu.memref_slice %arg5[%add3A_670, %dma_start3A_681] : memref<320000x16xf32, #tpu.memory_space<hbm>> -> memref<80x16xf32, #tpu.memory_space<hbm>>
          %dma_start3A_683 = arith.constant 0 : i32
          %dma_start3A_684 = tpu.memref_slice %arg5[%add3A_670, %dma_start3A_683] : memref<320000x16xf32, #tpu.memory_space<hbm>> -> memref<80x16xf32, #tpu.memory_space<hbm>>
          tpu.enqueue_dma source(%dma_start3A_684 : memref<80x16xf32, #tpu.memory_space<hbm>>) target(%arg46 : memref<80x16xf32, #tpu.memory_space<vmem>>) target_semaphore(%arg61 : memref<!tpu.dma_semaphore, #tpu.memory_space<semaphore_mem>>)
        } else {
        }
        %dma_wait3A_647 = arith.constant 0 : i32
        %dma_wait3A_648 = arith.constant 0 : i32
        %dma_wait3A_649 = tpu.memref_slice %arg52[%dma_wait3A_647, %dma_wait3A_648] : memref<10000x64xf32, #tpu.memory_space<vmem_shared>> -> memref<10000x64xf32, #tpu.memory_space<vmem_shared>>
        tpu.wait_indirect_dma semaphore(%arg82 : memref<!tpu.dma_semaphore, #tpu.memory_space<semaphore_mem>>) src(%arg37 : memref<80x64xf32, #tpu.memory_space<vmem>>) dst(%dma_wait3A_649 : memref<10000x64xf32, #tpu.memory_space<vmem_shared>>)
        %dma_wait3A_650 = arith.constant 0 : i32
        %dma_wait3A_651 = arith.constant 0 : i32
        %dma_wait3A_652 = tpu.memref_slice %arg53[%dma_wait3A_650, %dma_wait3A_651] : memref<10000x16xf32, #tpu.memory_space<vmem_shared>> -> memref<10000x16xf32, #tpu.memory_space<vmem_shared>>
        tpu.wait_indirect_dma semaphore(%arg82 : memref<!tpu.dma_semaphore, #tpu.memory_space<semaphore_mem>>) src(%arg47 : memref<80x16xf32, #tpu.memory_space<vmem>>) dst(%dma_wait3A_652 : memref<10000x16xf32, #tpu.memory_space<vmem_shared>>)
        %lt3A_653 = arith.constant 24 : i32
        %lt3A_654 = arith.cmpi slt, %scan3A_237, %lt3A_653 : i32
        %convert_element_type3A_655 = arith.extui %lt3A_654 : i1 to i32
        %cond3A_656 = arith.constant 0 : i32
        %cond3A_657 = arith.cmpi ne, %convert_element_type3A_655, %cond3A_656 : i32
        scf.if %cond3A_657 {
          %add3A_669 = arith.constant 1440 : i32
          %add3A_670 = arith.addi %add3A_240, %add3A_669 : i32
          %dma_start3A_671 = arith.constant 0 : i32
          %dma_start3A_672 = tpu.memref_slice %arg4[%dma_start3A_671, %add3A_670] : memref<2x320000xi32, #tpu.memory_space<hbm>> -> memref<1x80xi32, #tpu.memory_space<hbm>>
          %dma_start3A_673 = tpu.memref_squeeze %dma_start3A_672 : memref<1x80xi32, #tpu.memory_space<hbm>> -> memref<80xi32, #tpu.memory_space<hbm>>
          %dma_start3A_674 = tpu.memref_slice %arg4[%dma_start3A_671, %add3A_670] : memref<2x320000xi32, #tpu.memory_space<hbm>> -> memref<1x80xi32, #tpu.memory_space<hbm>>
          %dma_start3A_675 = tpu.memref_squeeze %dma_start3A_674 : memref<1x80xi32, #tpu.memory_space<hbm>> -> memref<80xi32, #tpu.memory_space<hbm>>
          tpu.enqueue_dma source(%dma_start3A_675 : memref<80xi32, #tpu.memory_space<hbm>>) target(%arg17 : memref<80xi32, #tpu.memory_space<vmem>>) target_semaphore(%arg62 : memref<!tpu.dma_semaphore, #tpu.memory_space<semaphore_mem>>)
          %dma_start3A_676 = arith.constant 1 : i32
          %dma_start3A_677 = tpu.memref_slice %arg4[%dma_start3A_676, %add3A_670] : memref<2x320000xi32, #tpu.memory_space<hbm>> -> memref<1x80xi32, #tpu.memory_space<hbm>>
          %dma_start3A_678 = tpu.memref_squeeze %dma_start3A_677 : memref<1x80xi32, #tpu.memory_space<hbm>> -> memref<80xi32, #tpu.memory_space<hbm>>
          %dma_start3A_679 = tpu.memref_slice %arg4[%dma_start3A_676, %add3A_670] : memref<2x320000xi32, #tpu.memory_space<hbm>> -> memref<1x80xi32, #tpu.memory_space<hbm>>
          %dma_start3A_680 = tpu.memref_squeeze %dma_start3A_679 : memref<1x80xi32, #tpu.memory_space<hbm>> -> memref<80xi32, #tpu.memory_space<hbm>>
          tpu.enqueue_dma source(%dma_start3A_680 : memref<80xi32, #tpu.memory_space<hbm>>) target(%arg27 : memref<80xi32, #tpu.memory_space<vmem>>) target_semaphore(%arg62 : memref<!tpu.dma_semaphore, #tpu.memory_space<semaphore_mem>>)
          %dma_start3A_681 = arith.constant 0 : i32
          %dma_start3A_682 = tpu.memref_slice %arg5[%add3A_670, %dma_start3A_681] : memref<320000x16xf32, #tpu.memory_space<hbm>> -> memref<80x16xf32, #tpu.memory_space<hbm>>
          %dma_start3A_683 = arith.constant 0 : i32
          %dma_start3A_684 = tpu.memref_slice %arg5[%add3A_670, %dma_start3A_683] : memref<320000x16xf32, #tpu.memory_space<hbm>> -> memref<80x16xf32, #tpu.memory_space<hbm>>
          tpu.enqueue_dma source(%dma_start3A_684 : memref<80x16xf32, #tpu.memory_space<hbm>>) target(%arg47 : memref<80x16xf32, #tpu.memory_space<vmem>>) target_semaphore(%arg62 : memref<!tpu.dma_semaphore, #tpu.memory_space<semaphore_mem>>)
        } else {
        }
        %dma_wait3A_658 = arith.constant 0 : i32
        %dma_wait3A_659 = arith.constant 0 : i32
        %dma_wait3A_660 = tpu.memref_slice %arg52[%dma_wait3A_658, %dma_wait3A_659] : memref<10000x64xf32, #tpu.memory_space<vmem_shared>> -> memref<10000x64xf32, #tpu.memory_space<vmem_shared>>
        tpu.wait_indirect_dma semaphore(%arg83 : memref<!tpu.dma_semaphore, #tpu.memory_space<semaphore_mem>>) src(%arg38 : memref<80x64xf32, #tpu.memory_space<vmem>>) dst(%dma_wait3A_660 : memref<10000x64xf32, #tpu.memory_space<vmem_shared>>)
        %dma_wait3A_661 = arith.constant 0 : i32
        %dma_wait3A_662 = arith.constant 0 : i32
        %dma_wait3A_663 = tpu.memref_slice %arg53[%dma_wait3A_661, %dma_wait3A_662] : memref<10000x16xf32, #tpu.memory_space<vmem_shared>> -> memref<10000x16xf32, #tpu.memory_space<vmem_shared>>
        tpu.wait_indirect_dma semaphore(%arg83 : memref<!tpu.dma_semaphore, #tpu.memory_space<semaphore_mem>>) src(%arg48 : memref<80x16xf32, #tpu.memory_space<vmem>>) dst(%dma_wait3A_663 : memref<10000x16xf32, #tpu.memory_space<vmem_shared>>)
        %lt3A_664 = arith.constant 24 : i32
        %lt3A_665 = arith.cmpi slt, %scan3A_237, %lt3A_664 : i32
        %convert_element_type3A_666 = arith.extui %lt3A_665 : i1 to i32
        %cond3A_667 = arith.constant 0 : i32
        %cond3A_668 = arith.cmpi ne, %convert_element_type3A_666, %cond3A_667 : i32
        scf.if %cond3A_668 {
          %add3A_669 = arith.constant 1520 : i32
          %add3A_670 = arith.addi %add3A_240, %add3A_669 : i32
          %dma_start3A_671 = arith.constant 0 : i32
          %dma_start3A_672 = tpu.memref_slice %arg4[%dma_start3A_671, %add3A_670] : memref<2x320000xi32, #tpu.memory_space<hbm>> -> memref<1x80xi32, #tpu.memory_space<hbm>>
          %dma_start3A_673 = tpu.memref_squeeze %dma_start3A_672 : memref<1x80xi32, #tpu.memory_space<hbm>> -> memref<80xi32, #tpu.memory_space<hbm>>
          %dma_start3A_674 = tpu.memref_slice %arg4[%dma_start3A_671, %add3A_670] : memref<2x320000xi32, #tpu.memory_space<hbm>> -> memref<1x80xi32, #tpu.memory_space<hbm>>
          %dma_start3A_675 = tpu.memref_squeeze %dma_start3A_674 : memref<1x80xi32, #tpu.memory_space<hbm>> -> memref<80xi32, #tpu.memory_space<hbm>>
          tpu.enqueue_dma source(%dma_start3A_675 : memref<80xi32, #tpu.memory_space<hbm>>) target(%arg18 : memref<80xi32, #tpu.memory_space<vmem>>) target_semaphore(%arg63 : memref<!tpu.dma_semaphore, #tpu.memory_space<semaphore_mem>>)
          %dma_start3A_676 = arith.constant 1 : i32
          %dma_start3A_677 = tpu.memref_slice %arg4[%dma_start3A_676, %add3A_670] : memref<2x320000xi32, #tpu.memory_space<hbm>> -> memref<1x80xi32, #tpu.memory_space<hbm>>
          %dma_start3A_678 = tpu.memref_squeeze %dma_start3A_677 : memref<1x80xi32, #tpu.memory_space<hbm>> -> memref<80xi32, #tpu.memory_space<hbm>>
          %dma_start3A_679 = tpu.memref_slice %arg4[%dma_start3A_676, %add3A_670] : memref<2x320000xi32, #tpu.memory_space<hbm>> -> memref<1x80xi32, #tpu.memory_space<hbm>>
          %dma_start3A_680 = tpu.memref_squeeze %dma_start3A_679 : memref<1x80xi32, #tpu.memory_space<hbm>> -> memref<80xi32, #tpu.memory_space<hbm>>
          tpu.enqueue_dma source(%dma_start3A_680 : memref<80xi32, #tpu.memory_space<hbm>>) target(%arg28 : memref<80xi32, #tpu.memory_space<vmem>>) target_semaphore(%arg63 : memref<!tpu.dma_semaphore, #tpu.memory_space<semaphore_mem>>)
          %dma_start3A_681 = arith.constant 0 : i32
          %dma_start3A_682 = tpu.memref_slice %arg5[%add3A_670, %dma_start3A_681] : memref<320000x16xf32, #tpu.memory_space<hbm>> -> memref<80x16xf32, #tpu.memory_space<hbm>>
          %dma_start3A_683 = arith.constant 0 : i32
          %dma_start3A_684 = tpu.memref_slice %arg5[%add3A_670, %dma_start3A_683] : memref<320000x16xf32, #tpu.memory_space<hbm>> -> memref<80x16xf32, #tpu.memory_space<hbm>>
          tpu.enqueue_dma source(%dma_start3A_684 : memref<80x16xf32, #tpu.memory_space<hbm>>) target(%arg48 : memref<80x16xf32, #tpu.memory_space<vmem>>) target_semaphore(%arg63 : memref<!tpu.dma_semaphore, #tpu.memory_space<semaphore_mem>>)
        } else {
        }
      }
      %scan3A_236 = arith.constant 25 : i32
    } else {
    }
    %eq3A_35 = arith.constant 1 : i32
    %eq3A_36 = arith.cmpi eq, %arg0, %eq3A_35 : i32
    %convert_element_type3A_37 = arith.extui %eq3A_36 : i1 to i32
    %cond3A_38 = arith.constant 0 : i32
    %cond3A_39 = arith.cmpi ne, %convert_element_type3A_37, %cond3A_38 : i32
    scf.if %cond3A_39 {
      %add3A_72 = arith.constant 0 : i32
      %add3A_73 = arith.addi %mul3A_32, %add3A_72 : i32
      %dma_start3A = arith.constant 0 : i32
      %dma_start3A_74 = tpu.memref_slice %arg4[%dma_start3A, %add3A_73] : memref<2x320000xi32, #tpu.memory_space<hbm>> -> memref<1x80xi32, #tpu.memory_space<hbm>>
      %dma_start3A_75 = tpu.memref_squeeze %dma_start3A_74 : memref<1x80xi32, #tpu.memory_space<hbm>> -> memref<80xi32, #tpu.memory_space<hbm>>
      %dma_start3A_76 = tpu.memref_slice %arg4[%dma_start3A, %add3A_73] : memref<2x320000xi32, #tpu.memory_space<hbm>> -> memref<1x80xi32, #tpu.memory_space<hbm>>
      %dma_start3A_77 = tpu.memref_squeeze %dma_start3A_76 : memref<1x80xi32, #tpu.memory_space<hbm>> -> memref<80xi32, #tpu.memory_space<hbm>>
      tpu.enqueue_dma source(%dma_start3A_77 : memref<80xi32, #tpu.memory_space<hbm>>) target(%arg9 : memref<80xi32, #tpu.memory_space<vmem>>) target_semaphore(%arg54 : memref<!tpu.dma_semaphore, #tpu.memory_space<semaphore_mem>>)
      %dma_start3A_78 = arith.constant 1 : i32
      %dma_start3A_79 = tpu.memref_slice %arg4[%dma_start3A_78, %add3A_73] : memref<2x320000xi32, #tpu.memory_space<hbm>> -> memref<1x80xi32, #tpu.memory_space<hbm>>
      %dma_start3A_80 = tpu.memref_squeeze %dma_start3A_79 : memref<1x80xi32, #tpu.memory_space<hbm>> -> memref<80xi32, #tpu.memory_space<hbm>>
      %dma_start3A_81 = tpu.memref_slice %arg4[%dma_start3A_78, %add3A_73] : memref<2x320000xi32, #tpu.memory_space<hbm>> -> memref<1x80xi32, #tpu.memory_space<hbm>>
      %dma_start3A_82 = tpu.memref_squeeze %dma_start3A_81 : memref<1x80xi32, #tpu.memory_space<hbm>> -> memref<80xi32, #tpu.memory_space<hbm>>
      tpu.enqueue_dma source(%dma_start3A_82 : memref<80xi32, #tpu.memory_space<hbm>>) target(%arg19 : memref<80xi32, #tpu.memory_space<vmem>>) target_semaphore(%arg54 : memref<!tpu.dma_semaphore, #tpu.memory_space<semaphore_mem>>)
      %add3A_83 = arith.constant 80 : i32
      %add3A_84 = arith.addi %mul3A_32, %add3A_83 : i32
      %dma_start3A_85 = arith.constant 0 : i32
      %dma_start3A_86 = tpu.memref_slice %arg4[%dma_start3A_85, %add3A_84] : memref<2x320000xi32, #tpu.memory_space<hbm>> -> memref<1x80xi32, #tpu.memory_space<hbm>>
      %dma_start3A_87 = tpu.memref_squeeze %dma_start3A_86 : memref<1x80xi32, #tpu.memory_space<hbm>> -> memref<80xi32, #tpu.memory_space<hbm>>
      %dma_start3A_88 = tpu.memref_slice %arg4[%dma_start3A_85, %add3A_84] : memref<2x320000xi32, #tpu.memory_space<hbm>> -> memref<1x80xi32, #tpu.memory_space<hbm>>
      %dma_start3A_89 = tpu.memref_squeeze %dma_start3A_88 : memref<1x80xi32, #tpu.memory_space<hbm>> -> memref<80xi32, #tpu.memory_space<hbm>>
      tpu.enqueue_dma source(%dma_start3A_89 : memref<80xi32, #tpu.memory_space<hbm>>) target(%arg10 : memref<80xi32, #tpu.memory_space<vmem>>) target_semaphore(%arg55 : memref<!tpu.dma_semaphore, #tpu.memory_space<semaphore_mem>>)
      %dma_start3A_90 = arith.constant 1 : i32
      %dma_start3A_91 = tpu.memref_slice %arg4[%dma_start3A_90, %add3A_84] : memref<2x320000xi32, #tpu.memory_space<hbm>> -> memref<1x80xi32, #tpu.memory_space<hbm>>
      %dma_start3A_92 = tpu.memref_squeeze %dma_start3A_91 : memref<1x80xi32, #tpu.memory_space<hbm>> -> memref<80xi32, #tpu.memory_space<hbm>>
      %dma_start3A_93 = tpu.memref_slice %arg4[%dma_start3A_90, %add3A_84] : memref<2x320000xi32, #tpu.memory_space<hbm>> -> memref<1x80xi32, #tpu.memory_space<hbm>>
      %dma_start3A_94 = tpu.memref_squeeze %dma_start3A_93 : memref<1x80xi32, #tpu.memory_space<hbm>> -> memref<80xi32, #tpu.memory_space<hbm>>
      tpu.enqueue_dma source(%dma_start3A_94 : memref<80xi32, #tpu.memory_space<hbm>>) target(%arg20 : memref<80xi32, #tpu.memory_space<vmem>>) target_semaphore(%arg55 : memref<!tpu.dma_semaphore, #tpu.memory_space<semaphore_mem>>)
      %add3A_95 = arith.constant 160 : i32
      %add3A_96 = arith.addi %mul3A_32, %add3A_95 : i32
      %dma_start3A_97 = arith.constant 0 : i32
      %dma_start3A_98 = tpu.memref_slice %arg4[%dma_start3A_97, %add3A_96] : memref<2x320000xi32, #tpu.memory_space<hbm>> -> memref<1x80xi32, #tpu.memory_space<hbm>>
      %dma_start3A_99 = tpu.memref_squeeze %dma_start3A_98 : memref<1x80xi32, #tpu.memory_space<hbm>> -> memref<80xi32, #tpu.memory_space<hbm>>
      %dma_start3A_100 = tpu.memref_slice %arg4[%dma_start3A_97, %add3A_96] : memref<2x320000xi32, #tpu.memory_space<hbm>> -> memref<1x80xi32, #tpu.memory_space<hbm>>
      %dma_start3A_101 = tpu.memref_squeeze %dma_start3A_100 : memref<1x80xi32, #tpu.memory_space<hbm>> -> memref<80xi32, #tpu.memory_space<hbm>>
      tpu.enqueue_dma source(%dma_start3A_101 : memref<80xi32, #tpu.memory_space<hbm>>) target(%arg11 : memref<80xi32, #tpu.memory_space<vmem>>) target_semaphore(%arg56 : memref<!tpu.dma_semaphore, #tpu.memory_space<semaphore_mem>>)
      %dma_start3A_102 = arith.constant 1 : i32
      %dma_start3A_103 = tpu.memref_slice %arg4[%dma_start3A_102, %add3A_96] : memref<2x320000xi32, #tpu.memory_space<hbm>> -> memref<1x80xi32, #tpu.memory_space<hbm>>
      %dma_start3A_104 = tpu.memref_squeeze %dma_start3A_103 : memref<1x80xi32, #tpu.memory_space<hbm>> -> memref<80xi32, #tpu.memory_space<hbm>>
      %dma_start3A_105 = tpu.memref_slice %arg4[%dma_start3A_102, %add3A_96] : memref<2x320000xi32, #tpu.memory_space<hbm>> -> memref<1x80xi32, #tpu.memory_space<hbm>>
      %dma_start3A_106 = tpu.memref_squeeze %dma_start3A_105 : memref<1x80xi32, #tpu.memory_space<hbm>> -> memref<80xi32, #tpu.memory_space<hbm>>
      tpu.enqueue_dma source(%dma_start3A_106 : memref<80xi32, #tpu.memory_space<hbm>>) target(%arg21 : memref<80xi32, #tpu.memory_space<vmem>>) target_semaphore(%arg56 : memref<!tpu.dma_semaphore, #tpu.memory_space<semaphore_mem>>)
      %add3A_107 = arith.constant 240 : i32
      %add3A_108 = arith.addi %mul3A_32, %add3A_107 : i32
      %dma_start3A_109 = arith.constant 0 : i32
      %dma_start3A_110 = tpu.memref_slice %arg4[%dma_start3A_109, %add3A_108] : memref<2x320000xi32, #tpu.memory_space<hbm>> -> memref<1x80xi32, #tpu.memory_space<hbm>>
      %dma_start3A_111 = tpu.memref_squeeze %dma_start3A_110 : memref<1x80xi32, #tpu.memory_space<hbm>> -> memref<80xi32, #tpu.memory_space<hbm>>
      %dma_start3A_112 = tpu.memref_slice %arg4[%dma_start3A_109, %add3A_108] : memref<2x320000xi32, #tpu.memory_space<hbm>> -> memref<1x80xi32, #tpu.memory_space<hbm>>
      %dma_start3A_113 = tpu.memref_squeeze %dma_start3A_112 : memref<1x80xi32, #tpu.memory_space<hbm>> -> memref<80xi32, #tpu.memory_space<hbm>>
      tpu.enqueue_dma source(%dma_start3A_113 : memref<80xi32, #tpu.memory_space<hbm>>) target(%arg12 : memref<80xi32, #tpu.memory_space<vmem>>) target_semaphore(%arg57 : memref<!tpu.dma_semaphore, #tpu.memory_space<semaphore_mem>>)
      %dma_start3A_114 = arith.constant 1 : i32
      %dma_start3A_115 = tpu.memref_slice %arg4[%dma_start3A_114, %add3A_108] : memref<2x320000xi32, #tpu.memory_space<hbm>> -> memref<1x80xi32, #tpu.memory_space<hbm>>
      %dma_start3A_116 = tpu.memref_squeeze %dma_start3A_115 : memref<1x80xi32, #tpu.memory_space<hbm>> -> memref<80xi32, #tpu.memory_space<hbm>>
      %dma_start3A_117 = tpu.memref_slice %arg4[%dma_start3A_114, %add3A_108] : memref<2x320000xi32, #tpu.memory_space<hbm>> -> memref<1x80xi32, #tpu.memory_space<hbm>>
      %dma_start3A_118 = tpu.memref_squeeze %dma_start3A_117 : memref<1x80xi32, #tpu.memory_space<hbm>> -> memref<80xi32, #tpu.memory_space<hbm>>
      tpu.enqueue_dma source(%dma_start3A_118 : memref<80xi32, #tpu.memory_space<hbm>>) target(%arg22 : memref<80xi32, #tpu.memory_space<vmem>>) target_semaphore(%arg57 : memref<!tpu.dma_semaphore, #tpu.memory_space<semaphore_mem>>)
      %add3A_119 = arith.constant 320 : i32
      %add3A_120 = arith.addi %mul3A_32, %add3A_119 : i32
      %dma_start3A_121 = arith.constant 0 : i32
      %dma_start3A_122 = tpu.memref_slice %arg4[%dma_start3A_121, %add3A_120] : memref<2x320000xi32, #tpu.memory_space<hbm>> -> memref<1x80xi32, #tpu.memory_space<hbm>>
      %dma_start3A_123 = tpu.memref_squeeze %dma_start3A_122 : memref<1x80xi32, #tpu.memory_space<hbm>> -> memref<80xi32, #tpu.memory_space<hbm>>
      %dma_start3A_124 = tpu.memref_slice %arg4[%dma_start3A_121, %add3A_120] : memref<2x320000xi32, #tpu.memory_space<hbm>> -> memref<1x80xi32, #tpu.memory_space<hbm>>
      %dma_start3A_125 = tpu.memref_squeeze %dma_start3A_124 : memref<1x80xi32, #tpu.memory_space<hbm>> -> memref<80xi32, #tpu.memory_space<hbm>>
      tpu.enqueue_dma source(%dma_start3A_125 : memref<80xi32, #tpu.memory_space<hbm>>) target(%arg13 : memref<80xi32, #tpu.memory_space<vmem>>) target_semaphore(%arg58 : memref<!tpu.dma_semaphore, #tpu.memory_space<semaphore_mem>>)
      %dma_start3A_126 = arith.constant 1 : i32
      %dma_start3A_127 = tpu.memref_slice %arg4[%dma_start3A_126, %add3A_120] : memref<2x320000xi32, #tpu.memory_space<hbm>> -> memref<1x80xi32, #tpu.memory_space<hbm>>
      %dma_start3A_128 = tpu.memref_squeeze %dma_start3A_127 : memref<1x80xi32, #tpu.memory_space<hbm>> -> memref<80xi32, #tpu.memory_space<hbm>>
      %dma_start3A_129 = tpu.memref_slice %arg4[%dma_start3A_126, %add3A_120] : memref<2x320000xi32, #tpu.memory_space<hbm>> -> memref<1x80xi32, #tpu.memory_space<hbm>>
      %dma_start3A_130 = tpu.memref_squeeze %dma_start3A_129 : memref<1x80xi32, #tpu.memory_space<hbm>> -> memref<80xi32, #tpu.memory_space<hbm>>
      tpu.enqueue_dma source(%dma_start3A_130 : memref<80xi32, #tpu.memory_space<hbm>>) target(%arg23 : memref<80xi32, #tpu.memory_space<vmem>>) target_semaphore(%arg58 : memref<!tpu.dma_semaphore, #tpu.memory_space<semaphore_mem>>)
      %add3A_131 = arith.constant 400 : i32
      %add3A_132 = arith.addi %mul3A_32, %add3A_131 : i32
      %dma_start3A_133 = arith.constant 0 : i32
      %dma_start3A_134 = tpu.memref_slice %arg4[%dma_start3A_133, %add3A_132] : memref<2x320000xi32, #tpu.memory_space<hbm>> -> memref<1x80xi32, #tpu.memory_space<hbm>>
      %dma_start3A_135 = tpu.memref_squeeze %dma_start3A_134 : memref<1x80xi32, #tpu.memory_space<hbm>> -> memref<80xi32, #tpu.memory_space<hbm>>
      %dma_start3A_136 = tpu.memref_slice %arg4[%dma_start3A_133, %add3A_132] : memref<2x320000xi32, #tpu.memory_space<hbm>> -> memref<1x80xi32, #tpu.memory_space<hbm>>
      %dma_start3A_137 = tpu.memref_squeeze %dma_start3A_136 : memref<1x80xi32, #tpu.memory_space<hbm>> -> memref<80xi32, #tpu.memory_space<hbm>>
      tpu.enqueue_dma source(%dma_start3A_137 : memref<80xi32, #tpu.memory_space<hbm>>) target(%arg14 : memref<80xi32, #tpu.memory_space<vmem>>) target_semaphore(%arg59 : memref<!tpu.dma_semaphore, #tpu.memory_space<semaphore_mem>>)
      %dma_start3A_138 = arith.constant 1 : i32
      %dma_start3A_139 = tpu.memref_slice %arg4[%dma_start3A_138, %add3A_132] : memref<2x320000xi32, #tpu.memory_space<hbm>> -> memref<1x80xi32, #tpu.memory_space<hbm>>
      %dma_start3A_140 = tpu.memref_squeeze %dma_start3A_139 : memref<1x80xi32, #tpu.memory_space<hbm>> -> memref<80xi32, #tpu.memory_space<hbm>>
      %dma_start3A_141 = tpu.memref_slice %arg4[%dma_start3A_138, %add3A_132] : memref<2x320000xi32, #tpu.memory_space<hbm>> -> memref<1x80xi32, #tpu.memory_space<hbm>>
      %dma_start3A_142 = tpu.memref_squeeze %dma_start3A_141 : memref<1x80xi32, #tpu.memory_space<hbm>> -> memref<80xi32, #tpu.memory_space<hbm>>
      tpu.enqueue_dma source(%dma_start3A_142 : memref<80xi32, #tpu.memory_space<hbm>>) target(%arg24 : memref<80xi32, #tpu.memory_space<vmem>>) target_semaphore(%arg59 : memref<!tpu.dma_semaphore, #tpu.memory_space<semaphore_mem>>)
      %add3A_143 = arith.constant 480 : i32
      %add3A_144 = arith.addi %mul3A_32, %add3A_143 : i32
      %dma_start3A_145 = arith.constant 0 : i32
      %dma_start3A_146 = tpu.memref_slice %arg4[%dma_start3A_145, %add3A_144] : memref<2x320000xi32, #tpu.memory_space<hbm>> -> memref<1x80xi32, #tpu.memory_space<hbm>>
      %dma_start3A_147 = tpu.memref_squeeze %dma_start3A_146 : memref<1x80xi32, #tpu.memory_space<hbm>> -> memref<80xi32, #tpu.memory_space<hbm>>
      %dma_start3A_148 = tpu.memref_slice %arg4[%dma_start3A_145, %add3A_144] : memref<2x320000xi32, #tpu.memory_space<hbm>> -> memref<1x80xi32, #tpu.memory_space<hbm>>
      %dma_start3A_149 = tpu.memref_squeeze %dma_start3A_148 : memref<1x80xi32, #tpu.memory_space<hbm>> -> memref<80xi32, #tpu.memory_space<hbm>>
      tpu.enqueue_dma source(%dma_start3A_149 : memref<80xi32, #tpu.memory_space<hbm>>) target(%arg15 : memref<80xi32, #tpu.memory_space<vmem>>) target_semaphore(%arg60 : memref<!tpu.dma_semaphore, #tpu.memory_space<semaphore_mem>>)
      %dma_start3A_150 = arith.constant 1 : i32
      %dma_start3A_151 = tpu.memref_slice %arg4[%dma_start3A_150, %add3A_144] : memref<2x320000xi32, #tpu.memory_space<hbm>> -> memref<1x80xi32, #tpu.memory_space<hbm>>
      %dma_start3A_152 = tpu.memref_squeeze %dma_start3A_151 : memref<1x80xi32, #tpu.memory_space<hbm>> -> memref<80xi32, #tpu.memory_space<hbm>>
      %dma_start3A_153 = tpu.memref_slice %arg4[%dma_start3A_150, %add3A_144] : memref<2x320000xi32, #tpu.memory_space<hbm>> -> memref<1x80xi32, #tpu.memory_space<hbm>>
      %dma_start3A_154 = tpu.memref_squeeze %dma_start3A_153 : memref<1x80xi32, #tpu.memory_space<hbm>> -> memref<80xi32, #tpu.memory_space<hbm>>
      tpu.enqueue_dma source(%dma_start3A_154 : memref<80xi32, #tpu.memory_space<hbm>>) target(%arg25 : memref<80xi32, #tpu.memory_space<vmem>>) target_semaphore(%arg60 : memref<!tpu.dma_semaphore, #tpu.memory_space<semaphore_mem>>)
      %add3A_155 = arith.constant 560 : i32
      %add3A_156 = arith.addi %mul3A_32, %add3A_155 : i32
      %dma_start3A_157 = arith.constant 0 : i32
      %dma_start3A_158 = tpu.memref_slice %arg4[%dma_start3A_157, %add3A_156] : memref<2x320000xi32, #tpu.memory_space<hbm>> -> memref<1x80xi32, #tpu.memory_space<hbm>>
      %dma_start3A_159 = tpu.memref_squeeze %dma_start3A_158 : memref<1x80xi32, #tpu.memory_space<hbm>> -> memref<80xi32, #tpu.memory_space<hbm>>
      %dma_start3A_160 = tpu.memref_slice %arg4[%dma_start3A_157, %add3A_156] : memref<2x320000xi32, #tpu.memory_space<hbm>> -> memref<1x80xi32, #tpu.memory_space<hbm>>
      %dma_start3A_161 = tpu.memref_squeeze %dma_start3A_160 : memref<1x80xi32, #tpu.memory_space<hbm>> -> memref<80xi32, #tpu.memory_space<hbm>>
      tpu.enqueue_dma source(%dma_start3A_161 : memref<80xi32, #tpu.memory_space<hbm>>) target(%arg16 : memref<80xi32, #tpu.memory_space<vmem>>) target_semaphore(%arg61 : memref<!tpu.dma_semaphore, #tpu.memory_space<semaphore_mem>>)
      %dma_start3A_162 = arith.constant 1 : i32
      %dma_start3A_163 = tpu.memref_slice %arg4[%dma_start3A_162, %add3A_156] : memref<2x320000xi32, #tpu.memory_space<hbm>> -> memref<1x80xi32, #tpu.memory_space<hbm>>
      %dma_start3A_164 = tpu.memref_squeeze %dma_start3A_163 : memref<1x80xi32, #tpu.memory_space<hbm>> -> memref<80xi32, #tpu.memory_space<hbm>>
      %dma_start3A_165 = tpu.memref_slice %arg4[%dma_start3A_162, %add3A_156] : memref<2x320000xi32, #tpu.memory_space<hbm>> -> memref<1x80xi32, #tpu.memory_space<hbm>>
      %dma_start3A_166 = tpu.memref_squeeze %dma_start3A_165 : memref<1x80xi32, #tpu.memory_space<hbm>> -> memref<80xi32, #tpu.memory_space<hbm>>
      tpu.enqueue_dma source(%dma_start3A_166 : memref<80xi32, #tpu.memory_space<hbm>>) target(%arg26 : memref<80xi32, #tpu.memory_space<vmem>>) target_semaphore(%arg61 : memref<!tpu.dma_semaphore, #tpu.memory_space<semaphore_mem>>)
      %add3A_167 = arith.constant 640 : i32
      %add3A_168 = arith.addi %mul3A_32, %add3A_167 : i32
      %dma_start3A_169 = arith.constant 0 : i32
      %dma_start3A_170 = tpu.memref_slice %arg4[%dma_start3A_169, %add3A_168] : memref<2x320000xi32, #tpu.memory_space<hbm>> -> memref<1x80xi32, #tpu.memory_space<hbm>>
      %dma_start3A_171 = tpu.memref_squeeze %dma_start3A_170 : memref<1x80xi32, #tpu.memory_space<hbm>> -> memref<80xi32, #tpu.memory_space<hbm>>
      %dma_start3A_172 = tpu.memref_slice %arg4[%dma_start3A_169, %add3A_168] : memref<2x320000xi32, #tpu.memory_space<hbm>> -> memref<1x80xi32, #tpu.memory_space<hbm>>
      %dma_start3A_173 = tpu.memref_squeeze %dma_start3A_172 : memref<1x80xi32, #tpu.memory_space<hbm>> -> memref<80xi32, #tpu.memory_space<hbm>>
      tpu.enqueue_dma source(%dma_start3A_173 : memref<80xi32, #tpu.memory_space<hbm>>) target(%arg17 : memref<80xi32, #tpu.memory_space<vmem>>) target_semaphore(%arg62 : memref<!tpu.dma_semaphore, #tpu.memory_space<semaphore_mem>>)
      %dma_start3A_174 = arith.constant 1 : i32
      %dma_start3A_175 = tpu.memref_slice %arg4[%dma_start3A_174, %add3A_168] : memref<2x320000xi32, #tpu.memory_space<hbm>> -> memref<1x80xi32, #tpu.memory_space<hbm>>
      %dma_start3A_176 = tpu.memref_squeeze %dma_start3A_175 : memref<1x80xi32, #tpu.memory_space<hbm>> -> memref<80xi32, #tpu.memory_space<hbm>>
      %dma_start3A_177 = tpu.memref_slice %arg4[%dma_start3A_174, %add3A_168] : memref<2x320000xi32, #tpu.memory_space<hbm>> -> memref<1x80xi32, #tpu.memory_space<hbm>>
      %dma_start3A_178 = tpu.memref_squeeze %dma_start3A_177 : memref<1x80xi32, #tpu.memory_space<hbm>> -> memref<80xi32, #tpu.memory_space<hbm>>
      tpu.enqueue_dma source(%dma_start3A_178 : memref<80xi32, #tpu.memory_space<hbm>>) target(%arg27 : memref<80xi32, #tpu.memory_space<vmem>>) target_semaphore(%arg62 : memref<!tpu.dma_semaphore, #tpu.memory_space<semaphore_mem>>)
      %add3A_179 = arith.constant 720 : i32
      %add3A_180 = arith.addi %mul3A_32, %add3A_179 : i32
      %dma_start3A_181 = arith.constant 0 : i32
      %dma_start3A_182 = tpu.memref_slice %arg4[%dma_start3A_181, %add3A_180] : memref<2x320000xi32, #tpu.memory_space<hbm>> -> memref<1x80xi32, #tpu.memory_space<hbm>>
      %dma_start3A_183 = tpu.memref_squeeze %dma_start3A_182 : memref<1x80xi32, #tpu.memory_space<hbm>> -> memref<80xi32, #tpu.memory_space<hbm>>
      %dma_start3A_184 = tpu.memref_slice %arg4[%dma_start3A_181, %add3A_180] : memref<2x320000xi32, #tpu.memory_space<hbm>> -> memref<1x80xi32, #tpu.memory_space<hbm>>
      %dma_start3A_185 = tpu.memref_squeeze %dma_start3A_184 : memref<1x80xi32, #tpu.memory_space<hbm>> -> memref<80xi32, #tpu.memory_space<hbm>>
      tpu.enqueue_dma source(%dma_start3A_185 : memref<80xi32, #tpu.memory_space<hbm>>) target(%arg18 : memref<80xi32, #tpu.memory_space<vmem>>) target_semaphore(%arg63 : memref<!tpu.dma_semaphore, #tpu.memory_space<semaphore_mem>>)
      %dma_start3A_186 = arith.constant 1 : i32
      %dma_start3A_187 = tpu.memref_slice %arg4[%dma_start3A_186, %add3A_180] : memref<2x320000xi32, #tpu.memory_space<hbm>> -> memref<1x80xi32, #tpu.memory_space<hbm>>
      %dma_start3A_188 = tpu.memref_squeeze %dma_start3A_187 : memref<1x80xi32, #tpu.memory_space<hbm>> -> memref<80xi32, #tpu.memory_space<hbm>>
      %dma_start3A_189 = tpu.memref_slice %arg4[%dma_start3A_186, %add3A_180] : memref<2x320000xi32, #tpu.memory_space<hbm>> -> memref<1x80xi32, #tpu.memory_space<hbm>>
      %dma_start3A_190 = tpu.memref_squeeze %dma_start3A_189 : memref<1x80xi32, #tpu.memory_space<hbm>> -> memref<80xi32, #tpu.memory_space<hbm>>
      tpu.enqueue_dma source(%dma_start3A_190 : memref<80xi32, #tpu.memory_space<hbm>>) target(%arg28 : memref<80xi32, #tpu.memory_space<vmem>>) target_semaphore(%arg63 : memref<!tpu.dma_semaphore, #tpu.memory_space<semaphore_mem>>)
      %scan3A_191 = arith.constant 0 : i32
      %scan3A_192 = arith.constant 0 : i32
      %scan3A_193 = arith.constant 25 : i32
      %scan3A_194 = arith.addi %scan3A_192, %scan3A_193 : i32
      %scan3A_195 = arith.constant 1 : i32
      scf.for %scan3A_197 = %scan3A_192 to %scan3A_194 step %scan3A_195  : i32 {
        %mul3A_198 = arith.constant 800 : i32
        %mul3A_199 = arith.muli %scan3A_197, %mul3A_198 : i32
        %add3A_200 = arith.addi %mul3A_32, %mul3A_199 : i32
        %dma_wait3A = arith.constant 0 : i32
        %dma_wait3A_201 = arith.constant 0 : i32
        %dma_wait3A_202 = tpu.memref_slice %arg4[%dma_wait3A, %dma_wait3A_201] : memref<2x320000xi32, #tpu.memory_space<hbm>> -> memref<1x80xi32, #tpu.memory_space<hbm>>
        %dma_wait3A_203 = tpu.memref_squeeze %dma_wait3A_202 : memref<1x80xi32, #tpu.memory_space<hbm>> -> memref<80xi32, #tpu.memory_space<hbm>>
        %dma_wait3A_204 = arith.constant 0 : i32
        %dma_wait3A_205 = tpu.memref_slice %arg4[%dma_wait3A, %dma_wait3A_204] : memref<2x320000xi32, #tpu.memory_space<hbm>> -> memref<1x80xi32, #tpu.memory_space<hbm>>
        %dma_wait3A_206 = tpu.memref_squeeze %dma_wait3A_205 : memref<1x80xi32, #tpu.memory_space<hbm>> -> memref<80xi32, #tpu.memory_space<hbm>>
        tpu.wait_dma2 semaphore(%arg54 : memref<!tpu.dma_semaphore, #tpu.memory_space<semaphore_mem>>) src(%dma_wait3A_206 : memref<80xi32, #tpu.memory_space<hbm>>) dst(%arg9 : memref<80xi32, #tpu.memory_space<vmem>>)
        %dma_wait3A_207 = arith.constant 1 : i32
        %dma_wait3A_208 = arith.constant 0 : i32
        %dma_wait3A_209 = tpu.memref_slice %arg4[%dma_wait3A_207, %dma_wait3A_208] : memref<2x320000xi32, #tpu.memory_space<hbm>> -> memref<1x80xi32, #tpu.memory_space<hbm>>
        %dma_wait3A_210 = tpu.memref_squeeze %dma_wait3A_209 : memref<1x80xi32, #tpu.memory_space<hbm>> -> memref<80xi32, #tpu.memory_space<hbm>>
        %dma_wait3A_211 = arith.constant 0 : i32
        %dma_wait3A_212 = tpu.memref_slice %arg4[%dma_wait3A_207, %dma_wait3A_211] : memref<2x320000xi32, #tpu.memory_space<hbm>> -> memref<1x80xi32, #tpu.memory_space<hbm>>
        %dma_wait3A_213 = tpu.memref_squeeze %dma_wait3A_212 : memref<1x80xi32, #tpu.memory_space<hbm>> -> memref<80xi32, #tpu.memory_space<hbm>>
        tpu.wait_dma2 semaphore(%arg54 : memref<!tpu.dma_semaphore, #tpu.memory_space<semaphore_mem>>) src(%dma_wait3A_213 : memref<80xi32, #tpu.memory_space<hbm>>) dst(%arg19 : memref<80xi32, #tpu.memory_space<vmem>>)
        %dma_start3A_214 = arith.constant 0 : i32
        %dma_start3A_215 = arith.constant 0 : i32
        %dma_start3A_216 = tpu.memref_slice %arg3[%dma_start3A_214, %dma_start3A_215] : memref<10000x64xf32, #tpu.memory_space<hbm>> -> memref<10000x64xf32, #tpu.memory_space<hbm>>
        tpu.enqueue_indirect_dma source(%dma_start3A_216 : memref<10000x64xf32, #tpu.memory_space<hbm>>) target(%arg29 : memref<80x64xf32, #tpu.memory_space<vmem>>) offsets(%arg9 : memref<80xi32, #tpu.memory_space<vmem>>) semaphore(%arg64 : memref<!tpu.dma_semaphore, #tpu.memory_space<semaphore_mem>>)
        %dma_wait3A_217 = arith.constant 0 : i32
        %dma_wait3A_218 = arith.constant 0 : i32
        %dma_wait3A_219 = tpu.memref_slice %arg4[%dma_wait3A_217, %dma_wait3A_218] : memref<2x320000xi32, #tpu.memory_space<hbm>> -> memref<1x80xi32, #tpu.memory_space<hbm>>
        %dma_wait3A_220 = tpu.memref_squeeze %dma_wait3A_219 : memref<1x80xi32, #tpu.memory_space<hbm>> -> memref<80xi32, #tpu.memory_space<hbm>>
        %dma_wait3A_221 = arith.constant 0 : i32
        %dma_wait3A_222 = tpu.memref_slice %arg4[%dma_wait3A_217, %dma_wait3A_221] : memref<2x320000xi32, #tpu.memory_space<hbm>> -> memref<1x80xi32, #tpu.memory_space<hbm>>
        %dma_wait3A_223 = tpu.memref_squeeze %dma_wait3A_222 : memref<1x80xi32, #tpu.memory_space<hbm>> -> memref<80xi32, #tpu.memory_space<hbm>>
        tpu.wait_dma2 semaphore(%arg55 : memref<!tpu.dma_semaphore, #tpu.memory_space<semaphore_mem>>) src(%dma_wait3A_223 : memref<80xi32, #tpu.memory_space<hbm>>) dst(%arg10 : memref<80xi32, #tpu.memory_space<vmem>>)
        %dma_wait3A_224 = arith.constant 1 : i32
        %dma_wait3A_225 = arith.constant 0 : i32
        %dma_wait3A_226 = tpu.memref_slice %arg4[%dma_wait3A_224, %dma_wait3A_225] : memref<2x320000xi32, #tpu.memory_space<hbm>> -> memref<1x80xi32, #tpu.memory_space<hbm>>
        %dma_wait3A_227 = tpu.memref_squeeze %dma_wait3A_226 : memref<1x80xi32, #tpu.memory_space<hbm>> -> memref<80xi32, #tpu.memory_space<hbm>>
        %dma_wait3A_228 = arith.constant 0 : i32
        %dma_wait3A_229 = tpu.memref_slice %arg4[%dma_wait3A_224, %dma_wait3A_228] : memref<2x320000xi32, #tpu.memory_space<hbm>> -> memref<1x80xi32, #tpu.memory_space<hbm>>
        %dma_wait3A_230 = tpu.memref_squeeze %dma_wait3A_229 : memref<1x80xi32, #tpu.memory_space<hbm>> -> memref<80xi32, #tpu.memory_space<hbm>>
        tpu.wait_dma2 semaphore(%arg55 : memref<!tpu.dma_semaphore, #tpu.memory_space<semaphore_mem>>) src(%dma_wait3A_230 : memref<80xi32, #tpu.memory_space<hbm>>) dst(%arg20 : memref<80xi32, #tpu.memory_space<vmem>>)
        %dma_start3A_231 = arith.constant 0 : i32
        %dma_start3A_232 = arith.constant 0 : i32
        %dma_start3A_233 = tpu.memref_slice %arg3[%dma_start3A_231, %dma_start3A_232] : memref<10000x64xf32, #tpu.memory_space<hbm>> -> memref<10000x64xf32, #tpu.memory_space<hbm>>
        tpu.enqueue_indirect_dma source(%dma_start3A_233 : memref<10000x64xf32, #tpu.memory_space<hbm>>) target(%arg30 : memref<80x64xf32, #tpu.memory_space<vmem>>) offsets(%arg10 : memref<80xi32, #tpu.memory_space<vmem>>) semaphore(%arg65 : memref<!tpu.dma_semaphore, #tpu.memory_space<semaphore_mem>>)
        %dma_wait3A_234 = arith.constant 0 : i32
        %dma_wait3A_235 = arith.constant 0 : i32
        %dma_wait3A_236 = tpu.memref_slice %arg4[%dma_wait3A_234, %dma_wait3A_235] : memref<2x320000xi32, #tpu.memory_space<hbm>> -> memref<1x80xi32, #tpu.memory_space<hbm>>
        %dma_wait3A_237 = tpu.memref_squeeze %dma_wait3A_236 : memref<1x80xi32, #tpu.memory_space<hbm>> -> memref<80xi32, #tpu.memory_space<hbm>>
        %dma_wait3A_238 = arith.constant 0 : i32
        %dma_wait3A_239 = tpu.memref_slice %arg4[%dma_wait3A_234, %dma_wait3A_238] : memref<2x320000xi32, #tpu.memory_space<hbm>> -> memref<1x80xi32, #tpu.memory_space<hbm>>
        %dma_wait3A_240 = tpu.memref_squeeze %dma_wait3A_239 : memref<1x80xi32, #tpu.memory_space<hbm>> -> memref<80xi32, #tpu.memory_space<hbm>>
        tpu.wait_dma2 semaphore(%arg56 : memref<!tpu.dma_semaphore, #tpu.memory_space<semaphore_mem>>) src(%dma_wait3A_240 : memref<80xi32, #tpu.memory_space<hbm>>) dst(%arg11 : memref<80xi32, #tpu.memory_space<vmem>>)
        %dma_wait3A_241 = arith.constant 1 : i32
        %dma_wait3A_242 = arith.constant 0 : i32
        %dma_wait3A_243 = tpu.memref_slice %arg4[%dma_wait3A_241, %dma_wait3A_242] : memref<2x320000xi32, #tpu.memory_space<hbm>> -> memref<1x80xi32, #tpu.memory_space<hbm>>
        %dma_wait3A_244 = tpu.memref_squeeze %dma_wait3A_243 : memref<1x80xi32, #tpu.memory_space<hbm>> -> memref<80xi32, #tpu.memory_space<hbm>>
        %dma_wait3A_245 = arith.constant 0 : i32
        %dma_wait3A_246 = tpu.memref_slice %arg4[%dma_wait3A_241, %dma_wait3A_245] : memref<2x320000xi32, #tpu.memory_space<hbm>> -> memref<1x80xi32, #tpu.memory_space<hbm>>
        %dma_wait3A_247 = tpu.memref_squeeze %dma_wait3A_246 : memref<1x80xi32, #tpu.memory_space<hbm>> -> memref<80xi32, #tpu.memory_space<hbm>>
        tpu.wait_dma2 semaphore(%arg56 : memref<!tpu.dma_semaphore, #tpu.memory_space<semaphore_mem>>) src(%dma_wait3A_247 : memref<80xi32, #tpu.memory_space<hbm>>) dst(%arg21 : memref<80xi32, #tpu.memory_space<vmem>>)
        %dma_start3A_248 = arith.constant 0 : i32
        %dma_start3A_249 = arith.constant 0 : i32
        %dma_start3A_250 = tpu.memref_slice %arg3[%dma_start3A_248, %dma_start3A_249] : memref<10000x64xf32, #tpu.memory_space<hbm>> -> memref<10000x64xf32, #tpu.memory_space<hbm>>
        tpu.enqueue_indirect_dma source(%dma_start3A_250 : memref<10000x64xf32, #tpu.memory_space<hbm>>) target(%arg31 : memref<80x64xf32, #tpu.memory_space<vmem>>) offsets(%arg11 : memref<80xi32, #tpu.memory_space<vmem>>) semaphore(%arg66 : memref<!tpu.dma_semaphore, #tpu.memory_space<semaphore_mem>>)
        %dma_wait3A_251 = arith.constant 0 : i32
        %dma_wait3A_252 = arith.constant 0 : i32
        %dma_wait3A_253 = tpu.memref_slice %arg4[%dma_wait3A_251, %dma_wait3A_252] : memref<2x320000xi32, #tpu.memory_space<hbm>> -> memref<1x80xi32, #tpu.memory_space<hbm>>
        %dma_wait3A_254 = tpu.memref_squeeze %dma_wait3A_253 : memref<1x80xi32, #tpu.memory_space<hbm>> -> memref<80xi32, #tpu.memory_space<hbm>>
        %dma_wait3A_255 = arith.constant 0 : i32
        %dma_wait3A_256 = tpu.memref_slice %arg4[%dma_wait3A_251, %dma_wait3A_255] : memref<2x320000xi32, #tpu.memory_space<hbm>> -> memref<1x80xi32, #tpu.memory_space<hbm>>
        %dma_wait3A_257 = tpu.memref_squeeze %dma_wait3A_256 : memref<1x80xi32, #tpu.memory_space<hbm>> -> memref<80xi32, #tpu.memory_space<hbm>>
        tpu.wait_dma2 semaphore(%arg57 : memref<!tpu.dma_semaphore, #tpu.memory_space<semaphore_mem>>) src(%dma_wait3A_257 : memref<80xi32, #tpu.memory_space<hbm>>) dst(%arg12 : memref<80xi32, #tpu.memory_space<vmem>>)
        %dma_wait3A_258 = arith.constant 1 : i32
        %dma_wait3A_259 = arith.constant 0 : i32
        %dma_wait3A_260 = tpu.memref_slice %arg4[%dma_wait3A_258, %dma_wait3A_259] : memref<2x320000xi32, #tpu.memory_space<hbm>> -> memref<1x80xi32, #tpu.memory_space<hbm>>
        %dma_wait3A_261 = tpu.memref_squeeze %dma_wait3A_260 : memref<1x80xi32, #tpu.memory_space<hbm>> -> memref<80xi32, #tpu.memory_space<hbm>>
        %dma_wait3A_262 = arith.constant 0 : i32
        %dma_wait3A_263 = tpu.memref_slice %arg4[%dma_wait3A_258, %dma_wait3A_262] : memref<2x320000xi32, #tpu.memory_space<hbm>> -> memref<1x80xi32, #tpu.memory_space<hbm>>
        %dma_wait3A_264 = tpu.memref_squeeze %dma_wait3A_263 : memref<1x80xi32, #tpu.memory_space<hbm>> -> memref<80xi32, #tpu.memory_space<hbm>>
        tpu.wait_dma2 semaphore(%arg57 : memref<!tpu.dma_semaphore, #tpu.memory_space<semaphore_mem>>) src(%dma_wait3A_264 : memref<80xi32, #tpu.memory_space<hbm>>) dst(%arg22 : memref<80xi32, #tpu.memory_space<vmem>>)
        %dma_start3A_265 = arith.constant 0 : i32
        %dma_start3A_266 = arith.constant 0 : i32
        %dma_start3A_267 = tpu.memref_slice %arg3[%dma_start3A_265, %dma_start3A_266] : memref<10000x64xf32, #tpu.memory_space<hbm>> -> memref<10000x64xf32, #tpu.memory_space<hbm>>
        tpu.enqueue_indirect_dma source(%dma_start3A_267 : memref<10000x64xf32, #tpu.memory_space<hbm>>) target(%arg32 : memref<80x64xf32, #tpu.memory_space<vmem>>) offsets(%arg12 : memref<80xi32, #tpu.memory_space<vmem>>) semaphore(%arg67 : memref<!tpu.dma_semaphore, #tpu.memory_space<semaphore_mem>>)
        %dma_wait3A_268 = arith.constant 0 : i32
        %dma_wait3A_269 = arith.constant 0 : i32
        %dma_wait3A_270 = tpu.memref_slice %arg4[%dma_wait3A_268, %dma_wait3A_269] : memref<2x320000xi32, #tpu.memory_space<hbm>> -> memref<1x80xi32, #tpu.memory_space<hbm>>
        %dma_wait3A_271 = tpu.memref_squeeze %dma_wait3A_270 : memref<1x80xi32, #tpu.memory_space<hbm>> -> memref<80xi32, #tpu.memory_space<hbm>>
        %dma_wait3A_272 = arith.constant 0 : i32
        %dma_wait3A_273 = tpu.memref_slice %arg4[%dma_wait3A_268, %dma_wait3A_272] : memref<2x320000xi32, #tpu.memory_space<hbm>> -> memref<1x80xi32, #tpu.memory_space<hbm>>
        %dma_wait3A_274 = tpu.memref_squeeze %dma_wait3A_273 : memref<1x80xi32, #tpu.memory_space<hbm>> -> memref<80xi32, #tpu.memory_space<hbm>>
        tpu.wait_dma2 semaphore(%arg58 : memref<!tpu.dma_semaphore, #tpu.memory_space<semaphore_mem>>) src(%dma_wait3A_274 : memref<80xi32, #tpu.memory_space<hbm>>) dst(%arg13 : memref<80xi32, #tpu.memory_space<vmem>>)
        %dma_wait3A_275 = arith.constant 1 : i32
        %dma_wait3A_276 = arith.constant 0 : i32
        %dma_wait3A_277 = tpu.memref_slice %arg4[%dma_wait3A_275, %dma_wait3A_276] : memref<2x320000xi32, #tpu.memory_space<hbm>> -> memref<1x80xi32, #tpu.memory_space<hbm>>
        %dma_wait3A_278 = tpu.memref_squeeze %dma_wait3A_277 : memref<1x80xi32, #tpu.memory_space<hbm>> -> memref<80xi32, #tpu.memory_space<hbm>>
        %dma_wait3A_279 = arith.constant 0 : i32
        %dma_wait3A_280 = tpu.memref_slice %arg4[%dma_wait3A_275, %dma_wait3A_279] : memref<2x320000xi32, #tpu.memory_space<hbm>> -> memref<1x80xi32, #tpu.memory_space<hbm>>
        %dma_wait3A_281 = tpu.memref_squeeze %dma_wait3A_280 : memref<1x80xi32, #tpu.memory_space<hbm>> -> memref<80xi32, #tpu.memory_space<hbm>>
        tpu.wait_dma2 semaphore(%arg58 : memref<!tpu.dma_semaphore, #tpu.memory_space<semaphore_mem>>) src(%dma_wait3A_281 : memref<80xi32, #tpu.memory_space<hbm>>) dst(%arg23 : memref<80xi32, #tpu.memory_space<vmem>>)
        %dma_start3A_282 = arith.constant 0 : i32
        %dma_start3A_283 = arith.constant 0 : i32
        %dma_start3A_284 = tpu.memref_slice %arg3[%dma_start3A_282, %dma_start3A_283] : memref<10000x64xf32, #tpu.memory_space<hbm>> -> memref<10000x64xf32, #tpu.memory_space<hbm>>
        tpu.enqueue_indirect_dma source(%dma_start3A_284 : memref<10000x64xf32, #tpu.memory_space<hbm>>) target(%arg33 : memref<80x64xf32, #tpu.memory_space<vmem>>) offsets(%arg13 : memref<80xi32, #tpu.memory_space<vmem>>) semaphore(%arg68 : memref<!tpu.dma_semaphore, #tpu.memory_space<semaphore_mem>>)
        %dma_wait3A_285 = arith.constant 0 : i32
        %dma_wait3A_286 = arith.constant 0 : i32
        %dma_wait3A_287 = tpu.memref_slice %arg4[%dma_wait3A_285, %dma_wait3A_286] : memref<2x320000xi32, #tpu.memory_space<hbm>> -> memref<1x80xi32, #tpu.memory_space<hbm>>
        %dma_wait3A_288 = tpu.memref_squeeze %dma_wait3A_287 : memref<1x80xi32, #tpu.memory_space<hbm>> -> memref<80xi32, #tpu.memory_space<hbm>>
        %dma_wait3A_289 = arith.constant 0 : i32
        %dma_wait3A_290 = tpu.memref_slice %arg4[%dma_wait3A_285, %dma_wait3A_289] : memref<2x320000xi32, #tpu.memory_space<hbm>> -> memref<1x80xi32, #tpu.memory_space<hbm>>
        %dma_wait3A_291 = tpu.memref_squeeze %dma_wait3A_290 : memref<1x80xi32, #tpu.memory_space<hbm>> -> memref<80xi32, #tpu.memory_space<hbm>>
        tpu.wait_dma2 semaphore(%arg59 : memref<!tpu.dma_semaphore, #tpu.memory_space<semaphore_mem>>) src(%dma_wait3A_291 : memref<80xi32, #tpu.memory_space<hbm>>) dst(%arg14 : memref<80xi32, #tpu.memory_space<vmem>>)
        %dma_wait3A_292 = arith.constant 1 : i32
        %dma_wait3A_293 = arith.constant 0 : i32
        %dma_wait3A_294 = tpu.memref_slice %arg4[%dma_wait3A_292, %dma_wait3A_293] : memref<2x320000xi32, #tpu.memory_space<hbm>> -> memref<1x80xi32, #tpu.memory_space<hbm>>
        %dma_wait3A_295 = tpu.memref_squeeze %dma_wait3A_294 : memref<1x80xi32, #tpu.memory_space<hbm>> -> memref<80xi32, #tpu.memory_space<hbm>>
        %dma_wait3A_296 = arith.constant 0 : i32
        %dma_wait3A_297 = tpu.memref_slice %arg4[%dma_wait3A_292, %dma_wait3A_296] : memref<2x320000xi32, #tpu.memory_space<hbm>> -> memref<1x80xi32, #tpu.memory_space<hbm>>
        %dma_wait3A_298 = tpu.memref_squeeze %dma_wait3A_297 : memref<1x80xi32, #tpu.memory_space<hbm>> -> memref<80xi32, #tpu.memory_space<hbm>>
        tpu.wait_dma2 semaphore(%arg59 : memref<!tpu.dma_semaphore, #tpu.memory_space<semaphore_mem>>) src(%dma_wait3A_298 : memref<80xi32, #tpu.memory_space<hbm>>) dst(%arg24 : memref<80xi32, #tpu.memory_space<vmem>>)
        %dma_start3A_299 = arith.constant 0 : i32
        %dma_start3A_300 = arith.constant 0 : i32
        %dma_start3A_301 = tpu.memref_slice %arg3[%dma_start3A_299, %dma_start3A_300] : memref<10000x64xf32, #tpu.memory_space<hbm>> -> memref<10000x64xf32, #tpu.memory_space<hbm>>
        tpu.enqueue_indirect_dma source(%dma_start3A_301 : memref<10000x64xf32, #tpu.memory_space<hbm>>) target(%arg34 : memref<80x64xf32, #tpu.memory_space<vmem>>) offsets(%arg14 : memref<80xi32, #tpu.memory_space<vmem>>) semaphore(%arg69 : memref<!tpu.dma_semaphore, #tpu.memory_space<semaphore_mem>>)
        %dma_wait3A_302 = arith.constant 0 : i32
        %dma_wait3A_303 = arith.constant 0 : i32
        %dma_wait3A_304 = tpu.memref_slice %arg4[%dma_wait3A_302, %dma_wait3A_303] : memref<2x320000xi32, #tpu.memory_space<hbm>> -> memref<1x80xi32, #tpu.memory_space<hbm>>
        %dma_wait3A_305 = tpu.memref_squeeze %dma_wait3A_304 : memref<1x80xi32, #tpu.memory_space<hbm>> -> memref<80xi32, #tpu.memory_space<hbm>>
        %dma_wait3A_306 = arith.constant 0 : i32
        %dma_wait3A_307 = tpu.memref_slice %arg4[%dma_wait3A_302, %dma_wait3A_306] : memref<2x320000xi32, #tpu.memory_space<hbm>> -> memref<1x80xi32, #tpu.memory_space<hbm>>
        %dma_wait3A_308 = tpu.memref_squeeze %dma_wait3A_307 : memref<1x80xi32, #tpu.memory_space<hbm>> -> memref<80xi32, #tpu.memory_space<hbm>>
        tpu.wait_dma2 semaphore(%arg60 : memref<!tpu.dma_semaphore, #tpu.memory_space<semaphore_mem>>) src(%dma_wait3A_308 : memref<80xi32, #tpu.memory_space<hbm>>) dst(%arg15 : memref<80xi32, #tpu.memory_space<vmem>>)
        %dma_wait3A_309 = arith.constant 1 : i32
        %dma_wait3A_310 = arith.constant 0 : i32
        %dma_wait3A_311 = tpu.memref_slice %arg4[%dma_wait3A_309, %dma_wait3A_310] : memref<2x320000xi32, #tpu.memory_space<hbm>> -> memref<1x80xi32, #tpu.memory_space<hbm>>
        %dma_wait3A_312 = tpu.memref_squeeze %dma_wait3A_311 : memref<1x80xi32, #tpu.memory_space<hbm>> -> memref<80xi32, #tpu.memory_space<hbm>>
        %dma_wait3A_313 = arith.constant 0 : i32
        %dma_wait3A_314 = tpu.memref_slice %arg4[%dma_wait3A_309, %dma_wait3A_313] : memref<2x320000xi32, #tpu.memory_space<hbm>> -> memref<1x80xi32, #tpu.memory_space<hbm>>
        %dma_wait3A_315 = tpu.memref_squeeze %dma_wait3A_314 : memref<1x80xi32, #tpu.memory_space<hbm>> -> memref<80xi32, #tpu.memory_space<hbm>>
        tpu.wait_dma2 semaphore(%arg60 : memref<!tpu.dma_semaphore, #tpu.memory_space<semaphore_mem>>) src(%dma_wait3A_315 : memref<80xi32, #tpu.memory_space<hbm>>) dst(%arg25 : memref<80xi32, #tpu.memory_space<vmem>>)
        %dma_start3A_316 = arith.constant 0 : i32
        %dma_start3A_317 = arith.constant 0 : i32
        %dma_start3A_318 = tpu.memref_slice %arg3[%dma_start3A_316, %dma_start3A_317] : memref<10000x64xf32, #tpu.memory_space<hbm>> -> memref<10000x64xf32, #tpu.memory_space<hbm>>
        tpu.enqueue_indirect_dma source(%dma_start3A_318 : memref<10000x64xf32, #tpu.memory_space<hbm>>) target(%arg35 : memref<80x64xf32, #tpu.memory_space<vmem>>) offsets(%arg15 : memref<80xi32, #tpu.memory_space<vmem>>) semaphore(%arg70 : memref<!tpu.dma_semaphore, #tpu.memory_space<semaphore_mem>>)
        %dma_wait3A_319 = arith.constant 0 : i32
        %dma_wait3A_320 = arith.constant 0 : i32
        %dma_wait3A_321 = tpu.memref_slice %arg4[%dma_wait3A_319, %dma_wait3A_320] : memref<2x320000xi32, #tpu.memory_space<hbm>> -> memref<1x80xi32, #tpu.memory_space<hbm>>
        %dma_wait3A_322 = tpu.memref_squeeze %dma_wait3A_321 : memref<1x80xi32, #tpu.memory_space<hbm>> -> memref<80xi32, #tpu.memory_space<hbm>>
        %dma_wait3A_323 = arith.constant 0 : i32
        %dma_wait3A_324 = tpu.memref_slice %arg4[%dma_wait3A_319, %dma_wait3A_323] : memref<2x320000xi32, #tpu.memory_space<hbm>> -> memref<1x80xi32, #tpu.memory_space<hbm>>
        %dma_wait3A_325 = tpu.memref_squeeze %dma_wait3A_324 : memref<1x80xi32, #tpu.memory_space<hbm>> -> memref<80xi32, #tpu.memory_space<hbm>>
        tpu.wait_dma2 semaphore(%arg61 : memref<!tpu.dma_semaphore, #tpu.memory_space<semaphore_mem>>) src(%dma_wait3A_325 : memref<80xi32, #tpu.memory_space<hbm>>) dst(%arg16 : memref<80xi32, #tpu.memory_space<vmem>>)
        %dma_wait3A_326 = arith.constant 1 : i32
        %dma_wait3A_327 = arith.constant 0 : i32
        %dma_wait3A_328 = tpu.memref_slice %arg4[%dma_wait3A_326, %dma_wait3A_327] : memref<2x320000xi32, #tpu.memory_space<hbm>> -> memref<1x80xi32, #tpu.memory_space<hbm>>
        %dma_wait3A_329 = tpu.memref_squeeze %dma_wait3A_328 : memref<1x80xi32, #tpu.memory_space<hbm>> -> memref<80xi32, #tpu.memory_space<hbm>>
        %dma_wait3A_330 = arith.constant 0 : i32
        %dma_wait3A_331 = tpu.memref_slice %arg4[%dma_wait3A_326, %dma_wait3A_330] : memref<2x320000xi32, #tpu.memory_space<hbm>> -> memref<1x80xi32, #tpu.memory_space<hbm>>
        %dma_wait3A_332 = tpu.memref_squeeze %dma_wait3A_331 : memref<1x80xi32, #tpu.memory_space<hbm>> -> memref<80xi32, #tpu.memory_space<hbm>>
        tpu.wait_dma2 semaphore(%arg61 : memref<!tpu.dma_semaphore, #tpu.memory_space<semaphore_mem>>) src(%dma_wait3A_332 : memref<80xi32, #tpu.memory_space<hbm>>) dst(%arg26 : memref<80xi32, #tpu.memory_space<vmem>>)
        %dma_start3A_333 = arith.constant 0 : i32
        %dma_start3A_334 = arith.constant 0 : i32
        %dma_start3A_335 = tpu.memref_slice %arg3[%dma_start3A_333, %dma_start3A_334] : memref<10000x64xf32, #tpu.memory_space<hbm>> -> memref<10000x64xf32, #tpu.memory_space<hbm>>
        tpu.enqueue_indirect_dma source(%dma_start3A_335 : memref<10000x64xf32, #tpu.memory_space<hbm>>) target(%arg36 : memref<80x64xf32, #tpu.memory_space<vmem>>) offsets(%arg16 : memref<80xi32, #tpu.memory_space<vmem>>) semaphore(%arg71 : memref<!tpu.dma_semaphore, #tpu.memory_space<semaphore_mem>>)
        %dma_wait3A_336 = arith.constant 0 : i32
        %dma_wait3A_337 = arith.constant 0 : i32
        %dma_wait3A_338 = tpu.memref_slice %arg4[%dma_wait3A_336, %dma_wait3A_337] : memref<2x320000xi32, #tpu.memory_space<hbm>> -> memref<1x80xi32, #tpu.memory_space<hbm>>
        %dma_wait3A_339 = tpu.memref_squeeze %dma_wait3A_338 : memref<1x80xi32, #tpu.memory_space<hbm>> -> memref<80xi32, #tpu.memory_space<hbm>>
        %dma_wait3A_340 = arith.constant 0 : i32
        %dma_wait3A_341 = tpu.memref_slice %arg4[%dma_wait3A_336, %dma_wait3A_340] : memref<2x320000xi32, #tpu.memory_space<hbm>> -> memref<1x80xi32, #tpu.memory_space<hbm>>
        %dma_wait3A_342 = tpu.memref_squeeze %dma_wait3A_341 : memref<1x80xi32, #tpu.memory_space<hbm>> -> memref<80xi32, #tpu.memory_space<hbm>>
        tpu.wait_dma2 semaphore(%arg62 : memref<!tpu.dma_semaphore, #tpu.memory_space<semaphore_mem>>) src(%dma_wait3A_342 : memref<80xi32, #tpu.memory_space<hbm>>) dst(%arg17 : memref<80xi32, #tpu.memory_space<vmem>>)
        %dma_wait3A_343 = arith.constant 1 : i32
        %dma_wait3A_344 = arith.constant 0 : i32
        %dma_wait3A_345 = tpu.memref_slice %arg4[%dma_wait3A_343, %dma_wait3A_344] : memref<2x320000xi32, #tpu.memory_space<hbm>> -> memref<1x80xi32, #tpu.memory_space<hbm>>
        %dma_wait3A_346 = tpu.memref_squeeze %dma_wait3A_345 : memref<1x80xi32, #tpu.memory_space<hbm>> -> memref<80xi32, #tpu.memory_space<hbm>>
        %dma_wait3A_347 = arith.constant 0 : i32
        %dma_wait3A_348 = tpu.memref_slice %arg4[%dma_wait3A_343, %dma_wait3A_347] : memref<2x320000xi32, #tpu.memory_space<hbm>> -> memref<1x80xi32, #tpu.memory_space<hbm>>
        %dma_wait3A_349 = tpu.memref_squeeze %dma_wait3A_348 : memref<1x80xi32, #tpu.memory_space<hbm>> -> memref<80xi32, #tpu.memory_space<hbm>>
        tpu.wait_dma2 semaphore(%arg62 : memref<!tpu.dma_semaphore, #tpu.memory_space<semaphore_mem>>) src(%dma_wait3A_349 : memref<80xi32, #tpu.memory_space<hbm>>) dst(%arg27 : memref<80xi32, #tpu.memory_space<vmem>>)
        %dma_start3A_350 = arith.constant 0 : i32
        %dma_start3A_351 = arith.constant 0 : i32
        %dma_start3A_352 = tpu.memref_slice %arg3[%dma_start3A_350, %dma_start3A_351] : memref<10000x64xf32, #tpu.memory_space<hbm>> -> memref<10000x64xf32, #tpu.memory_space<hbm>>
        tpu.enqueue_indirect_dma source(%dma_start3A_352 : memref<10000x64xf32, #tpu.memory_space<hbm>>) target(%arg37 : memref<80x64xf32, #tpu.memory_space<vmem>>) offsets(%arg17 : memref<80xi32, #tpu.memory_space<vmem>>) semaphore(%arg72 : memref<!tpu.dma_semaphore, #tpu.memory_space<semaphore_mem>>)
        %dma_wait3A_353 = arith.constant 0 : i32
        %dma_wait3A_354 = arith.constant 0 : i32
        %dma_wait3A_355 = tpu.memref_slice %arg4[%dma_wait3A_353, %dma_wait3A_354] : memref<2x320000xi32, #tpu.memory_space<hbm>> -> memref<1x80xi32, #tpu.memory_space<hbm>>
        %dma_wait3A_356 = tpu.memref_squeeze %dma_wait3A_355 : memref<1x80xi32, #tpu.memory_space<hbm>> -> memref<80xi32, #tpu.memory_space<hbm>>
        %dma_wait3A_357 = arith.constant 0 : i32
        %dma_wait3A_358 = tpu.memref_slice %arg4[%dma_wait3A_353, %dma_wait3A_357] : memref<2x320000xi32, #tpu.memory_space<hbm>> -> memref<1x80xi32, #tpu.memory_space<hbm>>
        %dma_wait3A_359 = tpu.memref_squeeze %dma_wait3A_358 : memref<1x80xi32, #tpu.memory_space<hbm>> -> memref<80xi32, #tpu.memory_space<hbm>>
        tpu.wait_dma2 semaphore(%arg63 : memref<!tpu.dma_semaphore, #tpu.memory_space<semaphore_mem>>) src(%dma_wait3A_359 : memref<80xi32, #tpu.memory_space<hbm>>) dst(%arg18 : memref<80xi32, #tpu.memory_space<vmem>>)
        %dma_wait3A_360 = arith.constant 1 : i32
        %dma_wait3A_361 = arith.constant 0 : i32
        %dma_wait3A_362 = tpu.memref_slice %arg4[%dma_wait3A_360, %dma_wait3A_361] : memref<2x320000xi32, #tpu.memory_space<hbm>> -> memref<1x80xi32, #tpu.memory_space<hbm>>
        %dma_wait3A_363 = tpu.memref_squeeze %dma_wait3A_362 : memref<1x80xi32, #tpu.memory_space<hbm>> -> memref<80xi32, #tpu.memory_space<hbm>>
        %dma_wait3A_364 = arith.constant 0 : i32
        %dma_wait3A_365 = tpu.memref_slice %arg4[%dma_wait3A_360, %dma_wait3A_364] : memref<2x320000xi32, #tpu.memory_space<hbm>> -> memref<1x80xi32, #tpu.memory_space<hbm>>
        %dma_wait3A_366 = tpu.memref_squeeze %dma_wait3A_365 : memref<1x80xi32, #tpu.memory_space<hbm>> -> memref<80xi32, #tpu.memory_space<hbm>>
        tpu.wait_dma2 semaphore(%arg63 : memref<!tpu.dma_semaphore, #tpu.memory_space<semaphore_mem>>) src(%dma_wait3A_366 : memref<80xi32, #tpu.memory_space<hbm>>) dst(%arg28 : memref<80xi32, #tpu.memory_space<vmem>>)
        %dma_start3A_367 = arith.constant 0 : i32
        %dma_start3A_368 = arith.constant 0 : i32
        %dma_start3A_369 = tpu.memref_slice %arg3[%dma_start3A_367, %dma_start3A_368] : memref<10000x64xf32, #tpu.memory_space<hbm>> -> memref<10000x64xf32, #tpu.memory_space<hbm>>
        tpu.enqueue_indirect_dma source(%dma_start3A_369 : memref<10000x64xf32, #tpu.memory_space<hbm>>) target(%arg38 : memref<80x64xf32, #tpu.memory_space<vmem>>) offsets(%arg18 : memref<80xi32, #tpu.memory_space<vmem>>) semaphore(%arg73 : memref<!tpu.dma_semaphore, #tpu.memory_space<semaphore_mem>>)
        %dma_wait3A_370 = arith.constant 0 : i32
        %dma_wait3A_371 = arith.constant 0 : i32
        %dma_wait3A_372 = tpu.memref_slice %arg3[%dma_wait3A_370, %dma_wait3A_371] : memref<10000x64xf32, #tpu.memory_space<hbm>> -> memref<10000x64xf32, #tpu.memory_space<hbm>>
        tpu.wait_indirect_dma semaphore(%arg64 : memref<!tpu.dma_semaphore, #tpu.memory_space<semaphore_mem>>) src(%dma_wait3A_372 : memref<10000x64xf32, #tpu.memory_space<hbm>>) dst(%arg29 : memref<80x64xf32, #tpu.memory_space<vmem>>)
        %dma_start3A_373 = arith.constant 0 : i32
        %dma_start3A_374 = arith.constant 0 : i32
        %dma_start3A_375 = tpu.memref_slice %arg52[%dma_start3A_373, %dma_start3A_374] : memref<10000x64xf32, #tpu.memory_space<vmem_shared>> -> memref<10000x64xf32, #tpu.memory_space<vmem_shared>>
        tpu.enqueue_indirect_dma source(%arg29 : memref<80x64xf32, #tpu.memory_space<vmem>>) target(%dma_start3A_375 : memref<10000x64xf32, #tpu.memory_space<vmem_shared>>) offsets(%arg19 : memref<80xi32, #tpu.memory_space<vmem>>) semaphore(%arg74 : memref<!tpu.dma_semaphore, #tpu.memory_space<semaphore_mem>>) {add = true}
        %dma_start3A_376 = arith.constant 0 : i32
        %dma_start3A_377 = arith.constant 0 : i32
        %dma_start3A_378 = tpu.memref_slice %arg53[%dma_start3A_376, %dma_start3A_377] : memref<10000x16xf32, #tpu.memory_space<vmem_shared>> -> memref<10000x16xf32, #tpu.memory_space<vmem_shared>>
        tpu.enqueue_indirect_dma source(%arg49 : memref<80x16xf32, #tpu.memory_space<vmem>>) target(%dma_start3A_378 : memref<10000x16xf32, #tpu.memory_space<vmem_shared>>) offsets(%arg19 : memref<80xi32, #tpu.memory_space<vmem>>) semaphore(%arg74 : memref<!tpu.dma_semaphore, #tpu.memory_space<semaphore_mem>>) {add = true}
        %dma_wait3A_379 = arith.constant 0 : i32
        %dma_wait3A_380 = arith.constant 0 : i32
        %dma_wait3A_381 = tpu.memref_slice %arg3[%dma_wait3A_379, %dma_wait3A_380] : memref<10000x64xf32, #tpu.memory_space<hbm>> -> memref<10000x64xf32, #tpu.memory_space<hbm>>
        tpu.wait_indirect_dma semaphore(%arg65 : memref<!tpu.dma_semaphore, #tpu.memory_space<semaphore_mem>>) src(%dma_wait3A_381 : memref<10000x64xf32, #tpu.memory_space<hbm>>) dst(%arg30 : memref<80x64xf32, #tpu.memory_space<vmem>>)
        %dma_start3A_382 = arith.constant 0 : i32
        %dma_start3A_383 = arith.constant 0 : i32
        %dma_start3A_384 = tpu.memref_slice %arg52[%dma_start3A_382, %dma_start3A_383] : memref<10000x64xf32, #tpu.memory_space<vmem_shared>> -> memref<10000x64xf32, #tpu.memory_space<vmem_shared>>
        tpu.enqueue_indirect_dma source(%arg30 : memref<80x64xf32, #tpu.memory_space<vmem>>) target(%dma_start3A_384 : memref<10000x64xf32, #tpu.memory_space<vmem_shared>>) offsets(%arg20 : memref<80xi32, #tpu.memory_space<vmem>>) semaphore(%arg75 : memref<!tpu.dma_semaphore, #tpu.memory_space<semaphore_mem>>) {add = true}
        %dma_start3A_385 = arith.constant 0 : i32
        %dma_start3A_386 = arith.constant 0 : i32
        %dma_start3A_387 = tpu.memref_slice %arg53[%dma_start3A_385, %dma_start3A_386] : memref<10000x16xf32, #tpu.memory_space<vmem_shared>> -> memref<10000x16xf32, #tpu.memory_space<vmem_shared>>
        tpu.enqueue_indirect_dma source(%arg49 : memref<80x16xf32, #tpu.memory_space<vmem>>) target(%dma_start3A_387 : memref<10000x16xf32, #tpu.memory_space<vmem_shared>>) offsets(%arg20 : memref<80xi32, #tpu.memory_space<vmem>>) semaphore(%arg75 : memref<!tpu.dma_semaphore, #tpu.memory_space<semaphore_mem>>) {add = true}
        %dma_wait3A_388 = arith.constant 0 : i32
        %dma_wait3A_389 = arith.constant 0 : i32
        %dma_wait3A_390 = tpu.memref_slice %arg3[%dma_wait3A_388, %dma_wait3A_389] : memref<10000x64xf32, #tpu.memory_space<hbm>> -> memref<10000x64xf32, #tpu.memory_space<hbm>>
        tpu.wait_indirect_dma semaphore(%arg66 : memref<!tpu.dma_semaphore, #tpu.memory_space<semaphore_mem>>) src(%dma_wait3A_390 : memref<10000x64xf32, #tpu.memory_space<hbm>>) dst(%arg31 : memref<80x64xf32, #tpu.memory_space<vmem>>)
        %dma_start3A_391 = arith.constant 0 : i32
        %dma_start3A_392 = arith.constant 0 : i32
        %dma_start3A_393 = tpu.memref_slice %arg52[%dma_start3A_391, %dma_start3A_392] : memref<10000x64xf32, #tpu.memory_space<vmem_shared>> -> memref<10000x64xf32, #tpu.memory_space<vmem_shared>>
        tpu.enqueue_indirect_dma source(%arg31 : memref<80x64xf32, #tpu.memory_space<vmem>>) target(%dma_start3A_393 : memref<10000x64xf32, #tpu.memory_space<vmem_shared>>) offsets(%arg21 : memref<80xi32, #tpu.memory_space<vmem>>) semaphore(%arg76 : memref<!tpu.dma_semaphore, #tpu.memory_space<semaphore_mem>>) {add = true}
        %dma_start3A_394 = arith.constant 0 : i32
        %dma_start3A_395 = arith.constant 0 : i32
        %dma_start3A_396 = tpu.memref_slice %arg53[%dma_start3A_394, %dma_start3A_395] : memref<10000x16xf32, #tpu.memory_space<vmem_shared>> -> memref<10000x16xf32, #tpu.memory_space<vmem_shared>>
        tpu.enqueue_indirect_dma source(%arg49 : memref<80x16xf32, #tpu.memory_space<vmem>>) target(%dma_start3A_396 : memref<10000x16xf32, #tpu.memory_space<vmem_shared>>) offsets(%arg21 : memref<80xi32, #tpu.memory_space<vmem>>) semaphore(%arg76 : memref<!tpu.dma_semaphore, #tpu.memory_space<semaphore_mem>>) {add = true}
        %dma_wait3A_397 = arith.constant 0 : i32
        %dma_wait3A_398 = arith.constant 0 : i32
        %dma_wait3A_399 = tpu.memref_slice %arg3[%dma_wait3A_397, %dma_wait3A_398] : memref<10000x64xf32, #tpu.memory_space<hbm>> -> memref<10000x64xf32, #tpu.memory_space<hbm>>
        tpu.wait_indirect_dma semaphore(%arg67 : memref<!tpu.dma_semaphore, #tpu.memory_space<semaphore_mem>>) src(%dma_wait3A_399 : memref<10000x64xf32, #tpu.memory_space<hbm>>) dst(%arg32 : memref<80x64xf32, #tpu.memory_space<vmem>>)
        %dma_start3A_400 = arith.constant 0 : i32
        %dma_start3A_401 = arith.constant 0 : i32
        %dma_start3A_402 = tpu.memref_slice %arg52[%dma_start3A_400, %dma_start3A_401] : memref<10000x64xf32, #tpu.memory_space<vmem_shared>> -> memref<10000x64xf32, #tpu.memory_space<vmem_shared>>
        tpu.enqueue_indirect_dma source(%arg32 : memref<80x64xf32, #tpu.memory_space<vmem>>) target(%dma_start3A_402 : memref<10000x64xf32, #tpu.memory_space<vmem_shared>>) offsets(%arg22 : memref<80xi32, #tpu.memory_space<vmem>>) semaphore(%arg77 : memref<!tpu.dma_semaphore, #tpu.memory_space<semaphore_mem>>) {add = true}
        %dma_start3A_403 = arith.constant 0 : i32
        %dma_start3A_404 = arith.constant 0 : i32
        %dma_start3A_405 = tpu.memref_slice %arg53[%dma_start3A_403, %dma_start3A_404] : memref<10000x16xf32, #tpu.memory_space<vmem_shared>> -> memref<10000x16xf32, #tpu.memory_space<vmem_shared>>
        tpu.enqueue_indirect_dma source(%arg49 : memref<80x16xf32, #tpu.memory_space<vmem>>) target(%dma_start3A_405 : memref<10000x16xf32, #tpu.memory_space<vmem_shared>>) offsets(%arg22 : memref<80xi32, #tpu.memory_space<vmem>>) semaphore(%arg77 : memref<!tpu.dma_semaphore, #tpu.memory_space<semaphore_mem>>) {add = true}
        %dma_wait3A_406 = arith.constant 0 : i32
        %dma_wait3A_407 = arith.constant 0 : i32
        %dma_wait3A_408 = tpu.memref_slice %arg3[%dma_wait3A_406, %dma_wait3A_407] : memref<10000x64xf32, #tpu.memory_space<hbm>> -> memref<10000x64xf32, #tpu.memory_space<hbm>>
        tpu.wait_indirect_dma semaphore(%arg68 : memref<!tpu.dma_semaphore, #tpu.memory_space<semaphore_mem>>) src(%dma_wait3A_408 : memref<10000x64xf32, #tpu.memory_space<hbm>>) dst(%arg33 : memref<80x64xf32, #tpu.memory_space<vmem>>)
        %dma_start3A_409 = arith.constant 0 : i32
        %dma_start3A_410 = arith.constant 0 : i32
        %dma_start3A_411 = tpu.memref_slice %arg52[%dma_start3A_409, %dma_start3A_410] : memref<10000x64xf32, #tpu.memory_space<vmem_shared>> -> memref<10000x64xf32, #tpu.memory_space<vmem_shared>>
        tpu.enqueue_indirect_dma source(%arg33 : memref<80x64xf32, #tpu.memory_space<vmem>>) target(%dma_start3A_411 : memref<10000x64xf32, #tpu.memory_space<vmem_shared>>) offsets(%arg23 : memref<80xi32, #tpu.memory_space<vmem>>) semaphore(%arg78 : memref<!tpu.dma_semaphore, #tpu.memory_space<semaphore_mem>>) {add = true}
        %dma_start3A_412 = arith.constant 0 : i32
        %dma_start3A_413 = arith.constant 0 : i32
        %dma_start3A_414 = tpu.memref_slice %arg53[%dma_start3A_412, %dma_start3A_413] : memref<10000x16xf32, #tpu.memory_space<vmem_shared>> -> memref<10000x16xf32, #tpu.memory_space<vmem_shared>>
        tpu.enqueue_indirect_dma source(%arg49 : memref<80x16xf32, #tpu.memory_space<vmem>>) target(%dma_start3A_414 : memref<10000x16xf32, #tpu.memory_space<vmem_shared>>) offsets(%arg23 : memref<80xi32, #tpu.memory_space<vmem>>) semaphore(%arg78 : memref<!tpu.dma_semaphore, #tpu.memory_space<semaphore_mem>>) {add = true}
        %dma_wait3A_415 = arith.constant 0 : i32
        %dma_wait3A_416 = arith.constant 0 : i32
        %dma_wait3A_417 = tpu.memref_slice %arg3[%dma_wait3A_415, %dma_wait3A_416] : memref<10000x64xf32, #tpu.memory_space<hbm>> -> memref<10000x64xf32, #tpu.memory_space<hbm>>
        tpu.wait_indirect_dma semaphore(%arg69 : memref<!tpu.dma_semaphore, #tpu.memory_space<semaphore_mem>>) src(%dma_wait3A_417 : memref<10000x64xf32, #tpu.memory_space<hbm>>) dst(%arg34 : memref<80x64xf32, #tpu.memory_space<vmem>>)
        %dma_start3A_418 = arith.constant 0 : i32
        %dma_start3A_419 = arith.constant 0 : i32
        %dma_start3A_420 = tpu.memref_slice %arg52[%dma_start3A_418, %dma_start3A_419] : memref<10000x64xf32, #tpu.memory_space<vmem_shared>> -> memref<10000x64xf32, #tpu.memory_space<vmem_shared>>
        tpu.enqueue_indirect_dma source(%arg34 : memref<80x64xf32, #tpu.memory_space<vmem>>) target(%dma_start3A_420 : memref<10000x64xf32, #tpu.memory_space<vmem_shared>>) offsets(%arg24 : memref<80xi32, #tpu.memory_space<vmem>>) semaphore(%arg79 : memref<!tpu.dma_semaphore, #tpu.memory_space<semaphore_mem>>) {add = true}
        %dma_start3A_421 = arith.constant 0 : i32
        %dma_start3A_422 = arith.constant 0 : i32
        %dma_start3A_423 = tpu.memref_slice %arg53[%dma_start3A_421, %dma_start3A_422] : memref<10000x16xf32, #tpu.memory_space<vmem_shared>> -> memref<10000x16xf32, #tpu.memory_space<vmem_shared>>
        tpu.enqueue_indirect_dma source(%arg49 : memref<80x16xf32, #tpu.memory_space<vmem>>) target(%dma_start3A_423 : memref<10000x16xf32, #tpu.memory_space<vmem_shared>>) offsets(%arg24 : memref<80xi32, #tpu.memory_space<vmem>>) semaphore(%arg79 : memref<!tpu.dma_semaphore, #tpu.memory_space<semaphore_mem>>) {add = true}
        %dma_wait3A_424 = arith.constant 0 : i32
        %dma_wait3A_425 = arith.constant 0 : i32
        %dma_wait3A_426 = tpu.memref_slice %arg3[%dma_wait3A_424, %dma_wait3A_425] : memref<10000x64xf32, #tpu.memory_space<hbm>> -> memref<10000x64xf32, #tpu.memory_space<hbm>>
        tpu.wait_indirect_dma semaphore(%arg70 : memref<!tpu.dma_semaphore, #tpu.memory_space<semaphore_mem>>) src(%dma_wait3A_426 : memref<10000x64xf32, #tpu.memory_space<hbm>>) dst(%arg35 : memref<80x64xf32, #tpu.memory_space<vmem>>)
        %dma_start3A_427 = arith.constant 0 : i32
        %dma_start3A_428 = arith.constant 0 : i32
        %dma_start3A_429 = tpu.memref_slice %arg52[%dma_start3A_427, %dma_start3A_428] : memref<10000x64xf32, #tpu.memory_space<vmem_shared>> -> memref<10000x64xf32, #tpu.memory_space<vmem_shared>>
        tpu.enqueue_indirect_dma source(%arg35 : memref<80x64xf32, #tpu.memory_space<vmem>>) target(%dma_start3A_429 : memref<10000x64xf32, #tpu.memory_space<vmem_shared>>) offsets(%arg25 : memref<80xi32, #tpu.memory_space<vmem>>) semaphore(%arg80 : memref<!tpu.dma_semaphore, #tpu.memory_space<semaphore_mem>>) {add = true}
        %dma_start3A_430 = arith.constant 0 : i32
        %dma_start3A_431 = arith.constant 0 : i32
        %dma_start3A_432 = tpu.memref_slice %arg53[%dma_start3A_430, %dma_start3A_431] : memref<10000x16xf32, #tpu.memory_space<vmem_shared>> -> memref<10000x16xf32, #tpu.memory_space<vmem_shared>>
        tpu.enqueue_indirect_dma source(%arg49 : memref<80x16xf32, #tpu.memory_space<vmem>>) target(%dma_start3A_432 : memref<10000x16xf32, #tpu.memory_space<vmem_shared>>) offsets(%arg25 : memref<80xi32, #tpu.memory_space<vmem>>) semaphore(%arg80 : memref<!tpu.dma_semaphore, #tpu.memory_space<semaphore_mem>>) {add = true}
        %dma_wait3A_433 = arith.constant 0 : i32
        %dma_wait3A_434 = arith.constant 0 : i32
        %dma_wait3A_435 = tpu.memref_slice %arg3[%dma_wait3A_433, %dma_wait3A_434] : memref<10000x64xf32, #tpu.memory_space<hbm>> -> memref<10000x64xf32, #tpu.memory_space<hbm>>
        tpu.wait_indirect_dma semaphore(%arg71 : memref<!tpu.dma_semaphore, #tpu.memory_space<semaphore_mem>>) src(%dma_wait3A_435 : memref<10000x64xf32, #tpu.memory_space<hbm>>) dst(%arg36 : memref<80x64xf32, #tpu.memory_space<vmem>>)
        %dma_start3A_436 = arith.constant 0 : i32
        %dma_start3A_437 = arith.constant 0 : i32
        %dma_start3A_438 = tpu.memref_slice %arg52[%dma_start3A_436, %dma_start3A_437] : memref<10000x64xf32, #tpu.memory_space<vmem_shared>> -> memref<10000x64xf32, #tpu.memory_space<vmem_shared>>
        tpu.enqueue_indirect_dma source(%arg36 : memref<80x64xf32, #tpu.memory_space<vmem>>) target(%dma_start3A_438 : memref<10000x64xf32, #tpu.memory_space<vmem_shared>>) offsets(%arg26 : memref<80xi32, #tpu.memory_space<vmem>>) semaphore(%arg81 : memref<!tpu.dma_semaphore, #tpu.memory_space<semaphore_mem>>) {add = true}
        %dma_start3A_439 = arith.constant 0 : i32
        %dma_start3A_440 = arith.constant 0 : i32
        %dma_start3A_441 = tpu.memref_slice %arg53[%dma_start3A_439, %dma_start3A_440] : memref<10000x16xf32, #tpu.memory_space<vmem_shared>> -> memref<10000x16xf32, #tpu.memory_space<vmem_shared>>
        tpu.enqueue_indirect_dma source(%arg49 : memref<80x16xf32, #tpu.memory_space<vmem>>) target(%dma_start3A_441 : memref<10000x16xf32, #tpu.memory_space<vmem_shared>>) offsets(%arg26 : memref<80xi32, #tpu.memory_space<vmem>>) semaphore(%arg81 : memref<!tpu.dma_semaphore, #tpu.memory_space<semaphore_mem>>) {add = true}
        %dma_wait3A_442 = arith.constant 0 : i32
        %dma_wait3A_443 = arith.constant 0 : i32
        %dma_wait3A_444 = tpu.memref_slice %arg3[%dma_wait3A_442, %dma_wait3A_443] : memref<10000x64xf32, #tpu.memory_space<hbm>> -> memref<10000x64xf32, #tpu.memory_space<hbm>>
        tpu.wait_indirect_dma semaphore(%arg72 : memref<!tpu.dma_semaphore, #tpu.memory_space<semaphore_mem>>) src(%dma_wait3A_444 : memref<10000x64xf32, #tpu.memory_space<hbm>>) dst(%arg37 : memref<80x64xf32, #tpu.memory_space<vmem>>)
        %dma_start3A_445 = arith.constant 0 : i32
        %dma_start3A_446 = arith.constant 0 : i32
        %dma_start3A_447 = tpu.memref_slice %arg52[%dma_start3A_445, %dma_start3A_446] : memref<10000x64xf32, #tpu.memory_space<vmem_shared>> -> memref<10000x64xf32, #tpu.memory_space<vmem_shared>>
        tpu.enqueue_indirect_dma source(%arg37 : memref<80x64xf32, #tpu.memory_space<vmem>>) target(%dma_start3A_447 : memref<10000x64xf32, #tpu.memory_space<vmem_shared>>) offsets(%arg27 : memref<80xi32, #tpu.memory_space<vmem>>) semaphore(%arg82 : memref<!tpu.dma_semaphore, #tpu.memory_space<semaphore_mem>>) {add = true}
        %dma_start3A_448 = arith.constant 0 : i32
        %dma_start3A_449 = arith.constant 0 : i32
        %dma_start3A_450 = tpu.memref_slice %arg53[%dma_start3A_448, %dma_start3A_449] : memref<10000x16xf32, #tpu.memory_space<vmem_shared>> -> memref<10000x16xf32, #tpu.memory_space<vmem_shared>>
        tpu.enqueue_indirect_dma source(%arg49 : memref<80x16xf32, #tpu.memory_space<vmem>>) target(%dma_start3A_450 : memref<10000x16xf32, #tpu.memory_space<vmem_shared>>) offsets(%arg27 : memref<80xi32, #tpu.memory_space<vmem>>) semaphore(%arg82 : memref<!tpu.dma_semaphore, #tpu.memory_space<semaphore_mem>>) {add = true}
        %dma_wait3A_451 = arith.constant 0 : i32
        %dma_wait3A_452 = arith.constant 0 : i32
        %dma_wait3A_453 = tpu.memref_slice %arg3[%dma_wait3A_451, %dma_wait3A_452] : memref<10000x64xf32, #tpu.memory_space<hbm>> -> memref<10000x64xf32, #tpu.memory_space<hbm>>
        tpu.wait_indirect_dma semaphore(%arg73 : memref<!tpu.dma_semaphore, #tpu.memory_space<semaphore_mem>>) src(%dma_wait3A_453 : memref<10000x64xf32, #tpu.memory_space<hbm>>) dst(%arg38 : memref<80x64xf32, #tpu.memory_space<vmem>>)
        %dma_start3A_454 = arith.constant 0 : i32
        %dma_start3A_455 = arith.constant 0 : i32
        %dma_start3A_456 = tpu.memref_slice %arg52[%dma_start3A_454, %dma_start3A_455] : memref<10000x64xf32, #tpu.memory_space<vmem_shared>> -> memref<10000x64xf32, #tpu.memory_space<vmem_shared>>
        tpu.enqueue_indirect_dma source(%arg38 : memref<80x64xf32, #tpu.memory_space<vmem>>) target(%dma_start3A_456 : memref<10000x64xf32, #tpu.memory_space<vmem_shared>>) offsets(%arg28 : memref<80xi32, #tpu.memory_space<vmem>>) semaphore(%arg83 : memref<!tpu.dma_semaphore, #tpu.memory_space<semaphore_mem>>) {add = true}
        %dma_start3A_457 = arith.constant 0 : i32
        %dma_start3A_458 = arith.constant 0 : i32
        %dma_start3A_459 = tpu.memref_slice %arg53[%dma_start3A_457, %dma_start3A_458] : memref<10000x16xf32, #tpu.memory_space<vmem_shared>> -> memref<10000x16xf32, #tpu.memory_space<vmem_shared>>
        tpu.enqueue_indirect_dma source(%arg49 : memref<80x16xf32, #tpu.memory_space<vmem>>) target(%dma_start3A_459 : memref<10000x16xf32, #tpu.memory_space<vmem_shared>>) offsets(%arg28 : memref<80xi32, #tpu.memory_space<vmem>>) semaphore(%arg83 : memref<!tpu.dma_semaphore, #tpu.memory_space<semaphore_mem>>) {add = true}
        %dma_wait3A_460 = arith.constant 0 : i32
        %dma_wait3A_461 = arith.constant 0 : i32
        %dma_wait3A_462 = tpu.memref_slice %arg52[%dma_wait3A_460, %dma_wait3A_461] : memref<10000x64xf32, #tpu.memory_space<vmem_shared>> -> memref<10000x64xf32, #tpu.memory_space<vmem_shared>>
        tpu.wait_indirect_dma semaphore(%arg74 : memref<!tpu.dma_semaphore, #tpu.memory_space<semaphore_mem>>) src(%arg29 : memref<80x64xf32, #tpu.memory_space<vmem>>) dst(%dma_wait3A_462 : memref<10000x64xf32, #tpu.memory_space<vmem_shared>>)
        %dma_wait3A_463 = arith.constant 0 : i32
        %dma_wait3A_464 = arith.constant 0 : i32
        %dma_wait3A_465 = tpu.memref_slice %arg53[%dma_wait3A_463, %dma_wait3A_464] : memref<10000x16xf32, #tpu.memory_space<vmem_shared>> -> memref<10000x16xf32, #tpu.memory_space<vmem_shared>>
        tpu.wait_indirect_dma semaphore(%arg74 : memref<!tpu.dma_semaphore, #tpu.memory_space<semaphore_mem>>) src(%arg49 : memref<80x16xf32, #tpu.memory_space<vmem>>) dst(%dma_wait3A_465 : memref<10000x16xf32, #tpu.memory_space<vmem_shared>>)
        %lt3A = arith.constant 24 : i32
        %lt3A_466 = arith.cmpi slt, %scan3A_197, %lt3A : i32
        %convert_element_type3A_467 = arith.extui %lt3A_466 : i1 to i32
        %cond3A_468 = arith.constant 0 : i32
        %cond3A_469 = arith.cmpi ne, %convert_element_type3A_467, %cond3A_468 : i32
        scf.if %cond3A_469 {
          %add3A_569 = arith.constant 800 : i32
          %add3A_570 = arith.addi %add3A_200, %add3A_569 : i32
          %dma_start3A_571 = arith.constant 0 : i32
          %dma_start3A_572 = tpu.memref_slice %arg4[%dma_start3A_571, %add3A_570] : memref<2x320000xi32, #tpu.memory_space<hbm>> -> memref<1x80xi32, #tpu.memory_space<hbm>>
          %dma_start3A_573 = tpu.memref_squeeze %dma_start3A_572 : memref<1x80xi32, #tpu.memory_space<hbm>> -> memref<80xi32, #tpu.memory_space<hbm>>
          %dma_start3A_574 = tpu.memref_slice %arg4[%dma_start3A_571, %add3A_570] : memref<2x320000xi32, #tpu.memory_space<hbm>> -> memref<1x80xi32, #tpu.memory_space<hbm>>
          %dma_start3A_575 = tpu.memref_squeeze %dma_start3A_574 : memref<1x80xi32, #tpu.memory_space<hbm>> -> memref<80xi32, #tpu.memory_space<hbm>>
          tpu.enqueue_dma source(%dma_start3A_575 : memref<80xi32, #tpu.memory_space<hbm>>) target(%arg9 : memref<80xi32, #tpu.memory_space<vmem>>) target_semaphore(%arg54 : memref<!tpu.dma_semaphore, #tpu.memory_space<semaphore_mem>>)
          %dma_start3A_576 = arith.constant 1 : i32
          %dma_start3A_577 = tpu.memref_slice %arg4[%dma_start3A_576, %add3A_570] : memref<2x320000xi32, #tpu.memory_space<hbm>> -> memref<1x80xi32, #tpu.memory_space<hbm>>
          %dma_start3A_578 = tpu.memref_squeeze %dma_start3A_577 : memref<1x80xi32, #tpu.memory_space<hbm>> -> memref<80xi32, #tpu.memory_space<hbm>>
          %dma_start3A_579 = tpu.memref_slice %arg4[%dma_start3A_576, %add3A_570] : memref<2x320000xi32, #tpu.memory_space<hbm>> -> memref<1x80xi32, #tpu.memory_space<hbm>>
          %dma_start3A_580 = tpu.memref_squeeze %dma_start3A_579 : memref<1x80xi32, #tpu.memory_space<hbm>> -> memref<80xi32, #tpu.memory_space<hbm>>
          tpu.enqueue_dma source(%dma_start3A_580 : memref<80xi32, #tpu.memory_space<hbm>>) target(%arg19 : memref<80xi32, #tpu.memory_space<vmem>>) target_semaphore(%arg54 : memref<!tpu.dma_semaphore, #tpu.memory_space<semaphore_mem>>)
        } else {
        }
        %dma_wait3A_470 = arith.constant 0 : i32
        %dma_wait3A_471 = arith.constant 0 : i32
        %dma_wait3A_472 = tpu.memref_slice %arg52[%dma_wait3A_470, %dma_wait3A_471] : memref<10000x64xf32, #tpu.memory_space<vmem_shared>> -> memref<10000x64xf32, #tpu.memory_space<vmem_shared>>
        tpu.wait_indirect_dma semaphore(%arg75 : memref<!tpu.dma_semaphore, #tpu.memory_space<semaphore_mem>>) src(%arg30 : memref<80x64xf32, #tpu.memory_space<vmem>>) dst(%dma_wait3A_472 : memref<10000x64xf32, #tpu.memory_space<vmem_shared>>)
        %dma_wait3A_473 = arith.constant 0 : i32
        %dma_wait3A_474 = arith.constant 0 : i32
        %dma_wait3A_475 = tpu.memref_slice %arg53[%dma_wait3A_473, %dma_wait3A_474] : memref<10000x16xf32, #tpu.memory_space<vmem_shared>> -> memref<10000x16xf32, #tpu.memory_space<vmem_shared>>
        tpu.wait_indirect_dma semaphore(%arg75 : memref<!tpu.dma_semaphore, #tpu.memory_space<semaphore_mem>>) src(%arg49 : memref<80x16xf32, #tpu.memory_space<vmem>>) dst(%dma_wait3A_475 : memref<10000x16xf32, #tpu.memory_space<vmem_shared>>)
        %lt3A_476 = arith.constant 24 : i32
        %lt3A_477 = arith.cmpi slt, %scan3A_197, %lt3A_476 : i32
        %convert_element_type3A_478 = arith.extui %lt3A_477 : i1 to i32
        %cond3A_479 = arith.constant 0 : i32
        %cond3A_480 = arith.cmpi ne, %convert_element_type3A_478, %cond3A_479 : i32
        scf.if %cond3A_480 {
          %add3A_569 = arith.constant 880 : i32
          %add3A_570 = arith.addi %add3A_200, %add3A_569 : i32
          %dma_start3A_571 = arith.constant 0 : i32
          %dma_start3A_572 = tpu.memref_slice %arg4[%dma_start3A_571, %add3A_570] : memref<2x320000xi32, #tpu.memory_space<hbm>> -> memref<1x80xi32, #tpu.memory_space<hbm>>
          %dma_start3A_573 = tpu.memref_squeeze %dma_start3A_572 : memref<1x80xi32, #tpu.memory_space<hbm>> -> memref<80xi32, #tpu.memory_space<hbm>>
          %dma_start3A_574 = tpu.memref_slice %arg4[%dma_start3A_571, %add3A_570] : memref<2x320000xi32, #tpu.memory_space<hbm>> -> memref<1x80xi32, #tpu.memory_space<hbm>>
          %dma_start3A_575 = tpu.memref_squeeze %dma_start3A_574 : memref<1x80xi32, #tpu.memory_space<hbm>> -> memref<80xi32, #tpu.memory_space<hbm>>
          tpu.enqueue_dma source(%dma_start3A_575 : memref<80xi32, #tpu.memory_space<hbm>>) target(%arg10 : memref<80xi32, #tpu.memory_space<vmem>>) target_semaphore(%arg55 : memref<!tpu.dma_semaphore, #tpu.memory_space<semaphore_mem>>)
          %dma_start3A_576 = arith.constant 1 : i32
          %dma_start3A_577 = tpu.memref_slice %arg4[%dma_start3A_576, %add3A_570] : memref<2x320000xi32, #tpu.memory_space<hbm>> -> memref<1x80xi32, #tpu.memory_space<hbm>>
          %dma_start3A_578 = tpu.memref_squeeze %dma_start3A_577 : memref<1x80xi32, #tpu.memory_space<hbm>> -> memref<80xi32, #tpu.memory_space<hbm>>
          %dma_start3A_579 = tpu.memref_slice %arg4[%dma_start3A_576, %add3A_570] : memref<2x320000xi32, #tpu.memory_space<hbm>> -> memref<1x80xi32, #tpu.memory_space<hbm>>
          %dma_start3A_580 = tpu.memref_squeeze %dma_start3A_579 : memref<1x80xi32, #tpu.memory_space<hbm>> -> memref<80xi32, #tpu.memory_space<hbm>>
          tpu.enqueue_dma source(%dma_start3A_580 : memref<80xi32, #tpu.memory_space<hbm>>) target(%arg20 : memref<80xi32, #tpu.memory_space<vmem>>) target_semaphore(%arg55 : memref<!tpu.dma_semaphore, #tpu.memory_space<semaphore_mem>>)
        } else {
        }
        %dma_wait3A_481 = arith.constant 0 : i32
        %dma_wait3A_482 = arith.constant 0 : i32
        %dma_wait3A_483 = tpu.memref_slice %arg52[%dma_wait3A_481, %dma_wait3A_482] : memref<10000x64xf32, #tpu.memory_space<vmem_shared>> -> memref<10000x64xf32, #tpu.memory_space<vmem_shared>>
        tpu.wait_indirect_dma semaphore(%arg76 : memref<!tpu.dma_semaphore, #tpu.memory_space<semaphore_mem>>) src(%arg31 : memref<80x64xf32, #tpu.memory_space<vmem>>) dst(%dma_wait3A_483 : memref<10000x64xf32, #tpu.memory_space<vmem_shared>>)
        %dma_wait3A_484 = arith.constant 0 : i32
        %dma_wait3A_485 = arith.constant 0 : i32
        %dma_wait3A_486 = tpu.memref_slice %arg53[%dma_wait3A_484, %dma_wait3A_485] : memref<10000x16xf32, #tpu.memory_space<vmem_shared>> -> memref<10000x16xf32, #tpu.memory_space<vmem_shared>>
        tpu.wait_indirect_dma semaphore(%arg76 : memref<!tpu.dma_semaphore, #tpu.memory_space<semaphore_mem>>) src(%arg49 : memref<80x16xf32, #tpu.memory_space<vmem>>) dst(%dma_wait3A_486 : memref<10000x16xf32, #tpu.memory_space<vmem_shared>>)
        %lt3A_487 = arith.constant 24 : i32
        %lt3A_488 = arith.cmpi slt, %scan3A_197, %lt3A_487 : i32
        %convert_element_type3A_489 = arith.extui %lt3A_488 : i1 to i32
        %cond3A_490 = arith.constant 0 : i32
        %cond3A_491 = arith.cmpi ne, %convert_element_type3A_489, %cond3A_490 : i32
        scf.if %cond3A_491 {
          %add3A_569 = arith.constant 960 : i32
          %add3A_570 = arith.addi %add3A_200, %add3A_569 : i32
          %dma_start3A_571 = arith.constant 0 : i32
          %dma_start3A_572 = tpu.memref_slice %arg4[%dma_start3A_571, %add3A_570] : memref<2x320000xi32, #tpu.memory_space<hbm>> -> memref<1x80xi32, #tpu.memory_space<hbm>>
          %dma_start3A_573 = tpu.memref_squeeze %dma_start3A_572 : memref<1x80xi32, #tpu.memory_space<hbm>> -> memref<80xi32, #tpu.memory_space<hbm>>
          %dma_start3A_574 = tpu.memref_slice %arg4[%dma_start3A_571, %add3A_570] : memref<2x320000xi32, #tpu.memory_space<hbm>> -> memref<1x80xi32, #tpu.memory_space<hbm>>
          %dma_start3A_575 = tpu.memref_squeeze %dma_start3A_574 : memref<1x80xi32, #tpu.memory_space<hbm>> -> memref<80xi32, #tpu.memory_space<hbm>>
          tpu.enqueue_dma source(%dma_start3A_575 : memref<80xi32, #tpu.memory_space<hbm>>) target(%arg11 : memref<80xi32, #tpu.memory_space<vmem>>) target_semaphore(%arg56 : memref<!tpu.dma_semaphore, #tpu.memory_space<semaphore_mem>>)
          %dma_start3A_576 = arith.constant 1 : i32
          %dma_start3A_577 = tpu.memref_slice %arg4[%dma_start3A_576, %add3A_570] : memref<2x320000xi32, #tpu.memory_space<hbm>> -> memref<1x80xi32, #tpu.memory_space<hbm>>
          %dma_start3A_578 = tpu.memref_squeeze %dma_start3A_577 : memref<1x80xi32, #tpu.memory_space<hbm>> -> memref<80xi32, #tpu.memory_space<hbm>>
          %dma_start3A_579 = tpu.memref_slice %arg4[%dma_start3A_576, %add3A_570] : memref<2x320000xi32, #tpu.memory_space<hbm>> -> memref<1x80xi32, #tpu.memory_space<hbm>>
          %dma_start3A_580 = tpu.memref_squeeze %dma_start3A_579 : memref<1x80xi32, #tpu.memory_space<hbm>> -> memref<80xi32, #tpu.memory_space<hbm>>
          tpu.enqueue_dma source(%dma_start3A_580 : memref<80xi32, #tpu.memory_space<hbm>>) target(%arg21 : memref<80xi32, #tpu.memory_space<vmem>>) target_semaphore(%arg56 : memref<!tpu.dma_semaphore, #tpu.memory_space<semaphore_mem>>)
        } else {
        }
        %dma_wait3A_492 = arith.constant 0 : i32
        %dma_wait3A_493 = arith.constant 0 : i32
        %dma_wait3A_494 = tpu.memref_slice %arg52[%dma_wait3A_492, %dma_wait3A_493] : memref<10000x64xf32, #tpu.memory_space<vmem_shared>> -> memref<10000x64xf32, #tpu.memory_space<vmem_shared>>
        tpu.wait_indirect_dma semaphore(%arg77 : memref<!tpu.dma_semaphore, #tpu.memory_space<semaphore_mem>>) src(%arg32 : memref<80x64xf32, #tpu.memory_space<vmem>>) dst(%dma_wait3A_494 : memref<10000x64xf32, #tpu.memory_space<vmem_shared>>)
        %dma_wait3A_495 = arith.constant 0 : i32
        %dma_wait3A_496 = arith.constant 0 : i32
        %dma_wait3A_497 = tpu.memref_slice %arg53[%dma_wait3A_495, %dma_wait3A_496] : memref<10000x16xf32, #tpu.memory_space<vmem_shared>> -> memref<10000x16xf32, #tpu.memory_space<vmem_shared>>
        tpu.wait_indirect_dma semaphore(%arg77 : memref<!tpu.dma_semaphore, #tpu.memory_space<semaphore_mem>>) src(%arg49 : memref<80x16xf32, #tpu.memory_space<vmem>>) dst(%dma_wait3A_497 : memref<10000x16xf32, #tpu.memory_space<vmem_shared>>)
        %lt3A_498 = arith.constant 24 : i32
        %lt3A_499 = arith.cmpi slt, %scan3A_197, %lt3A_498 : i32
        %convert_element_type3A_500 = arith.extui %lt3A_499 : i1 to i32
        %cond3A_501 = arith.constant 0 : i32
        %cond3A_502 = arith.cmpi ne, %convert_element_type3A_500, %cond3A_501 : i32
        scf.if %cond3A_502 {
          %add3A_569 = arith.constant 1040 : i32
          %add3A_570 = arith.addi %add3A_200, %add3A_569 : i32
          %dma_start3A_571 = arith.constant 0 : i32
          %dma_start3A_572 = tpu.memref_slice %arg4[%dma_start3A_571, %add3A_570] : memref<2x320000xi32, #tpu.memory_space<hbm>> -> memref<1x80xi32, #tpu.memory_space<hbm>>
          %dma_start3A_573 = tpu.memref_squeeze %dma_start3A_572 : memref<1x80xi32, #tpu.memory_space<hbm>> -> memref<80xi32, #tpu.memory_space<hbm>>
          %dma_start3A_574 = tpu.memref_slice %arg4[%dma_start3A_571, %add3A_570] : memref<2x320000xi32, #tpu.memory_space<hbm>> -> memref<1x80xi32, #tpu.memory_space<hbm>>
          %dma_start3A_575 = tpu.memref_squeeze %dma_start3A_574 : memref<1x80xi32, #tpu.memory_space<hbm>> -> memref<80xi32, #tpu.memory_space<hbm>>
          tpu.enqueue_dma source(%dma_start3A_575 : memref<80xi32, #tpu.memory_space<hbm>>) target(%arg12 : memref<80xi32, #tpu.memory_space<vmem>>) target_semaphore(%arg57 : memref<!tpu.dma_semaphore, #tpu.memory_space<semaphore_mem>>)
          %dma_start3A_576 = arith.constant 1 : i32
          %dma_start3A_577 = tpu.memref_slice %arg4[%dma_start3A_576, %add3A_570] : memref<2x320000xi32, #tpu.memory_space<hbm>> -> memref<1x80xi32, #tpu.memory_space<hbm>>
          %dma_start3A_578 = tpu.memref_squeeze %dma_start3A_577 : memref<1x80xi32, #tpu.memory_space<hbm>> -> memref<80xi32, #tpu.memory_space<hbm>>
          %dma_start3A_579 = tpu.memref_slice %arg4[%dma_start3A_576, %add3A_570] : memref<2x320000xi32, #tpu.memory_space<hbm>> -> memref<1x80xi32, #tpu.memory_space<hbm>>
          %dma_start3A_580 = tpu.memref_squeeze %dma_start3A_579 : memref<1x80xi32, #tpu.memory_space<hbm>> -> memref<80xi32, #tpu.memory_space<hbm>>
          tpu.enqueue_dma source(%dma_start3A_580 : memref<80xi32, #tpu.memory_space<hbm>>) target(%arg22 : memref<80xi32, #tpu.memory_space<vmem>>) target_semaphore(%arg57 : memref<!tpu.dma_semaphore, #tpu.memory_space<semaphore_mem>>)
        } else {
        }
        %dma_wait3A_503 = arith.constant 0 : i32
        %dma_wait3A_504 = arith.constant 0 : i32
        %dma_wait3A_505 = tpu.memref_slice %arg52[%dma_wait3A_503, %dma_wait3A_504] : memref<10000x64xf32, #tpu.memory_space<vmem_shared>> -> memref<10000x64xf32, #tpu.memory_space<vmem_shared>>
        tpu.wait_indirect_dma semaphore(%arg78 : memref<!tpu.dma_semaphore, #tpu.memory_space<semaphore_mem>>) src(%arg33 : memref<80x64xf32, #tpu.memory_space<vmem>>) dst(%dma_wait3A_505 : memref<10000x64xf32, #tpu.memory_space<vmem_shared>>)
        %dma_wait3A_506 = arith.constant 0 : i32
        %dma_wait3A_507 = arith.constant 0 : i32
        %dma_wait3A_508 = tpu.memref_slice %arg53[%dma_wait3A_506, %dma_wait3A_507] : memref<10000x16xf32, #tpu.memory_space<vmem_shared>> -> memref<10000x16xf32, #tpu.memory_space<vmem_shared>>
        tpu.wait_indirect_dma semaphore(%arg78 : memref<!tpu.dma_semaphore, #tpu.memory_space<semaphore_mem>>) src(%arg49 : memref<80x16xf32, #tpu.memory_space<vmem>>) dst(%dma_wait3A_508 : memref<10000x16xf32, #tpu.memory_space<vmem_shared>>)
        %lt3A_509 = arith.constant 24 : i32
        %lt3A_510 = arith.cmpi slt, %scan3A_197, %lt3A_509 : i32
        %convert_element_type3A_511 = arith.extui %lt3A_510 : i1 to i32
        %cond3A_512 = arith.constant 0 : i32
        %cond3A_513 = arith.cmpi ne, %convert_element_type3A_511, %cond3A_512 : i32
        scf.if %cond3A_513 {
          %add3A_569 = arith.constant 1120 : i32
          %add3A_570 = arith.addi %add3A_200, %add3A_569 : i32
          %dma_start3A_571 = arith.constant 0 : i32
          %dma_start3A_572 = tpu.memref_slice %arg4[%dma_start3A_571, %add3A_570] : memref<2x320000xi32, #tpu.memory_space<hbm>> -> memref<1x80xi32, #tpu.memory_space<hbm>>
          %dma_start3A_573 = tpu.memref_squeeze %dma_start3A_572 : memref<1x80xi32, #tpu.memory_space<hbm>> -> memref<80xi32, #tpu.memory_space<hbm>>
          %dma_start3A_574 = tpu.memref_slice %arg4[%dma_start3A_571, %add3A_570] : memref<2x320000xi32, #tpu.memory_space<hbm>> -> memref<1x80xi32, #tpu.memory_space<hbm>>
          %dma_start3A_575 = tpu.memref_squeeze %dma_start3A_574 : memref<1x80xi32, #tpu.memory_space<hbm>> -> memref<80xi32, #tpu.memory_space<hbm>>
          tpu.enqueue_dma source(%dma_start3A_575 : memref<80xi32, #tpu.memory_space<hbm>>) target(%arg13 : memref<80xi32, #tpu.memory_space<vmem>>) target_semaphore(%arg58 : memref<!tpu.dma_semaphore, #tpu.memory_space<semaphore_mem>>)
          %dma_start3A_576 = arith.constant 1 : i32
          %dma_start3A_577 = tpu.memref_slice %arg4[%dma_start3A_576, %add3A_570] : memref<2x320000xi32, #tpu.memory_space<hbm>> -> memref<1x80xi32, #tpu.memory_space<hbm>>
          %dma_start3A_578 = tpu.memref_squeeze %dma_start3A_577 : memref<1x80xi32, #tpu.memory_space<hbm>> -> memref<80xi32, #tpu.memory_space<hbm>>
          %dma_start3A_579 = tpu.memref_slice %arg4[%dma_start3A_576, %add3A_570] : memref<2x320000xi32, #tpu.memory_space<hbm>> -> memref<1x80xi32, #tpu.memory_space<hbm>>
          %dma_start3A_580 = tpu.memref_squeeze %dma_start3A_579 : memref<1x80xi32, #tpu.memory_space<hbm>> -> memref<80xi32, #tpu.memory_space<hbm>>
          tpu.enqueue_dma source(%dma_start3A_580 : memref<80xi32, #tpu.memory_space<hbm>>) target(%arg23 : memref<80xi32, #tpu.memory_space<vmem>>) target_semaphore(%arg58 : memref<!tpu.dma_semaphore, #tpu.memory_space<semaphore_mem>>)
        } else {
        }
        %dma_wait3A_514 = arith.constant 0 : i32
        %dma_wait3A_515 = arith.constant 0 : i32
        %dma_wait3A_516 = tpu.memref_slice %arg52[%dma_wait3A_514, %dma_wait3A_515] : memref<10000x64xf32, #tpu.memory_space<vmem_shared>> -> memref<10000x64xf32, #tpu.memory_space<vmem_shared>>
        tpu.wait_indirect_dma semaphore(%arg79 : memref<!tpu.dma_semaphore, #tpu.memory_space<semaphore_mem>>) src(%arg34 : memref<80x64xf32, #tpu.memory_space<vmem>>) dst(%dma_wait3A_516 : memref<10000x64xf32, #tpu.memory_space<vmem_shared>>)
        %dma_wait3A_517 = arith.constant 0 : i32
        %dma_wait3A_518 = arith.constant 0 : i32
        %dma_wait3A_519 = tpu.memref_slice %arg53[%dma_wait3A_517, %dma_wait3A_518] : memref<10000x16xf32, #tpu.memory_space<vmem_shared>> -> memref<10000x16xf32, #tpu.memory_space<vmem_shared>>
        tpu.wait_indirect_dma semaphore(%arg79 : memref<!tpu.dma_semaphore, #tpu.memory_space<semaphore_mem>>) src(%arg49 : memref<80x16xf32, #tpu.memory_space<vmem>>) dst(%dma_wait3A_519 : memref<10000x16xf32, #tpu.memory_space<vmem_shared>>)
        %lt3A_520 = arith.constant 24 : i32
        %lt3A_521 = arith.cmpi slt, %scan3A_197, %lt3A_520 : i32
        %convert_element_type3A_522 = arith.extui %lt3A_521 : i1 to i32
        %cond3A_523 = arith.constant 0 : i32
        %cond3A_524 = arith.cmpi ne, %convert_element_type3A_522, %cond3A_523 : i32
        scf.if %cond3A_524 {
          %add3A_569 = arith.constant 1200 : i32
          %add3A_570 = arith.addi %add3A_200, %add3A_569 : i32
          %dma_start3A_571 = arith.constant 0 : i32
          %dma_start3A_572 = tpu.memref_slice %arg4[%dma_start3A_571, %add3A_570] : memref<2x320000xi32, #tpu.memory_space<hbm>> -> memref<1x80xi32, #tpu.memory_space<hbm>>
          %dma_start3A_573 = tpu.memref_squeeze %dma_start3A_572 : memref<1x80xi32, #tpu.memory_space<hbm>> -> memref<80xi32, #tpu.memory_space<hbm>>
          %dma_start3A_574 = tpu.memref_slice %arg4[%dma_start3A_571, %add3A_570] : memref<2x320000xi32, #tpu.memory_space<hbm>> -> memref<1x80xi32, #tpu.memory_space<hbm>>
          %dma_start3A_575 = tpu.memref_squeeze %dma_start3A_574 : memref<1x80xi32, #tpu.memory_space<hbm>> -> memref<80xi32, #tpu.memory_space<hbm>>
          tpu.enqueue_dma source(%dma_start3A_575 : memref<80xi32, #tpu.memory_space<hbm>>) target(%arg14 : memref<80xi32, #tpu.memory_space<vmem>>) target_semaphore(%arg59 : memref<!tpu.dma_semaphore, #tpu.memory_space<semaphore_mem>>)
          %dma_start3A_576 = arith.constant 1 : i32
          %dma_start3A_577 = tpu.memref_slice %arg4[%dma_start3A_576, %add3A_570] : memref<2x320000xi32, #tpu.memory_space<hbm>> -> memref<1x80xi32, #tpu.memory_space<hbm>>
          %dma_start3A_578 = tpu.memref_squeeze %dma_start3A_577 : memref<1x80xi32, #tpu.memory_space<hbm>> -> memref<80xi32, #tpu.memory_space<hbm>>
          %dma_start3A_579 = tpu.memref_slice %arg4[%dma_start3A_576, %add3A_570] : memref<2x320000xi32, #tpu.memory_space<hbm>> -> memref<1x80xi32, #tpu.memory_space<hbm>>
          %dma_start3A_580 = tpu.memref_squeeze %dma_start3A_579 : memref<1x80xi32, #tpu.memory_space<hbm>> -> memref<80xi32, #tpu.memory_space<hbm>>
          tpu.enqueue_dma source(%dma_start3A_580 : memref<80xi32, #tpu.memory_space<hbm>>) target(%arg24 : memref<80xi32, #tpu.memory_space<vmem>>) target_semaphore(%arg59 : memref<!tpu.dma_semaphore, #tpu.memory_space<semaphore_mem>>)
        } else {
        }
        %dma_wait3A_525 = arith.constant 0 : i32
        %dma_wait3A_526 = arith.constant 0 : i32
        %dma_wait3A_527 = tpu.memref_slice %arg52[%dma_wait3A_525, %dma_wait3A_526] : memref<10000x64xf32, #tpu.memory_space<vmem_shared>> -> memref<10000x64xf32, #tpu.memory_space<vmem_shared>>
        tpu.wait_indirect_dma semaphore(%arg80 : memref<!tpu.dma_semaphore, #tpu.memory_space<semaphore_mem>>) src(%arg35 : memref<80x64xf32, #tpu.memory_space<vmem>>) dst(%dma_wait3A_527 : memref<10000x64xf32, #tpu.memory_space<vmem_shared>>)
        %dma_wait3A_528 = arith.constant 0 : i32
        %dma_wait3A_529 = arith.constant 0 : i32
        %dma_wait3A_530 = tpu.memref_slice %arg53[%dma_wait3A_528, %dma_wait3A_529] : memref<10000x16xf32, #tpu.memory_space<vmem_shared>> -> memref<10000x16xf32, #tpu.memory_space<vmem_shared>>
        tpu.wait_indirect_dma semaphore(%arg80 : memref<!tpu.dma_semaphore, #tpu.memory_space<semaphore_mem>>) src(%arg49 : memref<80x16xf32, #tpu.memory_space<vmem>>) dst(%dma_wait3A_530 : memref<10000x16xf32, #tpu.memory_space<vmem_shared>>)
        %lt3A_531 = arith.constant 24 : i32
        %lt3A_532 = arith.cmpi slt, %scan3A_197, %lt3A_531 : i32
        %convert_element_type3A_533 = arith.extui %lt3A_532 : i1 to i32
        %cond3A_534 = arith.constant 0 : i32
        %cond3A_535 = arith.cmpi ne, %convert_element_type3A_533, %cond3A_534 : i32
        scf.if %cond3A_535 {
          %add3A_569 = arith.constant 1280 : i32
          %add3A_570 = arith.addi %add3A_200, %add3A_569 : i32
          %dma_start3A_571 = arith.constant 0 : i32
          %dma_start3A_572 = tpu.memref_slice %arg4[%dma_start3A_571, %add3A_570] : memref<2x320000xi32, #tpu.memory_space<hbm>> -> memref<1x80xi32, #tpu.memory_space<hbm>>
          %dma_start3A_573 = tpu.memref_squeeze %dma_start3A_572 : memref<1x80xi32, #tpu.memory_space<hbm>> -> memref<80xi32, #tpu.memory_space<hbm>>
          %dma_start3A_574 = tpu.memref_slice %arg4[%dma_start3A_571, %add3A_570] : memref<2x320000xi32, #tpu.memory_space<hbm>> -> memref<1x80xi32, #tpu.memory_space<hbm>>
          %dma_start3A_575 = tpu.memref_squeeze %dma_start3A_574 : memref<1x80xi32, #tpu.memory_space<hbm>> -> memref<80xi32, #tpu.memory_space<hbm>>
          tpu.enqueue_dma source(%dma_start3A_575 : memref<80xi32, #tpu.memory_space<hbm>>) target(%arg15 : memref<80xi32, #tpu.memory_space<vmem>>) target_semaphore(%arg60 : memref<!tpu.dma_semaphore, #tpu.memory_space<semaphore_mem>>)
          %dma_start3A_576 = arith.constant 1 : i32
          %dma_start3A_577 = tpu.memref_slice %arg4[%dma_start3A_576, %add3A_570] : memref<2x320000xi32, #tpu.memory_space<hbm>> -> memref<1x80xi32, #tpu.memory_space<hbm>>
          %dma_start3A_578 = tpu.memref_squeeze %dma_start3A_577 : memref<1x80xi32, #tpu.memory_space<hbm>> -> memref<80xi32, #tpu.memory_space<hbm>>
          %dma_start3A_579 = tpu.memref_slice %arg4[%dma_start3A_576, %add3A_570] : memref<2x320000xi32, #tpu.memory_space<hbm>> -> memref<1x80xi32, #tpu.memory_space<hbm>>
          %dma_start3A_580 = tpu.memref_squeeze %dma_start3A_579 : memref<1x80xi32, #tpu.memory_space<hbm>> -> memref<80xi32, #tpu.memory_space<hbm>>
          tpu.enqueue_dma source(%dma_start3A_580 : memref<80xi32, #tpu.memory_space<hbm>>) target(%arg25 : memref<80xi32, #tpu.memory_space<vmem>>) target_semaphore(%arg60 : memref<!tpu.dma_semaphore, #tpu.memory_space<semaphore_mem>>)
        } else {
        }
        %dma_wait3A_536 = arith.constant 0 : i32
        %dma_wait3A_537 = arith.constant 0 : i32
        %dma_wait3A_538 = tpu.memref_slice %arg52[%dma_wait3A_536, %dma_wait3A_537] : memref<10000x64xf32, #tpu.memory_space<vmem_shared>> -> memref<10000x64xf32, #tpu.memory_space<vmem_shared>>
        tpu.wait_indirect_dma semaphore(%arg81 : memref<!tpu.dma_semaphore, #tpu.memory_space<semaphore_mem>>) src(%arg36 : memref<80x64xf32, #tpu.memory_space<vmem>>) dst(%dma_wait3A_538 : memref<10000x64xf32, #tpu.memory_space<vmem_shared>>)
        %dma_wait3A_539 = arith.constant 0 : i32
        %dma_wait3A_540 = arith.constant 0 : i32
        %dma_wait3A_541 = tpu.memref_slice %arg53[%dma_wait3A_539, %dma_wait3A_540] : memref<10000x16xf32, #tpu.memory_space<vmem_shared>> -> memref<10000x16xf32, #tpu.memory_space<vmem_shared>>
        tpu.wait_indirect_dma semaphore(%arg81 : memref<!tpu.dma_semaphore, #tpu.memory_space<semaphore_mem>>) src(%arg49 : memref<80x16xf32, #tpu.memory_space<vmem>>) dst(%dma_wait3A_541 : memref<10000x16xf32, #tpu.memory_space<vmem_shared>>)
        %lt3A_542 = arith.constant 24 : i32
        %lt3A_543 = arith.cmpi slt, %scan3A_197, %lt3A_542 : i32
        %convert_element_type3A_544 = arith.extui %lt3A_543 : i1 to i32
        %cond3A_545 = arith.constant 0 : i32
        %cond3A_546 = arith.cmpi ne, %convert_element_type3A_544, %cond3A_545 : i32
        scf.if %cond3A_546 {
          %add3A_569 = arith.constant 1360 : i32
          %add3A_570 = arith.addi %add3A_200, %add3A_569 : i32
          %dma_start3A_571 = arith.constant 0 : i32
          %dma_start3A_572 = tpu.memref_slice %arg4[%dma_start3A_571, %add3A_570] : memref<2x320000xi32, #tpu.memory_space<hbm>> -> memref<1x80xi32, #tpu.memory_space<hbm>>
          %dma_start3A_573 = tpu.memref_squeeze %dma_start3A_572 : memref<1x80xi32, #tpu.memory_space<hbm>> -> memref<80xi32, #tpu.memory_space<hbm>>
          %dma_start3A_574 = tpu.memref_slice %arg4[%dma_start3A_571, %add3A_570] : memref<2x320000xi32, #tpu.memory_space<hbm>> -> memref<1x80xi32, #tpu.memory_space<hbm>>
          %dma_start3A_575 = tpu.memref_squeeze %dma_start3A_574 : memref<1x80xi32, #tpu.memory_space<hbm>> -> memref<80xi32, #tpu.memory_space<hbm>>
          tpu.enqueue_dma source(%dma_start3A_575 : memref<80xi32, #tpu.memory_space<hbm>>) target(%arg16 : memref<80xi32, #tpu.memory_space<vmem>>) target_semaphore(%arg61 : memref<!tpu.dma_semaphore, #tpu.memory_space<semaphore_mem>>)
          %dma_start3A_576 = arith.constant 1 : i32
          %dma_start3A_577 = tpu.memref_slice %arg4[%dma_start3A_576, %add3A_570] : memref<2x320000xi32, #tpu.memory_space<hbm>> -> memref<1x80xi32, #tpu.memory_space<hbm>>
          %dma_start3A_578 = tpu.memref_squeeze %dma_start3A_577 : memref<1x80xi32, #tpu.memory_space<hbm>> -> memref<80xi32, #tpu.memory_space<hbm>>
          %dma_start3A_579 = tpu.memref_slice %arg4[%dma_start3A_576, %add3A_570] : memref<2x320000xi32, #tpu.memory_space<hbm>> -> memref<1x80xi32, #tpu.memory_space<hbm>>
          %dma_start3A_580 = tpu.memref_squeeze %dma_start3A_579 : memref<1x80xi32, #tpu.memory_space<hbm>> -> memref<80xi32, #tpu.memory_space<hbm>>
          tpu.enqueue_dma source(%dma_start3A_580 : memref<80xi32, #tpu.memory_space<hbm>>) target(%arg26 : memref<80xi32, #tpu.memory_space<vmem>>) target_semaphore(%arg61 : memref<!tpu.dma_semaphore, #tpu.memory_space<semaphore_mem>>)
        } else {
        }
        %dma_wait3A_547 = arith.constant 0 : i32
        %dma_wait3A_548 = arith.constant 0 : i32
        %dma_wait3A_549 = tpu.memref_slice %arg52[%dma_wait3A_547, %dma_wait3A_548] : memref<10000x64xf32, #tpu.memory_space<vmem_shared>> -> memref<10000x64xf32, #tpu.memory_space<vmem_shared>>
        tpu.wait_indirect_dma semaphore(%arg82 : memref<!tpu.dma_semaphore, #tpu.memory_space<semaphore_mem>>) src(%arg37 : memref<80x64xf32, #tpu.memory_space<vmem>>) dst(%dma_wait3A_549 : memref<10000x64xf32, #tpu.memory_space<vmem_shared>>)
        %dma_wait3A_550 = arith.constant 0 : i32
        %dma_wait3A_551 = arith.constant 0 : i32
        %dma_wait3A_552 = tpu.memref_slice %arg53[%dma_wait3A_550, %dma_wait3A_551] : memref<10000x16xf32, #tpu.memory_space<vmem_shared>> -> memref<10000x16xf32, #tpu.memory_space<vmem_shared>>
        tpu.wait_indirect_dma semaphore(%arg82 : memref<!tpu.dma_semaphore, #tpu.memory_space<semaphore_mem>>) src(%arg49 : memref<80x16xf32, #tpu.memory_space<vmem>>) dst(%dma_wait3A_552 : memref<10000x16xf32, #tpu.memory_space<vmem_shared>>)
        %lt3A_553 = arith.constant 24 : i32
        %lt3A_554 = arith.cmpi slt, %scan3A_197, %lt3A_553 : i32
        %convert_element_type3A_555 = arith.extui %lt3A_554 : i1 to i32
        %cond3A_556 = arith.constant 0 : i32
        %cond3A_557 = arith.cmpi ne, %convert_element_type3A_555, %cond3A_556 : i32
        scf.if %cond3A_557 {
          %add3A_569 = arith.constant 1440 : i32
          %add3A_570 = arith.addi %add3A_200, %add3A_569 : i32
          %dma_start3A_571 = arith.constant 0 : i32
          %dma_start3A_572 = tpu.memref_slice %arg4[%dma_start3A_571, %add3A_570] : memref<2x320000xi32, #tpu.memory_space<hbm>> -> memref<1x80xi32, #tpu.memory_space<hbm>>
          %dma_start3A_573 = tpu.memref_squeeze %dma_start3A_572 : memref<1x80xi32, #tpu.memory_space<hbm>> -> memref<80xi32, #tpu.memory_space<hbm>>
          %dma_start3A_574 = tpu.memref_slice %arg4[%dma_start3A_571, %add3A_570] : memref<2x320000xi32, #tpu.memory_space<hbm>> -> memref<1x80xi32, #tpu.memory_space<hbm>>
          %dma_start3A_575 = tpu.memref_squeeze %dma_start3A_574 : memref<1x80xi32, #tpu.memory_space<hbm>> -> memref<80xi32, #tpu.memory_space<hbm>>
          tpu.enqueue_dma source(%dma_start3A_575 : memref<80xi32, #tpu.memory_space<hbm>>) target(%arg17 : memref<80xi32, #tpu.memory_space<vmem>>) target_semaphore(%arg62 : memref<!tpu.dma_semaphore, #tpu.memory_space<semaphore_mem>>)
          %dma_start3A_576 = arith.constant 1 : i32
          %dma_start3A_577 = tpu.memref_slice %arg4[%dma_start3A_576, %add3A_570] : memref<2x320000xi32, #tpu.memory_space<hbm>> -> memref<1x80xi32, #tpu.memory_space<hbm>>
          %dma_start3A_578 = tpu.memref_squeeze %dma_start3A_577 : memref<1x80xi32, #tpu.memory_space<hbm>> -> memref<80xi32, #tpu.memory_space<hbm>>
          %dma_start3A_579 = tpu.memref_slice %arg4[%dma_start3A_576, %add3A_570] : memref<2x320000xi32, #tpu.memory_space<hbm>> -> memref<1x80xi32, #tpu.memory_space<hbm>>
          %dma_start3A_580 = tpu.memref_squeeze %dma_start3A_579 : memref<1x80xi32, #tpu.memory_space<hbm>> -> memref<80xi32, #tpu.memory_space<hbm>>
          tpu.enqueue_dma source(%dma_start3A_580 : memref<80xi32, #tpu.memory_space<hbm>>) target(%arg27 : memref<80xi32, #tpu.memory_space<vmem>>) target_semaphore(%arg62 : memref<!tpu.dma_semaphore, #tpu.memory_space<semaphore_mem>>)
        } else {
        }
        %dma_wait3A_558 = arith.constant 0 : i32
        %dma_wait3A_559 = arith.constant 0 : i32
        %dma_wait3A_560 = tpu.memref_slice %arg52[%dma_wait3A_558, %dma_wait3A_559] : memref<10000x64xf32, #tpu.memory_space<vmem_shared>> -> memref<10000x64xf32, #tpu.memory_space<vmem_shared>>
        tpu.wait_indirect_dma semaphore(%arg83 : memref<!tpu.dma_semaphore, #tpu.memory_space<semaphore_mem>>) src(%arg38 : memref<80x64xf32, #tpu.memory_space<vmem>>) dst(%dma_wait3A_560 : memref<10000x64xf32, #tpu.memory_space<vmem_shared>>)
        %dma_wait3A_561 = arith.constant 0 : i32
        %dma_wait3A_562 = arith.constant 0 : i32
        %dma_wait3A_563 = tpu.memref_slice %arg53[%dma_wait3A_561, %dma_wait3A_562] : memref<10000x16xf32, #tpu.memory_space<vmem_shared>> -> memref<10000x16xf32, #tpu.memory_space<vmem_shared>>
        tpu.wait_indirect_dma semaphore(%arg83 : memref<!tpu.dma_semaphore, #tpu.memory_space<semaphore_mem>>) src(%arg49 : memref<80x16xf32, #tpu.memory_space<vmem>>) dst(%dma_wait3A_563 : memref<10000x16xf32, #tpu.memory_space<vmem_shared>>)
        %lt3A_564 = arith.constant 24 : i32
        %lt3A_565 = arith.cmpi slt, %scan3A_197, %lt3A_564 : i32
        %convert_element_type3A_566 = arith.extui %lt3A_565 : i1 to i32
        %cond3A_567 = arith.constant 0 : i32
        %cond3A_568 = arith.cmpi ne, %convert_element_type3A_566, %cond3A_567 : i32
        scf.if %cond3A_568 {
          %add3A_569 = arith.constant 1520 : i32
          %add3A_570 = arith.addi %add3A_200, %add3A_569 : i32
          %dma_start3A_571 = arith.constant 0 : i32
          %dma_start3A_572 = tpu.memref_slice %arg4[%dma_start3A_571, %add3A_570] : memref<2x320000xi32, #tpu.memory_space<hbm>> -> memref<1x80xi32, #tpu.memory_space<hbm>>
          %dma_start3A_573 = tpu.memref_squeeze %dma_start3A_572 : memref<1x80xi32, #tpu.memory_space<hbm>> -> memref<80xi32, #tpu.memory_space<hbm>>
          %dma_start3A_574 = tpu.memref_slice %arg4[%dma_start3A_571, %add3A_570] : memref<2x320000xi32, #tpu.memory_space<hbm>> -> memref<1x80xi32, #tpu.memory_space<hbm>>
          %dma_start3A_575 = tpu.memref_squeeze %dma_start3A_574 : memref<1x80xi32, #tpu.memory_space<hbm>> -> memref<80xi32, #tpu.memory_space<hbm>>
          tpu.enqueue_dma source(%dma_start3A_575 : memref<80xi32, #tpu.memory_space<hbm>>) target(%arg18 : memref<80xi32, #tpu.memory_space<vmem>>) target_semaphore(%arg63 : memref<!tpu.dma_semaphore, #tpu.memory_space<semaphore_mem>>)
          %dma_start3A_576 = arith.constant 1 : i32
          %dma_start3A_577 = tpu.memref_slice %arg4[%dma_start3A_576, %add3A_570] : memref<2x320000xi32, #tpu.memory_space<hbm>> -> memref<1x80xi32, #tpu.memory_space<hbm>>
          %dma_start3A_578 = tpu.memref_squeeze %dma_start3A_577 : memref<1x80xi32, #tpu.memory_space<hbm>> -> memref<80xi32, #tpu.memory_space<hbm>>
          %dma_start3A_579 = tpu.memref_slice %arg4[%dma_start3A_576, %add3A_570] : memref<2x320000xi32, #tpu.memory_space<hbm>> -> memref<1x80xi32, #tpu.memory_space<hbm>>
          %dma_start3A_580 = tpu.memref_squeeze %dma_start3A_579 : memref<1x80xi32, #tpu.memory_space<hbm>> -> memref<80xi32, #tpu.memory_space<hbm>>
          tpu.enqueue_dma source(%dma_start3A_580 : memref<80xi32, #tpu.memory_space<hbm>>) target(%arg28 : memref<80xi32, #tpu.memory_space<vmem>>) target_semaphore(%arg63 : memref<!tpu.dma_semaphore, #tpu.memory_space<semaphore_mem>>)
        } else {
        }
      }
      %scan3A_196 = arith.constant 25 : i32
    } else {
    }
    %barrier3A_40 = arith.constant 0 : index
    tpu.barrier barrier_id(%barrier3A_40)
    %eq3A_41 = arith.constant 0 : i32
    %eq3A_42 = arith.cmpi eq, %arg0, %eq3A_41 : i32
    %eq3A_43 = arith.constant 0 : i32
    %eq3A_44 = arith.cmpi eq, %arg1, %eq3A_43 : i32
    %and3A = arith.andi %eq3A_42, %eq3A_44 : i1
    %convert_element_type3A_45 = arith.extui %and3A : i1 to i32
    %cond3A_46 = arith.constant 0 : i32
    %cond3A_47 = arith.cmpi ne, %convert_element_type3A_45, %cond3A_46 : i32
    scf.if %cond3A_47 {
      %run_scoped3A = arith.constant 0 : i32
      "tpu.region"() ({
        %run_scoped3A_72 = tpu.sem_alloc : memref<!tpu.dma_semaphore, #tpu.memory_space<semaphore_mem>>
        %dma_start3A = arith.constant 0 : i32
        %dma_start3A_73 = arith.constant 0 : i32
        %dma_start3A_74 = tpu.memref_slice %arg6[%run_scoped3A, %dma_start3A, %dma_start3A_73] : memref<2x10000x64xf32, #tpu.memory_space<hbm>> -> memref<1x10000x64xf32, #tpu.memory_space<hbm>>
        %dma_start3A_75 = tpu.memref_squeeze %dma_start3A_74 : memref<1x10000x64xf32, #tpu.memory_space<hbm>> -> memref<10000x64xf32, #tpu.memory_space<hbm>>
        tpu.enqueue_dma source(%arg52 : memref<10000x64xf32, #tpu.memory_space<vmem_shared>>) target(%dma_start3A_75 : memref<10000x64xf32, #tpu.memory_space<hbm>>) target_semaphore(%run_scoped3A_72 : memref<!tpu.dma_semaphore, #tpu.memory_space<semaphore_mem>>)
        %dma_wait3A = arith.constant 0 : i32
        %dma_wait3A_76 = arith.constant 0 : i32
        %dma_wait3A_77 = tpu.memref_slice %arg6[%run_scoped3A, %dma_wait3A, %dma_wait3A_76] : memref<2x10000x64xf32, #tpu.memory_space<hbm>> -> memref<1x10000x64xf32, #tpu.memory_space<hbm>>
        %dma_wait3A_78 = tpu.memref_squeeze %dma_wait3A_77 : memref<1x10000x64xf32, #tpu.memory_space<hbm>> -> memref<10000x64xf32, #tpu.memory_space<hbm>>
        tpu.wait_dma2 semaphore(%run_scoped3A_72 : memref<!tpu.dma_semaphore, #tpu.memory_space<semaphore_mem>>) src(%arg52 : memref<10000x64xf32, #tpu.memory_space<vmem_shared>>) dst(%dma_wait3A_78 : memref<10000x64xf32, #tpu.memory_space<hbm>>)
        tpu.yield
      }) : () -> ()
    } else {
    }
    %eq3A_48 = arith.constant 1 : i32
    %eq3A_49 = arith.cmpi eq, %arg0, %eq3A_48 : i32
    %eq3A_50 = arith.constant 0 : i32
    %eq3A_51 = arith.cmpi eq, %arg1, %eq3A_50 : i32
    %and3A_52 = arith.andi %eq3A_49, %eq3A_51 : i1
    %convert_element_type3A_53 = arith.extui %and3A_52 : i1 to i32
    %cond3A_54 = arith.constant 0 : i32
    %cond3A_55 = arith.cmpi ne, %convert_element_type3A_53, %cond3A_54 : i32
    scf.if %cond3A_55 {
      %run_scoped3A = arith.constant 1 : i32
      "tpu.region"() ({
        %run_scoped3A_72 = tpu.sem_alloc : memref<!tpu.dma_semaphore, #tpu.memory_space<semaphore_mem>>
        %dma_start3A = arith.constant 0 : i32
        %dma_start3A_73 = arith.constant 0 : i32
        %dma_start3A_74 = tpu.memref_slice %arg6[%run_scoped3A, %dma_start3A, %dma_start3A_73] : memref<2x10000x64xf32, #tpu.memory_space<hbm>> -> memref<1x10000x64xf32, #tpu.memory_space<hbm>>
        %dma_start3A_75 = tpu.memref_squeeze %dma_start3A_74 : memref<1x10000x64xf32, #tpu.memory_space<hbm>> -> memref<10000x64xf32, #tpu.memory_space<hbm>>
        tpu.enqueue_dma source(%arg52 : memref<10000x64xf32, #tpu.memory_space<vmem_shared>>) target(%dma_start3A_75 : memref<10000x64xf32, #tpu.memory_space<hbm>>) target_semaphore(%run_scoped3A_72 : memref<!tpu.dma_semaphore, #tpu.memory_space<semaphore_mem>>)
        %dma_wait3A = arith.constant 0 : i32
        %dma_wait3A_76 = arith.constant 0 : i32
        %dma_wait3A_77 = tpu.memref_slice %arg6[%run_scoped3A, %dma_wait3A, %dma_wait3A_76] : memref<2x10000x64xf32, #tpu.memory_space<hbm>> -> memref<1x10000x64xf32, #tpu.memory_space<hbm>>
        %dma_wait3A_78 = tpu.memref_squeeze %dma_wait3A_77 : memref<1x10000x64xf32, #tpu.memory_space<hbm>> -> memref<10000x64xf32, #tpu.memory_space<hbm>>
        tpu.wait_dma2 semaphore(%run_scoped3A_72 : memref<!tpu.dma_semaphore, #tpu.memory_space<semaphore_mem>>) src(%arg52 : memref<10000x64xf32, #tpu.memory_space<vmem_shared>>) dst(%dma_wait3A_78 : memref<10000x64xf32, #tpu.memory_space<hbm>>)
        tpu.yield
      }) : () -> ()
    } else {
    }
    %eq3A_56 = arith.constant 0 : i32
    %eq3A_57 = arith.cmpi eq, %arg0, %eq3A_56 : i32
    %eq3A_58 = arith.constant 1 : i32
    %eq3A_59 = arith.cmpi eq, %arg1, %eq3A_58 : i32
    %and3A_60 = arith.andi %eq3A_57, %eq3A_59 : i1
    %convert_element_type3A_61 = arith.extui %and3A_60 : i1 to i32
    %cond3A_62 = arith.constant 0 : i32
    %cond3A_63 = arith.cmpi ne, %convert_element_type3A_61, %cond3A_62 : i32
    scf.if %cond3A_63 {
      "tpu.region"() ({
        %run_scoped3A = tpu.sem_alloc : memref<!tpu.dma_semaphore, #tpu.memory_space<semaphore_mem>>
        tpu.enqueue_dma source(%arg53 : memref<10000x16xf32, #tpu.memory_space<vmem_shared>>) target(%arg7 : memref<10000x16xf32, #tpu.memory_space<hbm>>) target_semaphore(%run_scoped3A : memref<!tpu.dma_semaphore, #tpu.memory_space<semaphore_mem>>)
        tpu.wait_dma2 semaphore(%run_scoped3A : memref<!tpu.dma_semaphore, #tpu.memory_space<semaphore_mem>>) src(%arg53 : memref<10000x16xf32, #tpu.memory_space<vmem_shared>>) dst(%arg7 : memref<10000x16xf32, #tpu.memory_space<hbm>>)
        tpu.yield
      }) : () -> ()
    } else {
    }
    %eq3A_64 = arith.constant 1 : i32
    %eq3A_65 = arith.cmpi eq, %arg0, %eq3A_64 : i32
    %eq3A_66 = arith.constant 1 : i32
    %eq3A_67 = arith.cmpi eq, %arg1, %eq3A_66 : i32
    %and3A_68 = arith.andi %eq3A_65, %eq3A_67 : i1
    %convert_element_type3A_69 = arith.extui %and3A_68 : i1 to i32
    %cond3A_70 = arith.constant 0 : i32
    %cond3A_71 = arith.cmpi ne, %convert_element_type3A_69, %cond3A_70 : i32
    scf.if %cond3A_71 {
      "tpu.region"() ({
        %run_scoped3A = tpu.sem_alloc : memref<!tpu.dma_semaphore, #tpu.memory_space<semaphore_mem>>
        tpu.enqueue_dma source(%arg53 : memref<10000x16xf32, #tpu.memory_space<vmem_shared>>) target(%arg8 : memref<10000x16xf32, #tpu.memory_space<hbm>>) target_semaphore(%run_scoped3A : memref<!tpu.dma_semaphore, #tpu.memory_space<semaphore_mem>>)
        tpu.wait_dma2 semaphore(%run_scoped3A : memref<!tpu.dma_semaphore, #tpu.memory_space<semaphore_mem>>) src(%arg53 : memref<10000x16xf32, #tpu.memory_space<vmem_shared>>) dst(%arg8 : memref<10000x16xf32, #tpu.memory_space<hbm>>)
        tpu.yield
      }) : () -> ()
    } else {
    }
    return
  }
}

module attributes {stable_mosaic.version = 14 : i64} {
  func.func @_tc_body(%arg0: i32, %arg1: memref<2x1000x64xf32, #tpu.memory_space<vmem>>, %arg2: memref<1000x16xf32, #tpu.memory_space<vmem>>, %arg3: memref<1000x16xf32, #tpu.memory_space<vmem>>, %arg4: memref<1000x128xf32, #tpu.memory_space<vmem>>, %arg5: memref<128x128xf32, #tpu.memory_space<vmem>>, %arg6: memref<128x128xf32, #tpu.memory_space<vmem>>, %arg7: memref<16x128xf32, #tpu.memory_space<vmem>>, %arg8: memref<1x128xf32, #tpu.memory_space<vmem>>, %arg9: memref<1000x128xf32, #tpu.memory_space<vmem>>) attributes {dimension_semantics = [#tpu.dimension_semantics<arbitrary>], iteration_bounds = array<i64: 10>, scalar_prefetch = 0 : i64, scratch_operands = 0 : i64, tpu.core_type = #tpu.core_type<tc>, window_params = [{transform_indices = @transform_0, window_bounds = array<i64: 2, 1000, 64>}, {transform_indices = @transform_1, window_bounds = array<i64: 1000, 16>}, {transform_indices = @transform_2, window_bounds = array<i64: 1000, 16>}, {transform_indices = @transform_3, window_bounds = array<i64: 1000, 128>}, {pipeline_mode = #tpu.pipeline_mode<synchronous>, transform_indices = @transform_4, window_bounds = array<i64: 128, 128>}, {pipeline_mode = #tpu.pipeline_mode<synchronous>, transform_indices = @transform_5, window_bounds = array<i64: 128, 128>}, {pipeline_mode = #tpu.pipeline_mode<synchronous>, transform_indices = @transform_6, window_bounds = array<i64: 16, 128>}, {pipeline_mode = #tpu.pipeline_mode<synchronous>, transform_indices = @transform_7, window_bounds = array<i64: 1, 128>}, {transform_indices = @transform_8, window_bounds = array<i64: 1000, 128>}]} {
    %get3A = arith.constant 0 : index
    %get3A_0 = arith.constant 0 : index
    %get3A_1 = vector.load %arg3[%get3A, %get3A_0] : memref<1000x16xf32, #tpu.memory_space<vmem>>, vector<1000x1xf32>
    %get3A_2 = arith.constant 0 : index
    %get3A_3 = arith.constant 0 : index
    %get3A_4 = arith.constant 0 : index
    %get3A_5 = vector.load %arg1[%get3A_2, %get3A_3, %get3A_4] : memref<2x1000x64xf32, #tpu.memory_space<vmem>>, vector<1x1000x64xf32>
    %get3A_6 = vector.shape_cast %get3A_5 : vector<1x1000x64xf32> to vector<1000x64xf32>
    %get3A_7 = arith.constant 0 : index
    %get3A_8 = arith.constant 0 : index
    %get3A_9 = vector.load %arg5[%get3A_7, %get3A_8] : memref<128x128xf32, #tpu.memory_space<vmem>>, vector<64x128xf32>
    %dot_general3A = arith.constant dense<0.000000e+00> : vector<1000x128xf32>
    %dot_general3A_10 = tpu.matmul %get3A_6, %get3A_9, %dot_general3A {dimension_numbers = #tpu.dot_dimension_numbers<[1], [0], [0], [1], [0, 0, 1, 1], [], []>, transpose_lhs_hint = false} : vector<1000x64xf32>, vector<64x128xf32>, vector<1000x128xf32> -> vector<1000x128xf32>
    %get3A_11 = arith.constant 1 : index
    %get3A_12 = arith.constant 0 : index
    %get3A_13 = arith.constant 0 : index
    %get3A_14 = vector.load %arg1[%get3A_11, %get3A_12, %get3A_13] : memref<2x1000x64xf32, #tpu.memory_space<vmem>>, vector<1x1000x64xf32>
    %get3A_15 = vector.shape_cast %get3A_14 : vector<1x1000x64xf32> to vector<1000x64xf32>
    %get3A_16 = arith.constant 64 : index
    %get3A_17 = arith.constant 0 : index
    %get3A_18 = vector.load %arg5[%get3A_16, %get3A_17] : memref<128x128xf32, #tpu.memory_space<vmem>>, vector<64x128xf32>
    %dot_general3A_19 = arith.constant dense<0.000000e+00> : vector<1000x128xf32>
    %dot_general3A_20 = tpu.matmul %get3A_15, %get3A_18, %dot_general3A_19 {dimension_numbers = #tpu.dot_dimension_numbers<[1], [0], [0], [1], [0, 0, 1, 1], [], []>, transpose_lhs_hint = false} : vector<1000x64xf32>, vector<64x128xf32>, vector<1000x128xf32> -> vector<1000x128xf32>
    %add3A = arith.addf %dot_general3A_10, %dot_general3A_20 : vector<1000x128xf32>
    %get3A_21 = arith.constant 0 : index
    %get3A_22 = arith.constant 0 : index
    %get3A_23 = vector.load %arg2[%get3A_21, %get3A_22] : memref<1000x16xf32, #tpu.memory_space<vmem>>, vector<1000x16xf32>
    %get3A_24 = arith.constant 0 : index
    %get3A_25 = arith.constant 0 : index
    %get3A_26 = vector.load %arg7[%get3A_24, %get3A_25] : memref<16x128xf32, #tpu.memory_space<vmem>>, vector<16x128xf32>
    %dot_general3A_27 = arith.constant dense<0.000000e+00> : vector<1000x128xf32>
    %dot_general3A_28 = tpu.matmul %get3A_23, %get3A_26, %dot_general3A_27 {dimension_numbers = #tpu.dot_dimension_numbers<[1], [0], [0], [1], [0, 0, 1, 1], [], []>, transpose_lhs_hint = false} : vector<1000x16xf32>, vector<16x128xf32>, vector<1000x128xf32> -> vector<1000x128xf32>
    %add3A_29 = arith.addf %add3A, %dot_general3A_28 : vector<1000x128xf32>
    %get3A_30 = arith.constant 0 : index
    %get3A_31 = arith.constant 0 : index
    %get3A_32 = vector.load %arg4[%get3A_30, %get3A_31] : memref<1000x128xf32, #tpu.memory_space<vmem>>, vector<1000x128xf32>
    %get3A_33 = arith.constant 0 : index
    %get3A_34 = arith.constant 0 : index
    %get3A_35 = vector.load %arg6[%get3A_33, %get3A_34] : memref<128x128xf32, #tpu.memory_space<vmem>>, vector<128x128xf32>
    %dot_general3A_36 = arith.constant dense<0.000000e+00> : vector<1000x128xf32>
    %dot_general3A_37 = tpu.matmul %get3A_32, %get3A_35, %dot_general3A_36 {dimension_numbers = #tpu.dot_dimension_numbers<[1], [0], [0], [1], [0, 0, 1, 1], [], []>, transpose_lhs_hint = false} : vector<1000x128xf32>, vector<128x128xf32>, vector<1000x128xf32> -> vector<1000x128xf32>
    %get3A_38 = arith.constant 0 : index
    %get3A_39 = arith.constant 0 : index
    %get3A_40 = vector.load %arg8[%get3A_38, %get3A_39] : memref<1x128xf32, #tpu.memory_space<vmem>>, vector<1x128xf32>
    %add3A_41 = vector.broadcast %get3A_40 : vector<1x128xf32> to vector<1000x128xf32>
    %add3A_42 = arith.addf %dot_general3A_37, %add3A_41 : vector<1000x128xf32>
    %mul3A = vector.broadcast %get3A_1 : vector<1000x1xf32> to vector<1000x128xf32>
    %mul3A_43 = arith.mulf %mul3A, %add3A_42 : vector<1000x128xf32>
    %add3A_44 = arith.addf %add3A_29, %mul3A_43 : vector<1000x128xf32>
    %max3A = arith.constant 1.000000e+00 : f32
    %max3A_45 = vector.broadcast %max3A : f32 to vector<1000x1xf32>
    %max3A_46 = arith.maximumf %get3A_1, %max3A_45 : vector<1000x1xf32>
    %div3A = vector.broadcast %max3A_46 : vector<1000x1xf32> to vector<1000x128xf32>
    %div3A_47 = arith.divf %add3A_44, %div3A : vector<1000x128xf32>
    %max3A_48 = arith.constant 0.000000e+00 : f32
    %max3A_49 = vector.broadcast %max3A_48 : f32 to vector<1000x128xf32>
    %max3A_50 = arith.maximumf %div3A_47, %max3A_49 : vector<1000x128xf32>
    %swap3A = arith.constant 0 : index
    %swap3A_51 = arith.constant 0 : index
    %swap3A_52 = vector.load %arg9[%swap3A, %swap3A_51] : memref<1000x128xf32, #tpu.memory_space<vmem>>, vector<1000x128xf32>
    tpu.vector_store %arg9[%swap3A, %swap3A_51], %max3A_50 {strides = array<i32>} : memref<1000x128xf32, #tpu.memory_space<vmem>>, vector<1000x128xf32>,
    return
  }
  func.func @transform_0(%arg0: i32) -> (i32, i32, i32) {
    %c0_i32 = arith.constant 0 : i32
    %c0_i32_0 = arith.constant 0 : i32
    %c0_i32_1 = arith.constant 0 : i32
    return %c0_i32, %arg0, %c0_i32_0 : i32, i32, i32
  }
  func.func @transform_1(%arg0: i32) -> (i32, i32) {
    %c0_i32 = arith.constant 0 : i32
    %c0_i32_0 = arith.constant 0 : i32
    return %arg0, %c0_i32 : i32, i32
  }
  func.func @transform_2(%arg0: i32) -> (i32, i32) {
    %c0_i32 = arith.constant 0 : i32
    %c0_i32_0 = arith.constant 0 : i32
    return %arg0, %c0_i32 : i32, i32
  }
  func.func @transform_3(%arg0: i32) -> (i32, i32) {
    %c0_i32 = arith.constant 0 : i32
    %c0_i32_0 = arith.constant 0 : i32
    return %arg0, %c0_i32 : i32, i32
  }
  func.func @transform_4(%arg0: i32) -> (i32, i32) {
    %c0_i32 = arith.constant 0 : i32
    %c0_i32_0 = arith.constant 0 : i32
    %c0_i32_1 = arith.constant 0 : i32
    return %c0_i32, %c0_i32_0 : i32, i32
  }
  func.func @transform_5(%arg0: i32) -> (i32, i32) {
    %c0_i32 = arith.constant 0 : i32
    %c0_i32_0 = arith.constant 0 : i32
    %c0_i32_1 = arith.constant 0 : i32
    return %c0_i32, %c0_i32_0 : i32, i32
  }
  func.func @transform_6(%arg0: i32) -> (i32, i32) {
    %c0_i32 = arith.constant 0 : i32
    %c0_i32_0 = arith.constant 0 : i32
    %c0_i32_1 = arith.constant 0 : i32
    return %c0_i32, %c0_i32_0 : i32, i32
  }
  func.func @transform_7(%arg0: i32) -> (i32, i32) {
    %c0_i32 = arith.constant 0 : i32
    %c0_i32_0 = arith.constant 0 : i32
    %c0_i32_1 = arith.constant 0 : i32
    return %c0_i32, %c0_i32_0 : i32, i32
  }
  func.func @transform_8(%arg0: i32) -> (i32, i32) {
    %c0_i32 = arith.constant 0 : i32
    %c0_i32_0 = arith.constant 0 : i32
    return %arg0, %c0_i32 : i32, i32
  }
}

</mosaic_0001>

<sc_bundles>
// kernel: kernel.4.cloned.1.call-start
scs
__scs_entry_jumppad:
0x0: {  	(pc) =	sbr.rel $0x88, $3  }
0x1: {  	(tag) =	ssettag $0x0;
	lr =	simm.s32 $0x1  }
0x2: {  	[smem:$0x3F9C] =	sst lr;
	_ =	strace $0xD0000000  }
0x3: {  	_ = 	snop  }
0x4: {  	_ = 	snop  }
0x5: {  	_ = 	snop  }
0x6: {  	_ = 	snop  }
0x7: {  	_ = 	snop  }
__scs_overlays_trampoline_lowered:
0x8: {  	[smem:$0x3FAB] =	sst s0  }
0x9: {  	[smem:$0x3FAC] =	sst s1  }
0xa: {  	[smem:$0x3FAD] =	sst s2  }
0xb: {  	[smem:$0x3FAE] =	sst s3  }
0xc: {  	[smem:$0x3FAF] =	sst s4  }
0xd: {  	[smem:$0x3FB0] =	sst s5  }
0xe: {  	[smem:$0x3FB1] =	sst s6  }
0xf: {  	[smem:$0x3FB2] =	sst s7  }
0x10: {  	[smem:$0x3FB3] =	sst s8  }
0x11: {  	[smem:$0x3FB4] =	sst s9;
	s0 =	simm.s32 @!p0 $0x0  }
0x12: {  	s1 =	sld [smem:$0x3F9A];
	s0 =	simm.s32 @p0 $0x1  }
0x13: {  	[smem:$0x3FB5] =	sst s0;
	s0 =	simm.s32 @!p1 $0x0  }
0x14: {  	s2 =	sld [smem:$0x3F99];
	s0 =	simm.s32 @p1 $0x1  }
0x15: {  	[smem:$0x3FB6] =	sst s0;
	s0 =	simm.s32 @!p2 $0x0  }
0x16: {  	s3 =	sld [smem:$0x3FDB];
	s0 =	simm.s32 @p2 $0x1  }
0x17: {  	s4 =	simm.s32 $0x1BF5;
	[smem:$0x3FB8] =	sst s0  }
0x18: {  	s0 =	sld [smem:$0x3F9B];
	_ =	swait.ge [sflag:s4], $0x0  }
0x19: {  	s7 =	sld [smem:$0x3F9C]  }
0x1a: {  	s8 =	sadd.s32 $0xFFFFE003, lr  }
0x1b: {  	s9 =	sadd.s32 $0xFFFFFEF7, lr;
	s5 =	simm.s32 $0xFFFFFFFF;
	p2 =	slt.u32 s8, $0xFFFFF086  }
0x1c: {  	p1 =	slt.u32 s9, $0xF7A;
	s5 =	simm.s32 @!p2 $0x0  }
0x1d: {  	s5 =	simm.s32 @p1 $0x1;
	p0 =	seq.s32 s7, s2  }
0x1e: {  	s7 =	smul.u32 @!p0 $0xF7A, s2;
	p2 =	seq.s32 @!p0 s5, $0x0  }
0x1f: {  	s9 =	smul.u32 $0xF7A, s1;
	s8 =	simm.s32 @!p0 $0x1BF5;
	p2 =	por !p2, p0  }
0x20: {  	[sflag:s8] =	ssyncset.s32 @!p0 $0xFFFFF086;
	s6 =	sadd.s32 @!p0 s3, s7;
	s7 =	simm.s32 @!p0 $0x108  }
0x21: {  	s3 =	sadd.s32 s3, s9;
	s6 =	sadd.s32 @!p0 $0x88, s6;
	s7 =	simm.s32 @p2 $0x1082  }
0x22: {  	[simem:s7], [sflag:s8] =	dma.local @!p0 [hbm:s6], $0xF7A  }
0x23: {  	s9 =	sor.u32 $0xD0000000, s2;
	s6 =	simm.s32 $0x108;
	_ =	swait.ge @!p0 [sflag:s8], $0x0  }
0x24: {  	s3 =	sadd.s32 $0x88, s3;
	s6 =	simm.s32 @!p1 $0x1082;
	[sflag:s4] =	ssyncset.s32 $0xFFFFF086  }
0x25: {  	[simem:s6], [sflag:s4] =	dma.local [hbm:s3], $0xF7A  }
0x26: {  	[smem:$0x3F9C] =	sst s1;
	(tag) =	ssettag s2;
	_ =	strace s9  }
0x27: {  	s1 =	sld [smem:$0x3FAC]  }
0x28: {  	s2 =	sld [smem:$0x3FAD]  }
0x29: {  	s4 =	sld [smem:$0x3FAF]  }
0x2a: {  	p0 =	seq.s32 s5, $0x0;
	s5 =	sld [smem:$0x3FB0]  }
0x2b: {  	s6 =	sld [smem:$0x3FB1]  }
0x2c: {  	s7 =	sld [smem:$0x3FB2]  }
0x2d: {  	s3 =	simm.s32 $0x108;
	s8 =	sld [smem:$0x3FB3]  }
0x2e: {  	s3 =	simm.s32 @!p0 $0x1082;
	s9 =	sld [smem:$0x3FB4]  }
0x2f: {  	lr =	sadd.s32 s0, s3;
	s0 =	sld [smem:$0x3FAB]  }
0x30: {  	s3 =	sld [smem:$0x3FAE]  }
0x31: {  	[smem:$0x3FB7] =	sst s10  }
0x32: {  	s10 =	sld [smem:$0x3FB5];
	_ =	sdelay $0x3  }
0x33: {  	p0 =	seq.s32 s10, $0x1;
	s10 =	sld [smem:$0x3FB7];
	_ =	sdelay $0x3  }
0x34: {  	[smem:$0x3FB7] =	sst s10  }
0x35: {  	s10 =	sld [smem:$0x3FB6];
	_ =	sdelay $0x3  }
0x36: {  	p1 =	seq.s32 s10, $0x1;
	s10 =	sld [smem:$0x3FB7];
	_ =	sdelay $0x3  }
0x37: {  	[smem:$0x3FB7] =	sst s10  }
0x38: {  	s10 =	sld [smem:$0x3FB8]  }
0x39: {  	_ = 	snop;
	(pc) =	sbr.ind lr, $3  }
0x3a: {  	_ = 	snop  }
0x3b: {  	_ = 	snop  }
0x3c: {  	p2 =	seq.s32 s10, $0x1;
	s10 =	sld [smem:$0x3FB7]  }
0x3d: {  	_ =	shalt  }
0x3e: {  	_ =	shalt  }
0x3f: {  	_ =	shalt  }
0x40: {  	_ =	shalt  }
0x41: {  	_ =	shalt  }
0x42: {  	_ =	shalt  }
0x43: {  	_ =	shalt  }
0x44: {  	_ =	shalt  }
0x45: {  	_ =	shalt  }
0x46: {  	_ =	shalt  }
0x47: {  	_ =	shalt  }
0x48: {  	_ =	shalt  }
0x49: {  	_ =	shalt  }
0x4a: {  	_ =	shalt  }
0x4b: {  	_ =	shalt  }
0x4c: {  	_ =	shalt  }
0x4d: {  	_ =	shalt  }
0x4e: {  	_ =	shalt  }
0x4f: {  	_ =	shalt  }
0x50: {  	_ =	shalt  }
0x51: {  	_ =	shalt  }
0x52: {  	_ =	shalt  }
0x53: {  	_ =	shalt  }
0x54: {  	_ =	shalt  }
0x55: {  	_ =	shalt  }
0x56: {  	_ =	shalt  }
0x57: {  	_ =	shalt  }
0x58: {  	_ =	shalt  }
0x59: {  	_ =	shalt  }
0x5a: {  	_ =	shalt  }
0x5b: {  	_ =	shalt  }
0x5c: {  	_ =	shalt  }
0x5d: {  	_ =	shalt  }
0x5e: {  	_ =	shalt  }
0x5f: {  	_ =	shalt  }
0x60: {  	_ =	shalt  }
0x61: {  	_ =	shalt  }
0x62: {  	_ =	shalt  }
0x63: {  	_ =	shalt  }
0x64: {  	_ =	shalt  }
0x65: {  	_ =	shalt  }
0x66: {  	_ =	shalt  }
0x67: {  	_ =	shalt  }
0x68: {  	_ =	shalt  }
0x69: {  	_ =	shalt  }
0x6a: {  	_ =	shalt  }
0x6b: {  	_ =	shalt  }
0x6c: {  	_ =	shalt  }
0x6d: {  	_ =	shalt  }
0x6e: {  	_ =	shalt  }
0x6f: {  	_ =	shalt  }
0x70: {  	_ =	shalt  }
0x71: {  	_ =	shalt  }
0x72: {  	_ =	shalt  }
0x73: {  	_ =	shalt  }
0x74: {  	_ =	shalt  }
0x75: {  	_ =	shalt  }
0x76: {  	_ =	shalt  }
0x77: {  	_ =	shalt  }
0x78: {  	_ =	shalt  }
0x79: {  	_ =	shalt  }
0x7a: {  	_ =	shalt  }
0x7b: {  	_ =	shalt  }
0x7c: {  	_ =	shalt  }
0x7d: {  	_ =	shalt  }
0x7e: {  	_ =	shalt  }
0x7f: {  	_ =	shalt  }
0x80: {  	_ =	shalt  }
0x81: {  	_ =	shalt  }
0x82: {  	_ =	shalt  }
0x83: {  	_ =	shalt  }
0x84: {  	_ =	shalt  }
0x85: {  	_ =	shalt  }
0x86: {  	_ =	shalt  }
0x87: {  	_ =	shalt  }
.Lfunc_end0:
.L_simem_size_0:
called_computation_lowered:
.L_overlay_start_0:
0x88: {  	s2 =	sld [smem:$0x3FD9]  }
0x89: {  	s3 =	sld [smem:$0x3FFE];
	_ =	sdelay $0x1  }
0x8a: {  	s1 =	srdreg.scid  }
0x8b: {  	s0 =	sand.u32 $0x1, s1  }
0x8c: {  	s17 =	sshll.u32 s0, $0xA;
	s2 =	sadd.s32 s3, s2  }
0x8d: {  	s2 =	sadd.s32 s2, s17  }
0x8e: {  	[smem:$0x3FC3] =	sst s2  }
0x8f: {  	_ = 	snop  }
0x90: {  	s2 =	sld [smem:$0x3FD0];
	(tm) =	ssettm $0x1  }
0x91: {  	s18 =	sld [smem:$0x3FFB];
	_ =	sdelay $0x3  }
0x92: {  	_ =	strace s18  }
0x93: {  	s3 =	sld [smem:$0x3FFC];
	_ =	sdelay $0x3  }
0x94: {  	_ =	strace s3  }
0x95: {  	s3 =	sld [smem:$0x3FFD];
	_ =	sdelay $0x3  }
0x96: {  	_ =	strace s3  }
0x97: {  	_ =	strace $0x8FFFFFFF  }
0x98: {  	s19 =	sld [smem:$0x3FDB];
	_ =	sdelay $0x1  }
0x99: {  	s4 =	simm.s32 $_scs_section_size  }
0x9a: {  	s5 =	simm.s32 $_size__tile_overlayer_lowered;
	s6 =	simm.s32 $_tile_overlayer_lowered  }
0x9b: {  	s22 =	simm.s32 $0x1BFF;
	s21 =	sshll.u32 s6, $0x1;
	s3 =	sadd.s32 s4, s19  }
0x9c: {  	s7 =	simm.s32 $0x0;
	s20 =	sshll.u32 s5, $0x1;
	s5 =	sadd.s32 s21, s3  }
0x9d: {  	[timem:s7], [sflag:s22] =	dma.local [hbm:s5], s20  }
0x9e: {  	_ =	swait.ge [sflag:s22], s20  }
0x9f: {  	s4 =	ssub.s32 $0x0, s20;
	[sflag:s22] =	ssyncset.done $0x0  }
0xa0: {  	[sflag:s22] =	ssyncadd.s32 s4;
	_ =	sdelay $0x1  }
0xa1: {  	s23 =	simm.s32 $0x1B8B  }
0xa2: {  	_ =	swait.ge [sflag:s23], $0x1  }
0xa3: {  	[sflag:s23] =	ssyncset.done $0x0  }
0xa4: {  	s25 =	simm.s32 $0x1B8E;
	s24 =	sld [smem:$0x3FFE];
	[sflag:s23] =	ssyncadd.s32 $0xFFFFFFFF  }
0xa5: {  	s26 =	simm.s32 $execute0_lowered;
	[smem:$0x3FD2] =	sst s25  }
0xa6: {  	s5 =	sshll.u32 s26, $0x1;
	_ =	strace $0x80000046;
	[dreg:$0x1] =	wrdreg $0xFFFFFFFF  }
0xa7: {  	s28 =	simm.s32 $_size_execute0_lowered;
	s3 =	sadd.s32 s3, s5;
	[dreg:$0x0] =	wrdreg $0x0  }
0xa8: {  	s5 =	sshll.u32 s28, $0x1;
	[dreg:$0x2] =	wrdreg s3  }
0xa9: {  	[dreg:$0x3] =	wrdreg s5  }
0xaa: {  	[dreg:$0x4] =	wrdreg $0xC0  }
0xab: {  	_ =	task [dreg:s7], $0x5FFFF  }
0xac: {  	[dreg:$0x1] =	wrdreg $0xFFFFFFFF  }
0xad: {  	[dreg:$0x0] =	wrdreg $0x60  }
0xae: {  	[dreg:$0x2] =	wrdreg s24  }
0xaf: {  	[dreg:$0x3] =	wrdreg s2  }
0xb0: {  	[dreg:$0x4] =	wrdreg $0x12C500  }
0xb1: {  	[dreg:$0x5] =	wrdreg $0x1C8900  }
0xb2: {  	[dreg:$0x6] =	wrdreg $0x9  }
0xb3: {  	_ =	task.clear_ibuf [dreg:s7], $0x7FFFF;
	_ =	strace $0x90000046  }
0xb4: {  	s29 =	simm.s32 $0x9;
	_ =	strace $0x80000048  }
0xb5: {  	_ =	swait.ge [sflag:s29], $0x1  }
0xb6: {  	[sflag:s29] =	ssyncadd.s32 $0xFFFFFFFF  }
0xb7: {  	_ =	strace $0x90000048  }
0xb8: {  	_ =	sfence  }
0xb9: {  	s30 =	sld [smem:$0x0];
	_ =	sdelay $0x2  }
0xba: {  	s31 =	sshll.u32 s1, $0xD;
	s1 =	sshrl.u32 s1, $0x2  }
0xbb: {  	s3 =	sand.u32 $0x4000, s31;
	s1 =	sadd.s32 s1, s30  }
0xbc: {  	s0 =	sor.u32 s3, s0;
	s1 =	sshll.u32 s1, $0x11  }
0xbd: {  	s0 =	sor.u32 s1, s0  }
0xbe: {  	s0 =	sadd.s32 $0x8F2B, s0  }
0xbf: {  	[sflag:s0] =	ssyncadd.remote.s32 $0x1  }
0xc0: {  	_ =	sfence.sel $0xFFFF  }
0xc1: {  	[dreg:$0x0] =	wrdreg $0xFFFFFFFF;
	(pc) =	sbr.abs _section_cstart, $3  }
0xc2: {  	[dreg:$0x1] =	wrdreg $0xFFFFFFFF  }
0xc3: {  	_ =	task.clear_ibuf [dreg:s7], $0x2FFFF;
	_ =	strace $0x9FFFFFFF  }
0xc4: {  	(tm) =	ssettm $0x7FFFFFFF  }
0xc5: {  	_ =	shalt  }
tec
execute0_lowered:
.L_overlay_start_1:
0x0: {  	(tag) =	ssettag $0x1  }
0x1: {  	s1 =	rddreg [dreg:$0x0]  }
0x2: {  	s20 =	rddreg [dreg:$0x1];
	s0 =	srdreg.scid  }
0x3: {  	s25 =	stileid.u32;
	s2 =	simm.s32 $0x0;
	s16 =	rddreg [dreg:$0x3]  }
0x4: {  	s31 =	simm.s32 $0x4B0;
	s29 =	simm.s32 $0xA;
	s3 =	sand.u32 $0x1, s0  }
0x5: {  	s4 =	smul.u32 $0x4E20, s25;
	[smem:$0x7FF] =	sst s2;
	s5 =	sadd.s32 $0x29400, s1  }
0x6: {  	s15 =	smul.u32 $0x9C4, s25;
	s17 =	sadd.s32 $0x15A00, s1;
	p5 =	seq.s32 s25, $0x0  }
0x7: {  	s0 =	ssub.s32 $0x2, s3;
	p4 =	seq.s32 s3, $0x0;
	p0 =	seq.s32 s3, $0x1  }
0x8: {  	s30 =	sor.u32 s25, s3;
	p1 =	sne.s32 s3, $0x0;
	s6 =	sshrl.u32 s0, $0x1  }
0x9: {  	s7 =	sshrl.u32 s4, $0x3;
	s8 =	sadd.s32 $0x50, s4;
	s11 =	sadd.s32 $0x140, s4  }
0xa: {  	s2 =	simm.s32 @!p1 $0x0;
	p2 =	sne.s32 s30, $0x0;
	p5 =	por !p5, !p0  }
0xb: {  	s0 =	ssub.s32 s0, s6;
	s21 =	sadd.s32 s5, s7;
	s18 =	sshrl.u32 s8, $0x3  }
0xc: {  	s7 =	sadd.s32 $0xF0, s4;
	s22 =	sshrl.u32 s11, $0x3;
	s2 =	simm.s32 @p1 $0x1  }
0xd: {  	s30 =	sshll.u32 s11, $0x1;
	s11 =	smul.u32 $0x9C40, s25;
	p1 =	seq.s32 s25, $0x1  }
0xe: {  	s6 =	sadd.s32 s5, s18;
	s10 =	sshrl.u32 s7, $0x3;
	[smem:$0x7EB] =	sst s2  }
0xf: {  	s18 =	sadd.s32 $0x2000, s1;
	[dreg:$0x6] =	wrdreg s6;
	s6 =	sadd.s32 $0xA0, s4  }
0x10: {  	s2 =	smul.u32 $0x27100, s25;
	s19 =	sadd.s32 s5, s10;
	s9 =	sshrl.u32 s6, $0x3  }
0x11: {  	p6 =	por !p4, !p1;
	[dreg:$0x8] =	wrdreg s19;
	s9 =	sadd.s32 s5, s9  }
0x12: {  	p4 =	por !p5, !p5;
	[dreg:$0x7] =	wrdreg s9;
	s9 =	sadd.s32 s5, s22  }
0x13: {  	s10 =	sadd.s32 $0x1E0, s4;
	[dreg:$0x9] =	wrdreg s9;
	s9 =	sadd.s32 $0x190, s4  }
0x14: {  	s13 =	sshrl.u32 s10, $0x3;
	s19 =	sadd.s32 $0x230, s4;
	s12 =	sshrl.u32 s9, $0x3  }
0x15: {  	s6 =	sshll.u32 s6, $0x1;
	s24 =	sshrl.u32 s19, $0x3;
	s12 =	sadd.s32 s5, s12  }
0x16: {  	s23 =	sadd.s32 s5, s13;
	[dreg:$0xa] =	wrdreg s12;
	s12 =	sadd.s32 s5, s24  }
0x17: {  	[dreg:$0xc] =	wrdreg s12;
	s12 =	sadd.s32 $0x280, s4;
	s4 =	sadd.s32 $0x2D0, s4  }
0x18: {  	[dreg:$0xb] =	wrdreg s23;
	s26 =	sshrl.u32 s12, $0x3;
	s14 =	sshrl.u32 s4, $0x3  }
0x19: {  	s13 =	sadd.s32 s5, s26;
	s28 =	sadd.s32 s5, s14;
	s14 =	rddreg [dreg:$0x2]  }
0x1a: {  	s23 =	sshll.u32 s8, $0x1;
	s24 =	sadd.s32 s15, s5;
	[dreg:$0xd] =	wrdreg s13  }
0x1b: {  	s15 =	sadd.s32 $0x41E00, s1;
	s5 =	sadd.s32 $0x50B400, s1;
	[dreg:$0xe] =	wrdreg s28  }
0x1c: {  	s1 =	sadd.s32 $0x3CE00, s1;
	_ =	strace $0x80000047;
	[dreg:$0xf] =	wrdreg s15  }
0x1d: {  	s22 =	sshrl.u32 s2, $0x2;
	s3 =	sadd.s32 s5, s23;
	[dreg:$0x10] =	wrdreg s1  }
0x1e: {  	s2 =	sshll.u32 s9, $0x1;
	s26 =	sadd.s32 s5, s6;
	[dreg:$0x11] =	wrdreg s3  }
0x1f: {  	s4 =	sshll.u32 s4, $0x1;
	s6 =	sadd.s32 s5, s2;
	[dreg:$0x12] =	wrdreg s26  }
0x20: {  	p6 =	por !p6, !p6;
	s13 =	sadd.s32 s5, s4;
	[dreg:$0x15] =	wrdreg s6  }
0x21: {  	s0 =	smax.u32 s0, $0x1;
	p5 =	por !p6, p4;
	[dreg:$0x19] =	wrdreg s13  }
0x22: {  	s28 =	sshll.u32 s7, $0x1;
	s7 =	sshll.u32 s10, $0x1;
	[smem:$0x7F1] =	sst s0  }
0x23: {  	s10 =	sshll.u32 s12, $0x1;
	s3 =	sadd.s32 s5, s28;
	[dreg:$0x5] =	wrdreg s21  }
0x24: {  	s9 =	smul.u32 $0x271, s25;
	s12 =	sadd.s32 s5, s10;
	[dreg:$0x13] =	wrdreg s3  }
0x25: {  	s8 =	sshll.u32 s19, $0x1;
	s1 =	sadd.s32 s22, s14;
	[dreg:$0x18] =	wrdreg s12  }
0x26: {  	s19 =	sadd.s32 $0x7D, s9;
	s10 =	sadd.s32 $0x9C4A, s21;
	[dreg:$0x1b] =	wrdreg s1  }
0x27: {  	s23 =	sshll.u32 s19, $0x6;
	s13 =	sadd.s32 $0x9C68, s21;
	[smem:$0x7F3] =	sst s10  }
0x28: {  	s26 =	sshll.u32 s19, $0x4;
	s19 =	sadd.s32 $0x9C7C, s21;
	[smem:$0x7F6] =	sst s13  }
0x29: {  	s15 =	sshrl.u32 s11, $0x2;
	s3 =	sadd.s32 s5, s30;
	[smem:$0x7F8] =	sst s19  }
0x2a: {  	s28 =	sadd.s32 $0xFA, s9;
	s22 =	sadd.s32 s15, s16;
	[dreg:$0x14] =	wrdreg s3  }
0x2b: {  	s6 =	sadd.s32 $0x1F4, s9;
	s1 =	sadd.s32 s23, s14;
	[dreg:$0x1c] =	wrdreg s22  }
0x2c: {  	s0 =	simm.s32 $0x320;
	s12 =	sadd.s32 $0x9C5E, s21;
	[dreg:$0x1d] =	wrdreg s1  }
0x2d: {  	s30 =	sshll.u32 s28, $0x6;
	s15 =	sadd.s32 $0x9C72, s21;
	[smem:$0x7F5] =	sst s12  }
0x2e: {  	s23 =	sadd.s32 $0x9C90, s21;
	s13 =	simm.s32 $0x500;
	[smem:$0x7F7] =	sst s15  }
0x2f: {  	s10 =	simm.s32 $0x1;
	s3 =	sadd.s32 s5, s7;
	[smem:$0x7FA] =	sst s23  }
0x30: {  	s1 =	sadd.s32 s26, s16;
	s7 =	sshll.u32 s6, $0x6;
	[dreg:$0x16] =	wrdreg s3  }
0x31: {  	s22 =	sadd.s32 $0x9C86, s21;
	s26 =	sadd.s32 $0x9C9A, s21;
	[dreg:$0x1e] =	wrdreg s1  }
0x32: {  	s23 =	simm.s32 $0x50;
	s15 =	simm.s32 $0x370;
	[smem:$0x7F9] =	sst s22  }
0x33: {  	s3 =	sadd.s32 s5, s8;
	s5 =	sadd.s32 s5, s11;
	[smem:$0x7FB] =	sst s26  }
0x34: {  	s1 =	sadd.s32 s30, s14;
	s8 =	sshll.u32 s6, $0x4;
	[dreg:$0x17] =	wrdreg s3  }
0x35: {  	s11 =	sadd.s32 $0x9C54, s21;
	s22 =	simm.s32 $0x460;
	[dreg:$0x1f] =	wrdreg s1  }
0x36: {  	s26 =	simm.s32 $0x5F0;
	s3 =	sshll.u32 s28, $0x4;
	[smem:$0x7F4] =	sst s11  }
0x37: {  	s28 =	sadd.s32 $0x13880, s20;
	[dreg:$0x1a] =	wrdreg s5;
	s30 =	sadd.s32 $0xBE0, s5  }
0x38: {  	s5 =	simm.s32 $0x3C0;
	s2 =	sadd.s32 s3, s16;
	[smem:$0x7FC] =	sst s28  }
0x39: {  	s3 =	sadd.s32 $0x177, s9;
	s9 =	sadd.s32 $0x9C40, s21;
	[smem:$0x7FD] =	sst s30  }
0x3a: {  	[smem:$0x7EC] =	sst s2;
	s4 =	sshll.u32 s3, $0x6;
	s1 =	sshll.u32 s3, $0x4  }
.Ltmp0:
0x3b: {  	[smem:$0x7F2] =	sst s9;
	s3 =	sadd.s32 s4, s14;
	(pc) =	sbr.rel .LBB2_1-.Ltmp0, $4  }
0x3c: {  	s11 =	simm.s32 $0x550;
	s1 =	sadd.s32 s1, s16;
	[smem:$0x7ED] =	sst s3  }
0x3d: {  	s2 =	simm.s32 $0x0;
	[smem:$0x7EE] =	sst s1;
	s1 =	sadd.s32 s7, s14  }
0x3e: {  	s4 =	simm.s32 $0xF640;
	[smem:$0x7EF] =	sst s1;
	s1 =	sadd.s32 s8, s16  }
0x3f: {  	v0 =	vimm.f32 $1.000000000e+00;
	v1 =	vimm.f32 $0.0e+00;
	s8 =	simm.s32 $0x410;
	[smem:$0x7F0] =	sst s1;
	s1 =	simm.s32 $0x9  }
.LBB2_14:
0x40: {  	s3 =	simm.s32 $0x1E  }
0x41: {  	_ =	swait.ge [sflag:s3], $0x1400  }
0x42: {  	[sflag:s3] =	ssyncset.done $0x0  }
0x43: {  	[sflag:s3] =	ssyncadd.s32 $0xFFFFEC00  }
0x44: {  	_ =	swait.ge [sflag:s3], $0x500  }
0x45: {  	s24 =	smov.u32 s2;
	s4 =	simm.s32 $0xF640;
	[sflag:s3] =	ssyncset.done $0x0  }
0x46: {  	s25 =	stileid.u32;
	s2 =	sld [smem:$0x7EA];
	[sflag:s3] =	ssyncadd.s32 $0xFFFFFB00  }
.LBB2_15:
0x47: {  	s3 =	sshll.u32 @!p2 s25, $0x6;
	[bflag:$0x0] =	sbarrier.arrive $0xFFFF  }
0x48: {  	s6 =	sshrl.u32 @!p2 s14, $0x3;
	s3 =	sor.u32 @!p2 $0x1C1F, s3;
	s7 =	rddreg [dreg:$0x1]  }
0x49: {  	[hbm:s7], [sflag:s3] =	dma.local @!p2 [spmem:s6], $0x13880  }
0x4a: {  	p6 =	por @!p5 $0x1, $0x1;
	p3 =	por p1, p1;
	s3 =	simm.s32 @!p2 $0x1F  }
0x4b: {  	p3 =	por @!p5 p6, p6;
	_ =	swait.ge @!p2 [sflag:s3], $0x13880  }
0x4c: {  	s6 =	simm.s32 @!p5 $0x1C5F;
	p3 =	por @!p4 !p3, !p0;
	[sflag:s3] =	ssyncset.done @!p2 $0x0  }
0x4d: {  	s7 =	rddreg [dreg:$0xf];
	[sflag:s3] =	ssyncadd.s32 @!p2 $0xFFFEC780;
	s3 =	sshrl.u32 @!p5 s16, $0x3  }
0x4e: {  	[hbm:s7], [sflag:s6] =	dma.local @!p5 [spmem:s3], $0x4E20  }
0x4f: {  	p3 =	por @!p4 !p3, !p3;
	s3 =	simm.s32 @!p5 $0x1F  }
0x50: {  	p3 =	por !p3, p4;
	_ =	swait.ge @!p5 [sflag:s3], $0x4E20  }
0x51: {  	s6 =	sshll.u32 @!p3 s25, $0x6;
	[sflag:s3] =	ssyncset.done @!p5 $0x0;
	s7 =	rddreg [dreg:$0x10]  }
0x52: {  	[sflag:s3] =	ssyncadd.s32 @!p5 $0xFFFFB1E0;
	s3 =	sor.u32 @!p3 $0x1C1F, s6;
	s6 =	sshrl.u32 @!p3 s16, $0x3  }
0x53: {  	[hbm:s7], [sflag:s3] =	dma.local @!p3 [spmem:s6], $0x4E20  }
0x54: {  	s3 =	simm.s32 @!p3 $0x1F  }
0x55: {  	_ =	swait.ge @!p3 [sflag:s3], $0x4E20  }
0x56: {  	s7 =	sld [smem:$0x7FC]  }
0x57: {  	[sflag:s3] =	ssyncset.done @!p3 $0x0  }
0x58: {  	s6 =	simm.s32 @p4 $0x1C1F;
	[sflag:s3] =	ssyncadd.s32 @!p3 $0xFFFFB1E0;
	s3 =	sshrl.u32 @p4 s14, $0x3  }
0x59: {  	[hbm:s7], [sflag:s6] =	dma.local @p4 [spmem:s3], $0x13880  }
0x5a: {  	s3 =	simm.s32 @p4 $0x1F  }
0x5b: {  	_ =	swait.ge @p4 [sflag:s3], $0x13880  }
0x5c: {  	s30 =	sld [smem:$0x7F1];
	_ =	sdelay $0x1  }
0x5d: {  	s2 =	sadd.s32 $0x1, s2  }
0x5e: {  	p3 =	sne.s32 s2, s30  }
.Ltmp1:
0x5f: {  	_ = 	snop;
	(pc) =	sbr.rel @!p3 .LBB2_16-.Ltmp1, $3  }
0x60: {  	_ =	sdelay $0x1  }
0x61: {  	[sflag:s3] =	ssyncset.done @p4 $0x0  }
0x62: {  	[sflag:s3] =	ssyncadd.s32 @p4 $0xFFFEC780  }
.LBB2_1:
0x63: {  	s3 =	simm.s32 $0x0  }
.LBB2_2:
0x64: {  	p6 =	sne.s32 s3, $0x13C0  }
.Ltmp2:
0x65: {  	_ = 	snop;
	(pc) =	sbr.rel @p6 .LBB2_2-.Ltmp2, $3  }
0x66: {  	_ =	sdelay $0x1  }
0x67: {  	s6 =	sshra.s32 s3, $0x2  }
0x68: {  	s3 =	sadd.s32 $0x40, s3;
	[tilespmem:s6+$0x10040] =	vst v0  }
0x69: {  	s3 =	simm.s32 $0x10560  }
0x6a: {  	[tilespmem:s3+$0x0] =	vst v1  }
0x6b: {  	[tilespmem:s3+$0xFFFFFFE0] =	vst v1  }
0x6c: {  	[tilespmem:s3+$0x10] =	vst v1  }
0x6d: {  	s6 =	simm.s32 $0x40;
	s7 =	simm.s32 $0x0;
	[tilespmem:s3+$0xFFFFFFF0] =	vst v1  }
.LBB2_4:
0x6e: {  	p6 =	sne.s32 s6, $0x1F00  }
0x6f: {  	[tilespmem:s7+$0x12480] =	vst v1;
	s3 =	sadd.s32 $0x40, s3;
	s7 =	smov.u32 s6;
	s6 =	sadd.s32 $0x40, s6  }
.Ltmp3:
0x70: {  	[tilespmem:s3+$0x0] =	vst v1;
	(pc) =	sbr.rel @p6 .LBB2_4-.Ltmp3, $4  }
0x71: {  	_ = 	snop  }
0x72: {  	[tilespmem:s3+$0xFFFFFFE0] =	vst v1  }
0x73: {  	[tilespmem:s3+$0x10] =	vst v1  }
0x74: {  	s7 =	sshra.s32 s7, $0x2;
	[tilespmem:s3+$0xFFFFFFF0] =	vst v1  }
0x75: {  	[tilespmem:s7+$0x12480] =	vst v1;
	s3 =	rddreg [dreg:$0x1b];
	s6 =	simm.s32 $0x10540;
	s7 =	simm.s32 $0x1F  }
0x76: {  	[spmem:s3] =	stream.linear.scatter [tilespmem:s6], [sflag:$0x1F], $0x1F40, $0x38;
	[tilespmem:$0x1EFA0] =	vst v63  }
0x77: {  	_ =	swait.ge [sflag:s7], $0x1F40  }
0x78: {  	[sflag:s7] =	ssyncset.done $0x0  }
0x79: {  	s19 =	simm.s32 $0x12480;
	s20 =	rddreg [dreg:$0x1c];
	[sflag:s7] =	ssyncadd.s32 $0xFFFFE0C0  }
0x7a: {  	[spmem:s20] =	stream.linear.scatter [tilespmem:s19], [sflag:$0x1F], $0x7D0, $0x38;
	[tilespmem:$0x1EFA0] =	vst v63  }
0x7b: {  	_ =	swait.ge [sflag:s7], $0x7D0  }
0x7c: {  	[sflag:s7] =	ssyncset.done $0x0  }
0x7d: {  	s21 =	rddreg [dreg:$0x1d];
	[sflag:s7] =	ssyncadd.s32 $0xFFFFF830  }
0x7e: {  	[spmem:s21] =	stream.linear.scatter [tilespmem:s6], [sflag:$0x1F], $0x1F40, $0x38;
	[tilespmem:$0x1EFA0] =	vst v63  }
0x7f: {  	_ =	swait.ge [sflag:s7], $0x1F40  }
0x80: {  	[sflag:s7] =	ssyncset.done $0x0  }
0x81: {  	s28 =	rddreg [dreg:$0x1e];
	[sflag:s7] =	ssyncadd.s32 $0xFFFFE0C0  }
0x82: {  	[spmem:s28] =	stream.linear.scatter [tilespmem:s19], [sflag:$0x1F], $0x7D0, $0x38;
	[tilespmem:$0x1EFA0] =	vst v63  }
0x83: {  	_ =	swait.ge [sflag:s7], $0x7D0  }
0x84: {  	[sflag:s7] =	ssyncset.done $0x0  }
0x85: {  	s30 =	rddreg [dreg:$0x1f];
	[sflag:s7] =	ssyncadd.s32 $0xFFFFF830  }
0x86: {  	[spmem:s30] =	stream.linear.scatter [tilespmem:s6], [sflag:$0x1F], $0x1F40, $0x38;
	[tilespmem:$0x1EFA0] =	vst v63  }
0x87: {  	_ =	swait.ge [sflag:s7], $0x1F40  }
0x88: {  	s9 =	sld [smem:$0x7EC]  }
0x89: {  	[sflag:s7] =	ssyncset.done $0x0  }
0x8a: {  	[sflag:s7] =	ssyncadd.s32 $0xFFFFE0C0  }
0x8b: {  	[spmem:s9] =	stream.linear.scatter [tilespmem:s19], [sflag:$0x1F], $0x7D0, $0x38;
	[tilespmem:$0x1EFA0] =	vst v63  }
0x8c: {  	_ =	swait.ge [sflag:s7], $0x7D0  }
0x8d: {  	s12 =	sld [smem:$0x7ED]  }
0x8e: {  	[sflag:s7] =	ssyncset.done $0x0  }
0x8f: {  	[sflag:s7] =	ssyncadd.s32 $0xFFFFF830  }
0x90: {  	[spmem:s12] =	stream.linear.scatter [tilespmem:s6], [sflag:$0x1F], $0x1F40, $0x38;
	[tilespmem:$0x1EFA0] =	vst v63  }
0x91: {  	_ =	swait.ge [sflag:s7], $0x1F40  }
0x92: {  	s20 =	sld [smem:$0x7EE]  }
0x93: {  	[sflag:s7] =	ssyncset.done $0x0  }
0x94: {  	[sflag:s7] =	ssyncadd.s32 $0xFFFFE0C0  }
0x95: {  	[spmem:s20] =	stream.linear.scatter [tilespmem:s19], [sflag:$0x1F], $0x7D0, $0x38;
	[tilespmem:$0x1EFA0] =	vst v63  }
0x96: {  	_ =	swait.ge [sflag:s7], $0x7D0  }
0x97: {  	s21 =	sld [smem:$0x7EF]  }
0x98: {  	[sflag:s7] =	ssyncset.done $0x0  }
0x99: {  	[sflag:s7] =	ssyncadd.s32 $0xFFFFF830  }
0x9a: {  	[spmem:s21] =	stream.linear.scatter [tilespmem:s6], [sflag:$0x1F], $0x1F40, $0x38;
	[tilespmem:$0x1EFA0] =	vst v63  }
0x9b: {  	_ =	swait.ge [sflag:s7], $0x1F40  }
0x9c: {  	s28 =	sld [smem:$0x7F0]  }
0x9d: {  	[sflag:s7] =	ssyncset.done $0x0  }
0x9e: {  	[sflag:s7] =	ssyncadd.s32 $0xFFFFE0C0  }
0x9f: {  	[spmem:s28] =	stream.linear.scatter [tilespmem:s19], [sflag:$0x1F], $0x7D0, $0x38;
	[tilespmem:$0x1EFA0] =	vst v63  }
0xa0: {  	_ =	swait.ge [sflag:s7], $0x7D0  }
0xa1: {  	[sflag:s7] =	ssyncset.done $0x0  }
0xa2: {  	[sflag:s7] =	ssyncadd.s32 $0xFFFFF830  }
0xa3: {  	[bflag:$0x0] =	sbarrier.arrive $0xFFFF  }
0xa4: {  	s30 =	sld [smem:$0x7EB];
	_ =	sdelay $0x2  }
0xa5: {  	p3 =	seq.s32 s30, $0x1  }
.Ltmp4:
0xa6: {  	_ = 	snop;
	(pc) =	sbr.rel @p3 .LBB2_10-.Ltmp4, $2  }
0xa7: {  	_ =	sdelay $0x2  }
0xa8: {  	[smem:$0x7EA] =	sst s2  }
0xa9: {  	s3 =	rddreg [dreg:$0x5]  }
0xaa: {  	s6 =	simm.s32 $0x0;
	s21 =	sld [smem:$0x7F2]  }
0xab: {  	[tilespmem:s6], [sflag:$0x1] =	stream.linear.gather [hbm4b:s3+s6], $0x50, $0x38;
	[tilespmem:$0x1EFA0] =	vst v63  }
0xac: {  	s25 =	rddreg [dreg:$0x1a]  }
0xad: {  	[tilespmem:s0], [sflag:$0x1] =	stream.linear.gather [hbm4b:s21+s6], $0x50, $0x38;
	[tilespmem:$0x1EFA0] =	vst v63  }
0xae: {  	s30 =	simm.s32 $0xCE40;
	s2 =	sld [smem:$0x7F3]  }
0xaf: {  	[tilespmem:s30], [sflag:$0x1] =	stream.linear.gather [hbm4b:s25+s6], $0x500, $0x38;
	[tilespmem:$0x1EFA0] =	vst v63  }
0xb0: {  	s0 =	rddreg [dreg:$0x6]  }
0xb1: {  	[tilespmem:s23], [sflag:$0x2] =	stream.linear.gather [hbm4b:s0+s6], $0x50, $0x38;
	[tilespmem:$0x1EFA0] =	vst v63  }
0xb2: {  	s7 =	rddreg [dreg:$0x11]  }
0xb3: {  	[tilespmem:s15], [sflag:$0x2] =	stream.linear.gather [hbm4b:s2+s6], $0x50, $0x38;
	[tilespmem:$0x1EFA0] =	vst v63  }
0xb4: {  	s9 =	simm.s32 $0xD340;
	s12 =	rddreg [dreg:$0x7]  }
0xb5: {  	[tilespmem:s9], [sflag:$0x2] =	stream.linear.gather [hbm4b:s7+s6], $0x500, $0x38;
	[tilespmem:$0x1EFA0] =	vst v63  }
0xb6: {  	s19 =	sld [smem:$0x7F4];
	s15 =	simm.s32 $0xA0  }
0xb7: {  	[tilespmem:s15], [sflag:$0x3] =	stream.linear.gather [hbm4b:s12+s6], $0x50, $0x38;
	[tilespmem:$0x1EFA0] =	vst v63  }
0xb8: {  	s20 =	rddreg [dreg:$0x12]  }
0xb9: {  	[tilespmem:s5], [sflag:$0x3] =	stream.linear.gather [hbm4b:s19+s6], $0x50, $0x38;
	[tilespmem:$0x1EFA0] =	vst v63  }
0xba: {  	s21 =	simm.s32 $0xD840;
	s25 =	rddreg [dreg:$0x8]  }
0xbb: {  	[tilespmem:s21], [sflag:$0x3] =	stream.linear.gather [hbm4b:s20+s6], $0x500, $0x38;
	[tilespmem:$0x1EFA0] =	vst v63  }
0xbc: {  	s30 =	simm.s32 $0xF0;
	s0 =	sld [smem:$0x7F5]  }
0xbd: {  	[tilespmem:s30], [sflag:$0x4] =	stream.linear.gather [hbm4b:s25+s6], $0x50, $0x38;
	[tilespmem:$0x1EFA0] =	vst v63  }
0xbe: {  	s2 =	rddreg [dreg:$0x13]  }
0xbf: {  	[tilespmem:s8], [sflag:$0x4] =	stream.linear.gather [hbm4b:s0+s6], $0x50, $0x38;
	[tilespmem:$0x1EFA0] =	vst v63  }
0xc0: {  	s7 =	rddreg [dreg:$0x9];
	s5 =	simm.s32 $0xDD40  }
0xc1: {  	[tilespmem:s5], [sflag:$0x4] =	stream.linear.gather [hbm4b:s2+s6], $0x500, $0x38;
	[tilespmem:$0x1EFA0] =	vst v63  }
0xc2: {  	s9 =	sld [smem:$0x7F6];
	s8 =	simm.s32 $0x140  }
0xc3: {  	[tilespmem:s8], [sflag:$0x5] =	stream.linear.gather [hbm4b:s7+s6], $0x50, $0x38;
	[tilespmem:$0x1EFA0] =	vst v63  }
0xc4: {  	s12 =	rddreg [dreg:$0x14]  }
0xc5: {  	[tilespmem:s22], [sflag:$0x5] =	stream.linear.gather [hbm4b:s9+s6], $0x50, $0x38;
	[tilespmem:$0x1EFA0] =	vst v63  }
0xc6: {  	s15 =	simm.s32 $0xE240;
	s19 =	rddreg [dreg:$0xa]  }
0xc7: {  	[tilespmem:s15], [sflag:$0x5] =	stream.linear.gather [hbm4b:s12+s6], $0x500, $0x38;
	[tilespmem:$0x1EFA0] =	vst v63  }
0xc8: {  	s20 =	simm.s32 $0x190;
	s21 =	sld [smem:$0x7F7]  }
0xc9: {  	[tilespmem:s20], [sflag:$0x6] =	stream.linear.gather [hbm4b:s19+s6], $0x50, $0x38;
	[tilespmem:$0x1EFA0] =	vst v63  }
0xca: {  	s30 =	rddreg [dreg:$0xb]  }
0xcb: {  	[tilespmem:s31], [sflag:$0x6] =	stream.linear.gather [hbm4b:s21+s6], $0x50, $0x38;
	[tilespmem:$0x1EFA0] =	vst v63  }
0xcc: {  	s25 =	simm.s32 $0xE740;
	s22 =	rddreg [dreg:$0x15]  }
0xcd: {  	[tilespmem:s25], [sflag:$0x6] =	stream.linear.gather [hbm4b:s22+s6], $0x500, $0x38;
	[tilespmem:$0x1EFA0] =	vst v63  }
0xce: {  	s0 =	sld [smem:$0x7F8];
	s31 =	simm.s32 $0x1E0  }
0xcf: {  	[tilespmem:s31], [sflag:$0x7] =	stream.linear.gather [hbm4b:s30+s6], $0x50, $0x38;
	[tilespmem:$0x1EFA0] =	vst v63  }
0xd0: {  	s2 =	rddreg [dreg:$0x16]  }
0xd1: {  	[tilespmem:s13], [sflag:$0x7] =	stream.linear.gather [hbm4b:s0+s6], $0x50, $0x38;
	[tilespmem:$0x1EFA0] =	vst v63  }
0xd2: {  	s5 =	simm.s32 $0xEC40;
	s7 =	rddreg [dreg:$0xc]  }
0xd3: {  	[tilespmem:s5], [sflag:$0x7] =	stream.linear.gather [hbm4b:s2+s6], $0x500, $0x38;
	[tilespmem:$0x1EFA0] =	vst v63  }
0xd4: {  	s8 =	simm.s32 $0x230;
	s9 =	sld [smem:$0x7F9]  }
0xd5: {  	[tilespmem:s8], [sflag:$0x8] =	stream.linear.gather [hbm4b:s7+s6], $0x50, $0x38;
	[tilespmem:$0x1EFA0] =	vst v63  }
0xd6: {  	s15 =	sld [smem:$0x7FA]  }
0xd7: {  	[tilespmem:s11], [sflag:$0x8] =	stream.linear.gather [hbm4b:s9+s6], $0x50, $0x38;
	[tilespmem:$0x1EFA0] =	vst v63  }
0xd8: {  	s12 =	simm.s32 $0xF140;
	s11 =	rddreg [dreg:$0x17]  }
0xd9: {  	[tilespmem:s12], [sflag:$0x8] =	stream.linear.gather [hbm4b:s11+s6], $0x500, $0x38;
	[tilespmem:$0x1EFA0] =	vst v63  }
0xda: {  	s13 =	rddreg [dreg:$0xd];
	s2 =	simm.s32 $0x280  }
0xdb: {  	[tilespmem:s2], [sflag:$0x9] =	stream.linear.gather [hbm4b:s13+s6], $0x50, $0x38;
	[tilespmem:$0x1EFA0] =	vst v63  }
0xdc: {  	s20 =	simm.s32 $0x5A0;
	s19 =	rddreg [dreg:$0x18]  }
0xdd: {  	[tilespmem:s20], [sflag:$0x9] =	stream.linear.gather [hbm4b:s15+s6], $0x50, $0x38;
	[tilespmem:$0x1EFA0] =	vst v63  }
0xde: {  	s21 =	rddreg [dreg:$0xe]  }
0xdf: {  	[tilespmem:s4], [sflag:$0x9] =	stream.linear.gather [hbm4b:s19+s6], $0x500, $0x38;
	[tilespmem:$0x1EFA0] =	vst v63  }
0xe0: {  	s22 =	simm.s32 $0x2D0;
	s25 =	sld [smem:$0x7FB]  }
0xe1: {  	[tilespmem:s22], [sflag:$0xA] =	stream.linear.gather [hbm4b:s21+s6], $0x50, $0x38;
	[tilespmem:$0x1EFA0] =	vst v63  }
0xe2: {  	s28 =	simm.s32 $0xF640;
	s3 =	sld [smem:$0x7FD]  }
0xe3: {  	[tilespmem:s26], [sflag:$0xA] =	stream.linear.gather [hbm4b:s25+s6], $0x50, $0x38;
	[tilespmem:$0x1EFA0] =	vst v63  }
0xe4: {  	s30 =	rddreg [dreg:$0x19];
	s31 =	simm.s32 $0xFB40;
	s0 =	simm.s32 $0x0  }
0xe5: {  	[tilespmem:s31], [sflag:$0xA] =	stream.linear.gather [hbm4b:s30+s6], $0x500, $0x38;
	[tilespmem:$0x1EFA0] =	vst v63  }
.LBB2_7:
0xe6: {  	_ =	swait.ge [sflag:s10], $0x50  }
0xe7: {  	[sflag:s10] =	ssyncset.done $0x0  }
0xe8: {  	[sflag:s10] =	ssyncadd.s32 $0xFFFFFFB0  }
0xe9: {  	_ =	swait.ge [sflag:s10], $0x50  }
0xea: {  	[sflag:s10] =	ssyncset.done $0x0  }
0xeb: {  	[sflag:s10] =	ssyncadd.s32 $0xFFFFFFB0  }
0xec: {  	_ =	swait.ge [sflag:s10], $0x500  }
0xed: {  	[sflag:s10] =	ssyncset.done $0x0  }
0xee: {  	s5 =	simm.s32 $0x640;
	s9 =	simm.s32 $0x2;
	[sflag:s10] =	ssyncadd.s32 $0xFFFFFB00  }
0xef: {  	[tilespmem:s5], [sflag:$0xB] =	stream.indirect.gather [hbm4b:s17+s23], $0x40, s0, s23, $0xb8;
	[tilespmem:$0x1EFA0] =	vst v63  }
0xf0: {  	_ =	swait.ge [sflag:s9], $0x50  }
0xf1: {  	[sflag:s9] =	ssyncset.done $0x0  }
0xf2: {  	[sflag:s9] =	ssyncadd.s32 $0xFFFFFFB0  }
0xf3: {  	_ =	swait.ge [sflag:s9], $0x50  }
0xf4: {  	[sflag:s9] =	ssyncset.done $0x0  }
0xf5: {  	[sflag:s9] =	ssyncadd.s32 $0xFFFFFFB0  }
0xf6: {  	_ =	swait.ge [sflag:s9], $0x500  }
0xf7: {  	[sflag:s9] =	ssyncset.done $0x0  }
0xf8: {  	s8 =	simm.s32 $0x1A40;
	s10 =	simm.s32 $0x3;
	[sflag:s9] =	ssyncadd.s32 $0xFFFFFB00  }
0xf9: {  	[tilespmem:s8], [sflag:$0xC] =	stream.indirect.gather [hbm4b:s17+s23], $0x40, s23, s23, $0xb8;
	[tilespmem:$0x1EFA0] =	vst v63  }
0xfa: {  	_ =	swait.ge [sflag:s10], $0x50  }
0xfb: {  	[sflag:s10] =	ssyncset.done $0x0  }
0xfc: {  	[sflag:s10] =	ssyncadd.s32 $0xFFFFFFB0  }
0xfd: {  	_ =	swait.ge [sflag:s10], $0x50  }
0xfe: {  	[sflag:s10] =	ssyncset.done $0x0  }
0xff: {  	[sflag:s10] =	ssyncadd.s32 $0xFFFFFFB0  }
0x100: {  	_ =	swait.ge [sflag:s10], $0x500  }
0x101: {  	s11 =	simm.s32 $0xA0;
	[sflag:s10] =	ssyncset.done $0x0  }
0x102: {  	s12 =	simm.s32 $0x4;
	s9 =	simm.s32 $0x2E40;
	[sflag:s10] =	ssyncadd.s32 $0xFFFFFB00  }
0x103: {  	[tilespmem:s9], [sflag:$0xD] =	stream.indirect.gather [hbm4b:s17+s23], $0x40, s11, s23, $0xb8;
	[tilespmem:$0x1EFA0] =	vst v63  }
0x104: {  	_ =	swait.ge [sflag:s12], $0x50  }
0x105: {  	[sflag:s12] =	ssyncset.done $0x0  }
0x106: {  	[sflag:s12] =	ssyncadd.s32 $0xFFFFFFB0  }
0x107: {  	_ =	swait.ge [sflag:s12], $0x50  }
0x108: {  	[sflag:s12] =	ssyncset.done $0x0  }
0x109: {  	[sflag:s12] =	ssyncadd.s32 $0xFFFFFFB0  }
0x10a: {  	_ =	swait.ge [sflag:s12], $0x500  }
0x10b: {  	s13 =	simm.s32 $0xF0;
	[sflag:s12] =	ssyncset.done $0x0  }
0x10c: {  	s15 =	simm.s32 $0x5;
	s10 =	simm.s32 $0x4240;
	[sflag:s12] =	ssyncadd.s32 $0xFFFFFB00  }
0x10d: {  	[tilespmem:s10], [sflag:$0xE] =	stream.indirect.gather [hbm4b:s17+s23], $0x40, s13, s23, $0xb8;
	[tilespmem:$0x1EFA0] =	vst v63  }
0x10e: {  	_ =	swait.ge [sflag:s15], $0x50  }
0x10f: {  	[sflag:s15] =	ssyncset.done $0x0  }
0x110: {  	[sflag:s15] =	ssyncadd.s32 $0xFFFFFFB0  }
0x111: {  	_ =	swait.ge [sflag:s15], $0x50  }
0x112: {  	[sflag:s15] =	ssyncset.done $0x0  }
0x113: {  	[sflag:s15] =	ssyncadd.s32 $0xFFFFFFB0  }
0x114: {  	_ =	swait.ge [sflag:s15], $0x500  }
0x115: {  	s19 =	simm.s32 $0x140;
	[sflag:s15] =	ssyncset.done $0x0  }
0x116: {  	s21 =	simm.s32 $0x6;
	s11 =	simm.s32 $0x5640;
	[sflag:s15] =	ssyncadd.s32 $0xFFFFFB00  }
0x117: {  	[tilespmem:s11], [sflag:$0xF] =	stream.indirect.gather [hbm4b:s17+s23], $0x40, s19, s23, $0xb8;
	[tilespmem:$0x1EFA0] =	vst v63  }
0x118: {  	_ =	swait.ge [sflag:s21], $0x50  }
0x119: {  	[sflag:s21] =	ssyncset.done $0x0  }
0x11a: {  	[sflag:s21] =	ssyncadd.s32 $0xFFFFFFB0  }
0x11b: {  	_ =	swait.ge [sflag:s21], $0x50  }
0x11c: {  	[sflag:s21] =	ssyncset.done $0x0  }
0x11d: {  	[sflag:s21] =	ssyncadd.s32 $0xFFFFFFB0  }
0x11e: {  	_ =	swait.ge [sflag:s21], $0x500  }
0x11f: {  	s22 =	simm.s32 $0x190;
	[sflag:s21] =	ssyncset.done $0x0  }
0x120: {  	s25 =	simm.s32 $0x7;
	s13 =	simm.s32 $0x6A40;
	[sflag:s21] =	ssyncadd.s32 $0xFFFFFB00  }
0x121: {  	[tilespmem:s13], [sflag:$0x10] =	stream.indirect.gather [hbm4b:s17+s23], $0x40, s22, s23, $0xb8;
	[tilespmem:$0x1EFA0] =	vst v63  }
0x122: {  	_ =	swait.ge [sflag:s25], $0x50  }
0x123: {  	[sflag:s25] =	ssyncset.done $0x0  }
0x124: {  	[sflag:s25] =	ssyncadd.s32 $0xFFFFFFB0  }
0x125: {  	_ =	swait.ge [sflag:s25], $0x50  }
0x126: {  	[sflag:s25] =	ssyncset.done $0x0  }
0x127: {  	[sflag:s25] =	ssyncadd.s32 $0xFFFFFFB0  }
0x128: {  	_ =	swait.ge [sflag:s25], $0x500  }
0x129: {  	s30 =	simm.s32 $0x1E0;
	[sflag:s25] =	ssyncset.done $0x0  }
0x12a: {  	s4 =	simm.s32 $0x7E40;
	s7 =	simm.s32 $0x8;
	[sflag:s25] =	ssyncadd.s32 $0xFFFFFB00  }
0x12b: {  	[tilespmem:s4], [sflag:$0x11] =	stream.indirect.gather [hbm4b:s17+s23], $0x40, s30, s23, $0xb8;
	[tilespmem:$0x1EFA0] =	vst v63  }
0x12c: {  	_ =	swait.ge [sflag:s7], $0x50  }
0x12d: {  	[sflag:s7] =	ssyncset.done $0x0  }
0x12e: {  	[sflag:s7] =	ssyncadd.s32 $0xFFFFFFB0  }
0x12f: {  	_ =	swait.ge [sflag:s7], $0x50  }
0x130: {  	[sflag:s7] =	ssyncset.done $0x0  }
0x131: {  	[sflag:s7] =	ssyncadd.s32 $0xFFFFFFB0  }
0x132: {  	_ =	swait.ge [sflag:s7], $0x500  }
0x133: {  	[sflag:s7] =	ssyncset.done $0x0  }
0x134: {  	s12 =	simm.s32 $0x230;
	s30 =	simm.s32 $0x9240;
	[sflag:s7] =	ssyncadd.s32 $0xFFFFFB00  }
0x135: {  	[tilespmem:s30], [sflag:$0x12] =	stream.indirect.gather [hbm4b:s17+s23], $0x40, s12, s23, $0xb8;
	[tilespmem:$0x1EFA0] =	vst v63  }
0x136: {  	_ =	swait.ge [sflag:s1], $0x50  }
0x137: {  	[sflag:s1] =	ssyncset.done $0x0  }
0x138: {  	[sflag:s1] =	ssyncadd.s32 $0xFFFFFFB0  }
0x139: {  	_ =	swait.ge [sflag:s1], $0x50  }
0x13a: {  	[sflag:s1] =	ssyncset.done $0x0  }
0x13b: {  	[sflag:s1] =	ssyncadd.s32 $0xFFFFFFB0  }
0x13c: {  	_ =	swait.ge [sflag:s1], $0x500  }
0x13d: {  	[sflag:s1] =	ssyncset.done $0x0  }
0x13e: {  	s25 =	simm.s32 $0xA640;
	[sflag:s1] =	ssyncadd.s32 $0xFFFFFB00  }
0x13f: {  	[tilespmem:s25], [sflag:$0x13] =	stream.indirect.gather [hbm4b:s17+s23], $0x40, s2, s23, $0xb8;
	[tilespmem:$0x1EFA0] =	vst v63  }
0x140: {  	_ =	swait.ge [sflag:s29], $0x50  }
0x141: {  	[sflag:s29] =	ssyncset.done $0x0  }
0x142: {  	[sflag:s29] =	ssyncadd.s32 $0xFFFFFFB0  }
0x143: {  	_ =	swait.ge [sflag:s29], $0x50  }
0x144: {  	[sflag:s29] =	ssyncset.done $0x0  }
0x145: {  	[sflag:s29] =	ssyncadd.s32 $0xFFFFFFB0  }
0x146: {  	_ =	swait.ge [sflag:s29], $0x500  }
0x147: {  	s15 =	simm.s32 $0x2D0;
	[sflag:s29] =	ssyncset.done $0x0  }
0x148: {  	s19 =	simm.s32 $0xB;
	s21 =	simm.s32 $0xBA40;
	[sflag:s29] =	ssyncadd.s32 $0xFFFFFB00  }
0x149: {  	[tilespmem:s21], [sflag:$0x14] =	stream.indirect.gather [hbm4b:s17+s23], $0x40, s15, s23, $0xb8;
	[tilespmem:$0x1EFA0] =	vst v63  }
0x14a: {  	_ =	swait.ge [sflag:s19], $0x1400  }
0x14b: {  	[sflag:s19] =	ssyncset.done $0x0  }
0x14c: {  	s7 =	simm.s32 $0x320;
	[sflag:s19] =	ssyncadd.s32 $0xFFFFEC00  }
0x14d: {  	[spmem:s14] =	stream.indirect.scatter.add.f32 [tilespmem:s5], [sflag:$0x15], $0x40, s7, s23, $0xb8;
	[tilespmem:$0x1EFA0] =	vst v63  }
0x14e: {  	s22 =	simm.s32 $0xC;
	s19 =	simm.s32 $0xCE40  }
0x14f: {  	[spmem:s16] =	stream.indirect.scatter.add.f32 [tilespmem:s19], [sflag:$0x15], $0x10, s7, s23, $0xb8;
	[tilespmem:$0x1EFA0] =	vst v63  }
0x150: {  	_ =	swait.ge [sflag:s22], $0x1400  }
0x151: {  	[sflag:s22] =	ssyncset.done $0x0  }
0x152: {  	s2 =	simm.s32 $0x370;
	[sflag:s22] =	ssyncadd.s32 $0xFFFFEC00  }
0x153: {  	[spmem:s14] =	stream.indirect.scatter.add.f32 [tilespmem:s8], [sflag:$0x16], $0x40, s2, s23, $0xb8;
	[tilespmem:$0x1EFA0] =	vst v63  }
0x154: {  	s5 =	simm.s32 $0xD340;
	s8 =	simm.s32 $0xD  }
0x155: {  	[spmem:s16] =	stream.indirect.scatter.add.f32 [tilespmem:s5], [sflag:$0x16], $0x10, s2, s23, $0xb8;
	[tilespmem:$0x1EFA0] =	vst v63  }
0x156: {  	_ =	swait.ge [sflag:s8], $0x1400  }
0x157: {  	[sflag:s8] =	ssyncset.done $0x0  }
0x158: {  	s19 =	simm.s32 $0x3C0;
	[sflag:s8] =	ssyncadd.s32 $0xFFFFEC00  }
0x159: {  	[spmem:s14] =	stream.indirect.scatter.add.f32 [tilespmem:s9], [sflag:$0x17], $0x40, s19, s23, $0xb8;
	[tilespmem:$0x1EFA0] =	vst v63  }
0x15a: {  	s22 =	simm.s32 $0xD840;
	s8 =	simm.s32 $0xE  }
0x15b: {  	[spmem:s16] =	stream.indirect.scatter.add.f32 [tilespmem:s22], [sflag:$0x17], $0x10, s19, s23, $0xb8;
	[tilespmem:$0x1EFA0] =	vst v63  }
0x15c: {  	_ =	swait.ge [sflag:s8], $0x1400  }
0x15d: {  	[sflag:s8] =	ssyncset.done $0x0  }
0x15e: {  	s19 =	simm.s32 $0x410;
	[sflag:s8] =	ssyncadd.s32 $0xFFFFEC00  }
0x15f: {  	[spmem:s14] =	stream.indirect.scatter.add.f32 [tilespmem:s10], [sflag:$0x18], $0x40, s19, s23, $0xb8;
	[tilespmem:$0x1EFA0] =	vst v63  }
0x160: {  	s7 =	simm.s32 $0xF;
	s22 =	simm.s32 $0xDD40  }
0x161: {  	[spmem:s16] =	stream.indirect.scatter.add.f32 [tilespmem:s22], [sflag:$0x18], $0x10, s19, s23, $0xb8;
	[tilespmem:$0x1EFA0] =	vst v63  }
0x162: {  	_ =	swait.ge [sflag:s7], $0x1400  }
0x163: {  	[sflag:s7] =	ssyncset.done $0x0  }
0x164: {  	s10 =	simm.s32 $0x460;
	[sflag:s7] =	ssyncadd.s32 $0xFFFFEC00  }
0x165: {  	[spmem:s14] =	stream.indirect.scatter.add.f32 [tilespmem:s11], [sflag:$0x19], $0x40, s10, s23, $0xb8;
	[tilespmem:$0x1EFA0] =	vst v63  }
0x166: {  	s19 =	simm.s32 $0xE240  }
0x167: {  	[spmem:s16] =	stream.indirect.scatter.add.f32 [tilespmem:s19], [sflag:$0x19], $0x10, s10, s23, $0xb8;
	[tilespmem:$0x1EFA0] =	vst v63  }
0x168: {  	s10 =	simm.s32 $0x10  }
0x169: {  	_ =	swait.ge [sflag:s10], $0x1400  }
0x16a: {  	[sflag:s10] =	ssyncset.done $0x0  }
0x16b: {  	s11 =	simm.s32 $0x4B0;
	[sflag:s10] =	ssyncadd.s32 $0xFFFFEC00  }
0x16c: {  	[spmem:s14] =	stream.indirect.scatter.add.f32 [tilespmem:s13], [sflag:$0x1A], $0x40, s11, s23, $0xb8;
	[tilespmem:$0x1EFA0] =	vst v63  }
0x16d: {  	s19 =	simm.s32 $0x11;
	s13 =	simm.s32 $0xE740  }
0x16e: {  	[spmem:s16] =	stream.indirect.scatter.add.f32 [tilespmem:s13], [sflag:$0x1A], $0x10, s11, s23, $0xb8;
	[tilespmem:$0x1EFA0] =	vst v63  }
0x16f: {  	_ =	swait.ge [sflag:s19], $0x1400  }
0x170: {  	[sflag:s19] =	ssyncset.done $0x0  }
0x171: {  	s7 =	simm.s32 $0x500;
	[sflag:s19] =	ssyncadd.s32 $0xFFFFEC00  }
0x172: {  	[spmem:s14] =	stream.indirect.scatter.add.f32 [tilespmem:s4], [sflag:$0x1B], $0x40, s7, s23, $0xb8;
	[tilespmem:$0x1EFA0] =	vst v63  }
0x173: {  	s10 =	simm.s32 $0xEC40;
	s11 =	simm.s32 $0x12  }
0x174: {  	[spmem:s16] =	stream.indirect.scatter.add.f32 [tilespmem:s10], [sflag:$0x1B], $0x10, s7, s23, $0xb8;
	[tilespmem:$0x1EFA0] =	vst v63  }
0x175: {  	_ =	swait.ge [sflag:s11], $0x1400  }
0x176: {  	[sflag:s11] =	ssyncset.done $0x0  }
0x177: {  	s19 =	simm.s32 $0x550;
	[sflag:s11] =	ssyncadd.s32 $0xFFFFEC00  }
0x178: {  	[spmem:s14] =	stream.indirect.scatter.add.f32 [tilespmem:s30], [sflag:$0x1C], $0x40, s19, s23, $0xb8;
	[tilespmem:$0x1EFA0] =	vst v63  }
0x179: {  	s4 =	simm.s32 $0xF140;
	s7 =	simm.s32 $0x13  }
0x17a: {  	[spmem:s16] =	stream.indirect.scatter.add.f32 [tilespmem:s4], [sflag:$0x1C], $0x10, s19, s23, $0xb8;
	[tilespmem:$0x1EFA0] =	vst v63  }
0x17b: {  	_ =	swait.ge [sflag:s7], $0x1400  }
0x17c: {  	[sflag:s7] =	ssyncset.done $0x0  }
0x17d: {  	[sflag:s7] =	ssyncadd.s32 $0xFFFFEC00  }
0x17e: {  	[spmem:s14] =	stream.indirect.scatter.add.f32 [tilespmem:s25], [sflag:$0x1D], $0x40, s20, s23, $0xb8;
	[tilespmem:$0x1EFA0] =	vst v63  }
0x17f: {  	s10 =	simm.s32 $0x14  }
0x180: {  	[spmem:s16] =	stream.indirect.scatter.add.f32 [tilespmem:s28], [sflag:$0x1D], $0x10, s20, s23, $0xb8;
	[tilespmem:$0x1EFA0] =	vst v63  }
0x181: {  	_ =	swait.ge [sflag:s10], $0x1400  }
0x182: {  	[sflag:s10] =	ssyncset.done $0x0  }
0x183: {  	[sflag:s10] =	ssyncadd.s32 $0xFFFFEC00  }
0x184: {  	[spmem:s14] =	stream.indirect.scatter.add.f32 [tilespmem:s21], [sflag:$0x1E], $0x40, s26, s23, $0xb8;
	[tilespmem:$0x1EFA0] =	vst v63  }
0x185: {  	s19 =	simm.s32 $0xFB40;
	s20 =	simm.s32 $0x15  }
0x186: {  	[spmem:s16] =	stream.indirect.scatter.add.f32 [tilespmem:s19], [sflag:$0x1E], $0x10, s26, s23, $0xb8;
	[tilespmem:$0x1EFA0] =	vst v63  }
0x187: {  	_ =	swait.ge [sflag:s20], $0x1400  }
0x188: {  	[sflag:s20] =	ssyncset.done $0x0  }
0x189: {  	[sflag:s20] =	ssyncadd.s32 $0xFFFFEC00  }
0x18a: {  	_ =	swait.ge [sflag:s20], $0x500  }
0x18b: {  	p6 =	seq.s32 s6, $0x960;
	[sflag:s20] =	ssyncset.done $0x0  }
0x18c: {  	s30 =	simm.s32 @p6 $0x16;
	[sflag:s20] =	ssyncadd.s32 $0xFFFFFB00  }
0x18d: {  	_ =	swait.ge @p6 [sflag:s30], $0x1400  }
0x18e: {  	[sflag:s30] =	ssyncset.done @p6 $0x0  }
0x18f: {  	[sflag:s30] =	ssyncadd.s32 @p6 $0xFFFFEC00  }
0x190: {  	_ =	swait.ge @p6 [sflag:s30], $0x500  }
0x191: {  	s7 =	sadd.s32 @!p6 s6, s24;
	[sflag:s30] =	ssyncset.done @p6 $0x0  }
0x192: {  	s19 =	sadd.s32 @!p6 $0x64, s7;
	[sflag:s30] =	ssyncadd.s32 @p6 $0xFFFFFB00;
	s30 =	simm.s32 @!p6 $0x0  }
0x193: {  	[tilespmem:s30], [sflag:$0x1] =	stream.linear.gather @!p6 [hbm4b:s19+s30], $0x50, $0x38;
	[tilespmem:$0x1EFA0] =	vst v63  }
0x194: {  	s2 =	smov.u32 s24;
	s24 =	simm.s32 @!p6 $0x320;
	s19 =	sadd.s32 @!p6 $0x9CA4, s7  }
0x195: {  	[tilespmem:s24], [sflag:$0x1] =	stream.linear.gather @!p6 [hbm4b:s19+s30], $0x50, $0x38;
	[tilespmem:$0x1EFA0] =	vst v63  }
0x196: {  	s19 =	sadd.s32 @!p6 $0xFFFFFA60, s3;
	s24 =	simm.s32 @!p6 $0xCE40  }
0x197: {  	[tilespmem:s24], [sflag:$0x1] =	stream.linear.gather @!p6 [hbm4b:s19+s30], $0x500, $0x38;
	[tilespmem:$0x1EFA0] =	vst v63  }
0x198: {  	s19 =	simm.s32 @!p6 $0x16  }
0x199: {  	_ =	swait.ge @!p6 [sflag:s19], $0x1400  }
0x19a: {  	[sflag:s19] =	ssyncset.done @!p6 $0x0  }
0x19b: {  	[sflag:s19] =	ssyncadd.s32 @!p6 $0xFFFFEC00  }
0x19c: {  	_ =	swait.ge @!p6 [sflag:s19], $0x500  }
0x19d: {  	[sflag:s19] =	ssyncset.done @!p6 $0x0  }
0x19e: {  	s24 =	simm.s32 @!p6 $0x50;
	[sflag:s19] =	ssyncadd.s32 @!p6 $0xFFFFFB00;
	s19 =	sadd.s32 @!p6 $0x6E, s7  }
0x19f: {  	[tilespmem:s24], [sflag:$0x2] =	stream.linear.gather @!p6 [hbm4b:s19+s30], $0x50, $0x38;
	[tilespmem:$0x1EFA0] =	vst v63  }
0x1a0: {  	s19 =	sadd.s32 @!p6 $0x9CAE, s7;
	s24 =	simm.s32 @!p6 $0x370  }
0x1a1: {  	[tilespmem:s24], [sflag:$0x2] =	stream.linear.gather @!p6 [hbm4b:s19+s30], $0x50, $0x38;
	[tilespmem:$0x1EFA0] =	vst v63  }
0x1a2: {  	s21 =	simm.s32 $0x17;
	s19 =	sadd.s32 @!p6 $0xFFFFFB00, s3;
	s24 =	simm.s32 @!p6 $0xD340  }
0x1a3: {  	[tilespmem:s24], [sflag:$0x2] =	stream.linear.gather @!p6 [hbm4b:s19+s30], $0x500, $0x38;
	[tilespmem:$0x1EFA0] =	vst v63  }
0x1a4: {  	_ =	swait.ge [sflag:s21], $0x1400  }
0x1a5: {  	[sflag:s21] =	ssyncset.done $0x0  }
0x1a6: {  	[sflag:s21] =	ssyncadd.s32 $0xFFFFEC00  }
0x1a7: {  	_ =	swait.ge [sflag:s21], $0x500  }
0x1a8: {  	[sflag:s21] =	ssyncset.done $0x0  }
0x1a9: {  	s19 =	simm.s32 @p6 $0x18;
	[sflag:s21] =	ssyncadd.s32 $0xFFFFFB00  }
0x1aa: {  	_ =	swait.ge @p6 [sflag:s19], $0x1400  }
0x1ab: {  	[sflag:s19] =	ssyncset.done @p6 $0x0  }
0x1ac: {  	[sflag:s19] =	ssyncadd.s32 @p6 $0xFFFFEC00  }
0x1ad: {  	_ =	swait.ge @p6 [sflag:s19], $0x500  }
0x1ae: {  	[sflag:s19] =	ssyncset.done @p6 $0x0  }
0x1af: {  	s24 =	simm.s32 @!p6 $0xA0;
	[sflag:s19] =	ssyncadd.s32 @p6 $0xFFFFFB00;
	s19 =	sadd.s32 @!p6 $0x78, s7  }
0x1b0: {  	[tilespmem:s24], [sflag:$0x3] =	stream.linear.gather @!p6 [hbm4b:s19+s30], $0x50, $0x38;
	[tilespmem:$0x1EFA0] =	vst v63  }
0x1b1: {  	s19 =	sadd.s32 @!p6 $0x9CB8, s7;
	s24 =	simm.s32 @!p6 $0x3C0  }
0x1b2: {  	[tilespmem:s24], [sflag:$0x3] =	stream.linear.gather @!p6 [hbm4b:s19+s30], $0x50, $0x38;
	[tilespmem:$0x1EFA0] =	vst v63  }
0x1b3: {  	s19 =	sadd.s32 @!p6 $0xFFFFFBA0, s3;
	s24 =	simm.s32 @!p6 $0xD840  }
0x1b4: {  	[tilespmem:s24], [sflag:$0x3] =	stream.linear.gather @!p6 [hbm4b:s19+s30], $0x500, $0x38;
	[tilespmem:$0x1EFA0] =	vst v63  }
0x1b5: {  	s19 =	simm.s32 @!p6 $0x18  }
0x1b6: {  	_ =	swait.ge @!p6 [sflag:s19], $0x1400  }
0x1b7: {  	[sflag:s19] =	ssyncset.done @!p6 $0x0  }
0x1b8: {  	[sflag:s19] =	ssyncadd.s32 @!p6 $0xFFFFEC00  }
0x1b9: {  	_ =	swait.ge @!p6 [sflag:s19], $0x500  }
0x1ba: {  	[sflag:s19] =	ssyncset.done @!p6 $0x0  }
0x1bb: {  	s24 =	simm.s32 @!p6 $0xF0;
	[sflag:s19] =	ssyncadd.s32 @!p6 $0xFFFFFB00;
	s19 =	sadd.s32 @!p6 $0x82, s7  }
0x1bc: {  	[tilespmem:s24], [sflag:$0x4] =	stream.linear.gather @!p6 [hbm4b:s19+s30], $0x50, $0x38;
	[tilespmem:$0x1EFA0] =	vst v63  }
0x1bd: {  	s19 =	sadd.s32 @!p6 $0x9CC2, s7;
	s24 =	simm.s32 @!p6 $0x410  }
0x1be: {  	[tilespmem:s24], [sflag:$0x4] =	stream.linear.gather @!p6 [hbm4b:s19+s30], $0x50, $0x38;
	[tilespmem:$0x1EFA0] =	vst v63  }
0x1bf: {  	s19 =	sadd.s32 @!p6 $0xFFFFFC40, s3;
	s24 =	simm.s32 @!p6 $0xDD40  }
0x1c0: {  	[tilespmem:s24], [sflag:$0x4] =	stream.linear.gather @!p6 [hbm4b:s19+s30], $0x500, $0x38;
	[tilespmem:$0x1EFA0] =	vst v63  }
0x1c1: {  	s24 =	simm.s32 $0x19  }
0x1c2: {  	_ =	swait.ge [sflag:s24], $0x1400  }
0x1c3: {  	[sflag:s24] =	ssyncset.done $0x0  }
0x1c4: {  	[sflag:s24] =	ssyncadd.s32 $0xFFFFEC00  }
0x1c5: {  	_ =	swait.ge [sflag:s24], $0x500  }
0x1c6: {  	[sflag:s24] =	ssyncset.done $0x0  }
0x1c7: {  	s19 =	simm.s32 @p6 $0x1A;
	[sflag:s24] =	ssyncadd.s32 $0xFFFFFB00  }
0x1c8: {  	_ =	swait.ge @p6 [sflag:s19], $0x1400  }
0x1c9: {  	[sflag:s19] =	ssyncset.done @p6 $0x0  }
0x1ca: {  	[sflag:s19] =	ssyncadd.s32 @p6 $0xFFFFEC00  }
0x1cb: {  	_ =	swait.ge @p6 [sflag:s19], $0x500  }
0x1cc: {  	[sflag:s19] =	ssyncset.done @p6 $0x0  }
0x1cd: {  	s24 =	simm.s32 @!p6 $0x140;
	[sflag:s19] =	ssyncadd.s32 @p6 $0xFFFFFB00;
	s19 =	sadd.s32 @!p6 $0x8C, s7  }
0x1ce: {  	[tilespmem:s24], [sflag:$0x5] =	stream.linear.gather @!p6 [hbm4b:s19+s30], $0x50, $0x38;
	[tilespmem:$0x1EFA0] =	vst v63  }
0x1cf: {  	s19 =	sadd.s32 @!p6 $0x9CCC, s7;
	s24 =	simm.s32 @!p6 $0x460  }
0x1d0: {  	[tilespmem:s24], [sflag:$0x5] =	stream.linear.gather @!p6 [hbm4b:s19+s30], $0x50, $0x38;
	[tilespmem:$0x1EFA0] =	vst v63  }
0x1d1: {  	s19 =	sadd.s32 @!p6 $0xFFFFFCE0, s3;
	s24 =	simm.s32 @!p6 $0xE240  }
0x1d2: {  	[tilespmem:s24], [sflag:$0x5] =	stream.linear.gather @!p6 [hbm4b:s19+s30], $0x500, $0x38;
	[tilespmem:$0x1EFA0] =	vst v63  }
0x1d3: {  	s19 =	simm.s32 @!p6 $0x1A  }
0x1d4: {  	_ =	swait.ge @!p6 [sflag:s19], $0x1400  }
0x1d5: {  	[sflag:s19] =	ssyncset.done @!p6 $0x0  }
0x1d6: {  	[sflag:s19] =	ssyncadd.s32 @!p6 $0xFFFFEC00  }
0x1d7: {  	_ =	swait.ge @!p6 [sflag:s19], $0x500  }
0x1d8: {  	[sflag:s19] =	ssyncset.done @!p6 $0x0  }
0x1d9: {  	s24 =	simm.s32 @!p6 $0x190;
	[sflag:s19] =	ssyncadd.s32 @!p6 $0xFFFFFB00;
	s19 =	sadd.s32 @!p6 $0x96, s7  }
0x1da: {  	[tilespmem:s24], [sflag:$0x6] =	stream.linear.gather @!p6 [hbm4b:s19+s30], $0x50, $0x38;
	[tilespmem:$0x1EFA0] =	vst v63  }
0x1db: {  	s19 =	sadd.s32 @!p6 $0x9CD6, s7;
	s24 =	simm.s32 @!p6 $0x4B0  }
0x1dc: {  	[tilespmem:s24], [sflag:$0x6] =	stream.linear.gather @!p6 [hbm4b:s19+s30], $0x50, $0x38;
	[tilespmem:$0x1EFA0] =	vst v63  }
0x1dd: {  	s28 =	simm.s32 $0x1B;
	s19 =	sadd.s32 @!p6 $0xFFFFFD80, s3;
	s24 =	simm.s32 @!p6 $0xE740  }
0x1de: {  	[tilespmem:s24], [sflag:$0x6] =	stream.linear.gather @!p6 [hbm4b:s19+s30], $0x500, $0x38;
	[tilespmem:$0x1EFA0] =	vst v63  }
0x1df: {  	_ =	swait.ge [sflag:s28], $0x1400  }
0x1e0: {  	[sflag:s28] =	ssyncset.done $0x0  }
0x1e1: {  	[sflag:s28] =	ssyncadd.s32 $0xFFFFEC00  }
0x1e2: {  	_ =	swait.ge [sflag:s28], $0x500  }
0x1e3: {  	[sflag:s28] =	ssyncset.done $0x0  }
0x1e4: {  	s19 =	simm.s32 @p6 $0x1C;
	[sflag:s28] =	ssyncadd.s32 $0xFFFFFB00  }
0x1e5: {  	_ =	swait.ge @p6 [sflag:s19], $0x1400  }
0x1e6: {  	[sflag:s19] =	ssyncset.done @p6 $0x0  }
0x1e7: {  	[sflag:s19] =	ssyncadd.s32 @p6 $0xFFFFEC00  }
0x1e8: {  	_ =	swait.ge @p6 [sflag:s19], $0x500  }
0x1e9: {  	[sflag:s19] =	ssyncset.done @p6 $0x0  }
0x1ea: {  	s24 =	simm.s32 @!p6 $0x1E0;
	[sflag:s19] =	ssyncadd.s32 @p6 $0xFFFFFB00;
	s19 =	sadd.s32 @!p6 $0xA0, s7  }
0x1eb: {  	[tilespmem:s24], [sflag:$0x7] =	stream.linear.gather @!p6 [hbm4b:s19+s30], $0x50, $0x38;
	[tilespmem:$0x1EFA0] =	vst v63  }
0x1ec: {  	s19 =	sadd.s32 @!p6 $0x9CE0, s7;
	s24 =	simm.s32 @!p6 $0x500  }
0x1ed: {  	[tilespmem:s24], [sflag:$0x7] =	stream.linear.gather @!p6 [hbm4b:s19+s30], $0x50, $0x38;
	[tilespmem:$0x1EFA0] =	vst v63  }
0x1ee: {  	s19 =	sadd.s32 @!p6 $0xFFFFFE20, s3;
	s24 =	simm.s32 @!p6 $0xEC40  }
0x1ef: {  	[tilespmem:s24], [sflag:$0x7] =	stream.linear.gather @!p6 [hbm4b:s19+s30], $0x500, $0x38;
	[tilespmem:$0x1EFA0] =	vst v63  }
0x1f0: {  	s19 =	simm.s32 @!p6 $0x1C  }
0x1f1: {  	_ =	swait.ge @!p6 [sflag:s19], $0x1400  }
0x1f2: {  	[sflag:s19] =	ssyncset.done @!p6 $0x0  }
0x1f3: {  	[sflag:s19] =	ssyncadd.s32 @!p6 $0xFFFFEC00  }
0x1f4: {  	_ =	swait.ge @!p6 [sflag:s19], $0x500  }
0x1f5: {  	[sflag:s19] =	ssyncset.done @!p6 $0x0  }
0x1f6: {  	s24 =	simm.s32 @!p6 $0x230;
	[sflag:s19] =	ssyncadd.s32 @!p6 $0xFFFFFB00;
	s19 =	sadd.s32 @!p6 $0xAA, s7  }
0x1f7: {  	[tilespmem:s24], [sflag:$0x8] =	stream.linear.gather @!p6 [hbm4b:s19+s30], $0x50, $0x38;
	[tilespmem:$0x1EFA0] =	vst v63  }
0x1f8: {  	s31 =	simm.s32 $0x4B0;
	s7 =	sadd.s32 @!p6 $0x9CEA, s7;
	s19 =	simm.s32 @!p6 $0x550  }
0x1f9: {  	[tilespmem:s19], [sflag:$0x8] =	stream.linear.gather @!p6 [hbm4b:s7+s30], $0x50, $0x38;
	[tilespmem:$0x1EFA0] =	vst v63  }
0x1fa: {  	s0 =	simm.s32 $0x320;
	s7 =	sadd.s32 @!p6 $0xFFFFFEC0, s3;
	s19 =	simm.s32 @!p6 $0xF140  }
0x1fb: {  	[tilespmem:s19], [sflag:$0x8] =	stream.linear.gather @!p6 [hbm4b:s7+s30], $0x500, $0x38;
	[tilespmem:$0x1EFA0] =	vst v63  }
0x1fc: {  	s12 =	simm.s32 $0x0;
	s15 =	simm.s32 $0x370;
	s30 =	simm.s32 $0x1D  }
0x1fd: {  	s5 =	simm.s32 $0x3C0;
	s9 =	simm.s32 $0x280;
	_ =	swait.ge [sflag:s30], $0x1400  }
.Ltmp5:
0x1fe: {  	s8 =	simm.s32 $0x410;
	[sflag:s30] =	ssyncset.done $0x0;
	(pc) =	sbr.rel @p6 .LBB2_9-.Ltmp5, $4  }
0x1ff: {  	s22 =	simm.s32 $0x460;
	s13 =	simm.s32 $0x500;
	[sflag:s30] =	ssyncadd.s32 $0xFFFFEC00  }
0x200: {  	s11 =	simm.s32 $0x550;
	s4 =	simm.s32 $0x5F0;
	_ =	swait.ge [sflag:s30], $0x500  }
0x201: {  	s25 =	simm.s32 $0xF640;
	s10 =	simm.s32 $0xFB40;
	[sflag:s30] =	ssyncset.done $0x0  }
0x202: {  	s26 =	simm.s32 $0x2D0;
	s20 =	simm.s32 $0x5A0;
	[sflag:s30] =	ssyncadd.s32 $0xFFFFFB00  }
0x203: {  	s7 =	sadd.s32 s6, s2  }
0x204: {  	s19 =	sadd.s32 $0xB4, s7  }
0x205: {  	[tilespmem:s9], [sflag:$0x9] =	stream.linear.gather [hbm4b:s19+s12], $0x50, $0x38;
	[tilespmem:$0x1EFA0] =	vst v63  }
0x206: {  	s24 =	sadd.s32 $0x9CF4, s7  }
0x207: {  	[tilespmem:s20], [sflag:$0x9] =	stream.linear.gather [hbm4b:s24+s12], $0x50, $0x38;
	[tilespmem:$0x1EFA0] =	vst v63  }
0x208: {  	s30 =	sadd.s32 $0xFFFFFF60, s3;
	s0 =	simm.s32 $0x1E  }
0x209: {  	[tilespmem:s25], [sflag:$0x9] =	stream.linear.gather [hbm4b:s30+s12], $0x500, $0x38;
	[tilespmem:$0x1EFA0] =	vst v63  }
0x20a: {  	_ =	swait.ge [sflag:s0], $0x1400  }
0x20b: {  	[sflag:s0] =	ssyncset.done $0x0  }
0x20c: {  	[sflag:s0] =	ssyncadd.s32 $0xFFFFEC00  }
0x20d: {  	_ =	swait.ge [sflag:s0], $0x500  }
0x20e: {  	s6 =	sadd.s32 $0x64, s6;
	[sflag:s0] =	ssyncset.done $0x0  }
0x20f: {  	s28 =	simm.s32 $0xF640;
	s31 =	sadd.s32 $0xBE, s7;
	[sflag:s0] =	ssyncadd.s32 $0xFFFFFB00  }
0x210: {  	[tilespmem:s26], [sflag:$0xA] =	stream.linear.gather [hbm4b:s31+s12], $0x50, $0x38;
	[tilespmem:$0x1EFA0] =	vst v63  }
.Ltmp6:
0x211: {  	s7 =	sadd.s32 $0x9CFE, s7;
	s24 =	smov.u32 s2;
	(pc) =	sbr.rel .LBB2_7-.Ltmp6, $4  }
0x212: {  	[tilespmem:s4], [sflag:$0xA] =	stream.linear.gather [hbm4b:s7+s12], $0x50, $0x38;
	[tilespmem:$0x1EFA0] =	vst v63  }
0x213: {  	s2 =	simm.s32 $0x280;
	s20 =	simm.s32 $0x5A0;
	s0 =	simm.s32 $0x0  }
0x214: {  	[tilespmem:s10], [sflag:$0xA] =	stream.linear.gather [hbm4b:s3+s12], $0x500, $0x38;
	[tilespmem:$0x1EFA0] =	vst v63  }
0x215: {  	s26 =	simm.s32 $0x5F0;
	s3 =	sadd.s32 $0x640, s3;
	s10 =	simm.s32 $0x1  }
.LBB2_9:
0x216: {  	s3 =	simm.s32 $0x1E  }
0x217: {  	_ =	swait.ge [sflag:s3], $0x1400  }
0x218: {  	[sflag:s3] =	ssyncset.done $0x0  }
0x219: {  	[sflag:s3] =	ssyncadd.s32 $0xFFFFEC00  }
0x21a: {  	s25 =	stileid.u32;
	s24 =	smov.u32 s2;
	_ =	swait.ge [sflag:s3], $0x500  }
0x21b: {  	s4 =	simm.s32 $0xF640;
	s26 =	simm.s32 $0x5F0;
	[sflag:s3] =	ssyncset.done $0x0  }
0x21c: {  	s10 =	simm.s32 $0x1;
	s2 =	sld [smem:$0x7EA];
	[sflag:s3] =	ssyncadd.s32 $0xFFFFFB00  }
.LBB2_10:
.Ltmp7:
0x21d: {  	(pc) =	sbr.rel @!p0 .LBB2_15-.Ltmp7, $1  }
0x21e: {  	_ =	sdelay $0x3  }
0x21f: {  	s6 =	rddreg [dreg:$0x5]  }
0x220: {  	s3 =	simm.s32 $0x0;
	s2 =	sld [smem:$0x7F2]  }
0x221: {  	[tilespmem:s3], [sflag:$0x1] =	stream.linear.gather [hbm4b:s6+s3], $0x50, $0x38;
	[tilespmem:$0x1EFA0] =	vst v63  }
0x222: {  	s4 =	rddreg [dreg:$0x6]  }
0x223: {  	[tilespmem:s0], [sflag:$0x1] =	stream.linear.gather [hbm4b:s2+s3], $0x50, $0x38;
	[tilespmem:$0x1EFA0] =	vst v63  }
0x224: {  	s7 =	sld [smem:$0x7F3]  }
0x225: {  	[tilespmem:s23], [sflag:$0x2] =	stream.linear.gather [hbm4b:s4+s3], $0x50, $0x38;
	[tilespmem:$0x1EFA0] =	vst v63  }
0x226: {  	s9 =	rddreg [dreg:$0x7]  }
0x227: {  	[tilespmem:s15], [sflag:$0x2] =	stream.linear.gather [hbm4b:s7+s3], $0x50, $0x38;
	[tilespmem:$0x1EFA0] =	vst v63  }
0x228: {  	s12 =	simm.s32 $0xA0;
	s15 =	sld [smem:$0x7F4]  }
0x229: {  	[tilespmem:s12], [sflag:$0x3] =	stream.linear.gather [hbm4b:s9+s3], $0x50, $0x38;
	[tilespmem:$0x1EFA0] =	vst v63  }
0x22a: {  	s19 =	rddreg [dreg:$0x8]  }
0x22b: {  	[tilespmem:s5], [sflag:$0x3] =	stream.linear.gather [hbm4b:s15+s3], $0x50, $0x38;
	[tilespmem:$0x1EFA0] =	vst v63  }
0x22c: {  	s20 =	simm.s32 $0xF0;
	s21 =	sld [smem:$0x7F5]  }
0x22d: {  	[tilespmem:s20], [sflag:$0x4] =	stream.linear.gather [hbm4b:s19+s3], $0x50, $0x38;
	[tilespmem:$0x1EFA0] =	vst v63  }
0x22e: {  	s25 =	rddreg [dreg:$0x9]  }
0x22f: {  	[tilespmem:s8], [sflag:$0x4] =	stream.linear.gather [hbm4b:s21+s3], $0x50, $0x38;
	[tilespmem:$0x1EFA0] =	vst v63  }
0x230: {  	s30 =	simm.s32 $0x140;
	s2 =	sld [smem:$0x7F6]  }
0x231: {  	[tilespmem:s30], [sflag:$0x5] =	stream.linear.gather [hbm4b:s25+s3], $0x50, $0x38;
	[tilespmem:$0x1EFA0] =	vst v63  }
0x232: {  	s4 =	rddreg [dreg:$0xa]  }
0x233: {  	[tilespmem:s22], [sflag:$0x5] =	stream.linear.gather [hbm4b:s2+s3], $0x50, $0x38;
	[tilespmem:$0x1EFA0] =	vst v63  }
0x234: {  	s7 =	sld [smem:$0x7F7];
	s5 =	simm.s32 $0x190  }
0x235: {  	[tilespmem:s5], [sflag:$0x6] =	stream.linear.gather [hbm4b:s4+s3], $0x50, $0x38;
	[tilespmem:$0x1EFA0] =	vst v63  }
0x236: {  	s12 =	sld [smem:$0x7F8]  }
0x237: {  	[tilespmem:s31], [sflag:$0x6] =	stream.linear.gather [hbm4b:s7+s3], $0x50, $0x38;
	[tilespmem:$0x1EFA0] =	vst v63  }
0x238: {  	s9 =	simm.s32 $0x1E0;
	s8 =	rddreg [dreg:$0xb]  }
0x239: {  	[tilespmem:s9], [sflag:$0x7] =	stream.linear.gather [hbm4b:s8+s3], $0x50, $0x38;
	[tilespmem:$0x1EFA0] =	vst v63  }
0x23a: {  	s15 =	rddreg [dreg:$0xc]  }
0x23b: {  	[tilespmem:s13], [sflag:$0x7] =	stream.linear.gather [hbm4b:s12+s3], $0x50, $0x38;
	[tilespmem:$0x1EFA0] =	vst v63  }
0x23c: {  	s19 =	simm.s32 $0x230;
	s20 =	sld [smem:$0x7F9]  }
0x23d: {  	[tilespmem:s19], [sflag:$0x8] =	stream.linear.gather [hbm4b:s15+s3], $0x50, $0x38;
	[tilespmem:$0x1EFA0] =	vst v63  }
0x23e: {  	s21 =	rddreg [dreg:$0xd]  }
0x23f: {  	[tilespmem:s11], [sflag:$0x8] =	stream.linear.gather [hbm4b:s20+s3], $0x50, $0x38;
	[tilespmem:$0x1EFA0] =	vst v63  }
0x240: {  	s2 =	simm.s32 $0x280;
	s22 =	sld [smem:$0x7FA]  }
0x241: {  	[tilespmem:s2], [sflag:$0x9] =	stream.linear.gather [hbm4b:s21+s3], $0x50, $0x38;
	[tilespmem:$0x1EFA0] =	vst v63  }
0x242: {  	s28 =	simm.s32 $0x5A0;
	s25 =	rddreg [dreg:$0xe]  }
0x243: {  	[tilespmem:s28], [sflag:$0x9] =	stream.linear.gather [hbm4b:s22+s3], $0x50, $0x38;
	[tilespmem:$0x1EFA0] =	vst v63  }
0x244: {  	s30 =	simm.s32 $0x2D0;
	s31 =	sld [smem:$0x7FB]  }
0x245: {  	[tilespmem:s30], [sflag:$0xA] =	stream.linear.gather [hbm4b:s25+s3], $0x50, $0x38;
	[tilespmem:$0x1EFA0] =	vst v63  }
0x246: {  	s0 =	simm.s32 $0x0  }
0x247: {  	[tilespmem:s26], [sflag:$0xA] =	stream.linear.gather [hbm4b:s31+s3], $0x50, $0x38;
	[tilespmem:$0x1EFA0] =	vst v63  }
.LBB2_12:
0x248: {  	_ =	swait.ge [sflag:s10], $0x50  }
0x249: {  	[sflag:s10] =	ssyncset.done $0x0  }
0x24a: {  	[sflag:s10] =	ssyncadd.s32 $0xFFFFFFB0  }
0x24b: {  	_ =	swait.ge [sflag:s10], $0x50  }
0x24c: {  	[sflag:s10] =	ssyncset.done $0x0  }
0x24d: {  	s5 =	simm.s32 $0x640;
	s9 =	simm.s32 $0x2;
	[sflag:s10] =	ssyncadd.s32 $0xFFFFFFB0  }
0x24e: {  	[tilespmem:s5], [sflag:$0xB] =	stream.indirect.gather [hbm4b:s18+s23], $0x40, s0, s23, $0xb8;
	[tilespmem:$0x1EFA0] =	vst v63  }
0x24f: {  	_ =	swait.ge [sflag:s9], $0x50  }
0x250: {  	[sflag:s9] =	ssyncset.done $0x0  }
0x251: {  	[sflag:s9] =	ssyncadd.s32 $0xFFFFFFB0  }
0x252: {  	_ =	swait.ge [sflag:s9], $0x50  }
0x253: {  	[sflag:s9] =	ssyncset.done $0x0  }
0x254: {  	s7 =	simm.s32 $0x1A40;
	s11 =	simm.s32 $0x3;
	[sflag:s9] =	ssyncadd.s32 $0xFFFFFFB0  }
0x255: {  	[tilespmem:s7], [sflag:$0xC] =	stream.indirect.gather [hbm4b:s18+s23], $0x40, s23, s23, $0xb8;
	[tilespmem:$0x1EFA0] =	vst v63  }
0x256: {  	_ =	swait.ge [sflag:s11], $0x50  }
0x257: {  	[sflag:s11] =	ssyncset.done $0x0  }
0x258: {  	[sflag:s11] =	ssyncadd.s32 $0xFFFFFFB0  }
0x259: {  	_ =	swait.ge [sflag:s11], $0x50  }
0x25a: {  	s12 =	simm.s32 $0xA0;
	[sflag:s11] =	ssyncset.done $0x0  }
0x25b: {  	s8 =	simm.s32 $0x2E40;
	s13 =	simm.s32 $0x4;
	[sflag:s11] =	ssyncadd.s32 $0xFFFFFFB0  }
0x25c: {  	[tilespmem:s8], [sflag:$0xD] =	stream.indirect.gather [hbm4b:s18+s23], $0x40, s12, s23, $0xb8;
	[tilespmem:$0x1EFA0] =	vst v63  }
0x25d: {  	_ =	swait.ge [sflag:s13], $0x50  }
0x25e: {  	[sflag:s13] =	ssyncset.done $0x0  }
0x25f: {  	[sflag:s13] =	ssyncadd.s32 $0xFFFFFFB0  }
0x260: {  	_ =	swait.ge [sflag:s13], $0x50  }
0x261: {  	s15 =	simm.s32 $0xF0;
	[sflag:s13] =	ssyncset.done $0x0  }
0x262: {  	s19 =	simm.s32 $0x5;
	s11 =	simm.s32 $0x4240;
	[sflag:s13] =	ssyncadd.s32 $0xFFFFFFB0  }
0x263: {  	[tilespmem:s11], [sflag:$0xE] =	stream.indirect.gather [hbm4b:s18+s23], $0x40, s15, s23, $0xb8;
	[tilespmem:$0x1EFA0] =	vst v63  }
0x264: {  	_ =	swait.ge [sflag:s19], $0x50  }
0x265: {  	[sflag:s19] =	ssyncset.done $0x0  }
0x266: {  	[sflag:s19] =	ssyncadd.s32 $0xFFFFFFB0  }
0x267: {  	_ =	swait.ge [sflag:s19], $0x50  }
0x268: {  	s20 =	simm.s32 $0x140;
	[sflag:s19] =	ssyncset.done $0x0  }
0x269: {  	s21 =	simm.s32 $0x6;
	s13 =	simm.s32 $0x5640;
	[sflag:s19] =	ssyncadd.s32 $0xFFFFFFB0  }
0x26a: {  	[tilespmem:s13], [sflag:$0xF] =	stream.indirect.gather [hbm4b:s18+s23], $0x40, s20, s23, $0xb8;
	[tilespmem:$0x1EFA0] =	vst v63  }
0x26b: {  	_ =	swait.ge [sflag:s21], $0x50  }
0x26c: {  	[sflag:s21] =	ssyncset.done $0x0  }
0x26d: {  	[sflag:s21] =	ssyncadd.s32 $0xFFFFFFB0  }
0x26e: {  	_ =	swait.ge [sflag:s21], $0x50  }
0x26f: {  	s22 =	simm.s32 $0x190;
	[sflag:s21] =	ssyncset.done $0x0  }
0x270: {  	s25 =	simm.s32 $0x7;
	s19 =	simm.s32 $0x6A40;
	[sflag:s21] =	ssyncadd.s32 $0xFFFFFFB0  }
0x271: {  	[tilespmem:s19], [sflag:$0x10] =	stream.indirect.gather [hbm4b:s18+s23], $0x40, s22, s23, $0xb8;
	[tilespmem:$0x1EFA0] =	vst v63  }
0x272: {  	_ =	swait.ge [sflag:s25], $0x50  }
0x273: {  	[sflag:s25] =	ssyncset.done $0x0  }
0x274: {  	[sflag:s25] =	ssyncadd.s32 $0xFFFFFFB0  }
0x275: {  	_ =	swait.ge [sflag:s25], $0x50  }
0x276: {  	s30 =	simm.s32 $0x1E0;
	[sflag:s25] =	ssyncset.done $0x0  }
0x277: {  	s4 =	simm.s32 $0x7E40;
	s6 =	simm.s32 $0x8;
	[sflag:s25] =	ssyncadd.s32 $0xFFFFFFB0  }
0x278: {  	[tilespmem:s4], [sflag:$0x11] =	stream.indirect.gather [hbm4b:s18+s23], $0x40, s30, s23, $0xb8;
	[tilespmem:$0x1EFA0] =	vst v63  }
0x279: {  	_ =	swait.ge [sflag:s6], $0x50  }
0x27a: {  	[sflag:s6] =	ssyncset.done $0x0  }
0x27b: {  	[sflag:s6] =	ssyncadd.s32 $0xFFFFFFB0  }
0x27c: {  	_ =	swait.ge [sflag:s6], $0x50  }
0x27d: {  	[sflag:s6] =	ssyncset.done $0x0  }
0x27e: {  	s9 =	simm.s32 $0x230;
	s20 =	simm.s32 $0x9240;
	[sflag:s6] =	ssyncadd.s32 $0xFFFFFFB0  }
0x27f: {  	[tilespmem:s20], [sflag:$0x12] =	stream.indirect.gather [hbm4b:s18+s23], $0x40, s9, s23, $0xb8;
	[tilespmem:$0x1EFA0] =	vst v63  }
0x280: {  	_ =	swait.ge [sflag:s1], $0x50  }
0x281: {  	[sflag:s1] =	ssyncset.done $0x0  }
0x282: {  	[sflag:s1] =	ssyncadd.s32 $0xFFFFFFB0  }
0x283: {  	_ =	swait.ge [sflag:s1], $0x50  }
0x284: {  	[sflag:s1] =	ssyncset.done $0x0  }
0x285: {  	s25 =	simm.s32 $0xA640;
	[sflag:s1] =	ssyncadd.s32 $0xFFFFFFB0  }
0x286: {  	[tilespmem:s25], [sflag:$0x13] =	stream.indirect.gather [hbm4b:s18+s23], $0x40, s2, s23, $0xb8;
	[tilespmem:$0x1EFA0] =	vst v63  }
0x287: {  	_ =	swait.ge [sflag:s29], $0x50  }
0x288: {  	[sflag:s29] =	ssyncset.done $0x0  }
0x289: {  	[sflag:s29] =	ssyncadd.s32 $0xFFFFFFB0  }
0x28a: {  	_ =	swait.ge [sflag:s29], $0x50  }
0x28b: {  	s12 =	simm.s32 $0x2D0;
	[sflag:s29] =	ssyncset.done $0x0  }
0x28c: {  	s15 =	simm.s32 $0xB;
	s21 =	simm.s32 $0xBA40;
	[sflag:s29] =	ssyncadd.s32 $0xFFFFFFB0  }
0x28d: {  	[tilespmem:s21], [sflag:$0x14] =	stream.indirect.gather [hbm4b:s18+s23], $0x40, s12, s23, $0xb8;
	[tilespmem:$0x1EFA0] =	vst v63  }
0x28e: {  	_ =	swait.ge [sflag:s15], $0x1400  }
0x28f: {  	[sflag:s15] =	ssyncset.done $0x0  }
0x290: {  	s6 =	simm.s32 $0x320;
	[sflag:s15] =	ssyncadd.s32 $0xFFFFEC00  }
0x291: {  	[spmem:s14] =	stream.indirect.scatter.add.f32 [tilespmem:s5], [sflag:$0x15], $0x40, s6, s23, $0xb8;
	[tilespmem:$0x1EFA0] =	vst v63  }
0x292: {  	s22 =	simm.s32 $0xC;
	s30 =	simm.s32 $0x10040  }
0x293: {  	[spmem:s16] =	stream.indirect.scatter.add.f32 [tilespmem:s30], [sflag:$0x15], $0x10, s6, s23, $0xb8;
	[tilespmem:$0x1EFA0] =	vst v63  }
0x294: {  	_ =	swait.ge [sflag:s22], $0x1400  }
0x295: {  	[sflag:s22] =	ssyncset.done $0x0  }
0x296: {  	s5 =	simm.s32 $0x370;
	[sflag:s22] =	ssyncadd.s32 $0xFFFFEC00  }
0x297: {  	[spmem:s14] =	stream.indirect.scatter.add.f32 [tilespmem:s7], [sflag:$0x16], $0x40, s5, s23, $0xb8;
	[tilespmem:$0x1EFA0] =	vst v63  }
0x298: {  	s9 =	simm.s32 $0xD  }
0x299: {  	[spmem:s16] =	stream.indirect.scatter.add.f32 [tilespmem:s30], [sflag:$0x16], $0x10, s5, s23, $0xb8;
	[tilespmem:$0x1EFA0] =	vst v63  }
0x29a: {  	_ =	swait.ge [sflag:s9], $0x1400  }
0x29b: {  	[sflag:s9] =	ssyncset.done $0x0  }
0x29c: {  	s22 =	simm.s32 $0x3C0;
	[sflag:s9] =	ssyncadd.s32 $0xFFFFEC00  }
0x29d: {  	[spmem:s14] =	stream.indirect.scatter.add.f32 [tilespmem:s8], [sflag:$0x17], $0x40, s22, s23, $0xb8;
	[tilespmem:$0x1EFA0] =	vst v63  }
0x29e: {  	s6 =	simm.s32 $0xE  }
0x29f: {  	[spmem:s16] =	stream.indirect.scatter.add.f32 [tilespmem:s30], [sflag:$0x17], $0x10, s22, s23, $0xb8;
	[tilespmem:$0x1EFA0] =	vst v63  }
0x2a0: {  	_ =	swait.ge [sflag:s6], $0x1400  }
0x2a1: {  	[sflag:s6] =	ssyncset.done $0x0  }
0x2a2: {  	s7 =	simm.s32 $0x410;
	[sflag:s6] =	ssyncadd.s32 $0xFFFFEC00  }
0x2a3: {  	[spmem:s14] =	stream.indirect.scatter.add.f32 [tilespmem:s11], [sflag:$0x18], $0x40, s7, s23, $0xb8;
	[tilespmem:$0x1EFA0] =	vst v63  }
0x2a4: {  	s22 =	simm.s32 $0xF  }
0x2a5: {  	[spmem:s16] =	stream.indirect.scatter.add.f32 [tilespmem:s30], [sflag:$0x18], $0x10, s7, s23, $0xb8;
	[tilespmem:$0x1EFA0] =	vst v63  }
0x2a6: {  	_ =	swait.ge [sflag:s22], $0x1400  }
0x2a7: {  	[sflag:s22] =	ssyncset.done $0x0  }
0x2a8: {  	s6 =	simm.s32 $0x460;
	[sflag:s22] =	ssyncadd.s32 $0xFFFFEC00  }
0x2a9: {  	[spmem:s14] =	stream.indirect.scatter.add.f32 [tilespmem:s13], [sflag:$0x19], $0x40, s6, s23, $0xb8;
	[tilespmem:$0x1EFA0] =	vst v63  }
0x2aa: {  	s7 =	simm.s32 $0x10  }
0x2ab: {  	[spmem:s16] =	stream.indirect.scatter.add.f32 [tilespmem:s30], [sflag:$0x19], $0x10, s6, s23, $0xb8;
	[tilespmem:$0x1EFA0] =	vst v63  }
0x2ac: {  	_ =	swait.ge [sflag:s7], $0x1400  }
0x2ad: {  	[sflag:s7] =	ssyncset.done $0x0  }
0x2ae: {  	s11 =	simm.s32 $0x4B0;
	[sflag:s7] =	ssyncadd.s32 $0xFFFFEC00  }
0x2af: {  	[spmem:s14] =	stream.indirect.scatter.add.f32 [tilespmem:s19], [sflag:$0x1A], $0x40, s11, s23, $0xb8;
	[tilespmem:$0x1EFA0] =	vst v63  }
0x2b0: {  	s13 =	simm.s32 $0x11  }
0x2b1: {  	[spmem:s16] =	stream.indirect.scatter.add.f32 [tilespmem:s30], [sflag:$0x1A], $0x10, s11, s23, $0xb8;
	[tilespmem:$0x1EFA0] =	vst v63  }
0x2b2: {  	_ =	swait.ge [sflag:s13], $0x1400  }
0x2b3: {  	[sflag:s13] =	ssyncset.done $0x0  }
0x2b4: {  	s19 =	simm.s32 $0x500;
	[sflag:s13] =	ssyncadd.s32 $0xFFFFEC00  }
0x2b5: {  	[spmem:s14] =	stream.indirect.scatter.add.f32 [tilespmem:s4], [sflag:$0x1B], $0x40, s19, s23, $0xb8;
	[tilespmem:$0x1EFA0] =	vst v63  }
0x2b6: {  	s4 =	simm.s32 $0x12  }
0x2b7: {  	[spmem:s16] =	stream.indirect.scatter.add.f32 [tilespmem:s30], [sflag:$0x1B], $0x10, s19, s23, $0xb8;
	[tilespmem:$0x1EFA0] =	vst v63  }
0x2b8: {  	_ =	swait.ge [sflag:s4], $0x1400  }
0x2b9: {  	[sflag:s4] =	ssyncset.done $0x0  }
0x2ba: {  	s6 =	simm.s32 $0x550;
	[sflag:s4] =	ssyncadd.s32 $0xFFFFEC00  }
0x2bb: {  	[spmem:s14] =	stream.indirect.scatter.add.f32 [tilespmem:s20], [sflag:$0x1C], $0x40, s6, s23, $0xb8;
	[tilespmem:$0x1EFA0] =	vst v63  }
0x2bc: {  	s7 =	simm.s32 $0x13  }
0x2bd: {  	[spmem:s16] =	stream.indirect.scatter.add.f32 [tilespmem:s30], [sflag:$0x1C], $0x10, s6, s23, $0xb8;
	[tilespmem:$0x1EFA0] =	vst v63  }
0x2be: {  	_ =	swait.ge [sflag:s7], $0x1400  }
0x2bf: {  	[sflag:s7] =	ssyncset.done $0x0  }
0x2c0: {  	[sflag:s7] =	ssyncadd.s32 $0xFFFFEC00  }
0x2c1: {  	[spmem:s14] =	stream.indirect.scatter.add.f32 [tilespmem:s25], [sflag:$0x1D], $0x40, s28, s23, $0xb8;
	[tilespmem:$0x1EFA0] =	vst v63  }
0x2c2: {  	s19 =	simm.s32 $0x14  }
0x2c3: {  	[spmem:s16] =	stream.indirect.scatter.add.f32 [tilespmem:s30], [sflag:$0x1D], $0x10, s28, s23, $0xb8;
	[tilespmem:$0x1EFA0] =	vst v63  }
0x2c4: {  	_ =	swait.ge [sflag:s19], $0x1400  }
0x2c5: {  	[sflag:s19] =	ssyncset.done $0x0  }
0x2c6: {  	[sflag:s19] =	ssyncadd.s32 $0xFFFFEC00  }
0x2c7: {  	[spmem:s14] =	stream.indirect.scatter.add.f32 [tilespmem:s21], [sflag:$0x1E], $0x40, s26, s23, $0xb8;
	[tilespmem:$0x1EFA0] =	vst v63  }
0x2c8: {  	s20 =	simm.s32 $0x15  }
0x2c9: {  	[spmem:s16] =	stream.indirect.scatter.add.f32 [tilespmem:s30], [sflag:$0x1E], $0x10, s26, s23, $0xb8;
	[tilespmem:$0x1EFA0] =	vst v63  }
0x2ca: {  	_ =	swait.ge [sflag:s20], $0x1400  }
0x2cb: {  	[sflag:s20] =	ssyncset.done $0x0  }
0x2cc: {  	[sflag:s20] =	ssyncadd.s32 $0xFFFFEC00  }
0x2cd: {  	_ =	swait.ge [sflag:s20], $0x500  }
0x2ce: {  	p6 =	seq.s32 s3, $0x960;
	[sflag:s20] =	ssyncset.done $0x0  }
0x2cf: {  	s7 =	simm.s32 @p6 $0x16;
	[sflag:s20] =	ssyncadd.s32 $0xFFFFFB00  }
0x2d0: {  	_ =	swait.ge @p6 [sflag:s7], $0x1400  }
0x2d1: {  	[sflag:s7] =	ssyncset.done @p6 $0x0  }
0x2d2: {  	[sflag:s7] =	ssyncadd.s32 @p6 $0xFFFFEC00  }
0x2d3: {  	_ =	swait.ge @p6 [sflag:s7], $0x500  }
0x2d4: {  	s6 =	sadd.s32 @!p6 s3, s24;
	[sflag:s7] =	ssyncset.done @p6 $0x0  }
0x2d5: {  	s19 =	sadd.s32 @!p6 $0x64, s6;
	[sflag:s7] =	ssyncadd.s32 @p6 $0xFFFFFB00;
	s7 =	simm.s32 @!p6 $0x0  }
0x2d6: {  	[tilespmem:s7], [sflag:$0x1] =	stream.linear.gather @!p6 [hbm4b:s19+s7], $0x50, $0x38;
	[tilespmem:$0x1EFA0] =	vst v63  }
0x2d7: {  	s2 =	smov.u32 s24;
	s24 =	simm.s32 @!p6 $0x320;
	s19 =	sadd.s32 @!p6 $0x9CA4, s6  }
0x2d8: {  	[tilespmem:s24], [sflag:$0x1] =	stream.linear.gather @!p6 [hbm4b:s19+s7], $0x50, $0x38;
	[tilespmem:$0x1EFA0] =	vst v63  }
0x2d9: {  	s19 =	simm.s32 @!p6 $0x16  }
0x2da: {  	_ =	swait.ge @!p6 [sflag:s19], $0x1400  }
0x2db: {  	[sflag:s19] =	ssyncset.done @!p6 $0x0  }
0x2dc: {  	[sflag:s19] =	ssyncadd.s32 @!p6 $0xFFFFEC00  }
0x2dd: {  	_ =	swait.ge @!p6 [sflag:s19], $0x500  }
0x2de: {  	[sflag:s19] =	ssyncset.done @!p6 $0x0  }
0x2df: {  	s24 =	simm.s32 @!p6 $0x50;
	[sflag:s19] =	ssyncadd.s32 @!p6 $0xFFFFFB00;
	s19 =	sadd.s32 @!p6 $0x6E, s6  }
0x2e0: {  	[tilespmem:s24], [sflag:$0x2] =	stream.linear.gather @!p6 [hbm4b:s19+s7], $0x50, $0x38;
	[tilespmem:$0x1EFA0] =	vst v63  }
0x2e1: {  	s21 =	simm.s32 $0x17;
	s19 =	sadd.s32 @!p6 $0x9CAE, s6;
	s24 =	simm.s32 @!p6 $0x370  }
0x2e2: {  	[tilespmem:s24], [sflag:$0x2] =	stream.linear.gather @!p6 [hbm4b:s19+s7], $0x50, $0x38;
	[tilespmem:$0x1EFA0] =	vst v63  }
0x2e3: {  	_ =	swait.ge [sflag:s21], $0x1400  }
0x2e4: {  	[sflag:s21] =	ssyncset.done $0x0  }
0x2e5: {  	[sflag:s21] =	ssyncadd.s32 $0xFFFFEC00  }
0x2e6: {  	_ =	swait.ge [sflag:s21], $0x500  }
0x2e7: {  	[sflag:s21] =	ssyncset.done $0x0  }
0x2e8: {  	s19 =	simm.s32 @p6 $0x18;
	[sflag:s21] =	ssyncadd.s32 $0xFFFFFB00  }
0x2e9: {  	_ =	swait.ge @p6 [sflag:s19], $0x1400  }
0x2ea: {  	[sflag:s19] =	ssyncset.done @p6 $0x0  }
0x2eb: {  	[sflag:s19] =	ssyncadd.s32 @p6 $0xFFFFEC00  }
0x2ec: {  	_ =	swait.ge @p6 [sflag:s19], $0x500  }
0x2ed: {  	[sflag:s19] =	ssyncset.done @p6 $0x0  }
0x2ee: {  	s24 =	simm.s32 @!p6 $0xA0;
	[sflag:s19] =	ssyncadd.s32 @p6 $0xFFFFFB00;
	s19 =	sadd.s32 @!p6 $0x78, s6  }
0x2ef: {  	[tilespmem:s24], [sflag:$0x3] =	stream.linear.gather @!p6 [hbm4b:s19+s7], $0x50, $0x38;
	[tilespmem:$0x1EFA0] =	vst v63  }
0x2f0: {  	s19 =	sadd.s32 @!p6 $0x9CB8, s6;
	s24 =	simm.s32 @!p6 $0x3C0  }
0x2f1: {  	[tilespmem:s24], [sflag:$0x3] =	stream.linear.gather @!p6 [hbm4b:s19+s7], $0x50, $0x38;
	[tilespmem:$0x1EFA0] =	vst v63  }
0x2f2: {  	s19 =	simm.s32 @!p6 $0x18  }
0x2f3: {  	_ =	swait.ge @!p6 [sflag:s19], $0x1400  }
0x2f4: {  	[sflag:s19] =	ssyncset.done @!p6 $0x0  }
0x2f5: {  	[sflag:s19] =	ssyncadd.s32 @!p6 $0xFFFFEC00  }
0x2f6: {  	_ =	swait.ge @!p6 [sflag:s19], $0x500  }
0x2f7: {  	[sflag:s19] =	ssyncset.done @!p6 $0x0  }
0x2f8: {  	s24 =	simm.s32 @!p6 $0xF0;
	[sflag:s19] =	ssyncadd.s32 @!p6 $0xFFFFFB00;
	s19 =	sadd.s32 @!p6 $0x82, s6  }
0x2f9: {  	[tilespmem:s24], [sflag:$0x4] =	stream.linear.gather @!p6 [hbm4b:s19+s7], $0x50, $0x38;
	[tilespmem:$0x1EFA0] =	vst v63  }
0x2fa: {  	s19 =	sadd.s32 @!p6 $0x9CC2, s6;
	s24 =	simm.s32 @!p6 $0x410  }
0x2fb: {  	[tilespmem:s24], [sflag:$0x4] =	stream.linear.gather @!p6 [hbm4b:s19+s7], $0x50, $0x38;
	[tilespmem:$0x1EFA0] =	vst v63  }
0x2fc: {  	s24 =	simm.s32 $0x19  }
0x2fd: {  	_ =	swait.ge [sflag:s24], $0x1400  }
0x2fe: {  	[sflag:s24] =	ssyncset.done $0x0  }
0x2ff: {  	[sflag:s24] =	ssyncadd.s32 $0xFFFFEC00  }
0x300: {  	_ =	swait.ge [sflag:s24], $0x500  }
0x301: {  	[sflag:s24] =	ssyncset.done $0x0  }
0x302: {  	s19 =	simm.s32 @p6 $0x1A;
	[sflag:s24] =	ssyncadd.s32 $0xFFFFFB00  }
0x303: {  	_ =	swait.ge @p6 [sflag:s19], $0x1400  }
0x304: {  	[sflag:s19] =	ssyncset.done @p6 $0x0  }
0x305: {  	[sflag:s19] =	ssyncadd.s32 @p6 $0xFFFFEC00  }
0x306: {  	_ =	swait.ge @p6 [sflag:s19], $0x500  }
0x307: {  	[sflag:s19] =	ssyncset.done @p6 $0x0  }
0x308: {  	s24 =	simm.s32 @!p6 $0x140;
	[sflag:s19] =	ssyncadd.s32 @p6 $0xFFFFFB00;
	s19 =	sadd.s32 @!p6 $0x8C, s6  }
0x309: {  	[tilespmem:s24], [sflag:$0x5] =	stream.linear.gather @!p6 [hbm4b:s19+s7], $0x50, $0x38;
	[tilespmem:$0x1EFA0] =	vst v63  }
0x30a: {  	s19 =	sadd.s32 @!p6 $0x9CCC, s6;
	s24 =	simm.s32 @!p6 $0x460  }
0x30b: {  	[tilespmem:s24], [sflag:$0x5] =	stream.linear.gather @!p6 [hbm4b:s19+s7], $0x50, $0x38;
	[tilespmem:$0x1EFA0] =	vst v63  }
0x30c: {  	s19 =	simm.s32 @!p6 $0x1A  }
0x30d: {  	_ =	swait.ge @!p6 [sflag:s19], $0x1400  }
0x30e: {  	[sflag:s19] =	ssyncset.done @!p6 $0x0  }
0x30f: {  	[sflag:s19] =	ssyncadd.s32 @!p6 $0xFFFFEC00  }
0x310: {  	_ =	swait.ge @!p6 [sflag:s19], $0x500  }
0x311: {  	[sflag:s19] =	ssyncset.done @!p6 $0x0  }
0x312: {  	s24 =	simm.s32 @!p6 $0x190;
	[sflag:s19] =	ssyncadd.s32 @!p6 $0xFFFFFB00;
	s19 =	sadd.s32 @!p6 $0x96, s6  }
0x313: {  	[tilespmem:s24], [sflag:$0x6] =	stream.linear.gather @!p6 [hbm4b:s19+s7], $0x50, $0x38;
	[tilespmem:$0x1EFA0] =	vst v63  }
0x314: {  	s25 =	simm.s32 $0x1B;
	s19 =	sadd.s32 @!p6 $0x9CD6, s6;
	s24 =	simm.s32 @!p6 $0x4B0  }
0x315: {  	[tilespmem:s24], [sflag:$0x6] =	stream.linear.gather @!p6 [hbm4b:s19+s7], $0x50, $0x38;
	[tilespmem:$0x1EFA0] =	vst v63  }
0x316: {  	_ =	swait.ge [sflag:s25], $0x1400  }
0x317: {  	[sflag:s25] =	ssyncset.done $0x0  }
0x318: {  	[sflag:s25] =	ssyncadd.s32 $0xFFFFEC00  }
0x319: {  	_ =	swait.ge [sflag:s25], $0x500  }
0x31a: {  	[sflag:s25] =	ssyncset.done $0x0  }
0x31b: {  	s19 =	simm.s32 @p6 $0x1C;
	[sflag:s25] =	ssyncadd.s32 $0xFFFFFB00  }
0x31c: {  	_ =	swait.ge @p6 [sflag:s19], $0x1400  }
0x31d: {  	[sflag:s19] =	ssyncset.done @p6 $0x0  }
0x31e: {  	[sflag:s19] =	ssyncadd.s32 @p6 $0xFFFFEC00  }
0x31f: {  	_ =	swait.ge @p6 [sflag:s19], $0x500  }
0x320: {  	[sflag:s19] =	ssyncset.done @p6 $0x0  }
0x321: {  	s24 =	simm.s32 @!p6 $0x1E0;
	[sflag:s19] =	ssyncadd.s32 @p6 $0xFFFFFB00;
	s19 =	sadd.s32 @!p6 $0xA0, s6  }
0x322: {  	[tilespmem:s24], [sflag:$0x7] =	stream.linear.gather @!p6 [hbm4b:s19+s7], $0x50, $0x38;
	[tilespmem:$0x1EFA0] =	vst v63  }
0x323: {  	s19 =	sadd.s32 @!p6 $0x9CE0, s6;
	s24 =	simm.s32 @!p6 $0x500  }
0x324: {  	[tilespmem:s24], [sflag:$0x7] =	stream.linear.gather @!p6 [hbm4b:s19+s7], $0x50, $0x38;
	[tilespmem:$0x1EFA0] =	vst v63  }
0x325: {  	s19 =	simm.s32 @!p6 $0x1C  }
0x326: {  	_ =	swait.ge @!p6 [sflag:s19], $0x1400  }
0x327: {  	[sflag:s19] =	ssyncset.done @!p6 $0x0  }
0x328: {  	[sflag:s19] =	ssyncadd.s32 @!p6 $0xFFFFEC00  }
0x329: {  	_ =	swait.ge @!p6 [sflag:s19], $0x500  }
0x32a: {  	[sflag:s19] =	ssyncset.done @!p6 $0x0  }
0x32b: {  	s24 =	simm.s32 @!p6 $0x230;
	[sflag:s19] =	ssyncadd.s32 @!p6 $0xFFFFFB00;
	s19 =	sadd.s32 @!p6 $0xAA, s6  }
0x32c: {  	[tilespmem:s24], [sflag:$0x8] =	stream.linear.gather @!p6 [hbm4b:s19+s7], $0x50, $0x38;
	[tilespmem:$0x1EFA0] =	vst v63  }
0x32d: {  	s30 =	simm.s32 $0x1D;
	s6 =	sadd.s32 @!p6 $0x9CEA, s6;
	s19 =	simm.s32 @!p6 $0x550  }
0x32e: {  	[tilespmem:s19], [sflag:$0x8] =	stream.linear.gather @!p6 [hbm4b:s6+s7], $0x50, $0x38;
	[tilespmem:$0x1EFA0] =	vst v63  }
0x32f: {  	s31 =	simm.s32 $0x4B0;
	_ =	swait.ge [sflag:s30], $0x1400  }
.Ltmp8:
0x330: {  	s0 =	simm.s32 $0x320;
	[sflag:s30] =	ssyncset.done $0x0;
	(pc) =	sbr.rel @p6 .LBB2_14-.Ltmp8, $4  }
0x331: {  	s12 =	simm.s32 $0x0;
	s15 =	simm.s32 $0x370;
	[sflag:s30] =	ssyncadd.s32 $0xFFFFEC00  }
0x332: {  	s5 =	simm.s32 $0x3C0;
	s9 =	simm.s32 $0x280;
	_ =	swait.ge [sflag:s30], $0x500  }
0x333: {  	s8 =	simm.s32 $0x410;
	s22 =	simm.s32 $0x460;
	[sflag:s30] =	ssyncset.done $0x0  }
0x334: {  	s11 =	simm.s32 $0x550;
	s13 =	simm.s32 $0x500;
	[sflag:s30] =	ssyncadd.s32 $0xFFFFFB00  }
0x335: {  	s6 =	sadd.s32 s3, s2  }
0x336: {  	s7 =	sadd.s32 $0xB4, s6  }
0x337: {  	[tilespmem:s9], [sflag:$0x9] =	stream.linear.gather [hbm4b:s7+s12], $0x50, $0x38;
	[tilespmem:$0x1EFA0] =	vst v63  }
0x338: {  	s0 =	simm.s32 $0x1E;
	s25 =	sadd.s32 $0x9CF4, s6  }
0x339: {  	[tilespmem:s28], [sflag:$0x9] =	stream.linear.gather [hbm4b:s25+s12], $0x50, $0x38;
	[tilespmem:$0x1EFA0] =	vst v63  }
0x33a: {  	_ =	swait.ge [sflag:s0], $0x1400  }
0x33b: {  	[sflag:s0] =	ssyncset.done $0x0  }
0x33c: {  	[sflag:s0] =	ssyncadd.s32 $0xFFFFEC00  }
0x33d: {  	s31 =	simm.s32 $0x2D0;
	_ =	swait.ge [sflag:s0], $0x500  }
.Ltmp9:
0x33e: {  	s3 =	sadd.s32 $0x64, s3;
	[sflag:s0] =	ssyncset.done $0x0;
	(pc) =	sbr.rel .LBB2_12-.Ltmp9, $4  }
0x33f: {  	s24 =	smov.u32 s2;
	s30 =	sadd.s32 $0xBE, s6;
	[sflag:s0] =	ssyncadd.s32 $0xFFFFFB00  }
0x340: {  	[tilespmem:s31], [sflag:$0xA] =	stream.linear.gather [hbm4b:s30+s12], $0x50, $0x38;
	[tilespmem:$0x1EFA0] =	vst v63  }
0x341: {  	s2 =	simm.s32 $0x280;
	s6 =	sadd.s32 $0x9CFE, s6;
	s0 =	simm.s32 $0x0  }
0x342: {  	[tilespmem:s26], [sflag:$0xA] =	stream.linear.gather [hbm4b:s6+s12], $0x50, $0x38;
	[tilespmem:$0x1EFA0] =	vst v63  }
.LBB2_16:
0x343: {  	_ =	sfence.sel $0x180000  }
0x344: {  	[bflag:$0x0] =	sbarrier.arrive $0xFFFF  }
0x345: {  	_ =	strace $0x90000047  }
0x346: {  	[bflag:$0x2] =	sbarrier.arrive $0xFFFF  }
0x347: {  	p0 =	sne.s32 s25, $0x0;
	s0 =	rddreg [dreg:$0x4]  }
0x348: {  	s0 =	sadd.s32 @!p0 $0x100000, s0  }
0x349: {  	[sflag:s0] =	ssyncadd.tile.s32 @!p0 $0x1;
	_ =	shalt  }
.Lfunc_end2:
_tile_overlayer_lowered:
.L_overlay_start_2:
0x34a: {  	(tag) =	ssettag $0x2  }
0x34b: {  	s0 =	rddreg [dreg:$0x0];
	s2 =	stileid.u32  }
0x34c: {  	s1 =	rddreg [dreg:$0x1];
	p0 =	sne.s32 s2, $0x0  }
0x34d: {  	s3 =	rddreg [dreg:$0x2];
	[bflag:$0x3] =	sbarrier.arrive $0xFFFF;
	s2 =	simm.s32 @!p0 $0x1C1F  }
0x34e: {  	[timem:s3], [sflag:s2] =	dma.local @!p0 [hbm:s0], s1  }
0x34f: {  	s0 =	simm.s32 @!p0 $0x1F  }
0x350: {  	_ =	swait.ge @!p0 [sflag:s0], s1  }
0x351: {  	s1 =	ssub.s32 @!p0 $0x0, s1;
	[sflag:s0] =	ssyncset.done @!p0 $0x0  }
0x352: {  	[sflag:s0] =	ssyncadd.s32 @!p0 s1  }
0x353: {  	[bflag:$0x3] =	sbarrier.arrive $0xFFFF  }
0x354: {  	_ =	shalt  }

</sc_bundles>
